<compile_context>
chip_gen: v7x
topology: tpu7x:2x2x1
jax: 0.10.2.dev20260603
libtpu: 0.0.44.dev20260713+nightly
codegen_flags: <defaults>
</compile_context>

<pallas_src>
import functools

import jax
import jax.numpy as jnp
from jax import lax
from jax.experimental import pallas as pl
from jax.experimental.pallas import tpu as pltpu
from jax.experimental.pallas import tpu_sc as plsc

_N = 10000
_E = 320000
_D = 128
_DE = 16
_B = 64
_G = 32
_MV = 5
_L = 3


_BE = 2000


def _edge_mlp_body(attr_ref, w_ref, b_ref, o_ref):
    a = attr_ref[...].astype(jnp.bfloat16)
    e = jnp.dot(a, w_ref[...].astype(jnp.bfloat16),
                preferred_element_type=jnp.float32)
    o_ref[...] = jnp.maximum(e + b_ref[...], 0.0)


def _edge_mlp_one(edge_attr, w, b):
    grid = (_E // _BE,)
    return pl.pallas_call(
        _edge_mlp_body,
        grid=grid,
        in_specs=[
            pl.BlockSpec((_BE, _DE), lambda i: (i, 0)),
            pl.BlockSpec((_DE, _D), lambda i: (0, 0)),
            pl.BlockSpec((1, _D), lambda i: (0, 0)),
        ],
        out_specs=pl.BlockSpec((_BE, _D), lambda i: (i, 0)),
        out_shape=jax.ShapeDtypeStruct((_E, _D), jnp.float32),
    )(edge_attr, w, b)



_NC = 2
_NS = 16
_NW = _NC * _NS
_EPT = _E // _NW
_K = 40
_CHUNKS = _EPT // _K
_NB = 2
_GROUPS = _CHUNKS // _NB
_NP = 10240
_RPT = _NP // _NS
_ZR = 128


def _sc_msg_body(e_hbm, h_hbm, src_hbm, dst_hbm, out_hbm,
                 idxs_s, idxs_d, bufs_e, bufs_h, zbuf, agg,
                 sems_i, sems_e, sems_g, sems_o):
    c = lax.axis_index("c")
    s = lax.axis_index("s")
    wid = c * _NS + s

    def _zrow(i, carry):
        for j in range(_D // 16):
            zbuf[i, pl.ds(j * 16, 16)] = jnp.zeros((16,), jnp.float32)
        return carry

    lax.fori_loop(0, _ZR, _zrow, 0)
    r0 = s * _RPT
    for z in range(_RPT // _ZR):
        pltpu.sync_copy(zbuf, agg.at[pl.ds(r0 + z * _ZR, _ZR)])
    plsc.subcore_barrier()

    ebase = wid * _EPT

    def _group(g, carry):
        cps = []
        for j in range(_NB):
            off = ebase + (g * _NB + j) * _K
            cp_s = pltpu.async_copy(src_hbm.at[pl.ds(off, _K)],
                                    idxs_s[j], sems_i[j])
            cp_d = pltpu.async_copy(dst_hbm.at[pl.ds(off, _K)],
                                    idxs_d[j], sems_i[j])
            cp_e = pltpu.async_copy(e_hbm.at[pl.ds(off, _K)],
                                    bufs_e[j], sems_e[j])
            cps.append((cp_s, cp_d, cp_e))
        gts = []
        for j in range(_NB):
            cps[j][0].wait()
            gts.append(pltpu.async_copy(h_hbm.at[idxs_s[j]], bufs_h[j],
                                        sems_g[j]))
        scs = []
        for j in range(_NB):
            cps[j][1].wait()
            cps[j][2].wait()
            gts[j].wait()

            def _row(i, carry2):
                r = i * 2
                for dr in range(2):
                    for q in range(_D // 16):
                        sl = pl.ds(q * 16, 16)
                        bufs_e[j][r + dr, sl] = jnp.maximum(
                            bufs_h[j][r + dr, sl] + bufs_e[j][r + dr, sl], 0.0)
                return carry2

            lax.fori_loop(0, _K // 2, _row, 0)
            scs.append(pltpu.async_copy(bufs_e[j], agg.at[idxs_d[j]],
                                        sems_o[j], add=True))
        for sc in scs:
            sc.wait()
        return carry

    lax.fori_loop(0, _GROUPS, _group, 0)
    plsc.subcore_barrier()

    for z in range(_RPT // _ZR):
        rr = s * _RPT + z * _ZR
        pltpu.sync_copy(agg.at[pl.ds(rr, _ZR)], out_hbm.at[c, pl.ds(rr, _ZR)])


@functools.cache
def _sc_msg_kernel():
    return pl.kernel(
        _sc_msg_body,
        out_type=jax.ShapeDtypeStruct((_NC, _NP, _D), jnp.float32),
        mesh=plsc.VectorSubcoreMesh(core_axis_name="c", subcore_axis_name="s"),
        scratch_types=[
            [pltpu.VMEM((_K,), jnp.int32)] * _NB,
            [pltpu.VMEM((_K,), jnp.int32)] * _NB,
            [pltpu.VMEM((_K, _D), jnp.float32)] * _NB,
            [pltpu.VMEM((_K, _D), jnp.float32)] * _NB,
            pltpu.VMEM((_ZR, _D), jnp.float32),
            pltpu.VMEM_SHARED((_NP, _D), jnp.float32),
            [pltpu.SemaphoreType.DMA] * _NB,
            [pltpu.SemaphoreType.DMA] * _NB,
            [pltpu.SemaphoreType.DMA] * _NB,
            [pltpu.SemaphoreType.DMA] * _NB,
        ],
    )


def _sc_msg(e, h, src, dst):
    return _sc_msg_kernel()(e, h, src, dst)



_BN = 1000


def _node_mlp_body(h_ref, agg_ref, eps_ref, w1_ref, b1_ref, w2_ref, b2_ref,
                   g_ref, bn_ref, out_ref):
    h = h_ref[...]
    t = (1.0 + eps_ref[0, 0]) * h + agg_ref[0] + agg_ref[1]
    u = jnp.dot(t.astype(jnp.bfloat16), w1_ref[...].astype(jnp.bfloat16),
                preferred_element_type=jnp.float32)
    u = jnp.maximum(u + b1_ref[...], 0.0)
    u = jnp.dot(u.astype(jnp.bfloat16), w2_ref[...].astype(jnp.bfloat16),
                preferred_element_type=jnp.float32)
    u = u + b2_ref[...]
    m = jnp.mean(u, axis=-1, keepdims=True)
    v = jnp.mean((u - m) * (u - m), axis=-1, keepdims=True)
    u = (u - m) * jax.lax.rsqrt(v + 1e-5) * g_ref[...] + bn_ref[...]
    out_ref[...] = jnp.maximum(u, 0.0) + h


def _node_mlp(h, agg, eps_i, w1, b1, w2, b2, g, bn):
    grid = (_N // _BN,)
    return pl.pallas_call(
        _node_mlp_body,
        grid=grid,
        in_specs=[
            pl.BlockSpec((_BN, _D), lambda i: (i, 0)),
            pl.BlockSpec((_NC, _BN, _D), lambda i: (0, i, 0)),
            pl.BlockSpec(memory_space=pltpu.SMEM),
            pl.BlockSpec((_D, _D), lambda i: (0, 0)),
            pl.BlockSpec((1, _D), lambda i: (0, 0)),
            pl.BlockSpec((_D, _D), lambda i: (0, 0)),
            pl.BlockSpec((1, _D), lambda i: (0, 0)),
            pl.BlockSpec((1, _D), lambda i: (0, 0)),
            pl.BlockSpec((1, _D), lambda i: (0, 0)),
        ],
        out_specs=pl.BlockSpec((_BN, _D), lambda i: (i, 0)),
        out_shape=jax.ShapeDtypeStruct((_N, _D), jnp.float32),
    )(h, agg, eps_i, w1, b1, w2, b2, g, bn)




def _pool_heads_body(h_ref, batch_ref, gf_ref, mv_ref,
                     pw1_ref, pb1_ref, pw2_ref, pb2_ref,
                     vw1_ref, vb1_ref, vw2_ref, vb2_ref,
                     pol_ref, val_ref, pooled_acc, cnt_acc):
    i = pl.program_id(0)

    @pl.when(i == 0)
    def _init():
        pooled_acc[...] = jnp.zeros_like(pooled_acc)
        cnt_acc[...] = jnp.zeros_like(cnt_acc)

    h = h_ref[...]
    b = batch_ref[...]
    oh = (b == lax.broadcasted_iota(jnp.int32, (_BN, _B), 1)).astype(jnp.float32)
    pooled_acc[...] += lax.dot_general(
        oh, h, (((0,), (0,)), ((), ())), preferred_element_type=jnp.float32,
        precision=jax.lax.Precision.HIGHEST)
    cnt_acc[...] += lax.dot_general(
        oh, jnp.ones((_BN, _D), jnp.float32), (((0,), (0,)), ((), ())),
        preferred_element_type=jnp.float32,
        precision=jax.lax.Precision.HIGHEST)

    @pl.when(i == pl.num_programs(0) - 1)
    def _heads():
        pooled = pooled_acc[...] / jnp.maximum(cnt_acc[...], 1.0)
        v_in = jnp.concatenate([pooled, gf_ref[...]], axis=1)
        v = jnp.maximum(
            jnp.dot(v_in.astype(jnp.bfloat16), vw1_ref[...].astype(jnp.bfloat16),
                    preferred_element_type=jnp.float32)
            + vb1_ref[...], 0.0)
        val_ref[...] = (jnp.dot(v.astype(jnp.bfloat16),
                                vw2_ref[...].astype(jnp.bfloat16),
                                preferred_element_type=jnp.float32)
                        + vb2_ref[...])
        p_in = jnp.concatenate([pooled, mv_ref[...]], axis=1)
        p = jnp.maximum(
            jnp.dot(p_in.astype(jnp.bfloat16), pw1_ref[...].astype(jnp.bfloat16),
                    preferred_element_type=jnp.float32)
            + pb1_ref[...], 0.0)
        pol_ref[...] = (jnp.dot(p.astype(jnp.bfloat16),
                                pw2_ref[...].astype(jnp.bfloat16),
                                preferred_element_type=jnp.float32)
                        + pb2_ref[...])


def _pool_heads(h, batch2d, gf, mv, pw1, pb1, pw2, pb2, vw1, vb1, vw2, vb2):
    grid = (_N // _BN,)
    full = lambda shape: pl.BlockSpec(shape, lambda i: tuple(0 for _ in shape))
    return pl.pallas_call(
        _pool_heads_body,
        grid=grid,
        in_specs=[
            pl.BlockSpec((_BN, _D), lambda i: (i, 0)),
            pl.BlockSpec((_BN, 1), lambda i: (i, 0)),
            full((_B, _G)),
            full((_B, _MV)),
            full((_D + _MV, _D)),
            full((1, _D)),
            full((_D, 1)),
            full((1, 1)),
            full((_D + _G, _D)),
            full((1, _D)),
            full((_D, 1)),
            full((1, 1)),
        ],
        out_specs=[full((_B, 1)), full((_B, 1))],
        out_shape=[jax.ShapeDtypeStruct((_B, 1), jnp.float32)] * 2,
        scratch_shapes=[
            pltpu.VMEM((_B, _D), jnp.float32),
            pltpu.VMEM((_B, _D), jnp.float32),
        ],
    )(h, batch2d, gf, mv, pw1, pb1, pw2, pb2, vw1, vb1, vw2, vb2)




def kernel(x, edge_index, edge_attr, batch, global_feats, move_feat,
           edge_W, edge_b, eps, mlp_W1, mlp_b1, mlp_W2, mlp_b2, ln_g, ln_b,
           pol_W1, pol_b1, pol_W2, pol_b2, val_W1, val_b1, val_W2, val_b2):
    src = edge_index[0]
    dst = edge_index[1]
    e_all = [_edge_mlp_one(edge_attr, edge_W[i], edge_b[i].reshape(1, _D))
             for i in range(_L)]

    h = x
    for i in range(_L):
        agg = _sc_msg(e_all[i], h, src, dst)
        h = _node_mlp(
            h, agg, eps[i].reshape(1, 1),
            mlp_W1[i], mlp_b1[i].reshape(1, _D),
            mlp_W2[i], mlp_b2[i].reshape(1, _D),
            ln_g[i].reshape(1, _D), ln_b[i].reshape(1, _D))

    pol, val = _pool_heads(
        h, batch.reshape(_N, 1), global_feats, move_feat,
        pol_W1, pol_b1.reshape(1, _D), pol_W2, pol_b2.reshape(1, 1),
        val_W1, val_b1.reshape(1, _D), val_W2, val_b2.reshape(1, 1))
    return (pol[:, 0], val[:, 0])

# --- scband reference (transcript-rebuilt; emitter-appended) ---
"""Pipeline reference for scband-policy-value-net-11278584119932 (READ-ONLY COPY).

The authoritative reference and input builder live on the scoring server;
editing this copy changes nothing except your own understanding.
"""

import jax, jax.numpy as jnp
import numpy as np

N = 10000
E = 320000
D = 128
DE = 16
B = 64
G = 32
MV = 5
L = 3


def _init(key, shape, fan_in):
    return jax.random.normal(key, shape, jnp.float32) * (1.0 / np.sqrt(fan_in))


def setup_inputs(seed: int = 0) -> dict:
    key = jax.random.key(seed)
    ks = jax.random.split(key, 16)
    inp = {}
    inp["x"] = jax.random.normal(ks[0], (N, D), jnp.float32)
    inp["edge_index"] = jax.random.randint(ks[1], (2, E), 0, N, jnp.int32)
    inp["edge_attr"] = jax.random.normal(ks[2], (E, DE), jnp.float32)
    inp["batch"] = jnp.sort(jax.random.randint(ks[3], (N,), 0, B, jnp.int32))
    inp["global_feats"] = jax.random.normal(ks[4], (B, G), jnp.float32)
    inp["move_feat"] = jax.random.normal(ks[5], (B, MV), jnp.float32)
    inp["edge_W"] = _init(ks[6], (L, DE, D), DE)
    inp["edge_b"] = jnp.zeros((L, D), jnp.float32)
    inp["eps"] = jnp.zeros((L,), jnp.float32)
    inp["mlp_W1"] = _init(ks[7], (L, D, D), D)
    inp["mlp_b1"] = jnp.zeros((L, D), jnp.float32)
    inp["mlp_W2"] = _init(ks[8], (L, D, D), D)
    inp["mlp_b2"] = jnp.zeros((L, D), jnp.float32)
    inp["ln_g"] = jnp.ones((L, D), jnp.float32)
    inp["ln_b"] = jnp.zeros((L, D), jnp.float32)
    inp["pol_W1"] = _init(ks[9], (D + MV, D), D + MV)
    inp["pol_b1"] = jnp.zeros((D,), jnp.float32)
    inp["pol_W2"] = _init(ks[10], (D, 1), D)
    inp["pol_b2"] = jnp.zeros((1,), jnp.float32)
    inp["val_W1"] = _init(ks[11], (D + G, D), D + G)
    inp["val_b1"] = jnp.zeros((D,), jnp.float32)
    inp["val_W2"] = _init(ks[12], (D, 1), D)
    inp["val_b2"] = jnp.zeros((1,), jnp.float32)
    return inp


def _layernorm(h, g, b):
    m = jnp.mean(h, axis=-1, keepdims=True)
    v = jnp.var(h, axis=-1, keepdims=True)
    return (h - m) / jnp.sqrt(v + 1e-5) * g + b


def _forward(x, edge_attr, global_feats, move_feat, edge_W, edge_b, eps, mlp_W1, mlp_b1, mlp_W2, mlp_b2, ln_g, ln_b, pol_W1, pol_b1, pol_W2, pol_b2, val_W1, val_b1, val_W2, val_b2, edge_index, batch):
    src = edge_index[0]
    dst = edge_index[1]
    h = x
    for i in range(L):
        h_in = h
        e = jax.nn.relu(edge_attr @ edge_W[i] + edge_b[i])
        msg = jax.nn.relu(h[src] + e)
        agg = jax.ops.segment_sum(msg, dst, num_segments=N)
        t = (1.0 + eps[i]) * h + agg
        t = jax.nn.relu(t @ mlp_W1[i] + mlp_b1[i]) @ mlp_W2[i] + mlp_b2[i]
        t = _layernorm(t, ln_g[i], ln_b[i])
        t = jax.nn.relu(t)
        # dropout is identity in eval mode
        h = t + h_in
    counts = jax.ops.segment_sum(jnp.ones((N,), jnp.float32), batch, num_segments=B)
    pooled = jax.ops.segment_sum(h, batch, num_segments=B) / jnp.maximum(counts, 1.0)[:, None]
    v_in = jnp.concatenate([pooled, global_feats], axis=-1)
    value = (jax.nn.relu(v_in @ val_W1 + val_b1) @ val_W2 + val_b2)[:, 0]
    p_in = jnp.concatenate([pooled, move_feat], axis=-1)
    policy_logit = (jax.nn.relu(p_in @ pol_W1 + pol_b1) @ pol_W2 + pol_b2)[:, 0]
    return (policy_logit, value)


def reference(x, edge_index, edge_attr, batch, global_feats, move_feat, edge_W, edge_b, eps, mlp_W1, mlp_b1, mlp_W2, mlp_b2, ln_g, ln_b, pol_W1, pol_b1, pol_W2, pol_b2, val_W1, val_b1, val_W2, val_b2):
    return _forward(x, edge_attr, global_feats, move_feat, edge_W, edge_b, eps, mlp_W1, mlp_b1, mlp_W2, mlp_b2, ln_g, ln_b, pol_W1, pol_b1, pol_W2, pol_b2, val_W1, val_b1, val_W2, val_b2, edge_index, batch)

if __name__ == "__main__":
    import jax
    _d = setup_inputs()
    print(jax.jit(kernel)(*tuple(_d.values())))

</pallas_src>

<mosaic_0001>
#map = affine_map<(d0, d1) -> (0, 0)>
#map1 = affine_map<(d0, d1) -> (0)>
#map2 = affine_map<(d0, d1) -> (0, 0, 0)>
module attributes {stable_mosaic.version = 14 : i64} {
  func.func @_sc_msg_body(%arg0: i32, %arg1: i32, %arg2: memref<320000x128xf32, #tpu.memory_space<hbm>>, %arg3: memref<10000x128xf32, #tpu.memory_space<hbm>>, %arg4: memref<320000xi32, #tpu.memory_space<hbm>>, %arg5: memref<320000xi32, #tpu.memory_space<hbm>>, %arg6: memref<2x10240x128xf32, #tpu.memory_space<hbm>>, %arg7: memref<40xi32, #tpu.memory_space<vmem>>, %arg8: memref<40xi32, #tpu.memory_space<vmem>>, %arg9: memref<40xi32, #tpu.memory_space<vmem>>, %arg10: memref<40xi32, #tpu.memory_space<vmem>>, %arg11: memref<40x128xf32, #tpu.memory_space<vmem>>, %arg12: memref<40x128xf32, #tpu.memory_space<vmem>>, %arg13: memref<40x128xf32, #tpu.memory_space<vmem>>, %arg14: memref<40x128xf32, #tpu.memory_space<vmem>>, %arg15: memref<128x128xf32, #tpu.memory_space<vmem>>, %arg16: memref<10240x128xf32, #tpu.memory_space<vmem_shared>>, %arg17: memref<!tpu.dma_semaphore, #tpu.memory_space<semaphore_mem>>, %arg18: memref<!tpu.dma_semaphore, #tpu.memory_space<semaphore_mem>>, %arg19: memref<!tpu.dma_semaphore, #tpu.memory_space<semaphore_mem>>, %arg20: memref<!tpu.dma_semaphore, #tpu.memory_space<semaphore_mem>>, %arg21: memref<!tpu.dma_semaphore, #tpu.memory_space<semaphore_mem>>, %arg22: memref<!tpu.dma_semaphore, #tpu.memory_space<semaphore_mem>>, %arg23: memref<!tpu.dma_semaphore, #tpu.memory_space<semaphore_mem>>, %arg24: memref<!tpu.dma_semaphore, #tpu.memory_space<semaphore_mem>>) attributes {dimension_semantics = [#tpu.dimension_semantics<core_parallel>, #tpu.dimension_semantics<subcore_parallel>], iteration_bounds = array<i64: 2, 16>, scalar_prefetch = 0 : i64, scratch_operands = 18 : i64, tpu.core_type = #tpu.core_type<sc_vector_subcore>, window_params = [{transform_indices = #map}, {transform_indices = #map}, {transform_indices = #map1}, {transform_indices = #map1}, {transform_indices = #map2}]} {
    %mul3A = arith.constant 16 : i32
    %mul3A_0 = arith.muli %arg0, %mul3A : i32
    %add3A = arith.addi %mul3A_0, %arg1 : i32
    %scan3A = arith.constant 0 : i32
    %scan3A_1 = arith.constant 0 : i32
    %scan3A_2 = arith.constant 128 : i32
    %scan3A_3 = arith.addi %scan3A_1, %scan3A_2 : i32
    %scan3A_4 = arith.constant 1 : i32
    scf.for %scan3A_47 = %scan3A_1 to %scan3A_3 step %scan3A_4  : i32 {
      %broadcast_in_dim3A = arith.constant 0.000000e+00 : f32
      %broadcast_in_dim3A_48 = vector.broadcast %broadcast_in_dim3A : f32 to vector<16xf32>
      %swap3A = arith.index_cast %scan3A_47 : i32 to index
      %swap3A_49 = arith.constant 0 : index
      %swap3A_50 = tpu.vector_load %arg15[%swap3A, %swap3A_49] {strides = array<i32>} : memref<128x128xf32, #tpu.memory_space<vmem>>, vector<1x16xf32>,
      %swap3A_51 = vector.shape_cast %swap3A_50 : vector<1x16xf32> to vector<16xf32>
      %swap3A_52 = vector.shape_cast %broadcast_in_dim3A_48 : vector<16xf32> to vector<1x16xf32>
      tpu.vector_store %arg15[%swap3A, %swap3A_49], %swap3A_52 {strides = array<i32>} : memref<128x128xf32, #tpu.memory_space<vmem>>, vector<1x16xf32>,
      %broadcast_in_dim3A_53 = arith.constant 0.000000e+00 : f32
      %broadcast_in_dim3A_54 = vector.broadcast %broadcast_in_dim3A_53 : f32 to vector<16xf32>
      %swap3A_55 = arith.index_cast %scan3A_47 : i32 to index
      %swap3A_56 = arith.constant 16 : index
      %swap3A_57 = tpu.vector_load %arg15[%swap3A_55, %swap3A_56] {strides = array<i32>} : memref<128x128xf32, #tpu.memory_space<vmem>>, vector<1x16xf32>,
      %swap3A_58 = vector.shape_cast %swap3A_57 : vector<1x16xf32> to vector<16xf32>
      %swap3A_59 = vector.shape_cast %broadcast_in_dim3A_54 : vector<16xf32> to vector<1x16xf32>
      tpu.vector_store %arg15[%swap3A_55, %swap3A_56], %swap3A_59 {strides = array<i32>} : memref<128x128xf32, #tpu.memory_space<vmem>>, vector<1x16xf32>,
      %broadcast_in_dim3A_60 = arith.constant 0.000000e+00 : f32
      %broadcast_in_dim3A_61 = vector.broadcast %broadcast_in_dim3A_60 : f32 to vector<16xf32>
      %swap3A_62 = arith.index_cast %scan3A_47 : i32 to index
      %swap3A_63 = arith.constant 32 : index
      %swap3A_64 = tpu.vector_load %arg15[%swap3A_62, %swap3A_63] {strides = array<i32>} : memref<128x128xf32, #tpu.memory_space<vmem>>, vector<1x16xf32>,
      %swap3A_65 = vector.shape_cast %swap3A_64 : vector<1x16xf32> to vector<16xf32>
      %swap3A_66 = vector.shape_cast %broadcast_in_dim3A_61 : vector<16xf32> to vector<1x16xf32>
      tpu.vector_store %arg15[%swap3A_62, %swap3A_63], %swap3A_66 {strides = array<i32>} : memref<128x128xf32, #tpu.memory_space<vmem>>, vector<1x16xf32>,
      %broadcast_in_dim3A_67 = arith.constant 0.000000e+00 : f32
      %broadcast_in_dim3A_68 = vector.broadcast %broadcast_in_dim3A_67 : f32 to vector<16xf32>
      %swap3A_69 = arith.index_cast %scan3A_47 : i32 to index
      %swap3A_70 = arith.constant 48 : index
      %swap3A_71 = tpu.vector_load %arg15[%swap3A_69, %swap3A_70] {strides = array<i32>} : memref<128x128xf32, #tpu.memory_space<vmem>>, vector<1x16xf32>,
      %swap3A_72 = vector.shape_cast %swap3A_71 : vector<1x16xf32> to vector<16xf32>
      %swap3A_73 = vector.shape_cast %broadcast_in_dim3A_68 : vector<16xf32> to vector<1x16xf32>
      tpu.vector_store %arg15[%swap3A_69, %swap3A_70], %swap3A_73 {strides = array<i32>} : memref<128x128xf32, #tpu.memory_space<vmem>>, vector<1x16xf32>,
      %broadcast_in_dim3A_74 = arith.constant 0.000000e+00 : f32
      %broadcast_in_dim3A_75 = vector.broadcast %broadcast_in_dim3A_74 : f32 to vector<16xf32>
      %swap3A_76 = arith.index_cast %scan3A_47 : i32 to index
      %swap3A_77 = arith.constant 64 : index
      %swap3A_78 = tpu.vector_load %arg15[%swap3A_76, %swap3A_77] {strides = array<i32>} : memref<128x128xf32, #tpu.memory_space<vmem>>, vector<1x16xf32>,
      %swap3A_79 = vector.shape_cast %swap3A_78 : vector<1x16xf32> to vector<16xf32>
      %swap3A_80 = vector.shape_cast %broadcast_in_dim3A_75 : vector<16xf32> to vector<1x16xf32>
      tpu.vector_store %arg15[%swap3A_76, %swap3A_77], %swap3A_80 {strides = array<i32>} : memref<128x128xf32, #tpu.memory_space<vmem>>, vector<1x16xf32>,
      %broadcast_in_dim3A_81 = arith.constant 0.000000e+00 : f32
      %broadcast_in_dim3A_82 = vector.broadcast %broadcast_in_dim3A_81 : f32 to vector<16xf32>
      %swap3A_83 = arith.index_cast %scan3A_47 : i32 to index
      %swap3A_84 = arith.constant 80 : index
      %swap3A_85 = tpu.vector_load %arg15[%swap3A_83, %swap3A_84] {strides = array<i32>} : memref<128x128xf32, #tpu.memory_space<vmem>>, vector<1x16xf32>,
      %swap3A_86 = vector.shape_cast %swap3A_85 : vector<1x16xf32> to vector<16xf32>
      %swap3A_87 = vector.shape_cast %broadcast_in_dim3A_82 : vector<16xf32> to vector<1x16xf32>
      tpu.vector_store %arg15[%swap3A_83, %swap3A_84], %swap3A_87 {strides = array<i32>} : memref<128x128xf32, #tpu.memory_space<vmem>>, vector<1x16xf32>,
      %broadcast_in_dim3A_88 = arith.constant 0.000000e+00 : f32
      %broadcast_in_dim3A_89 = vector.broadcast %broadcast_in_dim3A_88 : f32 to vector<16xf32>
      %swap3A_90 = arith.index_cast %scan3A_47 : i32 to index
      %swap3A_91 = arith.constant 96 : index
      %swap3A_92 = tpu.vector_load %arg15[%swap3A_90, %swap3A_91] {strides = array<i32>} : memref<128x128xf32, #tpu.memory_space<vmem>>, vector<1x16xf32>,
      %swap3A_93 = vector.shape_cast %swap3A_92 : vector<1x16xf32> to vector<16xf32>
      %swap3A_94 = vector.shape_cast %broadcast_in_dim3A_89 : vector<16xf32> to vector<1x16xf32>
      tpu.vector_store %arg15[%swap3A_90, %swap3A_91], %swap3A_94 {strides = array<i32>} : memref<128x128xf32, #tpu.memory_space<vmem>>, vector<1x16xf32>,
      %broadcast_in_dim3A_95 = arith.constant 0.000000e+00 : f32
      %broadcast_in_dim3A_96 = vector.broadcast %broadcast_in_dim3A_95 : f32 to vector<16xf32>
      %swap3A_97 = arith.index_cast %scan3A_47 : i32 to index
      %swap3A_98 = arith.constant 112 : index
      %swap3A_99 = tpu.vector_load %arg15[%swap3A_97, %swap3A_98] {strides = array<i32>} : memref<128x128xf32, #tpu.memory_space<vmem>>, vector<1x16xf32>,
      %swap3A_100 = vector.shape_cast %swap3A_99 : vector<1x16xf32> to vector<16xf32>
      %swap3A_101 = vector.shape_cast %broadcast_in_dim3A_96 : vector<16xf32> to vector<1x16xf32>
      tpu.vector_store %arg15[%swap3A_97, %swap3A_98], %swap3A_101 {strides = array<i32>} : memref<128x128xf32, #tpu.memory_space<vmem>>, vector<1x16xf32>,
    }
    %scan3A_5 = arith.constant 128 : i32
    %mul3A_6 = arith.constant 640 : i32
    %mul3A_7 = arith.muli %arg1, %mul3A_6 : i32
    %add3A_8 = arith.constant 0 : i32
    %add3A_9 = arith.addi %mul3A_7, %add3A_8 : i32
    "tpu.region"() ({
      %run_scoped3A = tpu.sem_alloc : memref<!tpu.dma_semaphore, #tpu.memory_space<semaphore_mem>>
      %dma_start3A = arith.constant 0 : i32
      %dma_start3A_47 = tpu.memref_slice %arg16[%add3A_9, %dma_start3A] : memref<10240x128xf32, #tpu.memory_space<vmem_shared>> -> memref<128x128xf32, #tpu.memory_space<vmem_shared>>
      %dma_start3A_48 = arith.constant 0 : i32
      %dma_start3A_49 = tpu.memref_slice %arg16[%add3A_9, %dma_start3A_48] : memref<10240x128xf32, #tpu.memory_space<vmem_shared>> -> memref<128x128xf32, #tpu.memory_space<vmem_shared>>
      tpu.enqueue_dma source(%arg15 : memref<128x128xf32, #tpu.memory_space<vmem>>) target(%dma_start3A_49 : memref<128x128xf32, #tpu.memory_space<vmem_shared>>) target_semaphore(%run_scoped3A : memref<!tpu.dma_semaphore, #tpu.memory_space<semaphore_mem>>)
      %dma_wait3A = arith.constant 0 : i32
      %dma_wait3A_50 = tpu.memref_slice %arg16[%add3A_9, %dma_wait3A] : memref<10240x128xf32, #tpu.memory_space<vmem_shared>> -> memref<128x128xf32, #tpu.memory_space<vmem_shared>>
      %dma_wait3A_51 = arith.constant 0 : i32
      %dma_wait3A_52 = tpu.memref_slice %arg16[%add3A_9, %dma_wait3A_51] : memref<10240x128xf32, #tpu.memory_space<vmem_shared>> -> memref<128x128xf32, #tpu.memory_space<vmem_shared>>
      tpu.wait_dma2 semaphore(%run_scoped3A : memref<!tpu.dma_semaphore, #tpu.memory_space<semaphore_mem>>) src(%arg15 : memref<128x128xf32, #tpu.memory_space<vmem>>) dst(%dma_wait3A_52 : memref<128x128xf32, #tpu.memory_space<vmem_shared>>)
      tpu.yield
    }) : () -> ()
    %add3A_10 = arith.constant 128 : i32
    %add3A_11 = arith.addi %mul3A_7, %add3A_10 : i32
    "tpu.region"() ({
      %run_scoped3A = tpu.sem_alloc : memref<!tpu.dma_semaphore, #tpu.memory_space<semaphore_mem>>
      %dma_start3A = arith.constant 0 : i32
      %dma_start3A_47 = tpu.memref_slice %arg16[%add3A_11, %dma_start3A] : memref<10240x128xf32, #tpu.memory_space<vmem_shared>> -> memref<128x128xf32, #tpu.memory_space<vmem_shared>>
      %dma_start3A_48 = arith.constant 0 : i32
      %dma_start3A_49 = tpu.memref_slice %arg16[%add3A_11, %dma_start3A_48] : memref<10240x128xf32, #tpu.memory_space<vmem_shared>> -> memref<128x128xf32, #tpu.memory_space<vmem_shared>>
      tpu.enqueue_dma source(%arg15 : memref<128x128xf32, #tpu.memory_space<vmem>>) target(%dma_start3A_49 : memref<128x128xf32, #tpu.memory_space<vmem_shared>>) target_semaphore(%run_scoped3A : memref<!tpu.dma_semaphore, #tpu.memory_space<semaphore_mem>>)
      %dma_wait3A = arith.constant 0 : i32
      %dma_wait3A_50 = tpu.memref_slice %arg16[%add3A_11, %dma_wait3A] : memref<10240x128xf32, #tpu.memory_space<vmem_shared>> -> memref<128x128xf32, #tpu.memory_space<vmem_shared>>
      %dma_wait3A_51 = arith.constant 0 : i32
      %dma_wait3A_52 = tpu.memref_slice %arg16[%add3A_11, %dma_wait3A_51] : memref<10240x128xf32, #tpu.memory_space<vmem_shared>> -> memref<128x128xf32, #tpu.memory_space<vmem_shared>>
      tpu.wait_dma2 semaphore(%run_scoped3A : memref<!tpu.dma_semaphore, #tpu.memory_space<semaphore_mem>>) src(%arg15 : memref<128x128xf32, #tpu.memory_space<vmem>>) dst(%dma_wait3A_52 : memref<128x128xf32, #tpu.memory_space<vmem_shared>>)
      tpu.yield
    }) : () -> ()
    %add3A_12 = arith.constant 256 : i32
    %add3A_13 = arith.addi %mul3A_7, %add3A_12 : i32
    "tpu.region"() ({
      %run_scoped3A = tpu.sem_alloc : memref<!tpu.dma_semaphore, #tpu.memory_space<semaphore_mem>>
      %dma_start3A = arith.constant 0 : i32
      %dma_start3A_47 = tpu.memref_slice %arg16[%add3A_13, %dma_start3A] : memref<10240x128xf32, #tpu.memory_space<vmem_shared>> -> memref<128x128xf32, #tpu.memory_space<vmem_shared>>
      %dma_start3A_48 = arith.constant 0 : i32
      %dma_start3A_49 = tpu.memref_slice %arg16[%add3A_13, %dma_start3A_48] : memref<10240x128xf32, #tpu.memory_space<vmem_shared>> -> memref<128x128xf32, #tpu.memory_space<vmem_shared>>
      tpu.enqueue_dma source(%arg15 : memref<128x128xf32, #tpu.memory_space<vmem>>) target(%dma_start3A_49 : memref<128x128xf32, #tpu.memory_space<vmem_shared>>) target_semaphore(%run_scoped3A : memref<!tpu.dma_semaphore, #tpu.memory_space<semaphore_mem>>)
      %dma_wait3A = arith.constant 0 : i32
      %dma_wait3A_50 = tpu.memref_slice %arg16[%add3A_13, %dma_wait3A] : memref<10240x128xf32, #tpu.memory_space<vmem_shared>> -> memref<128x128xf32, #tpu.memory_space<vmem_shared>>
      %dma_wait3A_51 = arith.constant 0 : i32
      %dma_wait3A_52 = tpu.memref_slice %arg16[%add3A_13, %dma_wait3A_51] : memref<10240x128xf32, #tpu.memory_space<vmem_shared>> -> memref<128x128xf32, #tpu.memory_space<vmem_shared>>
      tpu.wait_dma2 semaphore(%run_scoped3A : memref<!tpu.dma_semaphore, #tpu.memory_space<semaphore_mem>>) src(%arg15 : memref<128x128xf32, #tpu.memory_space<vmem>>) dst(%dma_wait3A_52 : memref<128x128xf32, #tpu.memory_space<vmem_shared>>)
      tpu.yield
    }) : () -> ()
    %add3A_14 = arith.constant 384 : i32
    %add3A_15 = arith.addi %mul3A_7, %add3A_14 : i32
    "tpu.region"() ({
      %run_scoped3A = tpu.sem_alloc : memref<!tpu.dma_semaphore, #tpu.memory_space<semaphore_mem>>
      %dma_start3A = arith.constant 0 : i32
      %dma_start3A_47 = tpu.memref_slice %arg16[%add3A_15, %dma_start3A] : memref<10240x128xf32, #tpu.memory_space<vmem_shared>> -> memref<128x128xf32, #tpu.memory_space<vmem_shared>>
      %dma_start3A_48 = arith.constant 0 : i32
      %dma_start3A_49 = tpu.memref_slice %arg16[%add3A_15, %dma_start3A_48] : memref<10240x128xf32, #tpu.memory_space<vmem_shared>> -> memref<128x128xf32, #tpu.memory_space<vmem_shared>>
      tpu.enqueue_dma source(%arg15 : memref<128x128xf32, #tpu.memory_space<vmem>>) target(%dma_start3A_49 : memref<128x128xf32, #tpu.memory_space<vmem_shared>>) target_semaphore(%run_scoped3A : memref<!tpu.dma_semaphore, #tpu.memory_space<semaphore_mem>>)
      %dma_wait3A = arith.constant 0 : i32
      %dma_wait3A_50 = tpu.memref_slice %arg16[%add3A_15, %dma_wait3A] : memref<10240x128xf32, #tpu.memory_space<vmem_shared>> -> memref<128x128xf32, #tpu.memory_space<vmem_shared>>
      %dma_wait3A_51 = arith.constant 0 : i32
      %dma_wait3A_52 = tpu.memref_slice %arg16[%add3A_15, %dma_wait3A_51] : memref<10240x128xf32, #tpu.memory_space<vmem_shared>> -> memref<128x128xf32, #tpu.memory_space<vmem_shared>>
      tpu.wait_dma2 semaphore(%run_scoped3A : memref<!tpu.dma_semaphore, #tpu.memory_space<semaphore_mem>>) src(%arg15 : memref<128x128xf32, #tpu.memory_space<vmem>>) dst(%dma_wait3A_52 : memref<128x128xf32, #tpu.memory_space<vmem_shared>>)
      tpu.yield
    }) : () -> ()
    %add3A_16 = arith.constant 512 : i32
    %add3A_17 = arith.addi %mul3A_7, %add3A_16 : i32
    "tpu.region"() ({
      %run_scoped3A = tpu.sem_alloc : memref<!tpu.dma_semaphore, #tpu.memory_space<semaphore_mem>>
      %dma_start3A = arith.constant 0 : i32
      %dma_start3A_47 = tpu.memref_slice %arg16[%add3A_17, %dma_start3A] : memref<10240x128xf32, #tpu.memory_space<vmem_shared>> -> memref<128x128xf32, #tpu.memory_space<vmem_shared>>
      %dma_start3A_48 = arith.constant 0 : i32
      %dma_start3A_49 = tpu.memref_slice %arg16[%add3A_17, %dma_start3A_48] : memref<10240x128xf32, #tpu.memory_space<vmem_shared>> -> memref<128x128xf32, #tpu.memory_space<vmem_shared>>
      tpu.enqueue_dma source(%arg15 : memref<128x128xf32, #tpu.memory_space<vmem>>) target(%dma_start3A_49 : memref<128x128xf32, #tpu.memory_space<vmem_shared>>) target_semaphore(%run_scoped3A : memref<!tpu.dma_semaphore, #tpu.memory_space<semaphore_mem>>)
      %dma_wait3A = arith.constant 0 : i32
      %dma_wait3A_50 = tpu.memref_slice %arg16[%add3A_17, %dma_wait3A] : memref<10240x128xf32, #tpu.memory_space<vmem_shared>> -> memref<128x128xf32, #tpu.memory_space<vmem_shared>>
      %dma_wait3A_51 = arith.constant 0 : i32
      %dma_wait3A_52 = tpu.memref_slice %arg16[%add3A_17, %dma_wait3A_51] : memref<10240x128xf32, #tpu.memory_space<vmem_shared>> -> memref<128x128xf32, #tpu.memory_space<vmem_shared>>
      tpu.wait_dma2 semaphore(%run_scoped3A : memref<!tpu.dma_semaphore, #tpu.memory_space<semaphore_mem>>) src(%arg15 : memref<128x128xf32, #tpu.memory_space<vmem>>) dst(%dma_wait3A_52 : memref<128x128xf32, #tpu.memory_space<vmem_shared>>)
      tpu.yield
    }) : () -> ()
    %barrier3A = arith.constant 0 : index
    tpu.barrier barrier_id(%barrier3A)
    %mul3A_18 = arith.constant 10000 : i32
    %mul3A_19 = arith.muli %add3A, %mul3A_18 : i32
    %scan3A_20 = arith.constant 0 : i32
    %scan3A_21 = arith.constant 0 : i32
    %scan3A_22 = arith.constant 125 : i32
    %scan3A_23 = arith.addi %scan3A_21, %scan3A_22 : i32
    %scan3A_24 = arith.constant 1 : i32
    scf.for %scan3A_47 = %scan3A_21 to %scan3A_23 step %scan3A_24  : i32 {
      %mul3A_48 = arith.constant 2 : i32
      %mul3A_49 = arith.muli %scan3A_47, %mul3A_48 : i32
      %add3A_50 = arith.constant 0 : i32
      %add3A_51 = arith.addi %mul3A_49, %add3A_50 : i32
      %mul3A_52 = arith.constant 40 : i32
      %mul3A_53 = arith.muli %add3A_51, %mul3A_52 : i32
      %add3A_54 = arith.addi %mul3A_19, %mul3A_53 : i32
      %dma_start3A = tpu.memref_slice %arg4[%add3A_54] : memref<320000xi32, #tpu.memory_space<hbm>> -> memref<40xi32, #tpu.memory_space<hbm>>
      %dma_start3A_55 = tpu.memref_slice %arg4[%add3A_54] : memref<320000xi32, #tpu.memory_space<hbm>> -> memref<40xi32, #tpu.memory_space<hbm>>
      tpu.enqueue_dma source(%dma_start3A_55 : memref<40xi32, #tpu.memory_space<hbm>>) target(%arg7 : memref<40xi32, #tpu.memory_space<vmem>>) target_semaphore(%arg17 : memref<!tpu.dma_semaphore, #tpu.memory_space<semaphore_mem>>)
      %dma_start3A_56 = tpu.memref_slice %arg5[%add3A_54] : memref<320000xi32, #tpu.memory_space<hbm>> -> memref<40xi32, #tpu.memory_space<hbm>>
      %dma_start3A_57 = tpu.memref_slice %arg5[%add3A_54] : memref<320000xi32, #tpu.memory_space<hbm>> -> memref<40xi32, #tpu.memory_space<hbm>>
      tpu.enqueue_dma source(%dma_start3A_57 : memref<40xi32, #tpu.memory_space<hbm>>) target(%arg9 : memref<40xi32, #tpu.memory_space<vmem>>) target_semaphore(%arg17 : memref<!tpu.dma_semaphore, #tpu.memory_space<semaphore_mem>>)
      %dma_start3A_58 = arith.constant 0 : i32
      %dma_start3A_59 = tpu.memref_slice %arg2[%add3A_54, %dma_start3A_58] : memref<320000x128xf32, #tpu.memory_space<hbm>> -> memref<40x128xf32, #tpu.memory_space<hbm>>
      %dma_start3A_60 = arith.constant 0 : i32
      %dma_start3A_61 = tpu.memref_slice %arg2[%add3A_54, %dma_start3A_60] : memref<320000x128xf32, #tpu.memory_space<hbm>> -> memref<40x128xf32, #tpu.memory_space<hbm>>
      tpu.enqueue_dma source(%dma_start3A_61 : memref<40x128xf32, #tpu.memory_space<hbm>>) target(%arg11 : memref<40x128xf32, #tpu.memory_space<vmem>>) target_semaphore(%arg19 : memref<!tpu.dma_semaphore, #tpu.memory_space<semaphore_mem>>)
      %mul3A_62 = arith.constant 2 : i32
      %mul3A_63 = arith.muli %scan3A_47, %mul3A_62 : i32
      %add3A_64 = arith.constant 1 : i32
      %add3A_65 = arith.addi %mul3A_63, %add3A_64 : i32
      %mul3A_66 = arith.constant 40 : i32
      %mul3A_67 = arith.muli %add3A_65, %mul3A_66 : i32
      %add3A_68 = arith.addi %mul3A_19, %mul3A_67 : i32
      %dma_start3A_69 = tpu.memref_slice %arg4[%add3A_68] : memref<320000xi32, #tpu.memory_space<hbm>> -> memref<40xi32, #tpu.memory_space<hbm>>
      %dma_start3A_70 = tpu.memref_slice %arg4[%add3A_68] : memref<320000xi32, #tpu.memory_space<hbm>> -> memref<40xi32, #tpu.memory_space<hbm>>
      tpu.enqueue_dma source(%dma_start3A_70 : memref<40xi32, #tpu.memory_space<hbm>>) target(%arg8 : memref<40xi32, #tpu.memory_space<vmem>>) target_semaphore(%arg18 : memref<!tpu.dma_semaphore, #tpu.memory_space<semaphore_mem>>)
      %dma_start3A_71 = tpu.memref_slice %arg5[%add3A_68] : memref<320000xi32, #tpu.memory_space<hbm>> -> memref<40xi32, #tpu.memory_space<hbm>>
      %dma_start3A_72 = tpu.memref_slice %arg5[%add3A_68] : memref<320000xi32, #tpu.memory_space<hbm>> -> memref<40xi32, #tpu.memory_space<hbm>>
      tpu.enqueue_dma source(%dma_start3A_72 : memref<40xi32, #tpu.memory_space<hbm>>) target(%arg10 : memref<40xi32, #tpu.memory_space<vmem>>) target_semaphore(%arg18 : memref<!tpu.dma_semaphore, #tpu.memory_space<semaphore_mem>>)
      %dma_start3A_73 = arith.constant 0 : i32
      %dma_start3A_74 = tpu.memref_slice %arg2[%add3A_68, %dma_start3A_73] : memref<320000x128xf32, #tpu.memory_space<hbm>> -> memref<40x128xf32, #tpu.memory_space<hbm>>
      %dma_start3A_75 = arith.constant 0 : i32
      %dma_start3A_76 = tpu.memref_slice %arg2[%add3A_68, %dma_start3A_75] : memref<320000x128xf32, #tpu.memory_space<hbm>> -> memref<40x128xf32, #tpu.memory_space<hbm>>
      tpu.enqueue_dma source(%dma_start3A_76 : memref<40x128xf32, #tpu.memory_space<hbm>>) target(%arg12 : memref<40x128xf32, #tpu.memory_space<vmem>>) target_semaphore(%arg20 : memref<!tpu.dma_semaphore, #tpu.memory_space<semaphore_mem>>)
      %dma_wait3A = tpu.memref_slice %arg4[%add3A_54] : memref<320000xi32, #tpu.memory_space<hbm>> -> memref<40xi32, #tpu.memory_space<hbm>>
      %dma_wait3A_77 = tpu.memref_slice %arg4[%add3A_54] : memref<320000xi32, #tpu.memory_space<hbm>> -> memref<40xi32, #tpu.memory_space<hbm>>
      tpu.wait_dma2 semaphore(%arg17 : memref<!tpu.dma_semaphore, #tpu.memory_space<semaphore_mem>>) src(%dma_wait3A_77 : memref<40xi32, #tpu.memory_space<hbm>>) dst(%arg7 : memref<40xi32, #tpu.memory_space<vmem>>)
      %dma_start3A_78 = arith.constant 0 : i32
      %dma_start3A_79 = arith.constant 0 : i32
      %dma_start3A_80 = tpu.memref_slice %arg3[%dma_start3A_78, %dma_start3A_79] : memref<10000x128xf32, #tpu.memory_space<hbm>> -> memref<10000x128xf32, #tpu.memory_space<hbm>>
      tpu.enqueue_indirect_dma source(%dma_start3A_80 : memref<10000x128xf32, #tpu.memory_space<hbm>>) target(%arg13 : memref<40x128xf32, #tpu.memory_space<vmem>>) offsets(%arg7 : memref<40xi32, #tpu.memory_space<vmem>>) semaphore(%arg21 : memref<!tpu.dma_semaphore, #tpu.memory_space<semaphore_mem>>)
      %dma_wait3A_81 = tpu.memref_slice %arg4[%add3A_68] : memref<320000xi32, #tpu.memory_space<hbm>> -> memref<40xi32, #tpu.memory_space<hbm>>
      %dma_wait3A_82 = tpu.memref_slice %arg4[%add3A_68] : memref<320000xi32, #tpu.memory_space<hbm>> -> memref<40xi32, #tpu.memory_space<hbm>>
      tpu.wait_dma2 semaphore(%arg18 : memref<!tpu.dma_semaphore, #tpu.memory_space<semaphore_mem>>) src(%dma_wait3A_82 : memref<40xi32, #tpu.memory_space<hbm>>) dst(%arg8 : memref<40xi32, #tpu.memory_space<vmem>>)
      %dma_start3A_83 = arith.constant 0 : i32
      %dma_start3A_84 = arith.constant 0 : i32
      %dma_start3A_85 = tpu.memref_slice %arg3[%dma_start3A_83, %dma_start3A_84] : memref<10000x128xf32, #tpu.memory_space<hbm>> -> memref<10000x128xf32, #tpu.memory_space<hbm>>
      tpu.enqueue_indirect_dma source(%dma_start3A_85 : memref<10000x128xf32, #tpu.memory_space<hbm>>) target(%arg14 : memref<40x128xf32, #tpu.memory_space<vmem>>) offsets(%arg8 : memref<40xi32, #tpu.memory_space<vmem>>) semaphore(%arg22 : memref<!tpu.dma_semaphore, #tpu.memory_space<semaphore_mem>>)
      %dma_wait3A_86 = tpu.memref_slice %arg5[%add3A_54] : memref<320000xi32, #tpu.memory_space<hbm>> -> memref<40xi32, #tpu.memory_space<hbm>>
      %dma_wait3A_87 = tpu.memref_slice %arg5[%add3A_54] : memref<320000xi32, #tpu.memory_space<hbm>> -> memref<40xi32, #tpu.memory_space<hbm>>
      tpu.wait_dma2 semaphore(%arg17 : memref<!tpu.dma_semaphore, #tpu.memory_space<semaphore_mem>>) src(%dma_wait3A_87 : memref<40xi32, #tpu.memory_space<hbm>>) dst(%arg9 : memref<40xi32, #tpu.memory_space<vmem>>)
      %dma_wait3A_88 = arith.constant 0 : i32
      %dma_wait3A_89 = tpu.memref_slice %arg2[%add3A_54, %dma_wait3A_88] : memref<320000x128xf32, #tpu.memory_space<hbm>> -> memref<40x128xf32, #tpu.memory_space<hbm>>
      %dma_wait3A_90 = arith.constant 0 : i32
      %dma_wait3A_91 = tpu.memref_slice %arg2[%add3A_54, %dma_wait3A_90] : memref<320000x128xf32, #tpu.memory_space<hbm>> -> memref<40x128xf32, #tpu.memory_space<hbm>>
      tpu.wait_dma2 semaphore(%arg19 : memref<!tpu.dma_semaphore, #tpu.memory_space<semaphore_mem>>) src(%dma_wait3A_91 : memref<40x128xf32, #tpu.memory_space<hbm>>) dst(%arg11 : memref<40x128xf32, #tpu.memory_space<vmem>>)
      %dma_wait3A_92 = arith.constant 0 : i32
      %dma_wait3A_93 = arith.constant 0 : i32
      %dma_wait3A_94 = tpu.memref_slice %arg3[%dma_wait3A_92, %dma_wait3A_93] : memref<10000x128xf32, #tpu.memory_space<hbm>> -> memref<10000x128xf32, #tpu.memory_space<hbm>>
      tpu.wait_indirect_dma semaphore(%arg21 : memref<!tpu.dma_semaphore, #tpu.memory_space<semaphore_mem>>) src(%dma_wait3A_94 : memref<10000x128xf32, #tpu.memory_space<hbm>>) dst(%arg13 : memref<40x128xf32, #tpu.memory_space<vmem>>)
      %scan3A_95 = arith.constant 0 : i32
      %scan3A_96 = arith.constant 0 : i32
      %scan3A_97 = arith.constant 20 : i32
      %scan3A_98 = arith.addi %scan3A_96, %scan3A_97 : i32
      %scan3A_99 = arith.constant 1 : i32
      scf.for %scan3A_128 = %scan3A_96 to %scan3A_98 step %scan3A_99  : i32 {
        %mul3A_129 = arith.constant 2 : i32
        %mul3A_130 = arith.muli %scan3A_128, %mul3A_129 : i32
        %add3A_131 = arith.constant 0 : i32
        %add3A_132 = arith.addi %mul3A_130, %add3A_131 : i32
        %get3A = arith.index_cast %add3A_132 : i32 to index
        %get3A_133 = arith.constant 0 : index
        %get3A_134 = tpu.vector_load %arg13[%get3A, %get3A_133] {strides = array<i32>} : memref<40x128xf32, #tpu.memory_space<vmem>>, vector<1x16xf32>,
        %get3A_135 = vector.shape_cast %get3A_134 : vector<1x16xf32> to vector<16xf32>
        %add3A_136 = arith.constant 0 : i32
        %add3A_137 = arith.addi %mul3A_130, %add3A_136 : i32
        %get3A_138 = arith.index_cast %add3A_137 : i32 to index
        %get3A_139 = arith.constant 0 : index
        %get3A_140 = tpu.vector_load %arg11[%get3A_138, %get3A_139] {strides = array<i32>} : memref<40x128xf32, #tpu.memory_space<vmem>>, vector<1x16xf32>,
        %get3A_141 = vector.shape_cast %get3A_140 : vector<1x16xf32> to vector<16xf32>
        %add3A_142 = arith.addf %get3A_135, %get3A_141 : vector<16xf32>
        %max3A = arith.constant 0.000000e+00 : f32
        %max3A_143 = vector.broadcast %max3A : f32 to vector<16xf32>
        %max3A_144 = arith.maximumf %add3A_142, %max3A_143 : vector<16xf32>
        %add3A_145 = arith.constant 0 : i32
        %add3A_146 = arith.addi %mul3A_130, %add3A_145 : i32
        %swap3A = arith.index_cast %add3A_146 : i32 to index
        %swap3A_147 = arith.constant 0 : index
        %swap3A_148 = tpu.vector_load %arg11[%swap3A, %swap3A_147] {strides = array<i32>} : memref<40x128xf32, #tpu.memory_space<vmem>>, vector<1x16xf32>,
        %swap3A_149 = vector.shape_cast %swap3A_148 : vector<1x16xf32> to vector<16xf32>
        %swap3A_150 = vector.shape_cast %max3A_144 : vector<16xf32> to vector<1x16xf32>
        tpu.vector_store %arg11[%swap3A, %swap3A_147], %swap3A_150 {strides = array<i32>} : memref<40x128xf32, #tpu.memory_space<vmem>>, vector<1x16xf32>,
        %add3A_151 = arith.constant 0 : i32
        %add3A_152 = arith.addi %mul3A_130, %add3A_151 : i32
        %get3A_153 = arith.index_cast %add3A_152 : i32 to index
        %get3A_154 = arith.constant 16 : index
        %get3A_155 = tpu.vector_load %arg13[%get3A_153, %get3A_154] {strides = array<i32>} : memref<40x128xf32, #tpu.memory_space<vmem>>, vector<1x16xf32>,
        %get3A_156 = vector.shape_cast %get3A_155 : vector<1x16xf32> to vector<16xf32>
        %add3A_157 = arith.constant 0 : i32
        %add3A_158 = arith.addi %mul3A_130, %add3A_157 : i32
        %get3A_159 = arith.index_cast %add3A_158 : i32 to index
        %get3A_160 = arith.constant 16 : index
        %get3A_161 = tpu.vector_load %arg11[%get3A_159, %get3A_160] {strides = array<i32>} : memref<40x128xf32, #tpu.memory_space<vmem>>, vector<1x16xf32>,
        %get3A_162 = vector.shape_cast %get3A_161 : vector<1x16xf32> to vector<16xf32>
        %add3A_163 = arith.addf %get3A_156, %get3A_162 : vector<16xf32>
        %max3A_164 = arith.constant 0.000000e+00 : f32
        %max3A_165 = vector.broadcast %max3A_164 : f32 to vector<16xf32>
        %max3A_166 = arith.maximumf %add3A_163, %max3A_165 : vector<16xf32>
        %add3A_167 = arith.constant 0 : i32
        %add3A_168 = arith.addi %mul3A_130, %add3A_167 : i32
        %swap3A_169 = arith.index_cast %add3A_168 : i32 to index
        %swap3A_170 = arith.constant 16 : index
        %swap3A_171 = tpu.vector_load %arg11[%swap3A_169, %swap3A_170] {strides = array<i32>} : memref<40x128xf32, #tpu.memory_space<vmem>>, vector<1x16xf32>,
        %swap3A_172 = vector.shape_cast %swap3A_171 : vector<1x16xf32> to vector<16xf32>
        %swap3A_173 = vector.shape_cast %max3A_166 : vector<16xf32> to vector<1x16xf32>
        tpu.vector_store %arg11[%swap3A_169, %swap3A_170], %swap3A_173 {strides = array<i32>} : memref<40x128xf32, #tpu.memory_space<vmem>>, vector<1x16xf32>,
        %add3A_174 = arith.constant 0 : i32
        %add3A_175 = arith.addi %mul3A_130, %add3A_174 : i32
        %get3A_176 = arith.index_cast %add3A_175 : i32 to index
        %get3A_177 = arith.constant 32 : index
        %get3A_178 = tpu.vector_load %arg13[%get3A_176, %get3A_177] {strides = array<i32>} : memref<40x128xf32, #tpu.memory_space<vmem>>, vector<1x16xf32>,
        %get3A_179 = vector.shape_cast %get3A_178 : vector<1x16xf32> to vector<16xf32>
        %add3A_180 = arith.constant 0 : i32
        %add3A_181 = arith.addi %mul3A_130, %add3A_180 : i32
        %get3A_182 = arith.index_cast %add3A_181 : i32 to index
        %get3A_183 = arith.constant 32 : index
        %get3A_184 = tpu.vector_load %arg11[%get3A_182, %get3A_183] {strides = array<i32>} : memref<40x128xf32, #tpu.memory_space<vmem>>, vector<1x16xf32>,
        %get3A_185 = vector.shape_cast %get3A_184 : vector<1x16xf32> to vector<16xf32>
        %add3A_186 = arith.addf %get3A_179, %get3A_185 : vector<16xf32>
        %max3A_187 = arith.constant 0.000000e+00 : f32
        %max3A_188 = vector.broadcast %max3A_187 : f32 to vector<16xf32>
        %max3A_189 = arith.maximumf %add3A_186, %max3A_188 : vector<16xf32>
        %add3A_190 = arith.constant 0 : i32
        %add3A_191 = arith.addi %mul3A_130, %add3A_190 : i32
        %swap3A_192 = arith.index_cast %add3A_191 : i32 to index
        %swap3A_193 = arith.constant 32 : index
        %swap3A_194 = tpu.vector_load %arg11[%swap3A_192, %swap3A_193] {strides = array<i32>} : memref<40x128xf32, #tpu.memory_space<vmem>>, vector<1x16xf32>,
        %swap3A_195 = vector.shape_cast %swap3A_194 : vector<1x16xf32> to vector<16xf32>
        %swap3A_196 = vector.shape_cast %max3A_189 : vector<16xf32> to vector<1x16xf32>
        tpu.vector_store %arg11[%swap3A_192, %swap3A_193], %swap3A_196 {strides = array<i32>} : memref<40x128xf32, #tpu.memory_space<vmem>>, vector<1x16xf32>,
        %add3A_197 = arith.constant 0 : i32
        %add3A_198 = arith.addi %mul3A_130, %add3A_197 : i32
        %get3A_199 = arith.index_cast %add3A_198 : i32 to index
        %get3A_200 = arith.constant 48 : index
        %get3A_201 = tpu.vector_load %arg13[%get3A_199, %get3A_200] {strides = array<i32>} : memref<40x128xf32, #tpu.memory_space<vmem>>, vector<1x16xf32>,
        %get3A_202 = vector.shape_cast %get3A_201 : vector<1x16xf32> to vector<16xf32>
        %add3A_203 = arith.constant 0 : i32
        %add3A_204 = arith.addi %mul3A_130, %add3A_203 : i32
        %get3A_205 = arith.index_cast %add3A_204 : i32 to index
        %get3A_206 = arith.constant 48 : index
        %get3A_207 = tpu.vector_load %arg11[%get3A_205, %get3A_206] {strides = array<i32>} : memref<40x128xf32, #tpu.memory_space<vmem>>, vector<1x16xf32>,
        %get3A_208 = vector.shape_cast %get3A_207 : vector<1x16xf32> to vector<16xf32>
        %add3A_209 = arith.addf %get3A_202, %get3A_208 : vector<16xf32>
        %max3A_210 = arith.constant 0.000000e+00 : f32
        %max3A_211 = vector.broadcast %max3A_210 : f32 to vector<16xf32>
        %max3A_212 = arith.maximumf %add3A_209, %max3A_211 : vector<16xf32>
        %add3A_213 = arith.constant 0 : i32
        %add3A_214 = arith.addi %mul3A_130, %add3A_213 : i32
        %swap3A_215 = arith.index_cast %add3A_214 : i32 to index
        %swap3A_216 = arith.constant 48 : index
        %swap3A_217 = tpu.vector_load %arg11[%swap3A_215, %swap3A_216] {strides = array<i32>} : memref<40x128xf32, #tpu.memory_space<vmem>>, vector<1x16xf32>,
        %swap3A_218 = vector.shape_cast %swap3A_217 : vector<1x16xf32> to vector<16xf32>
        %swap3A_219 = vector.shape_cast %max3A_212 : vector<16xf32> to vector<1x16xf32>
        tpu.vector_store %arg11[%swap3A_215, %swap3A_216], %swap3A_219 {strides = array<i32>} : memref<40x128xf32, #tpu.memory_space<vmem>>, vector<1x16xf32>,
        %add3A_220 = arith.constant 0 : i32
        %add3A_221 = arith.addi %mul3A_130, %add3A_220 : i32
        %get3A_222 = arith.index_cast %add3A_221 : i32 to index
        %get3A_223 = arith.constant 64 : index
        %get3A_224 = tpu.vector_load %arg13[%get3A_222, %get3A_223] {strides = array<i32>} : memref<40x128xf32, #tpu.memory_space<vmem>>, vector<1x16xf32>,
        %get3A_225 = vector.shape_cast %get3A_224 : vector<1x16xf32> to vector<16xf32>
        %add3A_226 = arith.constant 0 : i32
        %add3A_227 = arith.addi %mul3A_130, %add3A_226 : i32
        %get3A_228 = arith.index_cast %add3A_227 : i32 to index
        %get3A_229 = arith.constant 64 : index
        %get3A_230 = tpu.vector_load %arg11[%get3A_228, %get3A_229] {strides = array<i32>} : memref<40x128xf32, #tpu.memory_space<vmem>>, vector<1x16xf32>,
        %get3A_231 = vector.shape_cast %get3A_230 : vector<1x16xf32> to vector<16xf32>
        %add3A_232 = arith.addf %get3A_225, %get3A_231 : vector<16xf32>
        %max3A_233 = arith.constant 0.000000e+00 : f32
        %max3A_234 = vector.broadcast %max3A_233 : f32 to vector<16xf32>
        %max3A_235 = arith.maximumf %add3A_232, %max3A_234 : vector<16xf32>
        %add3A_236 = arith.constant 0 : i32
        %add3A_237 = arith.addi %mul3A_130, %add3A_236 : i32
        %swap3A_238 = arith.index_cast %add3A_237 : i32 to index
        %swap3A_239 = arith.constant 64 : index
        %swap3A_240 = tpu.vector_load %arg11[%swap3A_238, %swap3A_239] {strides = array<i32>} : memref<40x128xf32, #tpu.memory_space<vmem>>, vector<1x16xf32>,
        %swap3A_241 = vector.shape_cast %swap3A_240 : vector<1x16xf32> to vector<16xf32>
        %swap3A_242 = vector.shape_cast %max3A_235 : vector<16xf32> to vector<1x16xf32>
        tpu.vector_store %arg11[%swap3A_238, %swap3A_239], %swap3A_242 {strides = array<i32>} : memref<40x128xf32, #tpu.memory_space<vmem>>, vector<1x16xf32>,
        %add3A_243 = arith.constant 0 : i32
        %add3A_244 = arith.addi %mul3A_130, %add3A_243 : i32
        %get3A_245 = arith.index_cast %add3A_244 : i32 to index
        %get3A_246 = arith.constant 80 : index
        %get3A_247 = tpu.vector_load %arg13[%get3A_245, %get3A_246] {strides = array<i32>} : memref<40x128xf32, #tpu.memory_space<vmem>>, vector<1x16xf32>,
        %get3A_248 = vector.shape_cast %get3A_247 : vector<1x16xf32> to vector<16xf32>
        %add3A_249 = arith.constant 0 : i32
        %add3A_250 = arith.addi %mul3A_130, %add3A_249 : i32
        %get3A_251 = arith.index_cast %add3A_250 : i32 to index
        %get3A_252 = arith.constant 80 : index
        %get3A_253 = tpu.vector_load %arg11[%get3A_251, %get3A_252] {strides = array<i32>} : memref<40x128xf32, #tpu.memory_space<vmem>>, vector<1x16xf32>,
        %get3A_254 = vector.shape_cast %get3A_253 : vector<1x16xf32> to vector<16xf32>
        %add3A_255 = arith.addf %get3A_248, %get3A_254 : vector<16xf32>
        %max3A_256 = arith.constant 0.000000e+00 : f32
        %max3A_257 = vector.broadcast %max3A_256 : f32 to vector<16xf32>
        %max3A_258 = arith.maximumf %add3A_255, %max3A_257 : vector<16xf32>
        %add3A_259 = arith.constant 0 : i32
        %add3A_260 = arith.addi %mul3A_130, %add3A_259 : i32
        %swap3A_261 = arith.index_cast %add3A_260 : i32 to index
        %swap3A_262 = arith.constant 80 : index
        %swap3A_263 = tpu.vector_load %arg11[%swap3A_261, %swap3A_262] {strides = array<i32>} : memref<40x128xf32, #tpu.memory_space<vmem>>, vector<1x16xf32>,
        %swap3A_264 = vector.shape_cast %swap3A_263 : vector<1x16xf32> to vector<16xf32>
        %swap3A_265 = vector.shape_cast %max3A_258 : vector<16xf32> to vector<1x16xf32>
        tpu.vector_store %arg11[%swap3A_261, %swap3A_262], %swap3A_265 {strides = array<i32>} : memref<40x128xf32, #tpu.memory_space<vmem>>, vector<1x16xf32>,
        %add3A_266 = arith.constant 0 : i32
        %add3A_267 = arith.addi %mul3A_130, %add3A_266 : i32
        %get3A_268 = arith.index_cast %add3A_267 : i32 to index
        %get3A_269 = arith.constant 96 : index
        %get3A_270 = tpu.vector_load %arg13[%get3A_268, %get3A_269] {strides = array<i32>} : memref<40x128xf32, #tpu.memory_space<vmem>>, vector<1x16xf32>,
        %get3A_271 = vector.shape_cast %get3A_270 : vector<1x16xf32> to vector<16xf32>
        %add3A_272 = arith.constant 0 : i32
        %add3A_273 = arith.addi %mul3A_130, %add3A_272 : i32
        %get3A_274 = arith.index_cast %add3A_273 : i32 to index
        %get3A_275 = arith.constant 96 : index
        %get3A_276 = tpu.vector_load %arg11[%get3A_274, %get3A_275] {strides = array<i32>} : memref<40x128xf32, #tpu.memory_space<vmem>>, vector<1x16xf32>,
        %get3A_277 = vector.shape_cast %get3A_276 : vector<1x16xf32> to vector<16xf32>
        %add3A_278 = arith.addf %get3A_271, %get3A_277 : vector<16xf32>
        %max3A_279 = arith.constant 0.000000e+00 : f32
        %max3A_280 = vector.broadcast %max3A_279 : f32 to vector<16xf32>
        %max3A_281 = arith.maximumf %add3A_278, %max3A_280 : vector<16xf32>
        %add3A_282 = arith.constant 0 : i32
        %add3A_283 = arith.addi %mul3A_130, %add3A_282 : i32
        %swap3A_284 = arith.index_cast %add3A_283 : i32 to index
        %swap3A_285 = arith.constant 96 : index
        %swap3A_286 = tpu.vector_load %arg11[%swap3A_284, %swap3A_285] {strides = array<i32>} : memref<40x128xf32, #tpu.memory_space<vmem>>, vector<1x16xf32>,
        %swap3A_287 = vector.shape_cast %swap3A_286 : vector<1x16xf32> to vector<16xf32>
        %swap3A_288 = vector.shape_cast %max3A_281 : vector<16xf32> to vector<1x16xf32>
        tpu.vector_store %arg11[%swap3A_284, %swap3A_285], %swap3A_288 {strides = array<i32>} : memref<40x128xf32, #tpu.memory_space<vmem>>, vector<1x16xf32>,
        %add3A_289 = arith.constant 0 : i32
        %add3A_290 = arith.addi %mul3A_130, %add3A_289 : i32
        %get3A_291 = arith.index_cast %add3A_290 : i32 to index
        %get3A_292 = arith.constant 112 : index
        %get3A_293 = tpu.vector_load %arg13[%get3A_291, %get3A_292] {strides = array<i32>} : memref<40x128xf32, #tpu.memory_space<vmem>>, vector<1x16xf32>,
        %get3A_294 = vector.shape_cast %get3A_293 : vector<1x16xf32> to vector<16xf32>
        %add3A_295 = arith.constant 0 : i32
        %add3A_296 = arith.addi %mul3A_130, %add3A_295 : i32
        %get3A_297 = arith.index_cast %add3A_296 : i32 to index
        %get3A_298 = arith.constant 112 : index
        %get3A_299 = tpu.vector_load %arg11[%get3A_297, %get3A_298] {strides = array<i32>} : memref<40x128xf32, #tpu.memory_space<vmem>>, vector<1x16xf32>,
        %get3A_300 = vector.shape_cast %get3A_299 : vector<1x16xf32> to vector<16xf32>
        %add3A_301 = arith.addf %get3A_294, %get3A_300 : vector<16xf32>
        %max3A_302 = arith.constant 0.000000e+00 : f32
        %max3A_303 = vector.broadcast %max3A_302 : f32 to vector<16xf32>
        %max3A_304 = arith.maximumf %add3A_301, %max3A_303 : vector<16xf32>
        %add3A_305 = arith.constant 0 : i32
        %add3A_306 = arith.addi %mul3A_130, %add3A_305 : i32
        %swap3A_307 = arith.index_cast %add3A_306 : i32 to index
        %swap3A_308 = arith.constant 112 : index
        %swap3A_309 = tpu.vector_load %arg11[%swap3A_307, %swap3A_308] {strides = array<i32>} : memref<40x128xf32, #tpu.memory_space<vmem>>, vector<1x16xf32>,
        %swap3A_310 = vector.shape_cast %swap3A_309 : vector<1x16xf32> to vector<16xf32>
        %swap3A_311 = vector.shape_cast %max3A_304 : vector<16xf32> to vector<1x16xf32>
        tpu.vector_store %arg11[%swap3A_307, %swap3A_308], %swap3A_311 {strides = array<i32>} : memref<40x128xf32, #tpu.memory_space<vmem>>, vector<1x16xf32>,
        %add3A_312 = arith.constant 1 : i32
        %add3A_313 = arith.addi %mul3A_130, %add3A_312 : i32
        %get3A_314 = arith.index_cast %add3A_313 : i32 to index
        %get3A_315 = arith.constant 0 : index
        %get3A_316 = tpu.vector_load %arg13[%get3A_314, %get3A_315] {strides = array<i32>} : memref<40x128xf32, #tpu.memory_space<vmem>>, vector<1x16xf32>,
        %get3A_317 = vector.shape_cast %get3A_316 : vector<1x16xf32> to vector<16xf32>
        %add3A_318 = arith.constant 1 : i32
        %add3A_319 = arith.addi %mul3A_130, %add3A_318 : i32
        %get3A_320 = arith.index_cast %add3A_319 : i32 to index
        %get3A_321 = arith.constant 0 : index
        %get3A_322 = tpu.vector_load %arg11[%get3A_320, %get3A_321] {strides = array<i32>} : memref<40x128xf32, #tpu.memory_space<vmem>>, vector<1x16xf32>,
        %get3A_323 = vector.shape_cast %get3A_322 : vector<1x16xf32> to vector<16xf32>
        %add3A_324 = arith.addf %get3A_317, %get3A_323 : vector<16xf32>
        %max3A_325 = arith.constant 0.000000e+00 : f32
        %max3A_326 = vector.broadcast %max3A_325 : f32 to vector<16xf32>
        %max3A_327 = arith.maximumf %add3A_324, %max3A_326 : vector<16xf32>
        %add3A_328 = arith.constant 1 : i32
        %add3A_329 = arith.addi %mul3A_130, %add3A_328 : i32
        %swap3A_330 = arith.index_cast %add3A_329 : i32 to index
        %swap3A_331 = arith.constant 0 : index
        %swap3A_332 = tpu.vector_load %arg11[%swap3A_330, %swap3A_331] {strides = array<i32>} : memref<40x128xf32, #tpu.memory_space<vmem>>, vector<1x16xf32>,
        %swap3A_333 = vector.shape_cast %swap3A_332 : vector<1x16xf32> to vector<16xf32>
        %swap3A_334 = vector.shape_cast %max3A_327 : vector<16xf32> to vector<1x16xf32>
        tpu.vector_store %arg11[%swap3A_330, %swap3A_331], %swap3A_334 {strides = array<i32>} : memref<40x128xf32, #tpu.memory_space<vmem>>, vector<1x16xf32>,
        %add3A_335 = arith.constant 1 : i32
        %add3A_336 = arith.addi %mul3A_130, %add3A_335 : i32
        %get3A_337 = arith.index_cast %add3A_336 : i32 to index
        %get3A_338 = arith.constant 16 : index
        %get3A_339 = tpu.vector_load %arg13[%get3A_337, %get3A_338] {strides = array<i32>} : memref<40x128xf32, #tpu.memory_space<vmem>>, vector<1x16xf32>,
        %get3A_340 = vector.shape_cast %get3A_339 : vector<1x16xf32> to vector<16xf32>
        %add3A_341 = arith.constant 1 : i32
        %add3A_342 = arith.addi %mul3A_130, %add3A_341 : i32
        %get3A_343 = arith.index_cast %add3A_342 : i32 to index
        %get3A_344 = arith.constant 16 : index
        %get3A_345 = tpu.vector_load %arg11[%get3A_343, %get3A_344] {strides = array<i32>} : memref<40x128xf32, #tpu.memory_space<vmem>>, vector<1x16xf32>,
        %get3A_346 = vector.shape_cast %get3A_345 : vector<1x16xf32> to vector<16xf32>
        %add3A_347 = arith.addf %get3A_340, %get3A_346 : vector<16xf32>
        %max3A_348 = arith.constant 0.000000e+00 : f32
        %max3A_349 = vector.broadcast %max3A_348 : f32 to vector<16xf32>
        %max3A_350 = arith.maximumf %add3A_347, %max3A_349 : vector<16xf32>
        %add3A_351 = arith.constant 1 : i32
        %add3A_352 = arith.addi %mul3A_130, %add3A_351 : i32
        %swap3A_353 = arith.index_cast %add3A_352 : i32 to index
        %swap3A_354 = arith.constant 16 : index
        %swap3A_355 = tpu.vector_load %arg11[%swap3A_353, %swap3A_354] {strides = array<i32>} : memref<40x128xf32, #tpu.memory_space<vmem>>, vector<1x16xf32>,
        %swap3A_356 = vector.shape_cast %swap3A_355 : vector<1x16xf32> to vector<16xf32>
        %swap3A_357 = vector.shape_cast %max3A_350 : vector<16xf32> to vector<1x16xf32>
        tpu.vector_store %arg11[%swap3A_353, %swap3A_354], %swap3A_357 {strides = array<i32>} : memref<40x128xf32, #tpu.memory_space<vmem>>, vector<1x16xf32>,
        %add3A_358 = arith.constant 1 : i32
        %add3A_359 = arith.addi %mul3A_130, %add3A_358 : i32
        %get3A_360 = arith.index_cast %add3A_359 : i32 to index
        %get3A_361 = arith.constant 32 : index
        %get3A_362 = tpu.vector_load %arg13[%get3A_360, %get3A_361] {strides = array<i32>} : memref<40x128xf32, #tpu.memory_space<vmem>>, vector<1x16xf32>,
        %get3A_363 = vector.shape_cast %get3A_362 : vector<1x16xf32> to vector<16xf32>
        %add3A_364 = arith.constant 1 : i32
        %add3A_365 = arith.addi %mul3A_130, %add3A_364 : i32
        %get3A_366 = arith.index_cast %add3A_365 : i32 to index
        %get3A_367 = arith.constant 32 : index
        %get3A_368 = tpu.vector_load %arg11[%get3A_366, %get3A_367] {strides = array<i32>} : memref<40x128xf32, #tpu.memory_space<vmem>>, vector<1x16xf32>,
        %get3A_369 = vector.shape_cast %get3A_368 : vector<1x16xf32> to vector<16xf32>
        %add3A_370 = arith.addf %get3A_363, %get3A_369 : vector<16xf32>
        %max3A_371 = arith.constant 0.000000e+00 : f32
        %max3A_372 = vector.broadcast %max3A_371 : f32 to vector<16xf32>
        %max3A_373 = arith.maximumf %add3A_370, %max3A_372 : vector<16xf32>
        %add3A_374 = arith.constant 1 : i32
        %add3A_375 = arith.addi %mul3A_130, %add3A_374 : i32
        %swap3A_376 = arith.index_cast %add3A_375 : i32 to index
        %swap3A_377 = arith.constant 32 : index
        %swap3A_378 = tpu.vector_load %arg11[%swap3A_376, %swap3A_377] {strides = array<i32>} : memref<40x128xf32, #tpu.memory_space<vmem>>, vector<1x16xf32>,
        %swap3A_379 = vector.shape_cast %swap3A_378 : vector<1x16xf32> to vector<16xf32>
        %swap3A_380 = vector.shape_cast %max3A_373 : vector<16xf32> to vector<1x16xf32>
        tpu.vector_store %arg11[%swap3A_376, %swap3A_377], %swap3A_380 {strides = array<i32>} : memref<40x128xf32, #tpu.memory_space<vmem>>, vector<1x16xf32>,
        %add3A_381 = arith.constant 1 : i32
        %add3A_382 = arith.addi %mul3A_130, %add3A_381 : i32
        %get3A_383 = arith.index_cast %add3A_382 : i32 to index
        %get3A_384 = arith.constant 48 : index
        %get3A_385 = tpu.vector_load %arg13[%get3A_383, %get3A_384] {strides = array<i32>} : memref<40x128xf32, #tpu.memory_space<vmem>>, vector<1x16xf32>,
        %get3A_386 = vector.shape_cast %get3A_385 : vector<1x16xf32> to vector<16xf32>
        %add3A_387 = arith.constant 1 : i32
        %add3A_388 = arith.addi %mul3A_130, %add3A_387 : i32
        %get3A_389 = arith.index_cast %add3A_388 : i32 to index
        %get3A_390 = arith.constant 48 : index
        %get3A_391 = tpu.vector_load %arg11[%get3A_389, %get3A_390] {strides = array<i32>} : memref<40x128xf32, #tpu.memory_space<vmem>>, vector<1x16xf32>,
        %get3A_392 = vector.shape_cast %get3A_391 : vector<1x16xf32> to vector<16xf32>
        %add3A_393 = arith.addf %get3A_386, %get3A_392 : vector<16xf32>
        %max3A_394 = arith.constant 0.000000e+00 : f32
        %max3A_395 = vector.broadcast %max3A_394 : f32 to vector<16xf32>
        %max3A_396 = arith.maximumf %add3A_393, %max3A_395 : vector<16xf32>
        %add3A_397 = arith.constant 1 : i32
        %add3A_398 = arith.addi %mul3A_130, %add3A_397 : i32
        %swap3A_399 = arith.index_cast %add3A_398 : i32 to index
        %swap3A_400 = arith.constant 48 : index
        %swap3A_401 = tpu.vector_load %arg11[%swap3A_399, %swap3A_400] {strides = array<i32>} : memref<40x128xf32, #tpu.memory_space<vmem>>, vector<1x16xf32>,
        %swap3A_402 = vector.shape_cast %swap3A_401 : vector<1x16xf32> to vector<16xf32>
        %swap3A_403 = vector.shape_cast %max3A_396 : vector<16xf32> to vector<1x16xf32>
        tpu.vector_store %arg11[%swap3A_399, %swap3A_400], %swap3A_403 {strides = array<i32>} : memref<40x128xf32, #tpu.memory_space<vmem>>, vector<1x16xf32>,
        %add3A_404 = arith.constant 1 : i32
        %add3A_405 = arith.addi %mul3A_130, %add3A_404 : i32
        %get3A_406 = arith.index_cast %add3A_405 : i32 to index
        %get3A_407 = arith.constant 64 : index
        %get3A_408 = tpu.vector_load %arg13[%get3A_406, %get3A_407] {strides = array<i32>} : memref<40x128xf32, #tpu.memory_space<vmem>>, vector<1x16xf32>,
        %get3A_409 = vector.shape_cast %get3A_408 : vector<1x16xf32> to vector<16xf32>
        %add3A_410 = arith.constant 1 : i32
        %add3A_411 = arith.addi %mul3A_130, %add3A_410 : i32
        %get3A_412 = arith.index_cast %add3A_411 : i32 to index
        %get3A_413 = arith.constant 64 : index
        %get3A_414 = tpu.vector_load %arg11[%get3A_412, %get3A_413] {strides = array<i32>} : memref<40x128xf32, #tpu.memory_space<vmem>>, vector<1x16xf32>,
        %get3A_415 = vector.shape_cast %get3A_414 : vector<1x16xf32> to vector<16xf32>
        %add3A_416 = arith.addf %get3A_409, %get3A_415 : vector<16xf32>
        %max3A_417 = arith.constant 0.000000e+00 : f32
        %max3A_418 = vector.broadcast %max3A_417 : f32 to vector<16xf32>
        %max3A_419 = arith.maximumf %add3A_416, %max3A_418 : vector<16xf32>
        %add3A_420 = arith.constant 1 : i32
        %add3A_421 = arith.addi %mul3A_130, %add3A_420 : i32
        %swap3A_422 = arith.index_cast %add3A_421 : i32 to index
        %swap3A_423 = arith.constant 64 : index
        %swap3A_424 = tpu.vector_load %arg11[%swap3A_422, %swap3A_423] {strides = array<i32>} : memref<40x128xf32, #tpu.memory_space<vmem>>, vector<1x16xf32>,
        %swap3A_425 = vector.shape_cast %swap3A_424 : vector<1x16xf32> to vector<16xf32>
        %swap3A_426 = vector.shape_cast %max3A_419 : vector<16xf32> to vector<1x16xf32>
        tpu.vector_store %arg11[%swap3A_422, %swap3A_423], %swap3A_426 {strides = array<i32>} : memref<40x128xf32, #tpu.memory_space<vmem>>, vector<1x16xf32>,
        %add3A_427 = arith.constant 1 : i32
        %add3A_428 = arith.addi %mul3A_130, %add3A_427 : i32
        %get3A_429 = arith.index_cast %add3A_428 : i32 to index
        %get3A_430 = arith.constant 80 : index
        %get3A_431 = tpu.vector_load %arg13[%get3A_429, %get3A_430] {strides = array<i32>} : memref<40x128xf32, #tpu.memory_space<vmem>>, vector<1x16xf32>,
        %get3A_432 = vector.shape_cast %get3A_431 : vector<1x16xf32> to vector<16xf32>
        %add3A_433 = arith.constant 1 : i32
        %add3A_434 = arith.addi %mul3A_130, %add3A_433 : i32
        %get3A_435 = arith.index_cast %add3A_434 : i32 to index
        %get3A_436 = arith.constant 80 : index
        %get3A_437 = tpu.vector_load %arg11[%get3A_435, %get3A_436] {strides = array<i32>} : memref<40x128xf32, #tpu.memory_space<vmem>>, vector<1x16xf32>,
        %get3A_438 = vector.shape_cast %get3A_437 : vector<1x16xf32> to vector<16xf32>
        %add3A_439 = arith.addf %get3A_432, %get3A_438 : vector<16xf32>
        %max3A_440 = arith.constant 0.000000e+00 : f32
        %max3A_441 = vector.broadcast %max3A_440 : f32 to vector<16xf32>
        %max3A_442 = arith.maximumf %add3A_439, %max3A_441 : vector<16xf32>
        %add3A_443 = arith.constant 1 : i32
        %add3A_444 = arith.addi %mul3A_130, %add3A_443 : i32
        %swap3A_445 = arith.index_cast %add3A_444 : i32 to index
        %swap3A_446 = arith.constant 80 : index
        %swap3A_447 = tpu.vector_load %arg11[%swap3A_445, %swap3A_446] {strides = array<i32>} : memref<40x128xf32, #tpu.memory_space<vmem>>, vector<1x16xf32>,
        %swap3A_448 = vector.shape_cast %swap3A_447 : vector<1x16xf32> to vector<16xf32>
        %swap3A_449 = vector.shape_cast %max3A_442 : vector<16xf32> to vector<1x16xf32>
        tpu.vector_store %arg11[%swap3A_445, %swap3A_446], %swap3A_449 {strides = array<i32>} : memref<40x128xf32, #tpu.memory_space<vmem>>, vector<1x16xf32>,
        %add3A_450 = arith.constant 1 : i32
        %add3A_451 = arith.addi %mul3A_130, %add3A_450 : i32
        %get3A_452 = arith.index_cast %add3A_451 : i32 to index
        %get3A_453 = arith.constant 96 : index
        %get3A_454 = tpu.vector_load %arg13[%get3A_452, %get3A_453] {strides = array<i32>} : memref<40x128xf32, #tpu.memory_space<vmem>>, vector<1x16xf32>,
        %get3A_455 = vector.shape_cast %get3A_454 : vector<1x16xf32> to vector<16xf32>
        %add3A_456 = arith.constant 1 : i32
        %add3A_457 = arith.addi %mul3A_130, %add3A_456 : i32
        %get3A_458 = arith.index_cast %add3A_457 : i32 to index
        %get3A_459 = arith.constant 96 : index
        %get3A_460 = tpu.vector_load %arg11[%get3A_458, %get3A_459] {strides = array<i32>} : memref<40x128xf32, #tpu.memory_space<vmem>>, vector<1x16xf32>,
        %get3A_461 = vector.shape_cast %get3A_460 : vector<1x16xf32> to vector<16xf32>
        %add3A_462 = arith.addf %get3A_455, %get3A_461 : vector<16xf32>
        %max3A_463 = arith.constant 0.000000e+00 : f32
        %max3A_464 = vector.broadcast %max3A_463 : f32 to vector<16xf32>
        %max3A_465 = arith.maximumf %add3A_462, %max3A_464 : vector<16xf32>
        %add3A_466 = arith.constant 1 : i32
        %add3A_467 = arith.addi %mul3A_130, %add3A_466 : i32
        %swap3A_468 = arith.index_cast %add3A_467 : i32 to index
        %swap3A_469 = arith.constant 96 : index
        %swap3A_470 = tpu.vector_load %arg11[%swap3A_468, %swap3A_469] {strides = array<i32>} : memref<40x128xf32, #tpu.memory_space<vmem>>, vector<1x16xf32>,
        %swap3A_471 = vector.shape_cast %swap3A_470 : vector<1x16xf32> to vector<16xf32>
        %swap3A_472 = vector.shape_cast %max3A_465 : vector<16xf32> to vector<1x16xf32>
        tpu.vector_store %arg11[%swap3A_468, %swap3A_469], %swap3A_472 {strides = array<i32>} : memref<40x128xf32, #tpu.memory_space<vmem>>, vector<1x16xf32>,
        %add3A_473 = arith.constant 1 : i32
        %add3A_474 = arith.addi %mul3A_130, %add3A_473 : i32
        %get3A_475 = arith.index_cast %add3A_474 : i32 to index
        %get3A_476 = arith.constant 112 : index
        %get3A_477 = tpu.vector_load %arg13[%get3A_475, %get3A_476] {strides = array<i32>} : memref<40x128xf32, #tpu.memory_space<vmem>>, vector<1x16xf32>,
        %get3A_478 = vector.shape_cast %get3A_477 : vector<1x16xf32> to vector<16xf32>
        %add3A_479 = arith.constant 1 : i32
        %add3A_480 = arith.addi %mul3A_130, %add3A_479 : i32
        %get3A_481 = arith.index_cast %add3A_480 : i32 to index
        %get3A_482 = arith.constant 112 : index
        %get3A_483 = tpu.vector_load %arg11[%get3A_481, %get3A_482] {strides = array<i32>} : memref<40x128xf32, #tpu.memory_space<vmem>>, vector<1x16xf32>,
        %get3A_484 = vector.shape_cast %get3A_483 : vector<1x16xf32> to vector<16xf32>
        %add3A_485 = arith.addf %get3A_478, %get3A_484 : vector<16xf32>
        %max3A_486 = arith.constant 0.000000e+00 : f32
        %max3A_487 = vector.broadcast %max3A_486 : f32 to vector<16xf32>
        %max3A_488 = arith.maximumf %add3A_485, %max3A_487 : vector<16xf32>
        %add3A_489 = arith.constant 1 : i32
        %add3A_490 = arith.addi %mul3A_130, %add3A_489 : i32
        %swap3A_491 = arith.index_cast %add3A_490 : i32 to index
        %swap3A_492 = arith.constant 112 : index
        %swap3A_493 = tpu.vector_load %arg11[%swap3A_491, %swap3A_492] {strides = array<i32>} : memref<40x128xf32, #tpu.memory_space<vmem>>, vector<1x16xf32>,
        %swap3A_494 = vector.shape_cast %swap3A_493 : vector<1x16xf32> to vector<16xf32>
        %swap3A_495 = vector.shape_cast %max3A_488 : vector<16xf32> to vector<1x16xf32>
        tpu.vector_store %arg11[%swap3A_491, %swap3A_492], %swap3A_495 {strides = array<i32>} : memref<40x128xf32, #tpu.memory_space<vmem>>, vector<1x16xf32>,
      }
      %scan3A_100 = arith.constant 20 : i32
      %dma_start3A_101 = arith.constant 0 : i32
      %dma_start3A_102 = arith.constant 0 : i32
      %dma_start3A_103 = tpu.memref_slice %arg16[%dma_start3A_101, %dma_start3A_102] : memref<10240x128xf32, #tpu.memory_space<vmem_shared>> -> memref<10240x128xf32, #tpu.memory_space<vmem_shared>>
      tpu.enqueue_indirect_dma source(%arg11 : memref<40x128xf32, #tpu.memory_space<vmem>>) target(%dma_start3A_103 : memref<10240x128xf32, #tpu.memory_space<vmem_shared>>) offsets(%arg9 : memref<40xi32, #tpu.memory_space<vmem>>) semaphore(%arg23 : memref<!tpu.dma_semaphore, #tpu.memory_space<semaphore_mem>>) {add = true}
      %dma_wait3A_104 = tpu.memref_slice %arg5[%add3A_68] : memref<320000xi32, #tpu.memory_space<hbm>> -> memref<40xi32, #tpu.memory_space<hbm>>
      %dma_wait3A_105 = tpu.memref_slice %arg5[%add3A_68] : memref<320000xi32, #tpu.memory_space<hbm>> -> memref<40xi32, #tpu.memory_space<hbm>>
      tpu.wait_dma2 semaphore(%arg18 : memref<!tpu.dma_semaphore, #tpu.memory_space<semaphore_mem>>) src(%dma_wait3A_105 : memref<40xi32, #tpu.memory_space<hbm>>) dst(%arg10 : memref<40xi32, #tpu.memory_space<vmem>>)
      %dma_wait3A_106 = arith.constant 0 : i32
      %dma_wait3A_107 = tpu.memref_slice %arg2[%add3A_68, %dma_wait3A_106] : memref<320000x128xf32, #tpu.memory_space<hbm>> -> memref<40x128xf32, #tpu.memory_space<hbm>>
      %dma_wait3A_108 = arith.constant 0 : i32
      %dma_wait3A_109 = tpu.memref_slice %arg2[%add3A_68, %dma_wait3A_108] : memref<320000x128xf32, #tpu.memory_space<hbm>> -> memref<40x128xf32, #tpu.memory_space<hbm>>
      tpu.wait_dma2 semaphore(%arg20 : memref<!tpu.dma_semaphore, #tpu.memory_space<semaphore_mem>>) src(%dma_wait3A_109 : memref<40x128xf32, #tpu.memory_space<hbm>>) dst(%arg12 : memref<40x128xf32, #tpu.memory_space<vmem>>)
      %dma_wait3A_110 = arith.constant 0 : i32
      %dma_wait3A_111 = arith.constant 0 : i32
      %dma_wait3A_112 = tpu.memref_slice %arg3[%dma_wait3A_110, %dma_wait3A_111] : memref<10000x128xf32, #tpu.memory_space<hbm>> -> memref<10000x128xf32, #tpu.memory_space<hbm>>
      tpu.wait_indirect_dma semaphore(%arg22 : memref<!tpu.dma_semaphore, #tpu.memory_space<semaphore_mem>>) src(%dma_wait3A_112 : memref<10000x128xf32, #tpu.memory_space<hbm>>) dst(%arg14 : memref<40x128xf32, #tpu.memory_space<vmem>>)
      %scan3A_113 = arith.constant 0 : i32
      %scan3A_114 = arith.constant 0 : i32
      %scan3A_115 = arith.constant 20 : i32
      %scan3A_116 = arith.addi %scan3A_114, %scan3A_115 : i32
      %scan3A_117 = arith.constant 1 : i32
      scf.for %scan3A_128 = %scan3A_114 to %scan3A_116 step %scan3A_117  : i32 {
        %mul3A_129 = arith.constant 2 : i32
        %mul3A_130 = arith.muli %scan3A_128, %mul3A_129 : i32
        %add3A_131 = arith.constant 0 : i32
        %add3A_132 = arith.addi %mul3A_130, %add3A_131 : i32
        %get3A = arith.index_cast %add3A_132 : i32 to index
        %get3A_133 = arith.constant 0 : index
        %get3A_134 = tpu.vector_load %arg14[%get3A, %get3A_133] {strides = array<i32>} : memref<40x128xf32, #tpu.memory_space<vmem>>, vector<1x16xf32>,
        %get3A_135 = vector.shape_cast %get3A_134 : vector<1x16xf32> to vector<16xf32>
        %add3A_136 = arith.constant 0 : i32
        %add3A_137 = arith.addi %mul3A_130, %add3A_136 : i32
        %get3A_138 = arith.index_cast %add3A_137 : i32 to index
        %get3A_139 = arith.constant 0 : index
        %get3A_140 = tpu.vector_load %arg12[%get3A_138, %get3A_139] {strides = array<i32>} : memref<40x128xf32, #tpu.memory_space<vmem>>, vector<1x16xf32>,
        %get3A_141 = vector.shape_cast %get3A_140 : vector<1x16xf32> to vector<16xf32>
        %add3A_142 = arith.addf %get3A_135, %get3A_141 : vector<16xf32>
        %max3A = arith.constant 0.000000e+00 : f32
        %max3A_143 = vector.broadcast %max3A : f32 to vector<16xf32>
        %max3A_144 = arith.maximumf %add3A_142, %max3A_143 : vector<16xf32>
        %add3A_145 = arith.constant 0 : i32
        %add3A_146 = arith.addi %mul3A_130, %add3A_145 : i32
        %swap3A = arith.index_cast %add3A_146 : i32 to index
        %swap3A_147 = arith.constant 0 : index
        %swap3A_148 = tpu.vector_load %arg12[%swap3A, %swap3A_147] {strides = array<i32>} : memref<40x128xf32, #tpu.memory_space<vmem>>, vector<1x16xf32>,
        %swap3A_149 = vector.shape_cast %swap3A_148 : vector<1x16xf32> to vector<16xf32>
        %swap3A_150 = vector.shape_cast %max3A_144 : vector<16xf32> to vector<1x16xf32>
        tpu.vector_store %arg12[%swap3A, %swap3A_147], %swap3A_150 {strides = array<i32>} : memref<40x128xf32, #tpu.memory_space<vmem>>, vector<1x16xf32>,
        %add3A_151 = arith.constant 0 : i32
        %add3A_152 = arith.addi %mul3A_130, %add3A_151 : i32
        %get3A_153 = arith.index_cast %add3A_152 : i32 to index
        %get3A_154 = arith.constant 16 : index
        %get3A_155 = tpu.vector_load %arg14[%get3A_153, %get3A_154] {strides = array<i32>} : memref<40x128xf32, #tpu.memory_space<vmem>>, vector<1x16xf32>,
        %get3A_156 = vector.shape_cast %get3A_155 : vector<1x16xf32> to vector<16xf32>
        %add3A_157 = arith.constant 0 : i32
        %add3A_158 = arith.addi %mul3A_130, %add3A_157 : i32
        %get3A_159 = arith.index_cast %add3A_158 : i32 to index
        %get3A_160 = arith.constant 16 : index
        %get3A_161 = tpu.vector_load %arg12[%get3A_159, %get3A_160] {strides = array<i32>} : memref<40x128xf32, #tpu.memory_space<vmem>>, vector<1x16xf32>,
        %get3A_162 = vector.shape_cast %get3A_161 : vector<1x16xf32> to vector<16xf32>
        %add3A_163 = arith.addf %get3A_156, %get3A_162 : vector<16xf32>
        %max3A_164 = arith.constant 0.000000e+00 : f32
        %max3A_165 = vector.broadcast %max3A_164 : f32 to vector<16xf32>
        %max3A_166 = arith.maximumf %add3A_163, %max3A_165 : vector<16xf32>
        %add3A_167 = arith.constant 0 : i32
        %add3A_168 = arith.addi %mul3A_130, %add3A_167 : i32
        %swap3A_169 = arith.index_cast %add3A_168 : i32 to index
        %swap3A_170 = arith.constant 16 : index
        %swap3A_171 = tpu.vector_load %arg12[%swap3A_169, %swap3A_170] {strides = array<i32>} : memref<40x128xf32, #tpu.memory_space<vmem>>, vector<1x16xf32>,
        %swap3A_172 = vector.shape_cast %swap3A_171 : vector<1x16xf32> to vector<16xf32>
        %swap3A_173 = vector.shape_cast %max3A_166 : vector<16xf32> to vector<1x16xf32>
        tpu.vector_store %arg12[%swap3A_169, %swap3A_170], %swap3A_173 {strides = array<i32>} : memref<40x128xf32, #tpu.memory_space<vmem>>, vector<1x16xf32>,
        %add3A_174 = arith.constant 0 : i32
        %add3A_175 = arith.addi %mul3A_130, %add3A_174 : i32
        %get3A_176 = arith.index_cast %add3A_175 : i32 to index
        %get3A_177 = arith.constant 32 : index
        %get3A_178 = tpu.vector_load %arg14[%get3A_176, %get3A_177] {strides = array<i32>} : memref<40x128xf32, #tpu.memory_space<vmem>>, vector<1x16xf32>,
        %get3A_179 = vector.shape_cast %get3A_178 : vector<1x16xf32> to vector<16xf32>
        %add3A_180 = arith.constant 0 : i32
        %add3A_181 = arith.addi %mul3A_130, %add3A_180 : i32
        %get3A_182 = arith.index_cast %add3A_181 : i32 to index
        %get3A_183 = arith.constant 32 : index
        %get3A_184 = tpu.vector_load %arg12[%get3A_182, %get3A_183] {strides = array<i32>} : memref<40x128xf32, #tpu.memory_space<vmem>>, vector<1x16xf32>,
        %get3A_185 = vector.shape_cast %get3A_184 : vector<1x16xf32> to vector<16xf32>
        %add3A_186 = arith.addf %get3A_179, %get3A_185 : vector<16xf32>
        %max3A_187 = arith.constant 0.000000e+00 : f32
        %max3A_188 = vector.broadcast %max3A_187 : f32 to vector<16xf32>
        %max3A_189 = arith.maximumf %add3A_186, %max3A_188 : vector<16xf32>
        %add3A_190 = arith.constant 0 : i32
        %add3A_191 = arith.addi %mul3A_130, %add3A_190 : i32
        %swap3A_192 = arith.index_cast %add3A_191 : i32 to index
        %swap3A_193 = arith.constant 32 : index
        %swap3A_194 = tpu.vector_load %arg12[%swap3A_192, %swap3A_193] {strides = array<i32>} : memref<40x128xf32, #tpu.memory_space<vmem>>, vector<1x16xf32>,
        %swap3A_195 = vector.shape_cast %swap3A_194 : vector<1x16xf32> to vector<16xf32>
        %swap3A_196 = vector.shape_cast %max3A_189 : vector<16xf32> to vector<1x16xf32>
        tpu.vector_store %arg12[%swap3A_192, %swap3A_193], %swap3A_196 {strides = array<i32>} : memref<40x128xf32, #tpu.memory_space<vmem>>, vector<1x16xf32>,
        %add3A_197 = arith.constant 0 : i32
        %add3A_198 = arith.addi %mul3A_130, %add3A_197 : i32
        %get3A_199 = arith.index_cast %add3A_198 : i32 to index
        %get3A_200 = arith.constant 48 : index
        %get3A_201 = tpu.vector_load %arg14[%get3A_199, %get3A_200] {strides = array<i32>} : memref<40x128xf32, #tpu.memory_space<vmem>>, vector<1x16xf32>,
        %get3A_202 = vector.shape_cast %get3A_201 : vector<1x16xf32> to vector<16xf32>
        %add3A_203 = arith.constant 0 : i32
        %add3A_204 = arith.addi %mul3A_130, %add3A_203 : i32
        %get3A_205 = arith.index_cast %add3A_204 : i32 to index
        %get3A_206 = arith.constant 48 : index
        %get3A_207 = tpu.vector_load %arg12[%get3A_205, %get3A_206] {strides = array<i32>} : memref<40x128xf32, #tpu.memory_space<vmem>>, vector<1x16xf32>,
        %get3A_208 = vector.shape_cast %get3A_207 : vector<1x16xf32> to vector<16xf32>
        %add3A_209 = arith.addf %get3A_202, %get3A_208 : vector<16xf32>
        %max3A_210 = arith.constant 0.000000e+00 : f32
        %max3A_211 = vector.broadcast %max3A_210 : f32 to vector<16xf32>
        %max3A_212 = arith.maximumf %add3A_209, %max3A_211 : vector<16xf32>
        %add3A_213 = arith.constant 0 : i32
        %add3A_214 = arith.addi %mul3A_130, %add3A_213 : i32
        %swap3A_215 = arith.index_cast %add3A_214 : i32 to index
        %swap3A_216 = arith.constant 48 : index
        %swap3A_217 = tpu.vector_load %arg12[%swap3A_215, %swap3A_216] {strides = array<i32>} : memref<40x128xf32, #tpu.memory_space<vmem>>, vector<1x16xf32>,
        %swap3A_218 = vector.shape_cast %swap3A_217 : vector<1x16xf32> to vector<16xf32>
        %swap3A_219 = vector.shape_cast %max3A_212 : vector<16xf32> to vector<1x16xf32>
        tpu.vector_store %arg12[%swap3A_215, %swap3A_216], %swap3A_219 {strides = array<i32>} : memref<40x128xf32, #tpu.memory_space<vmem>>, vector<1x16xf32>,
        %add3A_220 = arith.constant 0 : i32
        %add3A_221 = arith.addi %mul3A_130, %add3A_220 : i32
        %get3A_222 = arith.index_cast %add3A_221 : i32 to index
        %get3A_223 = arith.constant 64 : index
        %get3A_224 = tpu.vector_load %arg14[%get3A_222, %get3A_223] {strides = array<i32>} : memref<40x128xf32, #tpu.memory_space<vmem>>, vector<1x16xf32>,
        %get3A_225 = vector.shape_cast %get3A_224 : vector<1x16xf32> to vector<16xf32>
        %add3A_226 = arith.constant 0 : i32
        %add3A_227 = arith.addi %mul3A_130, %add3A_226 : i32
        %get3A_228 = arith.index_cast %add3A_227 : i32 to index
        %get3A_229 = arith.constant 64 : index
        %get3A_230 = tpu.vector_load %arg12[%get3A_228, %get3A_229] {strides = array<i32>} : memref<40x128xf32, #tpu.memory_space<vmem>>, vector<1x16xf32>,
        %get3A_231 = vector.shape_cast %get3A_230 : vector<1x16xf32> to vector<16xf32>
        %add3A_232 = arith.addf %get3A_225, %get3A_231 : vector<16xf32>
        %max3A_233 = arith.constant 0.000000e+00 : f32
        %max3A_234 = vector.broadcast %max3A_233 : f32 to vector<16xf32>
        %max3A_235 = arith.maximumf %add3A_232, %max3A_234 : vector<16xf32>
        %add3A_236 = arith.constant 0 : i32
        %add3A_237 = arith.addi %mul3A_130, %add3A_236 : i32
        %swap3A_238 = arith.index_cast %add3A_237 : i32 to index
        %swap3A_239 = arith.constant 64 : index
        %swap3A_240 = tpu.vector_load %arg12[%swap3A_238, %swap3A_239] {strides = array<i32>} : memref<40x128xf32, #tpu.memory_space<vmem>>, vector<1x16xf32>,
        %swap3A_241 = vector.shape_cast %swap3A_240 : vector<1x16xf32> to vector<16xf32>
        %swap3A_242 = vector.shape_cast %max3A_235 : vector<16xf32> to vector<1x16xf32>
        tpu.vector_store %arg12[%swap3A_238, %swap3A_239], %swap3A_242 {strides = array<i32>} : memref<40x128xf32, #tpu.memory_space<vmem>>, vector<1x16xf32>,
        %add3A_243 = arith.constant 0 : i32
        %add3A_244 = arith.addi %mul3A_130, %add3A_243 : i32
        %get3A_245 = arith.index_cast %add3A_244 : i32 to index
        %get3A_246 = arith.constant 80 : index
        %get3A_247 = tpu.vector_load %arg14[%get3A_245, %get3A_246] {strides = array<i32>} : memref<40x128xf32, #tpu.memory_space<vmem>>, vector<1x16xf32>,
        %get3A_248 = vector.shape_cast %get3A_247 : vector<1x16xf32> to vector<16xf32>
        %add3A_249 = arith.constant 0 : i32
        %add3A_250 = arith.addi %mul3A_130, %add3A_249 : i32
        %get3A_251 = arith.index_cast %add3A_250 : i32 to index
        %get3A_252 = arith.constant 80 : index
        %get3A_253 = tpu.vector_load %arg12[%get3A_251, %get3A_252] {strides = array<i32>} : memref<40x128xf32, #tpu.memory_space<vmem>>, vector<1x16xf32>,
        %get3A_254 = vector.shape_cast %get3A_253 : vector<1x16xf32> to vector<16xf32>
        %add3A_255 = arith.addf %get3A_248, %get3A_254 : vector<16xf32>
        %max3A_256 = arith.constant 0.000000e+00 : f32
        %max3A_257 = vector.broadcast %max3A_256 : f32 to vector<16xf32>
        %max3A_258 = arith.maximumf %add3A_255, %max3A_257 : vector<16xf32>
        %add3A_259 = arith.constant 0 : i32
        %add3A_260 = arith.addi %mul3A_130, %add3A_259 : i32
        %swap3A_261 = arith.index_cast %add3A_260 : i32 to index
        %swap3A_262 = arith.constant 80 : index
        %swap3A_263 = tpu.vector_load %arg12[%swap3A_261, %swap3A_262] {strides = array<i32>} : memref<40x128xf32, #tpu.memory_space<vmem>>, vector<1x16xf32>,
        %swap3A_264 = vector.shape_cast %swap3A_263 : vector<1x16xf32> to vector<16xf32>
        %swap3A_265 = vector.shape_cast %max3A_258 : vector<16xf32> to vector<1x16xf32>
        tpu.vector_store %arg12[%swap3A_261, %swap3A_262], %swap3A_265 {strides = array<i32>} : memref<40x128xf32, #tpu.memory_space<vmem>>, vector<1x16xf32>,
        %add3A_266 = arith.constant 0 : i32
        %add3A_267 = arith.addi %mul3A_130, %add3A_266 : i32
        %get3A_268 = arith.index_cast %add3A_267 : i32 to index
        %get3A_269 = arith.constant 96 : index
        %get3A_270 = tpu.vector_load %arg14[%get3A_268, %get3A_269] {strides = array<i32>} : memref<40x128xf32, #tpu.memory_space<vmem>>, vector<1x16xf32>,
        %get3A_271 = vector.shape_cast %get3A_270 : vector<1x16xf32> to vector<16xf32>
        %add3A_272 = arith.constant 0 : i32
        %add3A_273 = arith.addi %mul3A_130, %add3A_272 : i32
        %get3A_274 = arith.index_cast %add3A_273 : i32 to index
        %get3A_275 = arith.constant 96 : index
        %get3A_276 = tpu.vector_load %arg12[%get3A_274, %get3A_275] {strides = array<i32>} : memref<40x128xf32, #tpu.memory_space<vmem>>, vector<1x16xf32>,
        %get3A_277 = vector.shape_cast %get3A_276 : vector<1x16xf32> to vector<16xf32>
        %add3A_278 = arith.addf %get3A_271, %get3A_277 : vector<16xf32>
        %max3A_279 = arith.constant 0.000000e+00 : f32
        %max3A_280 = vector.broadcast %max3A_279 : f32 to vector<16xf32>
        %max3A_281 = arith.maximumf %add3A_278, %max3A_280 : vector<16xf32>
        %add3A_282 = arith.constant 0 : i32
        %add3A_283 = arith.addi %mul3A_130, %add3A_282 : i32
        %swap3A_284 = arith.index_cast %add3A_283 : i32 to index
        %swap3A_285 = arith.constant 96 : index
        %swap3A_286 = tpu.vector_load %arg12[%swap3A_284, %swap3A_285] {strides = array<i32>} : memref<40x128xf32, #tpu.memory_space<vmem>>, vector<1x16xf32>,
        %swap3A_287 = vector.shape_cast %swap3A_286 : vector<1x16xf32> to vector<16xf32>
        %swap3A_288 = vector.shape_cast %max3A_281 : vector<16xf32> to vector<1x16xf32>
        tpu.vector_store %arg12[%swap3A_284, %swap3A_285], %swap3A_288 {strides = array<i32>} : memref<40x128xf32, #tpu.memory_space<vmem>>, vector<1x16xf32>,
        %add3A_289 = arith.constant 0 : i32
        %add3A_290 = arith.addi %mul3A_130, %add3A_289 : i32
        %get3A_291 = arith.index_cast %add3A_290 : i32 to index
        %get3A_292 = arith.constant 112 : index
        %get3A_293 = tpu.vector_load %arg14[%get3A_291, %get3A_292] {strides = array<i32>} : memref<40x128xf32, #tpu.memory_space<vmem>>, vector<1x16xf32>,
        %get3A_294 = vector.shape_cast %get3A_293 : vector<1x16xf32> to vector<16xf32>
        %add3A_295 = arith.constant 0 : i32
        %add3A_296 = arith.addi %mul3A_130, %add3A_295 : i32
        %get3A_297 = arith.index_cast %add3A_296 : i32 to index
        %get3A_298 = arith.constant 112 : index
        %get3A_299 = tpu.vector_load %arg12[%get3A_297, %get3A_298] {strides = array<i32>} : memref<40x128xf32, #tpu.memory_space<vmem>>, vector<1x16xf32>,
        %get3A_300 = vector.shape_cast %get3A_299 : vector<1x16xf32> to vector<16xf32>
        %add3A_301 = arith.addf %get3A_294, %get3A_300 : vector<16xf32>
        %max3A_302 = arith.constant 0.000000e+00 : f32
        %max3A_303 = vector.broadcast %max3A_302 : f32 to vector<16xf32>
        %max3A_304 = arith.maximumf %add3A_301, %max3A_303 : vector<16xf32>
        %add3A_305 = arith.constant 0 : i32
        %add3A_306 = arith.addi %mul3A_130, %add3A_305 : i32
        %swap3A_307 = arith.index_cast %add3A_306 : i32 to index
        %swap3A_308 = arith.constant 112 : index
        %swap3A_309 = tpu.vector_load %arg12[%swap3A_307, %swap3A_308] {strides = array<i32>} : memref<40x128xf32, #tpu.memory_space<vmem>>, vector<1x16xf32>,
        %swap3A_310 = vector.shape_cast %swap3A_309 : vector<1x16xf32> to vector<16xf32>
        %swap3A_311 = vector.shape_cast %max3A_304 : vector<16xf32> to vector<1x16xf32>
        tpu.vector_store %arg12[%swap3A_307, %swap3A_308], %swap3A_311 {strides = array<i32>} : memref<40x128xf32, #tpu.memory_space<vmem>>, vector<1x16xf32>,
        %add3A_312 = arith.constant 1 : i32
        %add3A_313 = arith.addi %mul3A_130, %add3A_312 : i32
        %get3A_314 = arith.index_cast %add3A_313 : i32 to index
        %get3A_315 = arith.constant 0 : index
        %get3A_316 = tpu.vector_load %arg14[%get3A_314, %get3A_315] {strides = array<i32>} : memref<40x128xf32, #tpu.memory_space<vmem>>, vector<1x16xf32>,
        %get3A_317 = vector.shape_cast %get3A_316 : vector<1x16xf32> to vector<16xf32>
        %add3A_318 = arith.constant 1 : i32
        %add3A_319 = arith.addi %mul3A_130, %add3A_318 : i32
        %get3A_320 = arith.index_cast %add3A_319 : i32 to index
        %get3A_321 = arith.constant 0 : index
        %get3A_322 = tpu.vector_load %arg12[%get3A_320, %get3A_321] {strides = array<i32>} : memref<40x128xf32, #tpu.memory_space<vmem>>, vector<1x16xf32>,
        %get3A_323 = vector.shape_cast %get3A_322 : vector<1x16xf32> to vector<16xf32>
        %add3A_324 = arith.addf %get3A_317, %get3A_323 : vector<16xf32>
        %max3A_325 = arith.constant 0.000000e+00 : f32
        %max3A_326 = vector.broadcast %max3A_325 : f32 to vector<16xf32>
        %max3A_327 = arith.maximumf %add3A_324, %max3A_326 : vector<16xf32>
        %add3A_328 = arith.constant 1 : i32
        %add3A_329 = arith.addi %mul3A_130, %add3A_328 : i32
        %swap3A_330 = arith.index_cast %add3A_329 : i32 to index
        %swap3A_331 = arith.constant 0 : index
        %swap3A_332 = tpu.vector_load %arg12[%swap3A_330, %swap3A_331] {strides = array<i32>} : memref<40x128xf32, #tpu.memory_space<vmem>>, vector<1x16xf32>,
        %swap3A_333 = vector.shape_cast %swap3A_332 : vector<1x16xf32> to vector<16xf32>
        %swap3A_334 = vector.shape_cast %max3A_327 : vector<16xf32> to vector<1x16xf32>
        tpu.vector_store %arg12[%swap3A_330, %swap3A_331], %swap3A_334 {strides = array<i32>} : memref<40x128xf32, #tpu.memory_space<vmem>>, vector<1x16xf32>,
        %add3A_335 = arith.constant 1 : i32
        %add3A_336 = arith.addi %mul3A_130, %add3A_335 : i32
        %get3A_337 = arith.index_cast %add3A_336 : i32 to index
        %get3A_338 = arith.constant 16 : index
        %get3A_339 = tpu.vector_load %arg14[%get3A_337, %get3A_338] {strides = array<i32>} : memref<40x128xf32, #tpu.memory_space<vmem>>, vector<1x16xf32>,
        %get3A_340 = vector.shape_cast %get3A_339 : vector<1x16xf32> to vector<16xf32>
        %add3A_341 = arith.constant 1 : i32
        %add3A_342 = arith.addi %mul3A_130, %add3A_341 : i32
        %get3A_343 = arith.index_cast %add3A_342 : i32 to index
        %get3A_344 = arith.constant 16 : index
        %get3A_345 = tpu.vector_load %arg12[%get3A_343, %get3A_344] {strides = array<i32>} : memref<40x128xf32, #tpu.memory_space<vmem>>, vector<1x16xf32>,
        %get3A_346 = vector.shape_cast %get3A_345 : vector<1x16xf32> to vector<16xf32>
        %add3A_347 = arith.addf %get3A_340, %get3A_346 : vector<16xf32>
        %max3A_348 = arith.constant 0.000000e+00 : f32
        %max3A_349 = vector.broadcast %max3A_348 : f32 to vector<16xf32>
        %max3A_350 = arith.maximumf %add3A_347, %max3A_349 : vector<16xf32>
        %add3A_351 = arith.constant 1 : i32
        %add3A_352 = arith.addi %mul3A_130, %add3A_351 : i32
        %swap3A_353 = arith.index_cast %add3A_352 : i32 to index
        %swap3A_354 = arith.constant 16 : index
        %swap3A_355 = tpu.vector_load %arg12[%swap3A_353, %swap3A_354] {strides = array<i32>} : memref<40x128xf32, #tpu.memory_space<vmem>>, vector<1x16xf32>,
        %swap3A_356 = vector.shape_cast %swap3A_355 : vector<1x16xf32> to vector<16xf32>
        %swap3A_357 = vector.shape_cast %max3A_350 : vector<16xf32> to vector<1x16xf32>
        tpu.vector_store %arg12[%swap3A_353, %swap3A_354], %swap3A_357 {strides = array<i32>} : memref<40x128xf32, #tpu.memory_space<vmem>>, vector<1x16xf32>,
        %add3A_358 = arith.constant 1 : i32
        %add3A_359 = arith.addi %mul3A_130, %add3A_358 : i32
        %get3A_360 = arith.index_cast %add3A_359 : i32 to index
        %get3A_361 = arith.constant 32 : index
        %get3A_362 = tpu.vector_load %arg14[%get3A_360, %get3A_361] {strides = array<i32>} : memref<40x128xf32, #tpu.memory_space<vmem>>, vector<1x16xf32>,
        %get3A_363 = vector.shape_cast %get3A_362 : vector<1x16xf32> to vector<16xf32>
        %add3A_364 = arith.constant 1 : i32
        %add3A_365 = arith.addi %mul3A_130, %add3A_364 : i32
        %get3A_366 = arith.index_cast %add3A_365 : i32 to index
        %get3A_367 = arith.constant 32 : index
        %get3A_368 = tpu.vector_load %arg12[%get3A_366, %get3A_367] {strides = array<i32>} : memref<40x128xf32, #tpu.memory_space<vmem>>, vector<1x16xf32>,
        %get3A_369 = vector.shape_cast %get3A_368 : vector<1x16xf32> to vector<16xf32>
        %add3A_370 = arith.addf %get3A_363, %get3A_369 : vector<16xf32>
        %max3A_371 = arith.constant 0.000000e+00 : f32
        %max3A_372 = vector.broadcast %max3A_371 : f32 to vector<16xf32>
        %max3A_373 = arith.maximumf %add3A_370, %max3A_372 : vector<16xf32>
        %add3A_374 = arith.constant 1 : i32
        %add3A_375 = arith.addi %mul3A_130, %add3A_374 : i32
        %swap3A_376 = arith.index_cast %add3A_375 : i32 to index
        %swap3A_377 = arith.constant 32 : index
        %swap3A_378 = tpu.vector_load %arg12[%swap3A_376, %swap3A_377] {strides = array<i32>} : memref<40x128xf32, #tpu.memory_space<vmem>>, vector<1x16xf32>,
        %swap3A_379 = vector.shape_cast %swap3A_378 : vector<1x16xf32> to vector<16xf32>
        %swap3A_380 = vector.shape_cast %max3A_373 : vector<16xf32> to vector<1x16xf32>
        tpu.vector_store %arg12[%swap3A_376, %swap3A_377], %swap3A_380 {strides = array<i32>} : memref<40x128xf32, #tpu.memory_space<vmem>>, vector<1x16xf32>,
        %add3A_381 = arith.constant 1 : i32
        %add3A_382 = arith.addi %mul3A_130, %add3A_381 : i32
        %get3A_383 = arith.index_cast %add3A_382 : i32 to index
        %get3A_384 = arith.constant 48 : index
        %get3A_385 = tpu.vector_load %arg14[%get3A_383, %get3A_384] {strides = array<i32>} : memref<40x128xf32, #tpu.memory_space<vmem>>, vector<1x16xf32>,
        %get3A_386 = vector.shape_cast %get3A_385 : vector<1x16xf32> to vector<16xf32>
        %add3A_387 = arith.constant 1 : i32
        %add3A_388 = arith.addi %mul3A_130, %add3A_387 : i32
        %get3A_389 = arith.index_cast %add3A_388 : i32 to index
        %get3A_390 = arith.constant 48 : index
        %get3A_391 = tpu.vector_load %arg12[%get3A_389, %get3A_390] {strides = array<i32>} : memref<40x128xf32, #tpu.memory_space<vmem>>, vector<1x16xf32>,
        %get3A_392 = vector.shape_cast %get3A_391 : vector<1x16xf32> to vector<16xf32>
        %add3A_393 = arith.addf %get3A_386, %get3A_392 : vector<16xf32>
        %max3A_394 = arith.constant 0.000000e+00 : f32
        %max3A_395 = vector.broadcast %max3A_394 : f32 to vector<16xf32>
        %max3A_396 = arith.maximumf %add3A_393, %max3A_395 : vector<16xf32>
        %add3A_397 = arith.constant 1 : i32
        %add3A_398 = arith.addi %mul3A_130, %add3A_397 : i32
        %swap3A_399 = arith.index_cast %add3A_398 : i32 to index
        %swap3A_400 = arith.constant 48 : index
        %swap3A_401 = tpu.vector_load %arg12[%swap3A_399, %swap3A_400] {strides = array<i32>} : memref<40x128xf32, #tpu.memory_space<vmem>>, vector<1x16xf32>,
        %swap3A_402 = vector.shape_cast %swap3A_401 : vector<1x16xf32> to vector<16xf32>
        %swap3A_403 = vector.shape_cast %max3A_396 : vector<16xf32> to vector<1x16xf32>
        tpu.vector_store %arg12[%swap3A_399, %swap3A_400], %swap3A_403 {strides = array<i32>} : memref<40x128xf32, #tpu.memory_space<vmem>>, vector<1x16xf32>,
        %add3A_404 = arith.constant 1 : i32
        %add3A_405 = arith.addi %mul3A_130, %add3A_404 : i32
        %get3A_406 = arith.index_cast %add3A_405 : i32 to index
        %get3A_407 = arith.constant 64 : index
        %get3A_408 = tpu.vector_load %arg14[%get3A_406, %get3A_407] {strides = array<i32>} : memref<40x128xf32, #tpu.memory_space<vmem>>, vector<1x16xf32>,
        %get3A_409 = vector.shape_cast %get3A_408 : vector<1x16xf32> to vector<16xf32>
        %add3A_410 = arith.constant 1 : i32
        %add3A_411 = arith.addi %mul3A_130, %add3A_410 : i32
        %get3A_412 = arith.index_cast %add3A_411 : i32 to index
        %get3A_413 = arith.constant 64 : index
        %get3A_414 = tpu.vector_load %arg12[%get3A_412, %get3A_413] {strides = array<i32>} : memref<40x128xf32, #tpu.memory_space<vmem>>, vector<1x16xf32>,
        %get3A_415 = vector.shape_cast %get3A_414 : vector<1x16xf32> to vector<16xf32>
        %add3A_416 = arith.addf %get3A_409, %get3A_415 : vector<16xf32>
        %max3A_417 = arith.constant 0.000000e+00 : f32
        %max3A_418 = vector.broadcast %max3A_417 : f32 to vector<16xf32>
        %max3A_419 = arith.maximumf %add3A_416, %max3A_418 : vector<16xf32>
        %add3A_420 = arith.constant 1 : i32
        %add3A_421 = arith.addi %mul3A_130, %add3A_420 : i32
        %swap3A_422 = arith.index_cast %add3A_421 : i32 to index
        %swap3A_423 = arith.constant 64 : index
        %swap3A_424 = tpu.vector_load %arg12[%swap3A_422, %swap3A_423] {strides = array<i32>} : memref<40x128xf32, #tpu.memory_space<vmem>>, vector<1x16xf32>,
        %swap3A_425 = vector.shape_cast %swap3A_424 : vector<1x16xf32> to vector<16xf32>
        %swap3A_426 = vector.shape_cast %max3A_419 : vector<16xf32> to vector<1x16xf32>
        tpu.vector_store %arg12[%swap3A_422, %swap3A_423], %swap3A_426 {strides = array<i32>} : memref<40x128xf32, #tpu.memory_space<vmem>>, vector<1x16xf32>,
        %add3A_427 = arith.constant 1 : i32
        %add3A_428 = arith.addi %mul3A_130, %add3A_427 : i32
        %get3A_429 = arith.index_cast %add3A_428 : i32 to index
        %get3A_430 = arith.constant 80 : index
        %get3A_431 = tpu.vector_load %arg14[%get3A_429, %get3A_430] {strides = array<i32>} : memref<40x128xf32, #tpu.memory_space<vmem>>, vector<1x16xf32>,
        %get3A_432 = vector.shape_cast %get3A_431 : vector<1x16xf32> to vector<16xf32>
        %add3A_433 = arith.constant 1 : i32
        %add3A_434 = arith.addi %mul3A_130, %add3A_433 : i32
        %get3A_435 = arith.index_cast %add3A_434 : i32 to index
        %get3A_436 = arith.constant 80 : index
        %get3A_437 = tpu.vector_load %arg12[%get3A_435, %get3A_436] {strides = array<i32>} : memref<40x128xf32, #tpu.memory_space<vmem>>, vector<1x16xf32>,
        %get3A_438 = vector.shape_cast %get3A_437 : vector<1x16xf32> to vector<16xf32>
        %add3A_439 = arith.addf %get3A_432, %get3A_438 : vector<16xf32>
        %max3A_440 = arith.constant 0.000000e+00 : f32
        %max3A_441 = vector.broadcast %max3A_440 : f32 to vector<16xf32>
        %max3A_442 = arith.maximumf %add3A_439, %max3A_441 : vector<16xf32>
        %add3A_443 = arith.constant 1 : i32
        %add3A_444 = arith.addi %mul3A_130, %add3A_443 : i32
        %swap3A_445 = arith.index_cast %add3A_444 : i32 to index
        %swap3A_446 = arith.constant 80 : index
        %swap3A_447 = tpu.vector_load %arg12[%swap3A_445, %swap3A_446] {strides = array<i32>} : memref<40x128xf32, #tpu.memory_space<vmem>>, vector<1x16xf32>,
        %swap3A_448 = vector.shape_cast %swap3A_447 : vector<1x16xf32> to vector<16xf32>
        %swap3A_449 = vector.shape_cast %max3A_442 : vector<16xf32> to vector<1x16xf32>
        tpu.vector_store %arg12[%swap3A_445, %swap3A_446], %swap3A_449 {strides = array<i32>} : memref<40x128xf32, #tpu.memory_space<vmem>>, vector<1x16xf32>,
        %add3A_450 = arith.constant 1 : i32
        %add3A_451 = arith.addi %mul3A_130, %add3A_450 : i32
        %get3A_452 = arith.index_cast %add3A_451 : i32 to index
        %get3A_453 = arith.constant 96 : index
        %get3A_454 = tpu.vector_load %arg14[%get3A_452, %get3A_453] {strides = array<i32>} : memref<40x128xf32, #tpu.memory_space<vmem>>, vector<1x16xf32>,
        %get3A_455 = vector.shape_cast %get3A_454 : vector<1x16xf32> to vector<16xf32>
        %add3A_456 = arith.constant 1 : i32
        %add3A_457 = arith.addi %mul3A_130, %add3A_456 : i32
        %get3A_458 = arith.index_cast %add3A_457 : i32 to index
        %get3A_459 = arith.constant 96 : index
        %get3A_460 = tpu.vector_load %arg12[%get3A_458, %get3A_459] {strides = array<i32>} : memref<40x128xf32, #tpu.memory_space<vmem>>, vector<1x16xf32>,
        %get3A_461 = vector.shape_cast %get3A_460 : vector<1x16xf32> to vector<16xf32>
        %add3A_462 = arith.addf %get3A_455, %get3A_461 : vector<16xf32>
        %max3A_463 = arith.constant 0.000000e+00 : f32
        %max3A_464 = vector.broadcast %max3A_463 : f32 to vector<16xf32>
        %max3A_465 = arith.maximumf %add3A_462, %max3A_464 : vector<16xf32>
        %add3A_466 = arith.constant 1 : i32
        %add3A_467 = arith.addi %mul3A_130, %add3A_466 : i32
        %swap3A_468 = arith.index_cast %add3A_467 : i32 to index
        %swap3A_469 = arith.constant 96 : index
        %swap3A_470 = tpu.vector_load %arg12[%swap3A_468, %swap3A_469] {strides = array<i32>} : memref<40x128xf32, #tpu.memory_space<vmem>>, vector<1x16xf32>,
        %swap3A_471 = vector.shape_cast %swap3A_470 : vector<1x16xf32> to vector<16xf32>
        %swap3A_472 = vector.shape_cast %max3A_465 : vector<16xf32> to vector<1x16xf32>
        tpu.vector_store %arg12[%swap3A_468, %swap3A_469], %swap3A_472 {strides = array<i32>} : memref<40x128xf32, #tpu.memory_space<vmem>>, vector<1x16xf32>,
        %add3A_473 = arith.constant 1 : i32
        %add3A_474 = arith.addi %mul3A_130, %add3A_473 : i32
        %get3A_475 = arith.index_cast %add3A_474 : i32 to index
        %get3A_476 = arith.constant 112 : index
        %get3A_477 = tpu.vector_load %arg14[%get3A_475, %get3A_476] {strides = array<i32>} : memref<40x128xf32, #tpu.memory_space<vmem>>, vector<1x16xf32>,
        %get3A_478 = vector.shape_cast %get3A_477 : vector<1x16xf32> to vector<16xf32>
        %add3A_479 = arith.constant 1 : i32
        %add3A_480 = arith.addi %mul3A_130, %add3A_479 : i32
        %get3A_481 = arith.index_cast %add3A_480 : i32 to index
        %get3A_482 = arith.constant 112 : index
        %get3A_483 = tpu.vector_load %arg12[%get3A_481, %get3A_482] {strides = array<i32>} : memref<40x128xf32, #tpu.memory_space<vmem>>, vector<1x16xf32>,
        %get3A_484 = vector.shape_cast %get3A_483 : vector<1x16xf32> to vector<16xf32>
        %add3A_485 = arith.addf %get3A_478, %get3A_484 : vector<16xf32>
        %max3A_486 = arith.constant 0.000000e+00 : f32
        %max3A_487 = vector.broadcast %max3A_486 : f32 to vector<16xf32>
        %max3A_488 = arith.maximumf %add3A_485, %max3A_487 : vector<16xf32>
        %add3A_489 = arith.constant 1 : i32
        %add3A_490 = arith.addi %mul3A_130, %add3A_489 : i32
        %swap3A_491 = arith.index_cast %add3A_490 : i32 to index
        %swap3A_492 = arith.constant 112 : index
        %swap3A_493 = tpu.vector_load %arg12[%swap3A_491, %swap3A_492] {strides = array<i32>} : memref<40x128xf32, #tpu.memory_space<vmem>>, vector<1x16xf32>,
        %swap3A_494 = vector.shape_cast %swap3A_493 : vector<1x16xf32> to vector<16xf32>
        %swap3A_495 = vector.shape_cast %max3A_488 : vector<16xf32> to vector<1x16xf32>
        tpu.vector_store %arg12[%swap3A_491, %swap3A_492], %swap3A_495 {strides = array<i32>} : memref<40x128xf32, #tpu.memory_space<vmem>>, vector<1x16xf32>,
      }
      %scan3A_118 = arith.constant 20 : i32
      %dma_start3A_119 = arith.constant 0 : i32
      %dma_start3A_120 = arith.constant 0 : i32
      %dma_start3A_121 = tpu.memref_slice %arg16[%dma_start3A_119, %dma_start3A_120] : memref<10240x128xf32, #tpu.memory_space<vmem_shared>> -> memref<10240x128xf32, #tpu.memory_space<vmem_shared>>
      tpu.enqueue_indirect_dma source(%arg12 : memref<40x128xf32, #tpu.memory_space<vmem>>) target(%dma_start3A_121 : memref<10240x128xf32, #tpu.memory_space<vmem_shared>>) offsets(%arg10 : memref<40xi32, #tpu.memory_space<vmem>>) semaphore(%arg24 : memref<!tpu.dma_semaphore, #tpu.memory_space<semaphore_mem>>) {add = true}
      %dma_wait3A_122 = arith.constant 0 : i32
      %dma_wait3A_123 = arith.constant 0 : i32
      %dma_wait3A_124 = tpu.memref_slice %arg16[%dma_wait3A_122, %dma_wait3A_123] : memref<10240x128xf32, #tpu.memory_space<vmem_shared>> -> memref<10240x128xf32, #tpu.memory_space<vmem_shared>>
      tpu.wait_indirect_dma semaphore(%arg23 : memref<!tpu.dma_semaphore, #tpu.memory_space<semaphore_mem>>) src(%arg11 : memref<40x128xf32, #tpu.memory_space<vmem>>) dst(%dma_wait3A_124 : memref<10240x128xf32, #tpu.memory_space<vmem_shared>>)
      %dma_wait3A_125 = arith.constant 0 : i32
      %dma_wait3A_126 = arith.constant 0 : i32
      %dma_wait3A_127 = tpu.memref_slice %arg16[%dma_wait3A_125, %dma_wait3A_126] : memref<10240x128xf32, #tpu.memory_space<vmem_shared>> -> memref<10240x128xf32, #tpu.memory_space<vmem_shared>>
      tpu.wait_indirect_dma semaphore(%arg24 : memref<!tpu.dma_semaphore, #tpu.memory_space<semaphore_mem>>) src(%arg12 : memref<40x128xf32, #tpu.memory_space<vmem>>) dst(%dma_wait3A_127 : memref<10240x128xf32, #tpu.memory_space<vmem_shared>>)
    }
    %scan3A_25 = arith.constant 125 : i32
    %barrier3A_26 = arith.constant 0 : index
    tpu.barrier barrier_id(%barrier3A_26)
    %mul3A_27 = arith.constant 640 : i32
    %mul3A_28 = arith.muli %arg1, %mul3A_27 : i32
    %add3A_29 = arith.constant 0 : i32
    %add3A_30 = arith.addi %mul3A_28, %add3A_29 : i32
    "tpu.region"() ({
      %run_scoped3A = tpu.sem_alloc : memref<!tpu.dma_semaphore, #tpu.memory_space<semaphore_mem>>
      %dma_start3A = arith.constant 0 : i32
      %dma_start3A_47 = tpu.memref_slice %arg6[%arg0, %add3A_30, %dma_start3A] : memref<2x10240x128xf32, #tpu.memory_space<hbm>> -> memref<1x128x128xf32, #tpu.memory_space<hbm>>
      %dma_start3A_48 = tpu.memref_squeeze %dma_start3A_47 : memref<1x128x128xf32, #tpu.memory_space<hbm>> -> memref<128x128xf32, #tpu.memory_space<hbm>>
      %dma_start3A_49 = arith.constant 0 : i32
      %dma_start3A_50 = tpu.memref_slice %arg16[%add3A_30, %dma_start3A_49] : memref<10240x128xf32, #tpu.memory_space<vmem_shared>> -> memref<128x128xf32, #tpu.memory_space<vmem_shared>>
      tpu.enqueue_dma source(%dma_start3A_50 : memref<128x128xf32, #tpu.memory_space<vmem_shared>>) target(%dma_start3A_48 : memref<128x128xf32, #tpu.memory_space<hbm>>) target_semaphore(%run_scoped3A : memref<!tpu.dma_semaphore, #tpu.memory_space<semaphore_mem>>)
      %dma_wait3A = arith.constant 0 : i32
      %dma_wait3A_51 = tpu.memref_slice %arg6[%arg0, %add3A_30, %dma_wait3A] : memref<2x10240x128xf32, #tpu.memory_space<hbm>> -> memref<1x128x128xf32, #tpu.memory_space<hbm>>
      %dma_wait3A_52 = tpu.memref_squeeze %dma_wait3A_51 : memref<1x128x128xf32, #tpu.memory_space<hbm>> -> memref<128x128xf32, #tpu.memory_space<hbm>>
      %dma_wait3A_53 = arith.constant 0 : i32
      %dma_wait3A_54 = tpu.memref_slice %arg16[%add3A_30, %dma_wait3A_53] : memref<10240x128xf32, #tpu.memory_space<vmem_shared>> -> memref<128x128xf32, #tpu.memory_space<vmem_shared>>
      tpu.wait_dma2 semaphore(%run_scoped3A : memref<!tpu.dma_semaphore, #tpu.memory_space<semaphore_mem>>) src(%dma_wait3A_54 : memref<128x128xf32, #tpu.memory_space<vmem_shared>>) dst(%dma_wait3A_52 : memref<128x128xf32, #tpu.memory_space<hbm>>)
      tpu.yield
    }) : () -> ()
    %mul3A_31 = arith.constant 640 : i32
    %mul3A_32 = arith.muli %arg1, %mul3A_31 : i32
    %add3A_33 = arith.constant 128 : i32
    %add3A_34 = arith.addi %mul3A_32, %add3A_33 : i32
    "tpu.region"() ({
      %run_scoped3A = tpu.sem_alloc : memref<!tpu.dma_semaphore, #tpu.memory_space<semaphore_mem>>
      %dma_start3A = arith.constant 0 : i32
      %dma_start3A_47 = tpu.memref_slice %arg6[%arg0, %add3A_34, %dma_start3A] : memref<2x10240x128xf32, #tpu.memory_space<hbm>> -> memref<1x128x128xf32, #tpu.memory_space<hbm>>
      %dma_start3A_48 = tpu.memref_squeeze %dma_start3A_47 : memref<1x128x128xf32, #tpu.memory_space<hbm>> -> memref<128x128xf32, #tpu.memory_space<hbm>>
      %dma_start3A_49 = arith.constant 0 : i32
      %dma_start3A_50 = tpu.memref_slice %arg16[%add3A_34, %dma_start3A_49] : memref<10240x128xf32, #tpu.memory_space<vmem_shared>> -> memref<128x128xf32, #tpu.memory_space<vmem_shared>>
      tpu.enqueue_dma source(%dma_start3A_50 : memref<128x128xf32, #tpu.memory_space<vmem_shared>>) target(%dma_start3A_48 : memref<128x128xf32, #tpu.memory_space<hbm>>) target_semaphore(%run_scoped3A : memref<!tpu.dma_semaphore, #tpu.memory_space<semaphore_mem>>)
      %dma_wait3A = arith.constant 0 : i32
      %dma_wait3A_51 = tpu.memref_slice %arg6[%arg0, %add3A_34, %dma_wait3A] : memref<2x10240x128xf32, #tpu.memory_space<hbm>> -> memref<1x128x128xf32, #tpu.memory_space<hbm>>
      %dma_wait3A_52 = tpu.memref_squeeze %dma_wait3A_51 : memref<1x128x128xf32, #tpu.memory_space<hbm>> -> memref<128x128xf32, #tpu.memory_space<hbm>>
      %dma_wait3A_53 = arith.constant 0 : i32
      %dma_wait3A_54 = tpu.memref_slice %arg16[%add3A_34, %dma_wait3A_53] : memref<10240x128xf32, #tpu.memory_space<vmem_shared>> -> memref<128x128xf32, #tpu.memory_space<vmem_shared>>
      tpu.wait_dma2 semaphore(%run_scoped3A : memref<!tpu.dma_semaphore, #tpu.memory_space<semaphore_mem>>) src(%dma_wait3A_54 : memref<128x128xf32, #tpu.memory_space<vmem_shared>>) dst(%dma_wait3A_52 : memref<128x128xf32, #tpu.memory_space<hbm>>)
      tpu.yield
    }) : () -> ()
    %mul3A_35 = arith.constant 640 : i32
    %mul3A_36 = arith.muli %arg1, %mul3A_35 : i32
    %add3A_37 = arith.constant 256 : i32
    %add3A_38 = arith.addi %mul3A_36, %add3A_37 : i32
    "tpu.region"() ({
      %run_scoped3A = tpu.sem_alloc : memref<!tpu.dma_semaphore, #tpu.memory_space<semaphore_mem>>
      %dma_start3A = arith.constant 0 : i32
      %dma_start3A_47 = tpu.memref_slice %arg6[%arg0, %add3A_38, %dma_start3A] : memref<2x10240x128xf32, #tpu.memory_space<hbm>> -> memref<1x128x128xf32, #tpu.memory_space<hbm>>
      %dma_start3A_48 = tpu.memref_squeeze %dma_start3A_47 : memref<1x128x128xf32, #tpu.memory_space<hbm>> -> memref<128x128xf32, #tpu.memory_space<hbm>>
      %dma_start3A_49 = arith.constant 0 : i32
      %dma_start3A_50 = tpu.memref_slice %arg16[%add3A_38, %dma_start3A_49] : memref<10240x128xf32, #tpu.memory_space<vmem_shared>> -> memref<128x128xf32, #tpu.memory_space<vmem_shared>>
      tpu.enqueue_dma source(%dma_start3A_50 : memref<128x128xf32, #tpu.memory_space<vmem_shared>>) target(%dma_start3A_48 : memref<128x128xf32, #tpu.memory_space<hbm>>) target_semaphore(%run_scoped3A : memref<!tpu.dma_semaphore, #tpu.memory_space<semaphore_mem>>)
      %dma_wait3A = arith.constant 0 : i32
      %dma_wait3A_51 = tpu.memref_slice %arg6[%arg0, %add3A_38, %dma_wait3A] : memref<2x10240x128xf32, #tpu.memory_space<hbm>> -> memref<1x128x128xf32, #tpu.memory_space<hbm>>
      %dma_wait3A_52 = tpu.memref_squeeze %dma_wait3A_51 : memref<1x128x128xf32, #tpu.memory_space<hbm>> -> memref<128x128xf32, #tpu.memory_space<hbm>>
      %dma_wait3A_53 = arith.constant 0 : i32
      %dma_wait3A_54 = tpu.memref_slice %arg16[%add3A_38, %dma_wait3A_53] : memref<10240x128xf32, #tpu.memory_space<vmem_shared>> -> memref<128x128xf32, #tpu.memory_space<vmem_shared>>
      tpu.wait_dma2 semaphore(%run_scoped3A : memref<!tpu.dma_semaphore, #tpu.memory_space<semaphore_mem>>) src(%dma_wait3A_54 : memref<128x128xf32, #tpu.memory_space<vmem_shared>>) dst(%dma_wait3A_52 : memref<128x128xf32, #tpu.memory_space<hbm>>)
      tpu.yield
    }) : () -> ()
    %mul3A_39 = arith.constant 640 : i32
    %mul3A_40 = arith.muli %arg1, %mul3A_39 : i32
    %add3A_41 = arith.constant 384 : i32
    %add3A_42 = arith.addi %mul3A_40, %add3A_41 : i32
    "tpu.region"() ({
      %run_scoped3A = tpu.sem_alloc : memref<!tpu.dma_semaphore, #tpu.memory_space<semaphore_mem>>
      %dma_start3A = arith.constant 0 : i32
      %dma_start3A_47 = tpu.memref_slice %arg6[%arg0, %add3A_42, %dma_start3A] : memref<2x10240x128xf32, #tpu.memory_space<hbm>> -> memref<1x128x128xf32, #tpu.memory_space<hbm>>
      %dma_start3A_48 = tpu.memref_squeeze %dma_start3A_47 : memref<1x128x128xf32, #tpu.memory_space<hbm>> -> memref<128x128xf32, #tpu.memory_space<hbm>>
      %dma_start3A_49 = arith.constant 0 : i32
      %dma_start3A_50 = tpu.memref_slice %arg16[%add3A_42, %dma_start3A_49] : memref<10240x128xf32, #tpu.memory_space<vmem_shared>> -> memref<128x128xf32, #tpu.memory_space<vmem_shared>>
      tpu.enqueue_dma source(%dma_start3A_50 : memref<128x128xf32, #tpu.memory_space<vmem_shared>>) target(%dma_start3A_48 : memref<128x128xf32, #tpu.memory_space<hbm>>) target_semaphore(%run_scoped3A : memref<!tpu.dma_semaphore, #tpu.memory_space<semaphore_mem>>)
      %dma_wait3A = arith.constant 0 : i32
      %dma_wait3A_51 = tpu.memref_slice %arg6[%arg0, %add3A_42, %dma_wait3A] : memref<2x10240x128xf32, #tpu.memory_space<hbm>> -> memref<1x128x128xf32, #tpu.memory_space<hbm>>
      %dma_wait3A_52 = tpu.memref_squeeze %dma_wait3A_51 : memref<1x128x128xf32, #tpu.memory_space<hbm>> -> memref<128x128xf32, #tpu.memory_space<hbm>>
      %dma_wait3A_53 = arith.constant 0 : i32
      %dma_wait3A_54 = tpu.memref_slice %arg16[%add3A_42, %dma_wait3A_53] : memref<10240x128xf32, #tpu.memory_space<vmem_shared>> -> memref<128x128xf32, #tpu.memory_space<vmem_shared>>
      tpu.wait_dma2 semaphore(%run_scoped3A : memref<!tpu.dma_semaphore, #tpu.memory_space<semaphore_mem>>) src(%dma_wait3A_54 : memref<128x128xf32, #tpu.memory_space<vmem_shared>>) dst(%dma_wait3A_52 : memref<128x128xf32, #tpu.memory_space<hbm>>)
      tpu.yield
    }) : () -> ()
    %mul3A_43 = arith.constant 640 : i32
    %mul3A_44 = arith.muli %arg1, %mul3A_43 : i32
    %add3A_45 = arith.constant 512 : i32
    %add3A_46 = arith.addi %mul3A_44, %add3A_45 : i32
    "tpu.region"() ({
      %run_scoped3A = tpu.sem_alloc : memref<!tpu.dma_semaphore, #tpu.memory_space<semaphore_mem>>
      %dma_start3A = arith.constant 0 : i32
      %dma_start3A_47 = tpu.memref_slice %arg6[%arg0, %add3A_46, %dma_start3A] : memref<2x10240x128xf32, #tpu.memory_space<hbm>> -> memref<1x128x128xf32, #tpu.memory_space<hbm>>
      %dma_start3A_48 = tpu.memref_squeeze %dma_start3A_47 : memref<1x128x128xf32, #tpu.memory_space<hbm>> -> memref<128x128xf32, #tpu.memory_space<hbm>>
      %dma_start3A_49 = arith.constant 0 : i32
      %dma_start3A_50 = tpu.memref_slice %arg16[%add3A_46, %dma_start3A_49] : memref<10240x128xf32, #tpu.memory_space<vmem_shared>> -> memref<128x128xf32, #tpu.memory_space<vmem_shared>>
      tpu.enqueue_dma source(%dma_start3A_50 : memref<128x128xf32, #tpu.memory_space<vmem_shared>>) target(%dma_start3A_48 : memref<128x128xf32, #tpu.memory_space<hbm>>) target_semaphore(%run_scoped3A : memref<!tpu.dma_semaphore, #tpu.memory_space<semaphore_mem>>)
      %dma_wait3A = arith.constant 0 : i32
      %dma_wait3A_51 = tpu.memref_slice %arg6[%arg0, %add3A_46, %dma_wait3A] : memref<2x10240x128xf32, #tpu.memory_space<hbm>> -> memref<1x128x128xf32, #tpu.memory_space<hbm>>
      %dma_wait3A_52 = tpu.memref_squeeze %dma_wait3A_51 : memref<1x128x128xf32, #tpu.memory_space<hbm>> -> memref<128x128xf32, #tpu.memory_space<hbm>>
      %dma_wait3A_53 = arith.constant 0 : i32
      %dma_wait3A_54 = tpu.memref_slice %arg16[%add3A_46, %dma_wait3A_53] : memref<10240x128xf32, #tpu.memory_space<vmem_shared>> -> memref<128x128xf32, #tpu.memory_space<vmem_shared>>
      tpu.wait_dma2 semaphore(%run_scoped3A : memref<!tpu.dma_semaphore, #tpu.memory_space<semaphore_mem>>) src(%dma_wait3A_54 : memref<128x128xf32, #tpu.memory_space<vmem_shared>>) dst(%dma_wait3A_52 : memref<128x128xf32, #tpu.memory_space<hbm>>)
      tpu.yield
    }) : () -> ()
    return
  }
}

#map = affine_map<(d0, d1) -> (0, 0)>
#map1 = affine_map<(d0, d1) -> (0)>
#map2 = affine_map<(d0, d1) -> (0, 0, 0)>
module attributes {stable_mosaic.version = 14 : i64} {
  func.func @_sc_msg_body(%arg0: i32, %arg1: i32, %arg2: memref<320000x128xf32, #tpu.memory_space<hbm>>, %arg3: memref<10000x128xf32, #tpu.memory_space<hbm>>, %arg4: memref<320000xi32, #tpu.memory_space<hbm>>, %arg5: memref<320000xi32, #tpu.memory_space<hbm>>, %arg6: memref<2x10240x128xf32, #tpu.memory_space<hbm>>, %arg7: memref<40xi32, #tpu.memory_space<vmem>>, %arg8: memref<40xi32, #tpu.memory_space<vmem>>, %arg9: memref<40xi32, #tpu.memory_space<vmem>>, %arg10: memref<40xi32, #tpu.memory_space<vmem>>, %arg11: memref<40x128xf32, #tpu.memory_space<vmem>>, %arg12: memref<40x128xf32, #tpu.memory_space<vmem>>, %arg13: memref<40x128xf32, #tpu.memory_space<vmem>>, %arg14: memref<40x128xf32, #tpu.memory_space<vmem>>, %arg15: memref<128x128xf32, #tpu.memory_space<vmem>>, %arg16: memref<10240x128xf32, #tpu.memory_space<vmem_shared>>, %arg17: memref<!tpu.dma_semaphore, #tpu.memory_space<semaphore_mem>>, %arg18: memref<!tpu.dma_semaphore, #tpu.memory_space<semaphore_mem>>, %arg19: memref<!tpu.dma_semaphore, #tpu.memory_space<semaphore_mem>>, %arg20: memref<!tpu.dma_semaphore, #tpu.memory_space<semaphore_mem>>, %arg21: memref<!tpu.dma_semaphore, #tpu.memory_space<semaphore_mem>>, %arg22: memref<!tpu.dma_semaphore, #tpu.memory_space<semaphore_mem>>, %arg23: memref<!tpu.dma_semaphore, #tpu.memory_space<semaphore_mem>>, %arg24: memref<!tpu.dma_semaphore, #tpu.memory_space<semaphore_mem>>) attributes {dimension_semantics = [#tpu.dimension_semantics<core_parallel>, #tpu.dimension_semantics<subcore_parallel>], iteration_bounds = array<i64: 2, 16>, scalar_prefetch = 0 : i64, scratch_operands = 18 : i64, tpu.core_type = #tpu.core_type<sc_vector_subcore>, window_params = [{transform_indices = #map}, {transform_indices = #map}, {transform_indices = #map1}, {transform_indices = #map1}, {transform_indices = #map2}]} {
    %mul3A = arith.constant 16 : i32
    %mul3A_0 = arith.muli %arg0, %mul3A : i32
    %add3A = arith.addi %mul3A_0, %arg1 : i32
    %scan3A = arith.constant 0 : i32
    %scan3A_1 = arith.constant 0 : i32
    %scan3A_2 = arith.constant 128 : i32
    %scan3A_3 = arith.addi %scan3A_1, %scan3A_2 : i32
    %scan3A_4 = arith.constant 1 : i32
    scf.for %scan3A_47 = %scan3A_1 to %scan3A_3 step %scan3A_4  : i32 {
      %broadcast_in_dim3A = arith.constant 0.000000e+00 : f32
      %broadcast_in_dim3A_48 = vector.broadcast %broadcast_in_dim3A : f32 to vector<16xf32>
      %swap3A = arith.index_cast %scan3A_47 : i32 to index
      %swap3A_49 = arith.constant 0 : index
      %swap3A_50 = tpu.vector_load %arg15[%swap3A, %swap3A_49] {strides = array<i32>} : memref<128x128xf32, #tpu.memory_space<vmem>>, vector<1x16xf32>,
      %swap3A_51 = vector.shape_cast %swap3A_50 : vector<1x16xf32> to vector<16xf32>
      %swap3A_52 = vector.shape_cast %broadcast_in_dim3A_48 : vector<16xf32> to vector<1x16xf32>
      tpu.vector_store %arg15[%swap3A, %swap3A_49], %swap3A_52 {strides = array<i32>} : memref<128x128xf32, #tpu.memory_space<vmem>>, vector<1x16xf32>,
      %broadcast_in_dim3A_53 = arith.constant 0.000000e+00 : f32
      %broadcast_in_dim3A_54 = vector.broadcast %broadcast_in_dim3A_53 : f32 to vector<16xf32>
      %swap3A_55 = arith.index_cast %scan3A_47 : i32 to index
      %swap3A_56 = arith.constant 16 : index
      %swap3A_57 = tpu.vector_load %arg15[%swap3A_55, %swap3A_56] {strides = array<i32>} : memref<128x128xf32, #tpu.memory_space<vmem>>, vector<1x16xf32>,
      %swap3A_58 = vector.shape_cast %swap3A_57 : vector<1x16xf32> to vector<16xf32>
      %swap3A_59 = vector.shape_cast %broadcast_in_dim3A_54 : vector<16xf32> to vector<1x16xf32>
      tpu.vector_store %arg15[%swap3A_55, %swap3A_56], %swap3A_59 {strides = array<i32>} : memref<128x128xf32, #tpu.memory_space<vmem>>, vector<1x16xf32>,
      %broadcast_in_dim3A_60 = arith.constant 0.000000e+00 : f32
      %broadcast_in_dim3A_61 = vector.broadcast %broadcast_in_dim3A_60 : f32 to vector<16xf32>
      %swap3A_62 = arith.index_cast %scan3A_47 : i32 to index
      %swap3A_63 = arith.constant 32 : index
      %swap3A_64 = tpu.vector_load %arg15[%swap3A_62, %swap3A_63] {strides = array<i32>} : memref<128x128xf32, #tpu.memory_space<vmem>>, vector<1x16xf32>,
      %swap3A_65 = vector.shape_cast %swap3A_64 : vector<1x16xf32> to vector<16xf32>
      %swap3A_66 = vector.shape_cast %broadcast_in_dim3A_61 : vector<16xf32> to vector<1x16xf32>
      tpu.vector_store %arg15[%swap3A_62, %swap3A_63], %swap3A_66 {strides = array<i32>} : memref<128x128xf32, #tpu.memory_space<vmem>>, vector<1x16xf32>,
      %broadcast_in_dim3A_67 = arith.constant 0.000000e+00 : f32
      %broadcast_in_dim3A_68 = vector.broadcast %broadcast_in_dim3A_67 : f32 to vector<16xf32>
      %swap3A_69 = arith.index_cast %scan3A_47 : i32 to index
      %swap3A_70 = arith.constant 48 : index
      %swap3A_71 = tpu.vector_load %arg15[%swap3A_69, %swap3A_70] {strides = array<i32>} : memref<128x128xf32, #tpu.memory_space<vmem>>, vector<1x16xf32>,
      %swap3A_72 = vector.shape_cast %swap3A_71 : vector<1x16xf32> to vector<16xf32>
      %swap3A_73 = vector.shape_cast %broadcast_in_dim3A_68 : vector<16xf32> to vector<1x16xf32>
      tpu.vector_store %arg15[%swap3A_69, %swap3A_70], %swap3A_73 {strides = array<i32>} : memref<128x128xf32, #tpu.memory_space<vmem>>, vector<1x16xf32>,
      %broadcast_in_dim3A_74 = arith.constant 0.000000e+00 : f32
      %broadcast_in_dim3A_75 = vector.broadcast %broadcast_in_dim3A_74 : f32 to vector<16xf32>
      %swap3A_76 = arith.index_cast %scan3A_47 : i32 to index
      %swap3A_77 = arith.constant 64 : index
      %swap3A_78 = tpu.vector_load %arg15[%swap3A_76, %swap3A_77] {strides = array<i32>} : memref<128x128xf32, #tpu.memory_space<vmem>>, vector<1x16xf32>,
      %swap3A_79 = vector.shape_cast %swap3A_78 : vector<1x16xf32> to vector<16xf32>
      %swap3A_80 = vector.shape_cast %broadcast_in_dim3A_75 : vector<16xf32> to vector<1x16xf32>
      tpu.vector_store %arg15[%swap3A_76, %swap3A_77], %swap3A_80 {strides = array<i32>} : memref<128x128xf32, #tpu.memory_space<vmem>>, vector<1x16xf32>,
      %broadcast_in_dim3A_81 = arith.constant 0.000000e+00 : f32
      %broadcast_in_dim3A_82 = vector.broadcast %broadcast_in_dim3A_81 : f32 to vector<16xf32>
      %swap3A_83 = arith.index_cast %scan3A_47 : i32 to index
      %swap3A_84 = arith.constant 80 : index
      %swap3A_85 = tpu.vector_load %arg15[%swap3A_83, %swap3A_84] {strides = array<i32>} : memref<128x128xf32, #tpu.memory_space<vmem>>, vector<1x16xf32>,
      %swap3A_86 = vector.shape_cast %swap3A_85 : vector<1x16xf32> to vector<16xf32>
      %swap3A_87 = vector.shape_cast %broadcast_in_dim3A_82 : vector<16xf32> to vector<1x16xf32>
      tpu.vector_store %arg15[%swap3A_83, %swap3A_84], %swap3A_87 {strides = array<i32>} : memref<128x128xf32, #tpu.memory_space<vmem>>, vector<1x16xf32>,
      %broadcast_in_dim3A_88 = arith.constant 0.000000e+00 : f32
      %broadcast_in_dim3A_89 = vector.broadcast %broadcast_in_dim3A_88 : f32 to vector<16xf32>
      %swap3A_90 = arith.index_cast %scan3A_47 : i32 to index
      %swap3A_91 = arith.constant 96 : index
      %swap3A_92 = tpu.vector_load %arg15[%swap3A_90, %swap3A_91] {strides = array<i32>} : memref<128x128xf32, #tpu.memory_space<vmem>>, vector<1x16xf32>,
      %swap3A_93 = vector.shape_cast %swap3A_92 : vector<1x16xf32> to vector<16xf32>
      %swap3A_94 = vector.shape_cast %broadcast_in_dim3A_89 : vector<16xf32> to vector<1x16xf32>
      tpu.vector_store %arg15[%swap3A_90, %swap3A_91], %swap3A_94 {strides = array<i32>} : memref<128x128xf32, #tpu.memory_space<vmem>>, vector<1x16xf32>,
      %broadcast_in_dim3A_95 = arith.constant 0.000000e+00 : f32
      %broadcast_in_dim3A_96 = vector.broadcast %broadcast_in_dim3A_95 : f32 to vector<16xf32>
      %swap3A_97 = arith.index_cast %scan3A_47 : i32 to index
      %swap3A_98 = arith.constant 112 : index
      %swap3A_99 = tpu.vector_load %arg15[%swap3A_97, %swap3A_98] {strides = array<i32>} : memref<128x128xf32, #tpu.memory_space<vmem>>, vector<1x16xf32>,
      %swap3A_100 = vector.shape_cast %swap3A_99 : vector<1x16xf32> to vector<16xf32>
      %swap3A_101 = vector.shape_cast %broadcast_in_dim3A_96 : vector<16xf32> to vector<1x16xf32>
      tpu.vector_store %arg15[%swap3A_97, %swap3A_98], %swap3A_101 {strides = array<i32>} : memref<128x128xf32, #tpu.memory_space<vmem>>, vector<1x16xf32>,
    }
    %scan3A_5 = arith.constant 128 : i32
    %mul3A_6 = arith.constant 640 : i32
    %mul3A_7 = arith.muli %arg1, %mul3A_6 : i32
    %add3A_8 = arith.constant 0 : i32
    %add3A_9 = arith.addi %mul3A_7, %add3A_8 : i32
    "tpu.region"() ({
      %run_scoped3A = tpu.sem_alloc : memref<!tpu.dma_semaphore, #tpu.memory_space<semaphore_mem>>
      %dma_start3A = arith.constant 0 : i32
      %dma_start3A_47 = tpu.memref_slice %arg16[%add3A_9, %dma_start3A] : memref<10240x128xf32, #tpu.memory_space<vmem_shared>> -> memref<128x128xf32, #tpu.memory_space<vmem_shared>>
      %dma_start3A_48 = arith.constant 0 : i32
      %dma_start3A_49 = tpu.memref_slice %arg16[%add3A_9, %dma_start3A_48] : memref<10240x128xf32, #tpu.memory_space<vmem_shared>> -> memref<128x128xf32, #tpu.memory_space<vmem_shared>>
      tpu.enqueue_dma source(%arg15 : memref<128x128xf32, #tpu.memory_space<vmem>>) target(%dma_start3A_49 : memref<128x128xf32, #tpu.memory_space<vmem_shared>>) target_semaphore(%run_scoped3A : memref<!tpu.dma_semaphore, #tpu.memory_space<semaphore_mem>>)
      %dma_wait3A = arith.constant 0 : i32
      %dma_wait3A_50 = tpu.memref_slice %arg16[%add3A_9, %dma_wait3A] : memref<10240x128xf32, #tpu.memory_space<vmem_shared>> -> memref<128x128xf32, #tpu.memory_space<vmem_shared>>
      %dma_wait3A_51 = arith.constant 0 : i32
      %dma_wait3A_52 = tpu.memref_slice %arg16[%add3A_9, %dma_wait3A_51] : memref<10240x128xf32, #tpu.memory_space<vmem_shared>> -> memref<128x128xf32, #tpu.memory_space<vmem_shared>>
      tpu.wait_dma2 semaphore(%run_scoped3A : memref<!tpu.dma_semaphore, #tpu.memory_space<semaphore_mem>>) src(%arg15 : memref<128x128xf32, #tpu.memory_space<vmem>>) dst(%dma_wait3A_52 : memref<128x128xf32, #tpu.memory_space<vmem_shared>>)
      tpu.yield
    }) : () -> ()
    %add3A_10 = arith.constant 128 : i32
    %add3A_11 = arith.addi %mul3A_7, %add3A_10 : i32
    "tpu.region"() ({
      %run_scoped3A = tpu.sem_alloc : memref<!tpu.dma_semaphore, #tpu.memory_space<semaphore_mem>>
      %dma_start3A = arith.constant 0 : i32
      %dma_start3A_47 = tpu.memref_slice %arg16[%add3A_11, %dma_start3A] : memref<10240x128xf32, #tpu.memory_space<vmem_shared>> -> memref<128x128xf32, #tpu.memory_space<vmem_shared>>
      %dma_start3A_48 = arith.constant 0 : i32
      %dma_start3A_49 = tpu.memref_slice %arg16[%add3A_11, %dma_start3A_48] : memref<10240x128xf32, #tpu.memory_space<vmem_shared>> -> memref<128x128xf32, #tpu.memory_space<vmem_shared>>
      tpu.enqueue_dma source(%arg15 : memref<128x128xf32, #tpu.memory_space<vmem>>) target(%dma_start3A_49 : memref<128x128xf32, #tpu.memory_space<vmem_shared>>) target_semaphore(%run_scoped3A : memref<!tpu.dma_semaphore, #tpu.memory_space<semaphore_mem>>)
      %dma_wait3A = arith.constant 0 : i32
      %dma_wait3A_50 = tpu.memref_slice %arg16[%add3A_11, %dma_wait3A] : memref<10240x128xf32, #tpu.memory_space<vmem_shared>> -> memref<128x128xf32, #tpu.memory_space<vmem_shared>>
      %dma_wait3A_51 = arith.constant 0 : i32
      %dma_wait3A_52 = tpu.memref_slice %arg16[%add3A_11, %dma_wait3A_51] : memref<10240x128xf32, #tpu.memory_space<vmem_shared>> -> memref<128x128xf32, #tpu.memory_space<vmem_shared>>
      tpu.wait_dma2 semaphore(%run_scoped3A : memref<!tpu.dma_semaphore, #tpu.memory_space<semaphore_mem>>) src(%arg15 : memref<128x128xf32, #tpu.memory_space<vmem>>) dst(%dma_wait3A_52 : memref<128x128xf32, #tpu.memory_space<vmem_shared>>)
      tpu.yield
    }) : () -> ()
    %add3A_12 = arith.constant 256 : i32
    %add3A_13 = arith.addi %mul3A_7, %add3A_12 : i32
    "tpu.region"() ({
      %run_scoped3A = tpu.sem_alloc : memref<!tpu.dma_semaphore, #tpu.memory_space<semaphore_mem>>
      %dma_start3A = arith.constant 0 : i32
      %dma_start3A_47 = tpu.memref_slice %arg16[%add3A_13, %dma_start3A] : memref<10240x128xf32, #tpu.memory_space<vmem_shared>> -> memref<128x128xf32, #tpu.memory_space<vmem_shared>>
      %dma_start3A_48 = arith.constant 0 : i32
      %dma_start3A_49 = tpu.memref_slice %arg16[%add3A_13, %dma_start3A_48] : memref<10240x128xf32, #tpu.memory_space<vmem_shared>> -> memref<128x128xf32, #tpu.memory_space<vmem_shared>>
      tpu.enqueue_dma source(%arg15 : memref<128x128xf32, #tpu.memory_space<vmem>>) target(%dma_start3A_49 : memref<128x128xf32, #tpu.memory_space<vmem_shared>>) target_semaphore(%run_scoped3A : memref<!tpu.dma_semaphore, #tpu.memory_space<semaphore_mem>>)
      %dma_wait3A = arith.constant 0 : i32
      %dma_wait3A_50 = tpu.memref_slice %arg16[%add3A_13, %dma_wait3A] : memref<10240x128xf32, #tpu.memory_space<vmem_shared>> -> memref<128x128xf32, #tpu.memory_space<vmem_shared>>
      %dma_wait3A_51 = arith.constant 0 : i32
      %dma_wait3A_52 = tpu.memref_slice %arg16[%add3A_13, %dma_wait3A_51] : memref<10240x128xf32, #tpu.memory_space<vmem_shared>> -> memref<128x128xf32, #tpu.memory_space<vmem_shared>>
      tpu.wait_dma2 semaphore(%run_scoped3A : memref<!tpu.dma_semaphore, #tpu.memory_space<semaphore_mem>>) src(%arg15 : memref<128x128xf32, #tpu.memory_space<vmem>>) dst(%dma_wait3A_52 : memref<128x128xf32, #tpu.memory_space<vmem_shared>>)
      tpu.yield
    }) : () -> ()
    %add3A_14 = arith.constant 384 : i32
    %add3A_15 = arith.addi %mul3A_7, %add3A_14 : i32
    "tpu.region"() ({
      %run_scoped3A = tpu.sem_alloc : memref<!tpu.dma_semaphore, #tpu.memory_space<semaphore_mem>>
      %dma_start3A = arith.constant 0 : i32
      %dma_start3A_47 = tpu.memref_slice %arg16[%add3A_15, %dma_start3A] : memref<10240x128xf32, #tpu.memory_space<vmem_shared>> -> memref<128x128xf32, #tpu.memory_space<vmem_shared>>
      %dma_start3A_48 = arith.constant 0 : i32
      %dma_start3A_49 = tpu.memref_slice %arg16[%add3A_15, %dma_start3A_48] : memref<10240x128xf32, #tpu.memory_space<vmem_shared>> -> memref<128x128xf32, #tpu.memory_space<vmem_shared>>
      tpu.enqueue_dma source(%arg15 : memref<128x128xf32, #tpu.memory_space<vmem>>) target(%dma_start3A_49 : memref<128x128xf32, #tpu.memory_space<vmem_shared>>) target_semaphore(%run_scoped3A : memref<!tpu.dma_semaphore, #tpu.memory_space<semaphore_mem>>)
      %dma_wait3A = arith.constant 0 : i32
      %dma_wait3A_50 = tpu.memref_slice %arg16[%add3A_15, %dma_wait3A] : memref<10240x128xf32, #tpu.memory_space<vmem_shared>> -> memref<128x128xf32, #tpu.memory_space<vmem_shared>>
      %dma_wait3A_51 = arith.constant 0 : i32
      %dma_wait3A_52 = tpu.memref_slice %arg16[%add3A_15, %dma_wait3A_51] : memref<10240x128xf32, #tpu.memory_space<vmem_shared>> -> memref<128x128xf32, #tpu.memory_space<vmem_shared>>
      tpu.wait_dma2 semaphore(%run_scoped3A : memref<!tpu.dma_semaphore, #tpu.memory_space<semaphore_mem>>) src(%arg15 : memref<128x128xf32, #tpu.memory_space<vmem>>) dst(%dma_wait3A_52 : memref<128x128xf32, #tpu.memory_space<vmem_shared>>)
      tpu.yield
    }) : () -> ()
    %add3A_16 = arith.constant 512 : i32
    %add3A_17 = arith.addi %mul3A_7, %add3A_16 : i32
    "tpu.region"() ({
      %run_scoped3A = tpu.sem_alloc : memref<!tpu.dma_semaphore, #tpu.memory_space<semaphore_mem>>
      %dma_start3A = arith.constant 0 : i32
      %dma_start3A_47 = tpu.memref_slice %arg16[%add3A_17, %dma_start3A] : memref<10240x128xf32, #tpu.memory_space<vmem_shared>> -> memref<128x128xf32, #tpu.memory_space<vmem_shared>>
      %dma_start3A_48 = arith.constant 0 : i32
      %dma_start3A_49 = tpu.memref_slice %arg16[%add3A_17, %dma_start3A_48] : memref<10240x128xf32, #tpu.memory_space<vmem_shared>> -> memref<128x128xf32, #tpu.memory_space<vmem_shared>>
      tpu.enqueue_dma source(%arg15 : memref<128x128xf32, #tpu.memory_space<vmem>>) target(%dma_start3A_49 : memref<128x128xf32, #tpu.memory_space<vmem_shared>>) target_semaphore(%run_scoped3A : memref<!tpu.dma_semaphore, #tpu.memory_space<semaphore_mem>>)
      %dma_wait3A = arith.constant 0 : i32
      %dma_wait3A_50 = tpu.memref_slice %arg16[%add3A_17, %dma_wait3A] : memref<10240x128xf32, #tpu.memory_space<vmem_shared>> -> memref<128x128xf32, #tpu.memory_space<vmem_shared>>
      %dma_wait3A_51 = arith.constant 0 : i32
      %dma_wait3A_52 = tpu.memref_slice %arg16[%add3A_17, %dma_wait3A_51] : memref<10240x128xf32, #tpu.memory_space<vmem_shared>> -> memref<128x128xf32, #tpu.memory_space<vmem_shared>>
      tpu.wait_dma2 semaphore(%run_scoped3A : memref<!tpu.dma_semaphore, #tpu.memory_space<semaphore_mem>>) src(%arg15 : memref<128x128xf32, #tpu.memory_space<vmem>>) dst(%dma_wait3A_52 : memref<128x128xf32, #tpu.memory_space<vmem_shared>>)
      tpu.yield
    }) : () -> ()
    %barrier3A = arith.constant 0 : index
    tpu.barrier barrier_id(%barrier3A)
    %mul3A_18 = arith.constant 10000 : i32
    %mul3A_19 = arith.muli %add3A, %mul3A_18 : i32
    %scan3A_20 = arith.constant 0 : i32
    %scan3A_21 = arith.constant 0 : i32
    %scan3A_22 = arith.constant 125 : i32
    %scan3A_23 = arith.addi %scan3A_21, %scan3A_22 : i32
    %scan3A_24 = arith.constant 1 : i32
    scf.for %scan3A_47 = %scan3A_21 to %scan3A_23 step %scan3A_24  : i32 {
      %mul3A_48 = arith.constant 2 : i32
      %mul3A_49 = arith.muli %scan3A_47, %mul3A_48 : i32
      %add3A_50 = arith.constant 0 : i32
      %add3A_51 = arith.addi %mul3A_49, %add3A_50 : i32
      %mul3A_52 = arith.constant 40 : i32
      %mul3A_53 = arith.muli %add3A_51, %mul3A_52 : i32
      %add3A_54 = arith.addi %mul3A_19, %mul3A_53 : i32
      %dma_start3A = tpu.memref_slice %arg4[%add3A_54] : memref<320000xi32, #tpu.memory_space<hbm>> -> memref<40xi32, #tpu.memory_space<hbm>>
      %dma_start3A_55 = tpu.memref_slice %arg4[%add3A_54] : memref<320000xi32, #tpu.memory_space<hbm>> -> memref<40xi32, #tpu.memory_space<hbm>>
      tpu.enqueue_dma source(%dma_start3A_55 : memref<40xi32, #tpu.memory_space<hbm>>) target(%arg7 : memref<40xi32, #tpu.memory_space<vmem>>) target_semaphore(%arg17 : memref<!tpu.dma_semaphore, #tpu.memory_space<semaphore_mem>>)
      %dma_start3A_56 = tpu.memref_slice %arg5[%add3A_54] : memref<320000xi32, #tpu.memory_space<hbm>> -> memref<40xi32, #tpu.memory_space<hbm>>
      %dma_start3A_57 = tpu.memref_slice %arg5[%add3A_54] : memref<320000xi32, #tpu.memory_space<hbm>> -> memref<40xi32, #tpu.memory_space<hbm>>
      tpu.enqueue_dma source(%dma_start3A_57 : memref<40xi32, #tpu.memory_space<hbm>>) target(%arg9 : memref<40xi32, #tpu.memory_space<vmem>>) target_semaphore(%arg17 : memref<!tpu.dma_semaphore, #tpu.memory_space<semaphore_mem>>)
      %dma_start3A_58 = arith.constant 0 : i32
      %dma_start3A_59 = tpu.memref_slice %arg2[%add3A_54, %dma_start3A_58] : memref<320000x128xf32, #tpu.memory_space<hbm>> -> memref<40x128xf32, #tpu.memory_space<hbm>>
      %dma_start3A_60 = arith.constant 0 : i32
      %dma_start3A_61 = tpu.memref_slice %arg2[%add3A_54, %dma_start3A_60] : memref<320000x128xf32, #tpu.memory_space<hbm>> -> memref<40x128xf32, #tpu.memory_space<hbm>>
      tpu.enqueue_dma source(%dma_start3A_61 : memref<40x128xf32, #tpu.memory_space<hbm>>) target(%arg11 : memref<40x128xf32, #tpu.memory_space<vmem>>) target_semaphore(%arg19 : memref<!tpu.dma_semaphore, #tpu.memory_space<semaphore_mem>>)
      %mul3A_62 = arith.constant 2 : i32
      %mul3A_63 = arith.muli %scan3A_47, %mul3A_62 : i32
      %add3A_64 = arith.constant 1 : i32
      %add3A_65 = arith.addi %mul3A_63, %add3A_64 : i32
      %mul3A_66 = arith.constant 40 : i32
      %mul3A_67 = arith.muli %add3A_65, %mul3A_66 : i32
      %add3A_68 = arith.addi %mul3A_19, %mul3A_67 : i32
      %dma_start3A_69 = tpu.memref_slice %arg4[%add3A_68] : memref<320000xi32, #tpu.memory_space<hbm>> -> memref<40xi32, #tpu.memory_space<hbm>>
      %dma_start3A_70 = tpu.memref_slice %arg4[%add3A_68] : memref<320000xi32, #tpu.memory_space<hbm>> -> memref<40xi32, #tpu.memory_space<hbm>>
      tpu.enqueue_dma source(%dma_start3A_70 : memref<40xi32, #tpu.memory_space<hbm>>) target(%arg8 : memref<40xi32, #tpu.memory_space<vmem>>) target_semaphore(%arg18 : memref<!tpu.dma_semaphore, #tpu.memory_space<semaphore_mem>>)
      %dma_start3A_71 = tpu.memref_slice %arg5[%add3A_68] : memref<320000xi32, #tpu.memory_space<hbm>> -> memref<40xi32, #tpu.memory_space<hbm>>
      %dma_start3A_72 = tpu.memref_slice %arg5[%add3A_68] : memref<320000xi32, #tpu.memory_space<hbm>> -> memref<40xi32, #tpu.memory_space<hbm>>
      tpu.enqueue_dma source(%dma_start3A_72 : memref<40xi32, #tpu.memory_space<hbm>>) target(%arg10 : memref<40xi32, #tpu.memory_space<vmem>>) target_semaphore(%arg18 : memref<!tpu.dma_semaphore, #tpu.memory_space<semaphore_mem>>)
      %dma_start3A_73 = arith.constant 0 : i32
      %dma_start3A_74 = tpu.memref_slice %arg2[%add3A_68, %dma_start3A_73] : memref<320000x128xf32, #tpu.memory_space<hbm>> -> memref<40x128xf32, #tpu.memory_space<hbm>>
      %dma_start3A_75 = arith.constant 0 : i32
      %dma_start3A_76 = tpu.memref_slice %arg2[%add3A_68, %dma_start3A_75] : memref<320000x128xf32, #tpu.memory_space<hbm>> -> memref<40x128xf32, #tpu.memory_space<hbm>>
      tpu.enqueue_dma source(%dma_start3A_76 : memref<40x128xf32, #tpu.memory_space<hbm>>) target(%arg12 : memref<40x128xf32, #tpu.memory_space<vmem>>) target_semaphore(%arg20 : memref<!tpu.dma_semaphore, #tpu.memory_space<semaphore_mem>>)
      %dma_wait3A = tpu.memref_slice %arg4[%add3A_54] : memref<320000xi32, #tpu.memory_space<hbm>> -> memref<40xi32, #tpu.memory_space<hbm>>
      %dma_wait3A_77 = tpu.memref_slice %arg4[%add3A_54] : memref<320000xi32, #tpu.memory_space<hbm>> -> memref<40xi32, #tpu.memory_space<hbm>>
      tpu.wait_dma2 semaphore(%arg17 : memref<!tpu.dma_semaphore, #tpu.memory_space<semaphore_mem>>) src(%dma_wait3A_77 : memref<40xi32, #tpu.memory_space<hbm>>) dst(%arg7 : memref<40xi32, #tpu.memory_space<vmem>>)
      %dma_start3A_78 = arith.constant 0 : i32
      %dma_start3A_79 = arith.constant 0 : i32
      %dma_start3A_80 = tpu.memref_slice %arg3[%dma_start3A_78, %dma_start3A_79] : memref<10000x128xf32, #tpu.memory_space<hbm>> -> memref<10000x128xf32, #tpu.memory_space<hbm>>
      tpu.enqueue_indirect_dma source(%dma_start3A_80 : memref<10000x128xf32, #tpu.memory_space<hbm>>) target(%arg13 : memref<40x128xf32, #tpu.memory_space<vmem>>) offsets(%arg7 : memref<40xi32, #tpu.memory_space<vmem>>) semaphore(%arg21 : memref<!tpu.dma_semaphore, #tpu.memory_space<semaphore_mem>>)
      %dma_wait3A_81 = tpu.memref_slice %arg4[%add3A_68] : memref<320000xi32, #tpu.memory_space<hbm>> -> memref<40xi32, #tpu.memory_space<hbm>>
      %dma_wait3A_82 = tpu.memref_slice %arg4[%add3A_68] : memref<320000xi32, #tpu.memory_space<hbm>> -> memref<40xi32, #tpu.memory_space<hbm>>
      tpu.wait_dma2 semaphore(%arg18 : memref<!tpu.dma_semaphore, #tpu.memory_space<semaphore_mem>>) src(%dma_wait3A_82 : memref<40xi32, #tpu.memory_space<hbm>>) dst(%arg8 : memref<40xi32, #tpu.memory_space<vmem>>)
      %dma_start3A_83 = arith.constant 0 : i32
      %dma_start3A_84 = arith.constant 0 : i32
      %dma_start3A_85 = tpu.memref_slice %arg3[%dma_start3A_83, %dma_start3A_84] : memref<10000x128xf32, #tpu.memory_space<hbm>> -> memref<10000x128xf32, #tpu.memory_space<hbm>>
      tpu.enqueue_indirect_dma source(%dma_start3A_85 : memref<10000x128xf32, #tpu.memory_space<hbm>>) target(%arg14 : memref<40x128xf32, #tpu.memory_space<vmem>>) offsets(%arg8 : memref<40xi32, #tpu.memory_space<vmem>>) semaphore(%arg22 : memref<!tpu.dma_semaphore, #tpu.memory_space<semaphore_mem>>)
      %dma_wait3A_86 = tpu.memref_slice %arg5[%add3A_54] : memref<320000xi32, #tpu.memory_space<hbm>> -> memref<40xi32, #tpu.memory_space<hbm>>
      %dma_wait3A_87 = tpu.memref_slice %arg5[%add3A_54] : memref<320000xi32, #tpu.memory_space<hbm>> -> memref<40xi32, #tpu.memory_space<hbm>>
      tpu.wait_dma2 semaphore(%arg17 : memref<!tpu.dma_semaphore, #tpu.memory_space<semaphore_mem>>) src(%dma_wait3A_87 : memref<40xi32, #tpu.memory_space<hbm>>) dst(%arg9 : memref<40xi32, #tpu.memory_space<vmem>>)
      %dma_wait3A_88 = arith.constant 0 : i32
      %dma_wait3A_89 = tpu.memref_slice %arg2[%add3A_54, %dma_wait3A_88] : memref<320000x128xf32, #tpu.memory_space<hbm>> -> memref<40x128xf32, #tpu.memory_space<hbm>>
      %dma_wait3A_90 = arith.constant 0 : i32
      %dma_wait3A_91 = tpu.memref_slice %arg2[%add3A_54, %dma_wait3A_90] : memref<320000x128xf32, #tpu.memory_space<hbm>> -> memref<40x128xf32, #tpu.memory_space<hbm>>
      tpu.wait_dma2 semaphore(%arg19 : memref<!tpu.dma_semaphore, #tpu.memory_space<semaphore_mem>>) src(%dma_wait3A_91 : memref<40x128xf32, #tpu.memory_space<hbm>>) dst(%arg11 : memref<40x128xf32, #tpu.memory_space<vmem>>)
      %dma_wait3A_92 = arith.constant 0 : i32
      %dma_wait3A_93 = arith.constant 0 : i32
      %dma_wait3A_94 = tpu.memref_slice %arg3[%dma_wait3A_92, %dma_wait3A_93] : memref<10000x128xf32, #tpu.memory_space<hbm>> -> memref<10000x128xf32, #tpu.memory_space<hbm>>
      tpu.wait_indirect_dma semaphore(%arg21 : memref<!tpu.dma_semaphore, #tpu.memory_space<semaphore_mem>>) src(%dma_wait3A_94 : memref<10000x128xf32, #tpu.memory_space<hbm>>) dst(%arg13 : memref<40x128xf32, #tpu.memory_space<vmem>>)
      %scan3A_95 = arith.constant 0 : i32
      %scan3A_96 = arith.constant 0 : i32
      %scan3A_97 = arith.constant 20 : i32
      %scan3A_98 = arith.addi %scan3A_96, %scan3A_97 : i32
      %scan3A_99 = arith.constant 1 : i32
      scf.for %scan3A_128 = %scan3A_96 to %scan3A_98 step %scan3A_99  : i32 {
        %mul3A_129 = arith.constant 2 : i32
        %mul3A_130 = arith.muli %scan3A_128, %mul3A_129 : i32
        %add3A_131 = arith.constant 0 : i32
        %add3A_132 = arith.addi %mul3A_130, %add3A_131 : i32
        %get3A = arith.index_cast %add3A_132 : i32 to index
        %get3A_133 = arith.constant 0 : index
        %get3A_134 = tpu.vector_load %arg13[%get3A, %get3A_133] {strides = array<i32>} : memref<40x128xf32, #tpu.memory_space<vmem>>, vector<1x16xf32>,
        %get3A_135 = vector.shape_cast %get3A_134 : vector<1x16xf32> to vector<16xf32>
        %add3A_136 = arith.constant 0 : i32
        %add3A_137 = arith.addi %mul3A_130, %add3A_136 : i32
        %get3A_138 = arith.index_cast %add3A_137 : i32 to index
        %get3A_139 = arith.constant 0 : index
        %get3A_140 = tpu.vector_load %arg11[%get3A_138, %get3A_139] {strides = array<i32>} : memref<40x128xf32, #tpu.memory_space<vmem>>, vector<1x16xf32>,
        %get3A_141 = vector.shape_cast %get3A_140 : vector<1x16xf32> to vector<16xf32>
        %add3A_142 = arith.addf %get3A_135, %get3A_141 : vector<16xf32>
        %max3A = arith.constant 0.000000e+00 : f32
        %max3A_143 = vector.broadcast %max3A : f32 to vector<16xf32>
        %max3A_144 = arith.maximumf %add3A_142, %max3A_143 : vector<16xf32>
        %add3A_145 = arith.constant 0 : i32
        %add3A_146 = arith.addi %mul3A_130, %add3A_145 : i32
        %swap3A = arith.index_cast %add3A_146 : i32 to index
        %swap3A_147 = arith.constant 0 : index
        %swap3A_148 = tpu.vector_load %arg11[%swap3A, %swap3A_147] {strides = array<i32>} : memref<40x128xf32, #tpu.memory_space<vmem>>, vector<1x16xf32>,
        %swap3A_149 = vector.shape_cast %swap3A_148 : vector<1x16xf32> to vector<16xf32>
        %swap3A_150 = vector.shape_cast %max3A_144 : vector<16xf32> to vector<1x16xf32>
        tpu.vector_store %arg11[%swap3A, %swap3A_147], %swap3A_150 {strides = array<i32>} : memref<40x128xf32, #tpu.memory_space<vmem>>, vector<1x16xf32>,
        %add3A_151 = arith.constant 0 : i32
        %add3A_152 = arith.addi %mul3A_130, %add3A_151 : i32
        %get3A_153 = arith.index_cast %add3A_152 : i32 to index
        %get3A_154 = arith.constant 16 : index
        %get3A_155 = tpu.vector_load %arg13[%get3A_153, %get3A_154] {strides = array<i32>} : memref<40x128xf32, #tpu.memory_space<vmem>>, vector<1x16xf32>,
        %get3A_156 = vector.shape_cast %get3A_155 : vector<1x16xf32> to vector<16xf32>
        %add3A_157 = arith.constant 0 : i32
        %add3A_158 = arith.addi %mul3A_130, %add3A_157 : i32
        %get3A_159 = arith.index_cast %add3A_158 : i32 to index
        %get3A_160 = arith.constant 16 : index
        %get3A_161 = tpu.vector_load %arg11[%get3A_159, %get3A_160] {strides = array<i32>} : memref<40x128xf32, #tpu.memory_space<vmem>>, vector<1x16xf32>,
        %get3A_162 = vector.shape_cast %get3A_161 : vector<1x16xf32> to vector<16xf32>
        %add3A_163 = arith.addf %get3A_156, %get3A_162 : vector<16xf32>
        %max3A_164 = arith.constant 0.000000e+00 : f32
        %max3A_165 = vector.broadcast %max3A_164 : f32 to vector<16xf32>
        %max3A_166 = arith.maximumf %add3A_163, %max3A_165 : vector<16xf32>
        %add3A_167 = arith.constant 0 : i32
        %add3A_168 = arith.addi %mul3A_130, %add3A_167 : i32
        %swap3A_169 = arith.index_cast %add3A_168 : i32 to index
        %swap3A_170 = arith.constant 16 : index
        %swap3A_171 = tpu.vector_load %arg11[%swap3A_169, %swap3A_170] {strides = array<i32>} : memref<40x128xf32, #tpu.memory_space<vmem>>, vector<1x16xf32>,
        %swap3A_172 = vector.shape_cast %swap3A_171 : vector<1x16xf32> to vector<16xf32>
        %swap3A_173 = vector.shape_cast %max3A_166 : vector<16xf32> to vector<1x16xf32>
        tpu.vector_store %arg11[%swap3A_169, %swap3A_170], %swap3A_173 {strides = array<i32>} : memref<40x128xf32, #tpu.memory_space<vmem>>, vector<1x16xf32>,
        %add3A_174 = arith.constant 0 : i32
        %add3A_175 = arith.addi %mul3A_130, %add3A_174 : i32
        %get3A_176 = arith.index_cast %add3A_175 : i32 to index
        %get3A_177 = arith.constant 32 : index
        %get3A_178 = tpu.vector_load %arg13[%get3A_176, %get3A_177] {strides = array<i32>} : memref<40x128xf32, #tpu.memory_space<vmem>>, vector<1x16xf32>,
        %get3A_179 = vector.shape_cast %get3A_178 : vector<1x16xf32> to vector<16xf32>
        %add3A_180 = arith.constant 0 : i32
        %add3A_181 = arith.addi %mul3A_130, %add3A_180 : i32
        %get3A_182 = arith.index_cast %add3A_181 : i32 to index
        %get3A_183 = arith.constant 32 : index
        %get3A_184 = tpu.vector_load %arg11[%get3A_182, %get3A_183] {strides = array<i32>} : memref<40x128xf32, #tpu.memory_space<vmem>>, vector<1x16xf32>,
        %get3A_185 = vector.shape_cast %get3A_184 : vector<1x16xf32> to vector<16xf32>
        %add3A_186 = arith.addf %get3A_179, %get3A_185 : vector<16xf32>
        %max3A_187 = arith.constant 0.000000e+00 : f32
        %max3A_188 = vector.broadcast %max3A_187 : f32 to vector<16xf32>
        %max3A_189 = arith.maximumf %add3A_186, %max3A_188 : vector<16xf32>
        %add3A_190 = arith.constant 0 : i32
        %add3A_191 = arith.addi %mul3A_130, %add3A_190 : i32
        %swap3A_192 = arith.index_cast %add3A_191 : i32 to index
        %swap3A_193 = arith.constant 32 : index
        %swap3A_194 = tpu.vector_load %arg11[%swap3A_192, %swap3A_193] {strides = array<i32>} : memref<40x128xf32, #tpu.memory_space<vmem>>, vector<1x16xf32>,
        %swap3A_195 = vector.shape_cast %swap3A_194 : vector<1x16xf32> to vector<16xf32>
        %swap3A_196 = vector.shape_cast %max3A_189 : vector<16xf32> to vector<1x16xf32>
        tpu.vector_store %arg11[%swap3A_192, %swap3A_193], %swap3A_196 {strides = array<i32>} : memref<40x128xf32, #tpu.memory_space<vmem>>, vector<1x16xf32>,
        %add3A_197 = arith.constant 0 : i32
        %add3A_198 = arith.addi %mul3A_130, %add3A_197 : i32
        %get3A_199 = arith.index_cast %add3A_198 : i32 to index
        %get3A_200 = arith.constant 48 : index
        %get3A_201 = tpu.vector_load %arg13[%get3A_199, %get3A_200] {strides = array<i32>} : memref<40x128xf32, #tpu.memory_space<vmem>>, vector<1x16xf32>,
        %get3A_202 = vector.shape_cast %get3A_201 : vector<1x16xf32> to vector<16xf32>
        %add3A_203 = arith.constant 0 : i32
        %add3A_204 = arith.addi %mul3A_130, %add3A_203 : i32
        %get3A_205 = arith.index_cast %add3A_204 : i32 to index
        %get3A_206 = arith.constant 48 : index
        %get3A_207 = tpu.vector_load %arg11[%get3A_205, %get3A_206] {strides = array<i32>} : memref<40x128xf32, #tpu.memory_space<vmem>>, vector<1x16xf32>,
        %get3A_208 = vector.shape_cast %get3A_207 : vector<1x16xf32> to vector<16xf32>
        %add3A_209 = arith.addf %get3A_202, %get3A_208 : vector<16xf32>
        %max3A_210 = arith.constant 0.000000e+00 : f32
        %max3A_211 = vector.broadcast %max3A_210 : f32 to vector<16xf32>
        %max3A_212 = arith.maximumf %add3A_209, %max3A_211 : vector<16xf32>
        %add3A_213 = arith.constant 0 : i32
        %add3A_214 = arith.addi %mul3A_130, %add3A_213 : i32
        %swap3A_215 = arith.index_cast %add3A_214 : i32 to index
        %swap3A_216 = arith.constant 48 : index
        %swap3A_217 = tpu.vector_load %arg11[%swap3A_215, %swap3A_216] {strides = array<i32>} : memref<40x128xf32, #tpu.memory_space<vmem>>, vector<1x16xf32>,
        %swap3A_218 = vector.shape_cast %swap3A_217 : vector<1x16xf32> to vector<16xf32>
        %swap3A_219 = vector.shape_cast %max3A_212 : vector<16xf32> to vector<1x16xf32>
        tpu.vector_store %arg11[%swap3A_215, %swap3A_216], %swap3A_219 {strides = array<i32>} : memref<40x128xf32, #tpu.memory_space<vmem>>, vector<1x16xf32>,
        %add3A_220 = arith.constant 0 : i32
        %add3A_221 = arith.addi %mul3A_130, %add3A_220 : i32
        %get3A_222 = arith.index_cast %add3A_221 : i32 to index
        %get3A_223 = arith.constant 64 : index
        %get3A_224 = tpu.vector_load %arg13[%get3A_222, %get3A_223] {strides = array<i32>} : memref<40x128xf32, #tpu.memory_space<vmem>>, vector<1x16xf32>,
        %get3A_225 = vector.shape_cast %get3A_224 : vector<1x16xf32> to vector<16xf32>
        %add3A_226 = arith.constant 0 : i32
        %add3A_227 = arith.addi %mul3A_130, %add3A_226 : i32
        %get3A_228 = arith.index_cast %add3A_227 : i32 to index
        %get3A_229 = arith.constant 64 : index
        %get3A_230 = tpu.vector_load %arg11[%get3A_228, %get3A_229] {strides = array<i32>} : memref<40x128xf32, #tpu.memory_space<vmem>>, vector<1x16xf32>,
        %get3A_231 = vector.shape_cast %get3A_230 : vector<1x16xf32> to vector<16xf32>
        %add3A_232 = arith.addf %get3A_225, %get3A_231 : vector<16xf32>
        %max3A_233 = arith.constant 0.000000e+00 : f32
        %max3A_234 = vector.broadcast %max3A_233 : f32 to vector<16xf32>
        %max3A_235 = arith.maximumf %add3A_232, %max3A_234 : vector<16xf32>
        %add3A_236 = arith.constant 0 : i32
        %add3A_237 = arith.addi %mul3A_130, %add3A_236 : i32
        %swap3A_238 = arith.index_cast %add3A_237 : i32 to index
        %swap3A_239 = arith.constant 64 : index
        %swap3A_240 = tpu.vector_load %arg11[%swap3A_238, %swap3A_239] {strides = array<i32>} : memref<40x128xf32, #tpu.memory_space<vmem>>, vector<1x16xf32>,
        %swap3A_241 = vector.shape_cast %swap3A_240 : vector<1x16xf32> to vector<16xf32>
        %swap3A_242 = vector.shape_cast %max3A_235 : vector<16xf32> to vector<1x16xf32>
        tpu.vector_store %arg11[%swap3A_238, %swap3A_239], %swap3A_242 {strides = array<i32>} : memref<40x128xf32, #tpu.memory_space<vmem>>, vector<1x16xf32>,
        %add3A_243 = arith.constant 0 : i32
        %add3A_244 = arith.addi %mul3A_130, %add3A_243 : i32
        %get3A_245 = arith.index_cast %add3A_244 : i32 to index
        %get3A_246 = arith.constant 80 : index
        %get3A_247 = tpu.vector_load %arg13[%get3A_245, %get3A_246] {strides = array<i32>} : memref<40x128xf32, #tpu.memory_space<vmem>>, vector<1x16xf32>,
        %get3A_248 = vector.shape_cast %get3A_247 : vector<1x16xf32> to vector<16xf32>
        %add3A_249 = arith.constant 0 : i32
        %add3A_250 = arith.addi %mul3A_130, %add3A_249 : i32
        %get3A_251 = arith.index_cast %add3A_250 : i32 to index
        %get3A_252 = arith.constant 80 : index
        %get3A_253 = tpu.vector_load %arg11[%get3A_251, %get3A_252] {strides = array<i32>} : memref<40x128xf32, #tpu.memory_space<vmem>>, vector<1x16xf32>,
        %get3A_254 = vector.shape_cast %get3A_253 : vector<1x16xf32> to vector<16xf32>
        %add3A_255 = arith.addf %get3A_248, %get3A_254 : vector<16xf32>
        %max3A_256 = arith.constant 0.000000e+00 : f32
        %max3A_257 = vector.broadcast %max3A_256 : f32 to vector<16xf32>
        %max3A_258 = arith.maximumf %add3A_255, %max3A_257 : vector<16xf32>
        %add3A_259 = arith.constant 0 : i32
        %add3A_260 = arith.addi %mul3A_130, %add3A_259 : i32
        %swap3A_261 = arith.index_cast %add3A_260 : i32 to index
        %swap3A_262 = arith.constant 80 : index
        %swap3A_263 = tpu.vector_load %arg11[%swap3A_261, %swap3A_262] {strides = array<i32>} : memref<40x128xf32, #tpu.memory_space<vmem>>, vector<1x16xf32>,
        %swap3A_264 = vector.shape_cast %swap3A_263 : vector<1x16xf32> to vector<16xf32>
        %swap3A_265 = vector.shape_cast %max3A_258 : vector<16xf32> to vector<1x16xf32>
        tpu.vector_store %arg11[%swap3A_261, %swap3A_262], %swap3A_265 {strides = array<i32>} : memref<40x128xf32, #tpu.memory_space<vmem>>, vector<1x16xf32>,
        %add3A_266 = arith.constant 0 : i32
        %add3A_267 = arith.addi %mul3A_130, %add3A_266 : i32
        %get3A_268 = arith.index_cast %add3A_267 : i32 to index
        %get3A_269 = arith.constant 96 : index
        %get3A_270 = tpu.vector_load %arg13[%get3A_268, %get3A_269] {strides = array<i32>} : memref<40x128xf32, #tpu.memory_space<vmem>>, vector<1x16xf32>,
        %get3A_271 = vector.shape_cast %get3A_270 : vector<1x16xf32> to vector<16xf32>
        %add3A_272 = arith.constant 0 : i32
        %add3A_273 = arith.addi %mul3A_130, %add3A_272 : i32
        %get3A_274 = arith.index_cast %add3A_273 : i32 to index
        %get3A_275 = arith.constant 96 : index
        %get3A_276 = tpu.vector_load %arg11[%get3A_274, %get3A_275] {strides = array<i32>} : memref<40x128xf32, #tpu.memory_space<vmem>>, vector<1x16xf32>,
        %get3A_277 = vector.shape_cast %get3A_276 : vector<1x16xf32> to vector<16xf32>
        %add3A_278 = arith.addf %get3A_271, %get3A_277 : vector<16xf32>
        %max3A_279 = arith.constant 0.000000e+00 : f32
        %max3A_280 = vector.broadcast %max3A_279 : f32 to vector<16xf32>
        %max3A_281 = arith.maximumf %add3A_278, %max3A_280 : vector<16xf32>
        %add3A_282 = arith.constant 0 : i32
        %add3A_283 = arith.addi %mul3A_130, %add3A_282 : i32
        %swap3A_284 = arith.index_cast %add3A_283 : i32 to index
        %swap3A_285 = arith.constant 96 : index
        %swap3A_286 = tpu.vector_load %arg11[%swap3A_284, %swap3A_285] {strides = array<i32>} : memref<40x128xf32, #tpu.memory_space<vmem>>, vector<1x16xf32>,
        %swap3A_287 = vector.shape_cast %swap3A_286 : vector<1x16xf32> to vector<16xf32>
        %swap3A_288 = vector.shape_cast %max3A_281 : vector<16xf32> to vector<1x16xf32>
        tpu.vector_store %arg11[%swap3A_284, %swap3A_285], %swap3A_288 {strides = array<i32>} : memref<40x128xf32, #tpu.memory_space<vmem>>, vector<1x16xf32>,
        %add3A_289 = arith.constant 0 : i32
        %add3A_290 = arith.addi %mul3A_130, %add3A_289 : i32
        %get3A_291 = arith.index_cast %add3A_290 : i32 to index
        %get3A_292 = arith.constant 112 : index
        %get3A_293 = tpu.vector_load %arg13[%get3A_291, %get3A_292] {strides = array<i32>} : memref<40x128xf32, #tpu.memory_space<vmem>>, vector<1x16xf32>,
        %get3A_294 = vector.shape_cast %get3A_293 : vector<1x16xf32> to vector<16xf32>
        %add3A_295 = arith.constant 0 : i32
        %add3A_296 = arith.addi %mul3A_130, %add3A_295 : i32
        %get3A_297 = arith.index_cast %add3A_296 : i32 to index
        %get3A_298 = arith.constant 112 : index
        %get3A_299 = tpu.vector_load %arg11[%get3A_297, %get3A_298] {strides = array<i32>} : memref<40x128xf32, #tpu.memory_space<vmem>>, vector<1x16xf32>,
        %get3A_300 = vector.shape_cast %get3A_299 : vector<1x16xf32> to vector<16xf32>
        %add3A_301 = arith.addf %get3A_294, %get3A_300 : vector<16xf32>
        %max3A_302 = arith.constant 0.000000e+00 : f32
        %max3A_303 = vector.broadcast %max3A_302 : f32 to vector<16xf32>
        %max3A_304 = arith.maximumf %add3A_301, %max3A_303 : vector<16xf32>
        %add3A_305 = arith.constant 0 : i32
        %add3A_306 = arith.addi %mul3A_130, %add3A_305 : i32
        %swap3A_307 = arith.index_cast %add3A_306 : i32 to index
        %swap3A_308 = arith.constant 112 : index
        %swap3A_309 = tpu.vector_load %arg11[%swap3A_307, %swap3A_308] {strides = array<i32>} : memref<40x128xf32, #tpu.memory_space<vmem>>, vector<1x16xf32>,
        %swap3A_310 = vector.shape_cast %swap3A_309 : vector<1x16xf32> to vector<16xf32>
        %swap3A_311 = vector.shape_cast %max3A_304 : vector<16xf32> to vector<1x16xf32>
        tpu.vector_store %arg11[%swap3A_307, %swap3A_308], %swap3A_311 {strides = array<i32>} : memref<40x128xf32, #tpu.memory_space<vmem>>, vector<1x16xf32>,
        %add3A_312 = arith.constant 1 : i32
        %add3A_313 = arith.addi %mul3A_130, %add3A_312 : i32
        %get3A_314 = arith.index_cast %add3A_313 : i32 to index
        %get3A_315 = arith.constant 0 : index
        %get3A_316 = tpu.vector_load %arg13[%get3A_314, %get3A_315] {strides = array<i32>} : memref<40x128xf32, #tpu.memory_space<vmem>>, vector<1x16xf32>,
        %get3A_317 = vector.shape_cast %get3A_316 : vector<1x16xf32> to vector<16xf32>
        %add3A_318 = arith.constant 1 : i32
        %add3A_319 = arith.addi %mul3A_130, %add3A_318 : i32
        %get3A_320 = arith.index_cast %add3A_319 : i32 to index
        %get3A_321 = arith.constant 0 : index
        %get3A_322 = tpu.vector_load %arg11[%get3A_320, %get3A_321] {strides = array<i32>} : memref<40x128xf32, #tpu.memory_space<vmem>>, vector<1x16xf32>,
        %get3A_323 = vector.shape_cast %get3A_322 : vector<1x16xf32> to vector<16xf32>
        %add3A_324 = arith.addf %get3A_317, %get3A_323 : vector<16xf32>
        %max3A_325 = arith.constant 0.000000e+00 : f32
        %max3A_326 = vector.broadcast %max3A_325 : f32 to vector<16xf32>
        %max3A_327 = arith.maximumf %add3A_324, %max3A_326 : vector<16xf32>
        %add3A_328 = arith.constant 1 : i32
        %add3A_329 = arith.addi %mul3A_130, %add3A_328 : i32
        %swap3A_330 = arith.index_cast %add3A_329 : i32 to index
        %swap3A_331 = arith.constant 0 : index
        %swap3A_332 = tpu.vector_load %arg11[%swap3A_330, %swap3A_331] {strides = array<i32>} : memref<40x128xf32, #tpu.memory_space<vmem>>, vector<1x16xf32>,
        %swap3A_333 = vector.shape_cast %swap3A_332 : vector<1x16xf32> to vector<16xf32>
        %swap3A_334 = vector.shape_cast %max3A_327 : vector<16xf32> to vector<1x16xf32>
        tpu.vector_store %arg11[%swap3A_330, %swap3A_331], %swap3A_334 {strides = array<i32>} : memref<40x128xf32, #tpu.memory_space<vmem>>, vector<1x16xf32>,
        %add3A_335 = arith.constant 1 : i32
        %add3A_336 = arith.addi %mul3A_130, %add3A_335 : i32
        %get3A_337 = arith.index_cast %add3A_336 : i32 to index
        %get3A_338 = arith.constant 16 : index
        %get3A_339 = tpu.vector_load %arg13[%get3A_337, %get3A_338] {strides = array<i32>} : memref<40x128xf32, #tpu.memory_space<vmem>>, vector<1x16xf32>,
        %get3A_340 = vector.shape_cast %get3A_339 : vector<1x16xf32> to vector<16xf32>
        %add3A_341 = arith.constant 1 : i32
        %add3A_342 = arith.addi %mul3A_130, %add3A_341 : i32
        %get3A_343 = arith.index_cast %add3A_342 : i32 to index
        %get3A_344 = arith.constant 16 : index
        %get3A_345 = tpu.vector_load %arg11[%get3A_343, %get3A_344] {strides = array<i32>} : memref<40x128xf32, #tpu.memory_space<vmem>>, vector<1x16xf32>,
        %get3A_346 = vector.shape_cast %get3A_345 : vector<1x16xf32> to vector<16xf32>
        %add3A_347 = arith.addf %get3A_340, %get3A_346 : vector<16xf32>
        %max3A_348 = arith.constant 0.000000e+00 : f32
        %max3A_349 = vector.broadcast %max3A_348 : f32 to vector<16xf32>
        %max3A_350 = arith.maximumf %add3A_347, %max3A_349 : vector<16xf32>
        %add3A_351 = arith.constant 1 : i32
        %add3A_352 = arith.addi %mul3A_130, %add3A_351 : i32
        %swap3A_353 = arith.index_cast %add3A_352 : i32 to index
        %swap3A_354 = arith.constant 16 : index
        %swap3A_355 = tpu.vector_load %arg11[%swap3A_353, %swap3A_354] {strides = array<i32>} : memref<40x128xf32, #tpu.memory_space<vmem>>, vector<1x16xf32>,
        %swap3A_356 = vector.shape_cast %swap3A_355 : vector<1x16xf32> to vector<16xf32>
        %swap3A_357 = vector.shape_cast %max3A_350 : vector<16xf32> to vector<1x16xf32>
        tpu.vector_store %arg11[%swap3A_353, %swap3A_354], %swap3A_357 {strides = array<i32>} : memref<40x128xf32, #tpu.memory_space<vmem>>, vector<1x16xf32>,
        %add3A_358 = arith.constant 1 : i32
        %add3A_359 = arith.addi %mul3A_130, %add3A_358 : i32
        %get3A_360 = arith.index_cast %add3A_359 : i32 to index
        %get3A_361 = arith.constant 32 : index
        %get3A_362 = tpu.vector_load %arg13[%get3A_360, %get3A_361] {strides = array<i32>} : memref<40x128xf32, #tpu.memory_space<vmem>>, vector<1x16xf32>,
        %get3A_363 = vector.shape_cast %get3A_362 : vector<1x16xf32> to vector<16xf32>
        %add3A_364 = arith.constant 1 : i32
        %add3A_365 = arith.addi %mul3A_130, %add3A_364 : i32
        %get3A_366 = arith.index_cast %add3A_365 : i32 to index
        %get3A_367 = arith.constant 32 : index
        %get3A_368 = tpu.vector_load %arg11[%get3A_366, %get3A_367] {strides = array<i32>} : memref<40x128xf32, #tpu.memory_space<vmem>>, vector<1x16xf32>,
        %get3A_369 = vector.shape_cast %get3A_368 : vector<1x16xf32> to vector<16xf32>
        %add3A_370 = arith.addf %get3A_363, %get3A_369 : vector<16xf32>
        %max3A_371 = arith.constant 0.000000e+00 : f32
        %max3A_372 = vector.broadcast %max3A_371 : f32 to vector<16xf32>
        %max3A_373 = arith.maximumf %add3A_370, %max3A_372 : vector<16xf32>
        %add3A_374 = arith.constant 1 : i32
        %add3A_375 = arith.addi %mul3A_130, %add3A_374 : i32
        %swap3A_376 = arith.index_cast %add3A_375 : i32 to index
        %swap3A_377 = arith.constant 32 : index
        %swap3A_378 = tpu.vector_load %arg11[%swap3A_376, %swap3A_377] {strides = array<i32>} : memref<40x128xf32, #tpu.memory_space<vmem>>, vector<1x16xf32>,
        %swap3A_379 = vector.shape_cast %swap3A_378 : vector<1x16xf32> to vector<16xf32>
        %swap3A_380 = vector.shape_cast %max3A_373 : vector<16xf32> to vector<1x16xf32>
        tpu.vector_store %arg11[%swap3A_376, %swap3A_377], %swap3A_380 {strides = array<i32>} : memref<40x128xf32, #tpu.memory_space<vmem>>, vector<1x16xf32>,
        %add3A_381 = arith.constant 1 : i32
        %add3A_382 = arith.addi %mul3A_130, %add3A_381 : i32
        %get3A_383 = arith.index_cast %add3A_382 : i32 to index
        %get3A_384 = arith.constant 48 : index
        %get3A_385 = tpu.vector_load %arg13[%get3A_383, %get3A_384] {strides = array<i32>} : memref<40x128xf32, #tpu.memory_space<vmem>>, vector<1x16xf32>,
        %get3A_386 = vector.shape_cast %get3A_385 : vector<1x16xf32> to vector<16xf32>
        %add3A_387 = arith.constant 1 : i32
        %add3A_388 = arith.addi %mul3A_130, %add3A_387 : i32
        %get3A_389 = arith.index_cast %add3A_388 : i32 to index
        %get3A_390 = arith.constant 48 : index
        %get3A_391 = tpu.vector_load %arg11[%get3A_389, %get3A_390] {strides = array<i32>} : memref<40x128xf32, #tpu.memory_space<vmem>>, vector<1x16xf32>,
        %get3A_392 = vector.shape_cast %get3A_391 : vector<1x16xf32> to vector<16xf32>
        %add3A_393 = arith.addf %get3A_386, %get3A_392 : vector<16xf32>
        %max3A_394 = arith.constant 0.000000e+00 : f32
        %max3A_395 = vector.broadcast %max3A_394 : f32 to vector<16xf32>
        %max3A_396 = arith.maximumf %add3A_393, %max3A_395 : vector<16xf32>
        %add3A_397 = arith.constant 1 : i32
        %add3A_398 = arith.addi %mul3A_130, %add3A_397 : i32
        %swap3A_399 = arith.index_cast %add3A_398 : i32 to index
        %swap3A_400 = arith.constant 48 : index
        %swap3A_401 = tpu.vector_load %arg11[%swap3A_399, %swap3A_400] {strides = array<i32>} : memref<40x128xf32, #tpu.memory_space<vmem>>, vector<1x16xf32>,
        %swap3A_402 = vector.shape_cast %swap3A_401 : vector<1x16xf32> to vector<16xf32>
        %swap3A_403 = vector.shape_cast %max3A_396 : vector<16xf32> to vector<1x16xf32>
        tpu.vector_store %arg11[%swap3A_399, %swap3A_400], %swap3A_403 {strides = array<i32>} : memref<40x128xf32, #tpu.memory_space<vmem>>, vector<1x16xf32>,
        %add3A_404 = arith.constant 1 : i32
        %add3A_405 = arith.addi %mul3A_130, %add3A_404 : i32
        %get3A_406 = arith.index_cast %add3A_405 : i32 to index
        %get3A_407 = arith.constant 64 : index
        %get3A_408 = tpu.vector_load %arg13[%get3A_406, %get3A_407] {strides = array<i32>} : memref<40x128xf32, #tpu.memory_space<vmem>>, vector<1x16xf32>,
        %get3A_409 = vector.shape_cast %get3A_408 : vector<1x16xf32> to vector<16xf32>
        %add3A_410 = arith.constant 1 : i32
        %add3A_411 = arith.addi %mul3A_130, %add3A_410 : i32
        %get3A_412 = arith.index_cast %add3A_411 : i32 to index
        %get3A_413 = arith.constant 64 : index
        %get3A_414 = tpu.vector_load %arg11[%get3A_412, %get3A_413] {strides = array<i32>} : memref<40x128xf32, #tpu.memory_space<vmem>>, vector<1x16xf32>,
        %get3A_415 = vector.shape_cast %get3A_414 : vector<1x16xf32> to vector<16xf32>
        %add3A_416 = arith.addf %get3A_409, %get3A_415 : vector<16xf32>
        %max3A_417 = arith.constant 0.000000e+00 : f32
        %max3A_418 = vector.broadcast %max3A_417 : f32 to vector<16xf32>
        %max3A_419 = arith.maximumf %add3A_416, %max3A_418 : vector<16xf32>
        %add3A_420 = arith.constant 1 : i32
        %add3A_421 = arith.addi %mul3A_130, %add3A_420 : i32
        %swap3A_422 = arith.index_cast %add3A_421 : i32 to index
        %swap3A_423 = arith.constant 64 : index
        %swap3A_424 = tpu.vector_load %arg11[%swap3A_422, %swap3A_423] {strides = array<i32>} : memref<40x128xf32, #tpu.memory_space<vmem>>, vector<1x16xf32>,
        %swap3A_425 = vector.shape_cast %swap3A_424 : vector<1x16xf32> to vector<16xf32>
        %swap3A_426 = vector.shape_cast %max3A_419 : vector<16xf32> to vector<1x16xf32>
        tpu.vector_store %arg11[%swap3A_422, %swap3A_423], %swap3A_426 {strides = array<i32>} : memref<40x128xf32, #tpu.memory_space<vmem>>, vector<1x16xf32>,
        %add3A_427 = arith.constant 1 : i32
        %add3A_428 = arith.addi %mul3A_130, %add3A_427 : i32
        %get3A_429 = arith.index_cast %add3A_428 : i32 to index
        %get3A_430 = arith.constant 80 : index
        %get3A_431 = tpu.vector_load %arg13[%get3A_429, %get3A_430] {strides = array<i32>} : memref<40x128xf32, #tpu.memory_space<vmem>>, vector<1x16xf32>,
        %get3A_432 = vector.shape_cast %get3A_431 : vector<1x16xf32> to vector<16xf32>
        %add3A_433 = arith.constant 1 : i32
        %add3A_434 = arith.addi %mul3A_130, %add3A_433 : i32
        %get3A_435 = arith.index_cast %add3A_434 : i32 to index
        %get3A_436 = arith.constant 80 : index
        %get3A_437 = tpu.vector_load %arg11[%get3A_435, %get3A_436] {strides = array<i32>} : memref<40x128xf32, #tpu.memory_space<vmem>>, vector<1x16xf32>,
        %get3A_438 = vector.shape_cast %get3A_437 : vector<1x16xf32> to vector<16xf32>
        %add3A_439 = arith.addf %get3A_432, %get3A_438 : vector<16xf32>
        %max3A_440 = arith.constant 0.000000e+00 : f32
        %max3A_441 = vector.broadcast %max3A_440 : f32 to vector<16xf32>
        %max3A_442 = arith.maximumf %add3A_439, %max3A_441 : vector<16xf32>
        %add3A_443 = arith.constant 1 : i32
        %add3A_444 = arith.addi %mul3A_130, %add3A_443 : i32
        %swap3A_445 = arith.index_cast %add3A_444 : i32 to index
        %swap3A_446 = arith.constant 80 : index
        %swap3A_447 = tpu.vector_load %arg11[%swap3A_445, %swap3A_446] {strides = array<i32>} : memref<40x128xf32, #tpu.memory_space<vmem>>, vector<1x16xf32>,
        %swap3A_448 = vector.shape_cast %swap3A_447 : vector<1x16xf32> to vector<16xf32>
        %swap3A_449 = vector.shape_cast %max3A_442 : vector<16xf32> to vector<1x16xf32>
        tpu.vector_store %arg11[%swap3A_445, %swap3A_446], %swap3A_449 {strides = array<i32>} : memref<40x128xf32, #tpu.memory_space<vmem>>, vector<1x16xf32>,
        %add3A_450 = arith.constant 1 : i32
        %add3A_451 = arith.addi %mul3A_130, %add3A_450 : i32
        %get3A_452 = arith.index_cast %add3A_451 : i32 to index
        %get3A_453 = arith.constant 96 : index
        %get3A_454 = tpu.vector_load %arg13[%get3A_452, %get3A_453] {strides = array<i32>} : memref<40x128xf32, #tpu.memory_space<vmem>>, vector<1x16xf32>,
        %get3A_455 = vector.shape_cast %get3A_454 : vector<1x16xf32> to vector<16xf32>
        %add3A_456 = arith.constant 1 : i32
        %add3A_457 = arith.addi %mul3A_130, %add3A_456 : i32
        %get3A_458 = arith.index_cast %add3A_457 : i32 to index
        %get3A_459 = arith.constant 96 : index
        %get3A_460 = tpu.vector_load %arg11[%get3A_458, %get3A_459] {strides = array<i32>} : memref<40x128xf32, #tpu.memory_space<vmem>>, vector<1x16xf32>,
        %get3A_461 = vector.shape_cast %get3A_460 : vector<1x16xf32> to vector<16xf32>
        %add3A_462 = arith.addf %get3A_455, %get3A_461 : vector<16xf32>
        %max3A_463 = arith.constant 0.000000e+00 : f32
        %max3A_464 = vector.broadcast %max3A_463 : f32 to vector<16xf32>
        %max3A_465 = arith.maximumf %add3A_462, %max3A_464 : vector<16xf32>
        %add3A_466 = arith.constant 1 : i32
        %add3A_467 = arith.addi %mul3A_130, %add3A_466 : i32
        %swap3A_468 = arith.index_cast %add3A_467 : i32 to index
        %swap3A_469 = arith.constant 96 : index
        %swap3A_470 = tpu.vector_load %arg11[%swap3A_468, %swap3A_469] {strides = array<i32>} : memref<40x128xf32, #tpu.memory_space<vmem>>, vector<1x16xf32>,
        %swap3A_471 = vector.shape_cast %swap3A_470 : vector<1x16xf32> to vector<16xf32>
        %swap3A_472 = vector.shape_cast %max3A_465 : vector<16xf32> to vector<1x16xf32>
        tpu.vector_store %arg11[%swap3A_468, %swap3A_469], %swap3A_472 {strides = array<i32>} : memref<40x128xf32, #tpu.memory_space<vmem>>, vector<1x16xf32>,
        %add3A_473 = arith.constant 1 : i32
        %add3A_474 = arith.addi %mul3A_130, %add3A_473 : i32
        %get3A_475 = arith.index_cast %add3A_474 : i32 to index
        %get3A_476 = arith.constant 112 : index
        %get3A_477 = tpu.vector_load %arg13[%get3A_475, %get3A_476] {strides = array<i32>} : memref<40x128xf32, #tpu.memory_space<vmem>>, vector<1x16xf32>,
        %get3A_478 = vector.shape_cast %get3A_477 : vector<1x16xf32> to vector<16xf32>
        %add3A_479 = arith.constant 1 : i32
        %add3A_480 = arith.addi %mul3A_130, %add3A_479 : i32
        %get3A_481 = arith.index_cast %add3A_480 : i32 to index
        %get3A_482 = arith.constant 112 : index
        %get3A_483 = tpu.vector_load %arg11[%get3A_481, %get3A_482] {strides = array<i32>} : memref<40x128xf32, #tpu.memory_space<vmem>>, vector<1x16xf32>,
        %get3A_484 = vector.shape_cast %get3A_483 : vector<1x16xf32> to vector<16xf32>
        %add3A_485 = arith.addf %get3A_478, %get3A_484 : vector<16xf32>
        %max3A_486 = arith.constant 0.000000e+00 : f32
        %max3A_487 = vector.broadcast %max3A_486 : f32 to vector<16xf32>
        %max3A_488 = arith.maximumf %add3A_485, %max3A_487 : vector<16xf32>
        %add3A_489 = arith.constant 1 : i32
        %add3A_490 = arith.addi %mul3A_130, %add3A_489 : i32
        %swap3A_491 = arith.index_cast %add3A_490 : i32 to index
        %swap3A_492 = arith.constant 112 : index
        %swap3A_493 = tpu.vector_load %arg11[%swap3A_491, %swap3A_492] {strides = array<i32>} : memref<40x128xf32, #tpu.memory_space<vmem>>, vector<1x16xf32>,
        %swap3A_494 = vector.shape_cast %swap3A_493 : vector<1x16xf32> to vector<16xf32>
        %swap3A_495 = vector.shape_cast %max3A_488 : vector<16xf32> to vector<1x16xf32>
        tpu.vector_store %arg11[%swap3A_491, %swap3A_492], %swap3A_495 {strides = array<i32>} : memref<40x128xf32, #tpu.memory_space<vmem>>, vector<1x16xf32>,
      }
      %scan3A_100 = arith.constant 20 : i32
      %dma_start3A_101 = arith.constant 0 : i32
      %dma_start3A_102 = arith.constant 0 : i32
      %dma_start3A_103 = tpu.memref_slice %arg16[%dma_start3A_101, %dma_start3A_102] : memref<10240x128xf32, #tpu.memory_space<vmem_shared>> -> memref<10240x128xf32, #tpu.memory_space<vmem_shared>>
      tpu.enqueue_indirect_dma source(%arg11 : memref<40x128xf32, #tpu.memory_space<vmem>>) target(%dma_start3A_103 : memref<10240x128xf32, #tpu.memory_space<vmem_shared>>) offsets(%arg9 : memref<40xi32, #tpu.memory_space<vmem>>) semaphore(%arg23 : memref<!tpu.dma_semaphore, #tpu.memory_space<semaphore_mem>>) {add = true}
      %dma_wait3A_104 = tpu.memref_slice %arg5[%add3A_68] : memref<320000xi32, #tpu.memory_space<hbm>> -> memref<40xi32, #tpu.memory_space<hbm>>
      %dma_wait3A_105 = tpu.memref_slice %arg5[%add3A_68] : memref<320000xi32, #tpu.memory_space<hbm>> -> memref<40xi32, #tpu.memory_space<hbm>>
      tpu.wait_dma2 semaphore(%arg18 : memref<!tpu.dma_semaphore, #tpu.memory_space<semaphore_mem>>) src(%dma_wait3A_105 : memref<40xi32, #tpu.memory_space<hbm>>) dst(%arg10 : memref<40xi32, #tpu.memory_space<vmem>>)
      %dma_wait3A_106 = arith.constant 0 : i32
      %dma_wait3A_107 = tpu.memref_slice %arg2[%add3A_68, %dma_wait3A_106] : memref<320000x128xf32, #tpu.memory_space<hbm>> -> memref<40x128xf32, #tpu.memory_space<hbm>>
      %dma_wait3A_108 = arith.constant 0 : i32
      %dma_wait3A_109 = tpu.memref_slice %arg2[%add3A_68, %dma_wait3A_108] : memref<320000x128xf32, #tpu.memory_space<hbm>> -> memref<40x128xf32, #tpu.memory_space<hbm>>
      tpu.wait_dma2 semaphore(%arg20 : memref<!tpu.dma_semaphore, #tpu.memory_space<semaphore_mem>>) src(%dma_wait3A_109 : memref<40x128xf32, #tpu.memory_space<hbm>>) dst(%arg12 : memref<40x128xf32, #tpu.memory_space<vmem>>)
      %dma_wait3A_110 = arith.constant 0 : i32
      %dma_wait3A_111 = arith.constant 0 : i32
      %dma_wait3A_112 = tpu.memref_slice %arg3[%dma_wait3A_110, %dma_wait3A_111] : memref<10000x128xf32, #tpu.memory_space<hbm>> -> memref<10000x128xf32, #tpu.memory_space<hbm>>
      tpu.wait_indirect_dma semaphore(%arg22 : memref<!tpu.dma_semaphore, #tpu.memory_space<semaphore_mem>>) src(%dma_wait3A_112 : memref<10000x128xf32, #tpu.memory_space<hbm>>) dst(%arg14 : memref<40x128xf32, #tpu.memory_space<vmem>>)
      %scan3A_113 = arith.constant 0 : i32
      %scan3A_114 = arith.constant 0 : i32
      %scan3A_115 = arith.constant 20 : i32
      %scan3A_116 = arith.addi %scan3A_114, %scan3A_115 : i32
      %scan3A_117 = arith.constant 1 : i32
      scf.for %scan3A_128 = %scan3A_114 to %scan3A_116 step %scan3A_117  : i32 {
        %mul3A_129 = arith.constant 2 : i32
        %mul3A_130 = arith.muli %scan3A_128, %mul3A_129 : i32
        %add3A_131 = arith.constant 0 : i32
        %add3A_132 = arith.addi %mul3A_130, %add3A_131 : i32
        %get3A = arith.index_cast %add3A_132 : i32 to index
        %get3A_133 = arith.constant 0 : index
        %get3A_134 = tpu.vector_load %arg14[%get3A, %get3A_133] {strides = array<i32>} : memref<40x128xf32, #tpu.memory_space<vmem>>, vector<1x16xf32>,
        %get3A_135 = vector.shape_cast %get3A_134 : vector<1x16xf32> to vector<16xf32>
        %add3A_136 = arith.constant 0 : i32
        %add3A_137 = arith.addi %mul3A_130, %add3A_136 : i32
        %get3A_138 = arith.index_cast %add3A_137 : i32 to index
        %get3A_139 = arith.constant 0 : index
        %get3A_140 = tpu.vector_load %arg12[%get3A_138, %get3A_139] {strides = array<i32>} : memref<40x128xf32, #tpu.memory_space<vmem>>, vector<1x16xf32>,
        %get3A_141 = vector.shape_cast %get3A_140 : vector<1x16xf32> to vector<16xf32>
        %add3A_142 = arith.addf %get3A_135, %get3A_141 : vector<16xf32>
        %max3A = arith.constant 0.000000e+00 : f32
        %max3A_143 = vector.broadcast %max3A : f32 to vector<16xf32>
        %max3A_144 = arith.maximumf %add3A_142, %max3A_143 : vector<16xf32>
        %add3A_145 = arith.constant 0 : i32
        %add3A_146 = arith.addi %mul3A_130, %add3A_145 : i32
        %swap3A = arith.index_cast %add3A_146 : i32 to index
        %swap3A_147 = arith.constant 0 : index
        %swap3A_148 = tpu.vector_load %arg12[%swap3A, %swap3A_147] {strides = array<i32>} : memref<40x128xf32, #tpu.memory_space<vmem>>, vector<1x16xf32>,
        %swap3A_149 = vector.shape_cast %swap3A_148 : vector<1x16xf32> to vector<16xf32>
        %swap3A_150 = vector.shape_cast %max3A_144 : vector<16xf32> to vector<1x16xf32>
        tpu.vector_store %arg12[%swap3A, %swap3A_147], %swap3A_150 {strides = array<i32>} : memref<40x128xf32, #tpu.memory_space<vmem>>, vector<1x16xf32>,
        %add3A_151 = arith.constant 0 : i32
        %add3A_152 = arith.addi %mul3A_130, %add3A_151 : i32
        %get3A_153 = arith.index_cast %add3A_152 : i32 to index
        %get3A_154 = arith.constant 16 : index
        %get3A_155 = tpu.vector_load %arg14[%get3A_153, %get3A_154] {strides = array<i32>} : memref<40x128xf32, #tpu.memory_space<vmem>>, vector<1x16xf32>,
        %get3A_156 = vector.shape_cast %get3A_155 : vector<1x16xf32> to vector<16xf32>
        %add3A_157 = arith.constant 0 : i32
        %add3A_158 = arith.addi %mul3A_130, %add3A_157 : i32
        %get3A_159 = arith.index_cast %add3A_158 : i32 to index
        %get3A_160 = arith.constant 16 : index
        %get3A_161 = tpu.vector_load %arg12[%get3A_159, %get3A_160] {strides = array<i32>} : memref<40x128xf32, #tpu.memory_space<vmem>>, vector<1x16xf32>,
        %get3A_162 = vector.shape_cast %get3A_161 : vector<1x16xf32> to vector<16xf32>
        %add3A_163 = arith.addf %get3A_156, %get3A_162 : vector<16xf32>
        %max3A_164 = arith.constant 0.000000e+00 : f32
        %max3A_165 = vector.broadcast %max3A_164 : f32 to vector<16xf32>
        %max3A_166 = arith.maximumf %add3A_163, %max3A_165 : vector<16xf32>
        %add3A_167 = arith.constant 0 : i32
        %add3A_168 = arith.addi %mul3A_130, %add3A_167 : i32
        %swap3A_169 = arith.index_cast %add3A_168 : i32 to index
        %swap3A_170 = arith.constant 16 : index
        %swap3A_171 = tpu.vector_load %arg12[%swap3A_169, %swap3A_170] {strides = array<i32>} : memref<40x128xf32, #tpu.memory_space<vmem>>, vector<1x16xf32>,
        %swap3A_172 = vector.shape_cast %swap3A_171 : vector<1x16xf32> to vector<16xf32>
        %swap3A_173 = vector.shape_cast %max3A_166 : vector<16xf32> to vector<1x16xf32>
        tpu.vector_store %arg12[%swap3A_169, %swap3A_170], %swap3A_173 {strides = array<i32>} : memref<40x128xf32, #tpu.memory_space<vmem>>, vector<1x16xf32>,
        %add3A_174 = arith.constant 0 : i32
        %add3A_175 = arith.addi %mul3A_130, %add3A_174 : i32
        %get3A_176 = arith.index_cast %add3A_175 : i32 to index
        %get3A_177 = arith.constant 32 : index
        %get3A_178 = tpu.vector_load %arg14[%get3A_176, %get3A_177] {strides = array<i32>} : memref<40x128xf32, #tpu.memory_space<vmem>>, vector<1x16xf32>,
        %get3A_179 = vector.shape_cast %get3A_178 : vector<1x16xf32> to vector<16xf32>
        %add3A_180 = arith.constant 0 : i32
        %add3A_181 = arith.addi %mul3A_130, %add3A_180 : i32
        %get3A_182 = arith.index_cast %add3A_181 : i32 to index
        %get3A_183 = arith.constant 32 : index
        %get3A_184 = tpu.vector_load %arg12[%get3A_182, %get3A_183] {strides = array<i32>} : memref<40x128xf32, #tpu.memory_space<vmem>>, vector<1x16xf32>,
        %get3A_185 = vector.shape_cast %get3A_184 : vector<1x16xf32> to vector<16xf32>
        %add3A_186 = arith.addf %get3A_179, %get3A_185 : vector<16xf32>
        %max3A_187 = arith.constant 0.000000e+00 : f32
        %max3A_188 = vector.broadcast %max3A_187 : f32 to vector<16xf32>
        %max3A_189 = arith.maximumf %add3A_186, %max3A_188 : vector<16xf32>
        %add3A_190 = arith.constant 0 : i32
        %add3A_191 = arith.addi %mul3A_130, %add3A_190 : i32
        %swap3A_192 = arith.index_cast %add3A_191 : i32 to index
        %swap3A_193 = arith.constant 32 : index
        %swap3A_194 = tpu.vector_load %arg12[%swap3A_192, %swap3A_193] {strides = array<i32>} : memref<40x128xf32, #tpu.memory_space<vmem>>, vector<1x16xf32>,
        %swap3A_195 = vector.shape_cast %swap3A_194 : vector<1x16xf32> to vector<16xf32>
        %swap3A_196 = vector.shape_cast %max3A_189 : vector<16xf32> to vector<1x16xf32>
        tpu.vector_store %arg12[%swap3A_192, %swap3A_193], %swap3A_196 {strides = array<i32>} : memref<40x128xf32, #tpu.memory_space<vmem>>, vector<1x16xf32>,
        %add3A_197 = arith.constant 0 : i32
        %add3A_198 = arith.addi %mul3A_130, %add3A_197 : i32
        %get3A_199 = arith.index_cast %add3A_198 : i32 to index
        %get3A_200 = arith.constant 48 : index
        %get3A_201 = tpu.vector_load %arg14[%get3A_199, %get3A_200] {strides = array<i32>} : memref<40x128xf32, #tpu.memory_space<vmem>>, vector<1x16xf32>,
        %get3A_202 = vector.shape_cast %get3A_201 : vector<1x16xf32> to vector<16xf32>
        %add3A_203 = arith.constant 0 : i32
        %add3A_204 = arith.addi %mul3A_130, %add3A_203 : i32
        %get3A_205 = arith.index_cast %add3A_204 : i32 to index
        %get3A_206 = arith.constant 48 : index
        %get3A_207 = tpu.vector_load %arg12[%get3A_205, %get3A_206] {strides = array<i32>} : memref<40x128xf32, #tpu.memory_space<vmem>>, vector<1x16xf32>,
        %get3A_208 = vector.shape_cast %get3A_207 : vector<1x16xf32> to vector<16xf32>
        %add3A_209 = arith.addf %get3A_202, %get3A_208 : vector<16xf32>
        %max3A_210 = arith.constant 0.000000e+00 : f32
        %max3A_211 = vector.broadcast %max3A_210 : f32 to vector<16xf32>
        %max3A_212 = arith.maximumf %add3A_209, %max3A_211 : vector<16xf32>
        %add3A_213 = arith.constant 0 : i32
        %add3A_214 = arith.addi %mul3A_130, %add3A_213 : i32
        %swap3A_215 = arith.index_cast %add3A_214 : i32 to index
        %swap3A_216 = arith.constant 48 : index
        %swap3A_217 = tpu.vector_load %arg12[%swap3A_215, %swap3A_216] {strides = array<i32>} : memref<40x128xf32, #tpu.memory_space<vmem>>, vector<1x16xf32>,
        %swap3A_218 = vector.shape_cast %swap3A_217 : vector<1x16xf32> to vector<16xf32>
        %swap3A_219 = vector.shape_cast %max3A_212 : vector<16xf32> to vector<1x16xf32>
        tpu.vector_store %arg12[%swap3A_215, %swap3A_216], %swap3A_219 {strides = array<i32>} : memref<40x128xf32, #tpu.memory_space<vmem>>, vector<1x16xf32>,
        %add3A_220 = arith.constant 0 : i32
        %add3A_221 = arith.addi %mul3A_130, %add3A_220 : i32
        %get3A_222 = arith.index_cast %add3A_221 : i32 to index
        %get3A_223 = arith.constant 64 : index
        %get3A_224 = tpu.vector_load %arg14[%get3A_222, %get3A_223] {strides = array<i32>} : memref<40x128xf32, #tpu.memory_space<vmem>>, vector<1x16xf32>,
        %get3A_225 = vector.shape_cast %get3A_224 : vector<1x16xf32> to vector<16xf32>
        %add3A_226 = arith.constant 0 : i32
        %add3A_227 = arith.addi %mul3A_130, %add3A_226 : i32
        %get3A_228 = arith.index_cast %add3A_227 : i32 to index
        %get3A_229 = arith.constant 64 : index
        %get3A_230 = tpu.vector_load %arg12[%get3A_228, %get3A_229] {strides = array<i32>} : memref<40x128xf32, #tpu.memory_space<vmem>>, vector<1x16xf32>,
        %get3A_231 = vector.shape_cast %get3A_230 : vector<1x16xf32> to vector<16xf32>
        %add3A_232 = arith.addf %get3A_225, %get3A_231 : vector<16xf32>
        %max3A_233 = arith.constant 0.000000e+00 : f32
        %max3A_234 = vector.broadcast %max3A_233 : f32 to vector<16xf32>
        %max3A_235 = arith.maximumf %add3A_232, %max3A_234 : vector<16xf32>
        %add3A_236 = arith.constant 0 : i32
        %add3A_237 = arith.addi %mul3A_130, %add3A_236 : i32
        %swap3A_238 = arith.index_cast %add3A_237 : i32 to index
        %swap3A_239 = arith.constant 64 : index
        %swap3A_240 = tpu.vector_load %arg12[%swap3A_238, %swap3A_239] {strides = array<i32>} : memref<40x128xf32, #tpu.memory_space<vmem>>, vector<1x16xf32>,
        %swap3A_241 = vector.shape_cast %swap3A_240 : vector<1x16xf32> to vector<16xf32>
        %swap3A_242 = vector.shape_cast %max3A_235 : vector<16xf32> to vector<1x16xf32>
        tpu.vector_store %arg12[%swap3A_238, %swap3A_239], %swap3A_242 {strides = array<i32>} : memref<40x128xf32, #tpu.memory_space<vmem>>, vector<1x16xf32>,
        %add3A_243 = arith.constant 0 : i32
        %add3A_244 = arith.addi %mul3A_130, %add3A_243 : i32
        %get3A_245 = arith.index_cast %add3A_244 : i32 to index
        %get3A_246 = arith.constant 80 : index
        %get3A_247 = tpu.vector_load %arg14[%get3A_245, %get3A_246] {strides = array<i32>} : memref<40x128xf32, #tpu.memory_space<vmem>>, vector<1x16xf32>,
        %get3A_248 = vector.shape_cast %get3A_247 : vector<1x16xf32> to vector<16xf32>
        %add3A_249 = arith.constant 0 : i32
        %add3A_250 = arith.addi %mul3A_130, %add3A_249 : i32
        %get3A_251 = arith.index_cast %add3A_250 : i32 to index
        %get3A_252 = arith.constant 80 : index
        %get3A_253 = tpu.vector_load %arg12[%get3A_251, %get3A_252] {strides = array<i32>} : memref<40x128xf32, #tpu.memory_space<vmem>>, vector<1x16xf32>,
        %get3A_254 = vector.shape_cast %get3A_253 : vector<1x16xf32> to vector<16xf32>
        %add3A_255 = arith.addf %get3A_248, %get3A_254 : vector<16xf32>
        %max3A_256 = arith.constant 0.000000e+00 : f32
        %max3A_257 = vector.broadcast %max3A_256 : f32 to vector<16xf32>
        %max3A_258 = arith.maximumf %add3A_255, %max3A_257 : vector<16xf32>
        %add3A_259 = arith.constant 0 : i32
        %add3A_260 = arith.addi %mul3A_130, %add3A_259 : i32
        %swap3A_261 = arith.index_cast %add3A_260 : i32 to index
        %swap3A_262 = arith.constant 80 : index
        %swap3A_263 = tpu.vector_load %arg12[%swap3A_261, %swap3A_262] {strides = array<i32>} : memref<40x128xf32, #tpu.memory_space<vmem>>, vector<1x16xf32>,
        %swap3A_264 = vector.shape_cast %swap3A_263 : vector<1x16xf32> to vector<16xf32>
        %swap3A_265 = vector.shape_cast %max3A_258 : vector<16xf32> to vector<1x16xf32>
        tpu.vector_store %arg12[%swap3A_261, %swap3A_262], %swap3A_265 {strides = array<i32>} : memref<40x128xf32, #tpu.memory_space<vmem>>, vector<1x16xf32>,
        %add3A_266 = arith.constant 0 : i32
        %add3A_267 = arith.addi %mul3A_130, %add3A_266 : i32
        %get3A_268 = arith.index_cast %add3A_267 : i32 to index
        %get3A_269 = arith.constant 96 : index
        %get3A_270 = tpu.vector_load %arg14[%get3A_268, %get3A_269] {strides = array<i32>} : memref<40x128xf32, #tpu.memory_space<vmem>>, vector<1x16xf32>,
        %get3A_271 = vector.shape_cast %get3A_270 : vector<1x16xf32> to vector<16xf32>
        %add3A_272 = arith.constant 0 : i32
        %add3A_273 = arith.addi %mul3A_130, %add3A_272 : i32
        %get3A_274 = arith.index_cast %add3A_273 : i32 to index
        %get3A_275 = arith.constant 96 : index
        %get3A_276 = tpu.vector_load %arg12[%get3A_274, %get3A_275] {strides = array<i32>} : memref<40x128xf32, #tpu.memory_space<vmem>>, vector<1x16xf32>,
        %get3A_277 = vector.shape_cast %get3A_276 : vector<1x16xf32> to vector<16xf32>
        %add3A_278 = arith.addf %get3A_271, %get3A_277 : vector<16xf32>
        %max3A_279 = arith.constant 0.000000e+00 : f32
        %max3A_280 = vector.broadcast %max3A_279 : f32 to vector<16xf32>
        %max3A_281 = arith.maximumf %add3A_278, %max3A_280 : vector<16xf32>
        %add3A_282 = arith.constant 0 : i32
        %add3A_283 = arith.addi %mul3A_130, %add3A_282 : i32
        %swap3A_284 = arith.index_cast %add3A_283 : i32 to index
        %swap3A_285 = arith.constant 96 : index
        %swap3A_286 = tpu.vector_load %arg12[%swap3A_284, %swap3A_285] {strides = array<i32>} : memref<40x128xf32, #tpu.memory_space<vmem>>, vector<1x16xf32>,
        %swap3A_287 = vector.shape_cast %swap3A_286 : vector<1x16xf32> to vector<16xf32>
        %swap3A_288 = vector.shape_cast %max3A_281 : vector<16xf32> to vector<1x16xf32>
        tpu.vector_store %arg12[%swap3A_284, %swap3A_285], %swap3A_288 {strides = array<i32>} : memref<40x128xf32, #tpu.memory_space<vmem>>, vector<1x16xf32>,
        %add3A_289 = arith.constant 0 : i32
        %add3A_290 = arith.addi %mul3A_130, %add3A_289 : i32
        %get3A_291 = arith.index_cast %add3A_290 : i32 to index
        %get3A_292 = arith.constant 112 : index
        %get3A_293 = tpu.vector_load %arg14[%get3A_291, %get3A_292] {strides = array<i32>} : memref<40x128xf32, #tpu.memory_space<vmem>>, vector<1x16xf32>,
        %get3A_294 = vector.shape_cast %get3A_293 : vector<1x16xf32> to vector<16xf32>
        %add3A_295 = arith.constant 0 : i32
        %add3A_296 = arith.addi %mul3A_130, %add3A_295 : i32
        %get3A_297 = arith.index_cast %add3A_296 : i32 to index
        %get3A_298 = arith.constant 112 : index
        %get3A_299 = tpu.vector_load %arg12[%get3A_297, %get3A_298] {strides = array<i32>} : memref<40x128xf32, #tpu.memory_space<vmem>>, vector<1x16xf32>,
        %get3A_300 = vector.shape_cast %get3A_299 : vector<1x16xf32> to vector<16xf32>
        %add3A_301 = arith.addf %get3A_294, %get3A_300 : vector<16xf32>
        %max3A_302 = arith.constant 0.000000e+00 : f32
        %max3A_303 = vector.broadcast %max3A_302 : f32 to vector<16xf32>
        %max3A_304 = arith.maximumf %add3A_301, %max3A_303 : vector<16xf32>
        %add3A_305 = arith.constant 0 : i32
        %add3A_306 = arith.addi %mul3A_130, %add3A_305 : i32
        %swap3A_307 = arith.index_cast %add3A_306 : i32 to index
        %swap3A_308 = arith.constant 112 : index
        %swap3A_309 = tpu.vector_load %arg12[%swap3A_307, %swap3A_308] {strides = array<i32>} : memref<40x128xf32, #tpu.memory_space<vmem>>, vector<1x16xf32>,
        %swap3A_310 = vector.shape_cast %swap3A_309 : vector<1x16xf32> to vector<16xf32>
        %swap3A_311 = vector.shape_cast %max3A_304 : vector<16xf32> to vector<1x16xf32>
        tpu.vector_store %arg12[%swap3A_307, %swap3A_308], %swap3A_311 {strides = array<i32>} : memref<40x128xf32, #tpu.memory_space<vmem>>, vector<1x16xf32>,
        %add3A_312 = arith.constant 1 : i32
        %add3A_313 = arith.addi %mul3A_130, %add3A_312 : i32
        %get3A_314 = arith.index_cast %add3A_313 : i32 to index
        %get3A_315 = arith.constant 0 : index
        %get3A_316 = tpu.vector_load %arg14[%get3A_314, %get3A_315] {strides = array<i32>} : memref<40x128xf32, #tpu.memory_space<vmem>>, vector<1x16xf32>,
        %get3A_317 = vector.shape_cast %get3A_316 : vector<1x16xf32> to vector<16xf32>
        %add3A_318 = arith.constant 1 : i32
        %add3A_319 = arith.addi %mul3A_130, %add3A_318 : i32
        %get3A_320 = arith.index_cast %add3A_319 : i32 to index
        %get3A_321 = arith.constant 0 : index
        %get3A_322 = tpu.vector_load %arg12[%get3A_320, %get3A_321] {strides = array<i32>} : memref<40x128xf32, #tpu.memory_space<vmem>>, vector<1x16xf32>,
        %get3A_323 = vector.shape_cast %get3A_322 : vector<1x16xf32> to vector<16xf32>
        %add3A_324 = arith.addf %get3A_317, %get3A_323 : vector<16xf32>
        %max3A_325 = arith.constant 0.000000e+00 : f32
        %max3A_326 = vector.broadcast %max3A_325 : f32 to vector<16xf32>
        %max3A_327 = arith.maximumf %add3A_324, %max3A_326 : vector<16xf32>
        %add3A_328 = arith.constant 1 : i32
        %add3A_329 = arith.addi %mul3A_130, %add3A_328 : i32
        %swap3A_330 = arith.index_cast %add3A_329 : i32 to index
        %swap3A_331 = arith.constant 0 : index
        %swap3A_332 = tpu.vector_load %arg12[%swap3A_330, %swap3A_331] {strides = array<i32>} : memref<40x128xf32, #tpu.memory_space<vmem>>, vector<1x16xf32>,
        %swap3A_333 = vector.shape_cast %swap3A_332 : vector<1x16xf32> to vector<16xf32>
        %swap3A_334 = vector.shape_cast %max3A_327 : vector<16xf32> to vector<1x16xf32>
        tpu.vector_store %arg12[%swap3A_330, %swap3A_331], %swap3A_334 {strides = array<i32>} : memref<40x128xf32, #tpu.memory_space<vmem>>, vector<1x16xf32>,
        %add3A_335 = arith.constant 1 : i32
        %add3A_336 = arith.addi %mul3A_130, %add3A_335 : i32
        %get3A_337 = arith.index_cast %add3A_336 : i32 to index
        %get3A_338 = arith.constant 16 : index
        %get3A_339 = tpu.vector_load %arg14[%get3A_337, %get3A_338] {strides = array<i32>} : memref<40x128xf32, #tpu.memory_space<vmem>>, vector<1x16xf32>,
        %get3A_340 = vector.shape_cast %get3A_339 : vector<1x16xf32> to vector<16xf32>
        %add3A_341 = arith.constant 1 : i32
        %add3A_342 = arith.addi %mul3A_130, %add3A_341 : i32
        %get3A_343 = arith.index_cast %add3A_342 : i32 to index
        %get3A_344 = arith.constant 16 : index
        %get3A_345 = tpu.vector_load %arg12[%get3A_343, %get3A_344] {strides = array<i32>} : memref<40x128xf32, #tpu.memory_space<vmem>>, vector<1x16xf32>,
        %get3A_346 = vector.shape_cast %get3A_345 : vector<1x16xf32> to vector<16xf32>
        %add3A_347 = arith.addf %get3A_340, %get3A_346 : vector<16xf32>
        %max3A_348 = arith.constant 0.000000e+00 : f32
        %max3A_349 = vector.broadcast %max3A_348 : f32 to vector<16xf32>
        %max3A_350 = arith.maximumf %add3A_347, %max3A_349 : vector<16xf32>
        %add3A_351 = arith.constant 1 : i32
        %add3A_352 = arith.addi %mul3A_130, %add3A_351 : i32
        %swap3A_353 = arith.index_cast %add3A_352 : i32 to index
        %swap3A_354 = arith.constant 16 : index
        %swap3A_355 = tpu.vector_load %arg12[%swap3A_353, %swap3A_354] {strides = array<i32>} : memref<40x128xf32, #tpu.memory_space<vmem>>, vector<1x16xf32>,
        %swap3A_356 = vector.shape_cast %swap3A_355 : vector<1x16xf32> to vector<16xf32>
        %swap3A_357 = vector.shape_cast %max3A_350 : vector<16xf32> to vector<1x16xf32>
        tpu.vector_store %arg12[%swap3A_353, %swap3A_354], %swap3A_357 {strides = array<i32>} : memref<40x128xf32, #tpu.memory_space<vmem>>, vector<1x16xf32>,
        %add3A_358 = arith.constant 1 : i32
        %add3A_359 = arith.addi %mul3A_130, %add3A_358 : i32
        %get3A_360 = arith.index_cast %add3A_359 : i32 to index
        %get3A_361 = arith.constant 32 : index
        %get3A_362 = tpu.vector_load %arg14[%get3A_360, %get3A_361] {strides = array<i32>} : memref<40x128xf32, #tpu.memory_space<vmem>>, vector<1x16xf32>,
        %get3A_363 = vector.shape_cast %get3A_362 : vector<1x16xf32> to vector<16xf32>
        %add3A_364 = arith.constant 1 : i32
        %add3A_365 = arith.addi %mul3A_130, %add3A_364 : i32
        %get3A_366 = arith.index_cast %add3A_365 : i32 to index
        %get3A_367 = arith.constant 32 : index
        %get3A_368 = tpu.vector_load %arg12[%get3A_366, %get3A_367] {strides = array<i32>} : memref<40x128xf32, #tpu.memory_space<vmem>>, vector<1x16xf32>,
        %get3A_369 = vector.shape_cast %get3A_368 : vector<1x16xf32> to vector<16xf32>
        %add3A_370 = arith.addf %get3A_363, %get3A_369 : vector<16xf32>
        %max3A_371 = arith.constant 0.000000e+00 : f32
        %max3A_372 = vector.broadcast %max3A_371 : f32 to vector<16xf32>
        %max3A_373 = arith.maximumf %add3A_370, %max3A_372 : vector<16xf32>
        %add3A_374 = arith.constant 1 : i32
        %add3A_375 = arith.addi %mul3A_130, %add3A_374 : i32
        %swap3A_376 = arith.index_cast %add3A_375 : i32 to index
        %swap3A_377 = arith.constant 32 : index
        %swap3A_378 = tpu.vector_load %arg12[%swap3A_376, %swap3A_377] {strides = array<i32>} : memref<40x128xf32, #tpu.memory_space<vmem>>, vector<1x16xf32>,
        %swap3A_379 = vector.shape_cast %swap3A_378 : vector<1x16xf32> to vector<16xf32>
        %swap3A_380 = vector.shape_cast %max3A_373 : vector<16xf32> to vector<1x16xf32>
        tpu.vector_store %arg12[%swap3A_376, %swap3A_377], %swap3A_380 {strides = array<i32>} : memref<40x128xf32, #tpu.memory_space<vmem>>, vector<1x16xf32>,
        %add3A_381 = arith.constant 1 : i32
        %add3A_382 = arith.addi %mul3A_130, %add3A_381 : i32
        %get3A_383 = arith.index_cast %add3A_382 : i32 to index
        %get3A_384 = arith.constant 48 : index
        %get3A_385 = tpu.vector_load %arg14[%get3A_383, %get3A_384] {strides = array<i32>} : memref<40x128xf32, #tpu.memory_space<vmem>>, vector<1x16xf32>,
        %get3A_386 = vector.shape_cast %get3A_385 : vector<1x16xf32> to vector<16xf32>
        %add3A_387 = arith.constant 1 : i32
        %add3A_388 = arith.addi %mul3A_130, %add3A_387 : i32
        %get3A_389 = arith.index_cast %add3A_388 : i32 to index
        %get3A_390 = arith.constant 48 : index
        %get3A_391 = tpu.vector_load %arg12[%get3A_389, %get3A_390] {strides = array<i32>} : memref<40x128xf32, #tpu.memory_space<vmem>>, vector<1x16xf32>,
        %get3A_392 = vector.shape_cast %get3A_391 : vector<1x16xf32> to vector<16xf32>
        %add3A_393 = arith.addf %get3A_386, %get3A_392 : vector<16xf32>
        %max3A_394 = arith.constant 0.000000e+00 : f32
        %max3A_395 = vector.broadcast %max3A_394 : f32 to vector<16xf32>
        %max3A_396 = arith.maximumf %add3A_393, %max3A_395 : vector<16xf32>
        %add3A_397 = arith.constant 1 : i32
        %add3A_398 = arith.addi %mul3A_130, %add3A_397 : i32
        %swap3A_399 = arith.index_cast %add3A_398 : i32 to index
        %swap3A_400 = arith.constant 48 : index
        %swap3A_401 = tpu.vector_load %arg12[%swap3A_399, %swap3A_400] {strides = array<i32>} : memref<40x128xf32, #tpu.memory_space<vmem>>, vector<1x16xf32>,
        %swap3A_402 = vector.shape_cast %swap3A_401 : vector<1x16xf32> to vector<16xf32>
        %swap3A_403 = vector.shape_cast %max3A_396 : vector<16xf32> to vector<1x16xf32>
        tpu.vector_store %arg12[%swap3A_399, %swap3A_400], %swap3A_403 {strides = array<i32>} : memref<40x128xf32, #tpu.memory_space<vmem>>, vector<1x16xf32>,
        %add3A_404 = arith.constant 1 : i32
        %add3A_405 = arith.addi %mul3A_130, %add3A_404 : i32
        %get3A_406 = arith.index_cast %add3A_405 : i32 to index
        %get3A_407 = arith.constant 64 : index
        %get3A_408 = tpu.vector_load %arg14[%get3A_406, %get3A_407] {strides = array<i32>} : memref<40x128xf32, #tpu.memory_space<vmem>>, vector<1x16xf32>,
        %get3A_409 = vector.shape_cast %get3A_408 : vector<1x16xf32> to vector<16xf32>
        %add3A_410 = arith.constant 1 : i32
        %add3A_411 = arith.addi %mul3A_130, %add3A_410 : i32
        %get3A_412 = arith.index_cast %add3A_411 : i32 to index
        %get3A_413 = arith.constant 64 : index
        %get3A_414 = tpu.vector_load %arg12[%get3A_412, %get3A_413] {strides = array<i32>} : memref<40x128xf32, #tpu.memory_space<vmem>>, vector<1x16xf32>,
        %get3A_415 = vector.shape_cast %get3A_414 : vector<1x16xf32> to vector<16xf32>
        %add3A_416 = arith.addf %get3A_409, %get3A_415 : vector<16xf32>
        %max3A_417 = arith.constant 0.000000e+00 : f32
        %max3A_418 = vector.broadcast %max3A_417 : f32 to vector<16xf32>
        %max3A_419 = arith.maximumf %add3A_416, %max3A_418 : vector<16xf32>
        %add3A_420 = arith.constant 1 : i32
        %add3A_421 = arith.addi %mul3A_130, %add3A_420 : i32
        %swap3A_422 = arith.index_cast %add3A_421 : i32 to index
        %swap3A_423 = arith.constant 64 : index
        %swap3A_424 = tpu.vector_load %arg12[%swap3A_422, %swap3A_423] {strides = array<i32>} : memref<40x128xf32, #tpu.memory_space<vmem>>, vector<1x16xf32>,
        %swap3A_425 = vector.shape_cast %swap3A_424 : vector<1x16xf32> to vector<16xf32>
        %swap3A_426 = vector.shape_cast %max3A_419 : vector<16xf32> to vector<1x16xf32>
        tpu.vector_store %arg12[%swap3A_422, %swap3A_423], %swap3A_426 {strides = array<i32>} : memref<40x128xf32, #tpu.memory_space<vmem>>, vector<1x16xf32>,
        %add3A_427 = arith.constant 1 : i32
        %add3A_428 = arith.addi %mul3A_130, %add3A_427 : i32
        %get3A_429 = arith.index_cast %add3A_428 : i32 to index
        %get3A_430 = arith.constant 80 : index
        %get3A_431 = tpu.vector_load %arg14[%get3A_429, %get3A_430] {strides = array<i32>} : memref<40x128xf32, #tpu.memory_space<vmem>>, vector<1x16xf32>,
        %get3A_432 = vector.shape_cast %get3A_431 : vector<1x16xf32> to vector<16xf32>
        %add3A_433 = arith.constant 1 : i32
        %add3A_434 = arith.addi %mul3A_130, %add3A_433 : i32
        %get3A_435 = arith.index_cast %add3A_434 : i32 to index
        %get3A_436 = arith.constant 80 : index
        %get3A_437 = tpu.vector_load %arg12[%get3A_435, %get3A_436] {strides = array<i32>} : memref<40x128xf32, #tpu.memory_space<vmem>>, vector<1x16xf32>,
        %get3A_438 = vector.shape_cast %get3A_437 : vector<1x16xf32> to vector<16xf32>
        %add3A_439 = arith.addf %get3A_432, %get3A_438 : vector<16xf32>
        %max3A_440 = arith.constant 0.000000e+00 : f32
        %max3A_441 = vector.broadcast %max3A_440 : f32 to vector<16xf32>
        %max3A_442 = arith.maximumf %add3A_439, %max3A_441 : vector<16xf32>
        %add3A_443 = arith.constant 1 : i32
        %add3A_444 = arith.addi %mul3A_130, %add3A_443 : i32
        %swap3A_445 = arith.index_cast %add3A_444 : i32 to index
        %swap3A_446 = arith.constant 80 : index
        %swap3A_447 = tpu.vector_load %arg12[%swap3A_445, %swap3A_446] {strides = array<i32>} : memref<40x128xf32, #tpu.memory_space<vmem>>, vector<1x16xf32>,
        %swap3A_448 = vector.shape_cast %swap3A_447 : vector<1x16xf32> to vector<16xf32>
        %swap3A_449 = vector.shape_cast %max3A_442 : vector<16xf32> to vector<1x16xf32>
        tpu.vector_store %arg12[%swap3A_445, %swap3A_446], %swap3A_449 {strides = array<i32>} : memref<40x128xf32, #tpu.memory_space<vmem>>, vector<1x16xf32>,
        %add3A_450 = arith.constant 1 : i32
        %add3A_451 = arith.addi %mul3A_130, %add3A_450 : i32
        %get3A_452 = arith.index_cast %add3A_451 : i32 to index
        %get3A_453 = arith.constant 96 : index
        %get3A_454 = tpu.vector_load %arg14[%get3A_452, %get3A_453] {strides = array<i32>} : memref<40x128xf32, #tpu.memory_space<vmem>>, vector<1x16xf32>,
        %get3A_455 = vector.shape_cast %get3A_454 : vector<1x16xf32> to vector<16xf32>
        %add3A_456 = arith.constant 1 : i32
        %add3A_457 = arith.addi %mul3A_130, %add3A_456 : i32
        %get3A_458 = arith.index_cast %add3A_457 : i32 to index
        %get3A_459 = arith.constant 96 : index
        %get3A_460 = tpu.vector_load %arg12[%get3A_458, %get3A_459] {strides = array<i32>} : memref<40x128xf32, #tpu.memory_space<vmem>>, vector<1x16xf32>,
        %get3A_461 = vector.shape_cast %get3A_460 : vector<1x16xf32> to vector<16xf32>
        %add3A_462 = arith.addf %get3A_455, %get3A_461 : vector<16xf32>
        %max3A_463 = arith.constant 0.000000e+00 : f32
        %max3A_464 = vector.broadcast %max3A_463 : f32 to vector<16xf32>
        %max3A_465 = arith.maximumf %add3A_462, %max3A_464 : vector<16xf32>
        %add3A_466 = arith.constant 1 : i32
        %add3A_467 = arith.addi %mul3A_130, %add3A_466 : i32
        %swap3A_468 = arith.index_cast %add3A_467 : i32 to index
        %swap3A_469 = arith.constant 96 : index
        %swap3A_470 = tpu.vector_load %arg12[%swap3A_468, %swap3A_469] {strides = array<i32>} : memref<40x128xf32, #tpu.memory_space<vmem>>, vector<1x16xf32>,
        %swap3A_471 = vector.shape_cast %swap3A_470 : vector<1x16xf32> to vector<16xf32>
        %swap3A_472 = vector.shape_cast %max3A_465 : vector<16xf32> to vector<1x16xf32>
        tpu.vector_store %arg12[%swap3A_468, %swap3A_469], %swap3A_472 {strides = array<i32>} : memref<40x128xf32, #tpu.memory_space<vmem>>, vector<1x16xf32>,
        %add3A_473 = arith.constant 1 : i32
        %add3A_474 = arith.addi %mul3A_130, %add3A_473 : i32
        %get3A_475 = arith.index_cast %add3A_474 : i32 to index
        %get3A_476 = arith.constant 112 : index
        %get3A_477 = tpu.vector_load %arg14[%get3A_475, %get3A_476] {strides = array<i32>} : memref<40x128xf32, #tpu.memory_space<vmem>>, vector<1x16xf32>,
        %get3A_478 = vector.shape_cast %get3A_477 : vector<1x16xf32> to vector<16xf32>
        %add3A_479 = arith.constant 1 : i32
        %add3A_480 = arith.addi %mul3A_130, %add3A_479 : i32
        %get3A_481 = arith.index_cast %add3A_480 : i32 to index
        %get3A_482 = arith.constant 112 : index
        %get3A_483 = tpu.vector_load %arg12[%get3A_481, %get3A_482] {strides = array<i32>} : memref<40x128xf32, #tpu.memory_space<vmem>>, vector<1x16xf32>,
        %get3A_484 = vector.shape_cast %get3A_483 : vector<1x16xf32> to vector<16xf32>
        %add3A_485 = arith.addf %get3A_478, %get3A_484 : vector<16xf32>
        %max3A_486 = arith.constant 0.000000e+00 : f32
        %max3A_487 = vector.broadcast %max3A_486 : f32 to vector<16xf32>
        %max3A_488 = arith.maximumf %add3A_485, %max3A_487 : vector<16xf32>
        %add3A_489 = arith.constant 1 : i32
        %add3A_490 = arith.addi %mul3A_130, %add3A_489 : i32
        %swap3A_491 = arith.index_cast %add3A_490 : i32 to index
        %swap3A_492 = arith.constant 112 : index
        %swap3A_493 = tpu.vector_load %arg12[%swap3A_491, %swap3A_492] {strides = array<i32>} : memref<40x128xf32, #tpu.memory_space<vmem>>, vector<1x16xf32>,
        %swap3A_494 = vector.shape_cast %swap3A_493 : vector<1x16xf32> to vector<16xf32>
        %swap3A_495 = vector.shape_cast %max3A_488 : vector<16xf32> to vector<1x16xf32>
        tpu.vector_store %arg12[%swap3A_491, %swap3A_492], %swap3A_495 {strides = array<i32>} : memref<40x128xf32, #tpu.memory_space<vmem>>, vector<1x16xf32>,
      }
      %scan3A_118 = arith.constant 20 : i32
      %dma_start3A_119 = arith.constant 0 : i32
      %dma_start3A_120 = arith.constant 0 : i32
      %dma_start3A_121 = tpu.memref_slice %arg16[%dma_start3A_119, %dma_start3A_120] : memref<10240x128xf32, #tpu.memory_space<vmem_shared>> -> memref<10240x128xf32, #tpu.memory_space<vmem_shared>>
      tpu.enqueue_indirect_dma source(%arg12 : memref<40x128xf32, #tpu.memory_space<vmem>>) target(%dma_start3A_121 : memref<10240x128xf32, #tpu.memory_space<vmem_shared>>) offsets(%arg10 : memref<40xi32, #tpu.memory_space<vmem>>) semaphore(%arg24 : memref<!tpu.dma_semaphore, #tpu.memory_space<semaphore_mem>>) {add = true}
      %dma_wait3A_122 = arith.constant 0 : i32
      %dma_wait3A_123 = arith.constant 0 : i32
      %dma_wait3A_124 = tpu.memref_slice %arg16[%dma_wait3A_122, %dma_wait3A_123] : memref<10240x128xf32, #tpu.memory_space<vmem_shared>> -> memref<10240x128xf32, #tpu.memory_space<vmem_shared>>
      tpu.wait_indirect_dma semaphore(%arg23 : memref<!tpu.dma_semaphore, #tpu.memory_space<semaphore_mem>>) src(%arg11 : memref<40x128xf32, #tpu.memory_space<vmem>>) dst(%dma_wait3A_124 : memref<10240x128xf32, #tpu.memory_space<vmem_shared>>)
      %dma_wait3A_125 = arith.constant 0 : i32
      %dma_wait3A_126 = arith.constant 0 : i32
      %dma_wait3A_127 = tpu.memref_slice %arg16[%dma_wait3A_125, %dma_wait3A_126] : memref<10240x128xf32, #tpu.memory_space<vmem_shared>> -> memref<10240x128xf32, #tpu.memory_space<vmem_shared>>
      tpu.wait_indirect_dma semaphore(%arg24 : memref<!tpu.dma_semaphore, #tpu.memory_space<semaphore_mem>>) src(%arg12 : memref<40x128xf32, #tpu.memory_space<vmem>>) dst(%dma_wait3A_127 : memref<10240x128xf32, #tpu.memory_space<vmem_shared>>)
    }
    %scan3A_25 = arith.constant 125 : i32
    %barrier3A_26 = arith.constant 0 : index
    tpu.barrier barrier_id(%barrier3A_26)
    %mul3A_27 = arith.constant 640 : i32
    %mul3A_28 = arith.muli %arg1, %mul3A_27 : i32
    %add3A_29 = arith.constant 0 : i32
    %add3A_30 = arith.addi %mul3A_28, %add3A_29 : i32
    "tpu.region"() ({
      %run_scoped3A = tpu.sem_alloc : memref<!tpu.dma_semaphore, #tpu.memory_space<semaphore_mem>>
      %dma_start3A = arith.constant 0 : i32
      %dma_start3A_47 = tpu.memref_slice %arg6[%arg0, %add3A_30, %dma_start3A] : memref<2x10240x128xf32, #tpu.memory_space<hbm>> -> memref<1x128x128xf32, #tpu.memory_space<hbm>>
      %dma_start3A_48 = tpu.memref_squeeze %dma_start3A_47 : memref<1x128x128xf32, #tpu.memory_space<hbm>> -> memref<128x128xf32, #tpu.memory_space<hbm>>
      %dma_start3A_49 = arith.constant 0 : i32
      %dma_start3A_50 = tpu.memref_slice %arg16[%add3A_30, %dma_start3A_49] : memref<10240x128xf32, #tpu.memory_space<vmem_shared>> -> memref<128x128xf32, #tpu.memory_space<vmem_shared>>
      tpu.enqueue_dma source(%dma_start3A_50 : memref<128x128xf32, #tpu.memory_space<vmem_shared>>) target(%dma_start3A_48 : memref<128x128xf32, #tpu.memory_space<hbm>>) target_semaphore(%run_scoped3A : memref<!tpu.dma_semaphore, #tpu.memory_space<semaphore_mem>>)
      %dma_wait3A = arith.constant 0 : i32
      %dma_wait3A_51 = tpu.memref_slice %arg6[%arg0, %add3A_30, %dma_wait3A] : memref<2x10240x128xf32, #tpu.memory_space<hbm>> -> memref<1x128x128xf32, #tpu.memory_space<hbm>>
      %dma_wait3A_52 = tpu.memref_squeeze %dma_wait3A_51 : memref<1x128x128xf32, #tpu.memory_space<hbm>> -> memref<128x128xf32, #tpu.memory_space<hbm>>
      %dma_wait3A_53 = arith.constant 0 : i32
      %dma_wait3A_54 = tpu.memref_slice %arg16[%add3A_30, %dma_wait3A_53] : memref<10240x128xf32, #tpu.memory_space<vmem_shared>> -> memref<128x128xf32, #tpu.memory_space<vmem_shared>>
      tpu.wait_dma2 semaphore(%run_scoped3A : memref<!tpu.dma_semaphore, #tpu.memory_space<semaphore_mem>>) src(%dma_wait3A_54 : memref<128x128xf32, #tpu.memory_space<vmem_shared>>) dst(%dma_wait3A_52 : memref<128x128xf32, #tpu.memory_space<hbm>>)
      tpu.yield
    }) : () -> ()
    %mul3A_31 = arith.constant 640 : i32
    %mul3A_32 = arith.muli %arg1, %mul3A_31 : i32
    %add3A_33 = arith.constant 128 : i32
    %add3A_34 = arith.addi %mul3A_32, %add3A_33 : i32
    "tpu.region"() ({
      %run_scoped3A = tpu.sem_alloc : memref<!tpu.dma_semaphore, #tpu.memory_space<semaphore_mem>>
      %dma_start3A = arith.constant 0 : i32
      %dma_start3A_47 = tpu.memref_slice %arg6[%arg0, %add3A_34, %dma_start3A] : memref<2x10240x128xf32, #tpu.memory_space<hbm>> -> memref<1x128x128xf32, #tpu.memory_space<hbm>>
      %dma_start3A_48 = tpu.memref_squeeze %dma_start3A_47 : memref<1x128x128xf32, #tpu.memory_space<hbm>> -> memref<128x128xf32, #tpu.memory_space<hbm>>
      %dma_start3A_49 = arith.constant 0 : i32
      %dma_start3A_50 = tpu.memref_slice %arg16[%add3A_34, %dma_start3A_49] : memref<10240x128xf32, #tpu.memory_space<vmem_shared>> -> memref<128x128xf32, #tpu.memory_space<vmem_shared>>
      tpu.enqueue_dma source(%dma_start3A_50 : memref<128x128xf32, #tpu.memory_space<vmem_shared>>) target(%dma_start3A_48 : memref<128x128xf32, #tpu.memory_space<hbm>>) target_semaphore(%run_scoped3A : memref<!tpu.dma_semaphore, #tpu.memory_space<semaphore_mem>>)
      %dma_wait3A = arith.constant 0 : i32
      %dma_wait3A_51 = tpu.memref_slice %arg6[%arg0, %add3A_34, %dma_wait3A] : memref<2x10240x128xf32, #tpu.memory_space<hbm>> -> memref<1x128x128xf32, #tpu.memory_space<hbm>>
      %dma_wait3A_52 = tpu.memref_squeeze %dma_wait3A_51 : memref<1x128x128xf32, #tpu.memory_space<hbm>> -> memref<128x128xf32, #tpu.memory_space<hbm>>
      %dma_wait3A_53 = arith.constant 0 : i32
      %dma_wait3A_54 = tpu.memref_slice %arg16[%add3A_34, %dma_wait3A_53] : memref<10240x128xf32, #tpu.memory_space<vmem_shared>> -> memref<128x128xf32, #tpu.memory_space<vmem_shared>>
      tpu.wait_dma2 semaphore(%run_scoped3A : memref<!tpu.dma_semaphore, #tpu.memory_space<semaphore_mem>>) src(%dma_wait3A_54 : memref<128x128xf32, #tpu.memory_space<vmem_shared>>) dst(%dma_wait3A_52 : memref<128x128xf32, #tpu.memory_space<hbm>>)
      tpu.yield
    }) : () -> ()
    %mul3A_35 = arith.constant 640 : i32
    %mul3A_36 = arith.muli %arg1, %mul3A_35 : i32
    %add3A_37 = arith.constant 256 : i32
    %add3A_38 = arith.addi %mul3A_36, %add3A_37 : i32
    "tpu.region"() ({
      %run_scoped3A = tpu.sem_alloc : memref<!tpu.dma_semaphore, #tpu.memory_space<semaphore_mem>>
      %dma_start3A = arith.constant 0 : i32
      %dma_start3A_47 = tpu.memref_slice %arg6[%arg0, %add3A_38, %dma_start3A] : memref<2x10240x128xf32, #tpu.memory_space<hbm>> -> memref<1x128x128xf32, #tpu.memory_space<hbm>>
      %dma_start3A_48 = tpu.memref_squeeze %dma_start3A_47 : memref<1x128x128xf32, #tpu.memory_space<hbm>> -> memref<128x128xf32, #tpu.memory_space<hbm>>
      %dma_start3A_49 = arith.constant 0 : i32
      %dma_start3A_50 = tpu.memref_slice %arg16[%add3A_38, %dma_start3A_49] : memref<10240x128xf32, #tpu.memory_space<vmem_shared>> -> memref<128x128xf32, #tpu.memory_space<vmem_shared>>
      tpu.enqueue_dma source(%dma_start3A_50 : memref<128x128xf32, #tpu.memory_space<vmem_shared>>) target(%dma_start3A_48 : memref<128x128xf32, #tpu.memory_space<hbm>>) target_semaphore(%run_scoped3A : memref<!tpu.dma_semaphore, #tpu.memory_space<semaphore_mem>>)
      %dma_wait3A = arith.constant 0 : i32
      %dma_wait3A_51 = tpu.memref_slice %arg6[%arg0, %add3A_38, %dma_wait3A] : memref<2x10240x128xf32, #tpu.memory_space<hbm>> -> memref<1x128x128xf32, #tpu.memory_space<hbm>>
      %dma_wait3A_52 = tpu.memref_squeeze %dma_wait3A_51 : memref<1x128x128xf32, #tpu.memory_space<hbm>> -> memref<128x128xf32, #tpu.memory_space<hbm>>
      %dma_wait3A_53 = arith.constant 0 : i32
      %dma_wait3A_54 = tpu.memref_slice %arg16[%add3A_38, %dma_wait3A_53] : memref<10240x128xf32, #tpu.memory_space<vmem_shared>> -> memref<128x128xf32, #tpu.memory_space<vmem_shared>>
      tpu.wait_dma2 semaphore(%run_scoped3A : memref<!tpu.dma_semaphore, #tpu.memory_space<semaphore_mem>>) src(%dma_wait3A_54 : memref<128x128xf32, #tpu.memory_space<vmem_shared>>) dst(%dma_wait3A_52 : memref<128x128xf32, #tpu.memory_space<hbm>>)
      tpu.yield
    }) : () -> ()
    %mul3A_39 = arith.constant 640 : i32
    %mul3A_40 = arith.muli %arg1, %mul3A_39 : i32
    %add3A_41 = arith.constant 384 : i32
    %add3A_42 = arith.addi %mul3A_40, %add3A_41 : i32
    "tpu.region"() ({
      %run_scoped3A = tpu.sem_alloc : memref<!tpu.dma_semaphore, #tpu.memory_space<semaphore_mem>>
      %dma_start3A = arith.constant 0 : i32
      %dma_start3A_47 = tpu.memref_slice %arg6[%arg0, %add3A_42, %dma_start3A] : memref<2x10240x128xf32, #tpu.memory_space<hbm>> -> memref<1x128x128xf32, #tpu.memory_space<hbm>>
      %dma_start3A_48 = tpu.memref_squeeze %dma_start3A_47 : memref<1x128x128xf32, #tpu.memory_space<hbm>> -> memref<128x128xf32, #tpu.memory_space<hbm>>
      %dma_start3A_49 = arith.constant 0 : i32
      %dma_start3A_50 = tpu.memref_slice %arg16[%add3A_42, %dma_start3A_49] : memref<10240x128xf32, #tpu.memory_space<vmem_shared>> -> memref<128x128xf32, #tpu.memory_space<vmem_shared>>
      tpu.enqueue_dma source(%dma_start3A_50 : memref<128x128xf32, #tpu.memory_space<vmem_shared>>) target(%dma_start3A_48 : memref<128x128xf32, #tpu.memory_space<hbm>>) target_semaphore(%run_scoped3A : memref<!tpu.dma_semaphore, #tpu.memory_space<semaphore_mem>>)
      %dma_wait3A = arith.constant 0 : i32
      %dma_wait3A_51 = tpu.memref_slice %arg6[%arg0, %add3A_42, %dma_wait3A] : memref<2x10240x128xf32, #tpu.memory_space<hbm>> -> memref<1x128x128xf32, #tpu.memory_space<hbm>>
      %dma_wait3A_52 = tpu.memref_squeeze %dma_wait3A_51 : memref<1x128x128xf32, #tpu.memory_space<hbm>> -> memref<128x128xf32, #tpu.memory_space<hbm>>
      %dma_wait3A_53 = arith.constant 0 : i32
      %dma_wait3A_54 = tpu.memref_slice %arg16[%add3A_42, %dma_wait3A_53] : memref<10240x128xf32, #tpu.memory_space<vmem_shared>> -> memref<128x128xf32, #tpu.memory_space<vmem_shared>>
      tpu.wait_dma2 semaphore(%run_scoped3A : memref<!tpu.dma_semaphore, #tpu.memory_space<semaphore_mem>>) src(%dma_wait3A_54 : memref<128x128xf32, #tpu.memory_space<vmem_shared>>) dst(%dma_wait3A_52 : memref<128x128xf32, #tpu.memory_space<hbm>>)
      tpu.yield
    }) : () -> ()
    %mul3A_43 = arith.constant 640 : i32
    %mul3A_44 = arith.muli %arg1, %mul3A_43 : i32
    %add3A_45 = arith.constant 512 : i32
    %add3A_46 = arith.addi %mul3A_44, %add3A_45 : i32
    "tpu.region"() ({
      %run_scoped3A = tpu.sem_alloc : memref<!tpu.dma_semaphore, #tpu.memory_space<semaphore_mem>>
      %dma_start3A = arith.constant 0 : i32
      %dma_start3A_47 = tpu.memref_slice %arg6[%arg0, %add3A_46, %dma_start3A] : memref<2x10240x128xf32, #tpu.memory_space<hbm>> -> memref<1x128x128xf32, #tpu.memory_space<hbm>>
      %dma_start3A_48 = tpu.memref_squeeze %dma_start3A_47 : memref<1x128x128xf32, #tpu.memory_space<hbm>> -> memref<128x128xf32, #tpu.memory_space<hbm>>
      %dma_start3A_49 = arith.constant 0 : i32
      %dma_start3A_50 = tpu.memref_slice %arg16[%add3A_46, %dma_start3A_49] : memref<10240x128xf32, #tpu.memory_space<vmem_shared>> -> memref<128x128xf32, #tpu.memory_space<vmem_shared>>
      tpu.enqueue_dma source(%dma_start3A_50 : memref<128x128xf32, #tpu.memory_space<vmem_shared>>) target(%dma_start3A_48 : memref<128x128xf32, #tpu.memory_space<hbm>>) target_semaphore(%run_scoped3A : memref<!tpu.dma_semaphore, #tpu.memory_space<semaphore_mem>>)
      %dma_wait3A = arith.constant 0 : i32
      %dma_wait3A_51 = tpu.memref_slice %arg6[%arg0, %add3A_46, %dma_wait3A] : memref<2x10240x128xf32, #tpu.memory_space<hbm>> -> memref<1x128x128xf32, #tpu.memory_space<hbm>>
      %dma_wait3A_52 = tpu.memref_squeeze %dma_wait3A_51 : memref<1x128x128xf32, #tpu.memory_space<hbm>> -> memref<128x128xf32, #tpu.memory_space<hbm>>
      %dma_wait3A_53 = arith.constant 0 : i32
      %dma_wait3A_54 = tpu.memref_slice %arg16[%add3A_46, %dma_wait3A_53] : memref<10240x128xf32, #tpu.memory_space<vmem_shared>> -> memref<128x128xf32, #tpu.memory_space<vmem_shared>>
      tpu.wait_dma2 semaphore(%run_scoped3A : memref<!tpu.dma_semaphore, #tpu.memory_space<semaphore_mem>>) src(%dma_wait3A_54 : memref<128x128xf32, #tpu.memory_space<vmem_shared>>) dst(%dma_wait3A_52 : memref<128x128xf32, #tpu.memory_space<hbm>>)
      tpu.yield
    }) : () -> ()
    return
  }
}

#map = affine_map<(d0, d1) -> (0, 0)>
#map1 = affine_map<(d0, d1) -> (0)>
#map2 = affine_map<(d0, d1) -> (0, 0, 0)>
module attributes {stable_mosaic.version = 14 : i64} {
  func.func @_sc_msg_body(%arg0: i32, %arg1: i32, %arg2: memref<320000x128xf32, #tpu.memory_space<hbm>>, %arg3: memref<10000x128xf32, #tpu.memory_space<hbm>>, %arg4: memref<320000xi32, #tpu.memory_space<hbm>>, %arg5: memref<320000xi32, #tpu.memory_space<hbm>>, %arg6: memref<2x10240x128xf32, #tpu.memory_space<hbm>>, %arg7: memref<40xi32, #tpu.memory_space<vmem>>, %arg8: memref<40xi32, #tpu.memory_space<vmem>>, %arg9: memref<40xi32, #tpu.memory_space<vmem>>, %arg10: memref<40xi32, #tpu.memory_space<vmem>>, %arg11: memref<40x128xf32, #tpu.memory_space<vmem>>, %arg12: memref<40x128xf32, #tpu.memory_space<vmem>>, %arg13: memref<40x128xf32, #tpu.memory_space<vmem>>, %arg14: memref<40x128xf32, #tpu.memory_space<vmem>>, %arg15: memref<128x128xf32, #tpu.memory_space<vmem>>, %arg16: memref<10240x128xf32, #tpu.memory_space<vmem_shared>>, %arg17: memref<!tpu.dma_semaphore, #tpu.memory_space<semaphore_mem>>, %arg18: memref<!tpu.dma_semaphore, #tpu.memory_space<semaphore_mem>>, %arg19: memref<!tpu.dma_semaphore, #tpu.memory_space<semaphore_mem>>, %arg20: memref<!tpu.dma_semaphore, #tpu.memory_space<semaphore_mem>>, %arg21: memref<!tpu.dma_semaphore, #tpu.memory_space<semaphore_mem>>, %arg22: memref<!tpu.dma_semaphore, #tpu.memory_space<semaphore_mem>>, %arg23: memref<!tpu.dma_semaphore, #tpu.memory_space<semaphore_mem>>, %arg24: memref<!tpu.dma_semaphore, #tpu.memory_space<semaphore_mem>>) attributes {dimension_semantics = [#tpu.dimension_semantics<core_parallel>, #tpu.dimension_semantics<subcore_parallel>], iteration_bounds = array<i64: 2, 16>, scalar_prefetch = 0 : i64, scratch_operands = 18 : i64, tpu.core_type = #tpu.core_type<sc_vector_subcore>, window_params = [{transform_indices = #map}, {transform_indices = #map}, {transform_indices = #map1}, {transform_indices = #map1}, {transform_indices = #map2}]} {
    %mul3A = arith.constant 16 : i32
    %mul3A_0 = arith.muli %arg0, %mul3A : i32
    %add3A = arith.addi %mul3A_0, %arg1 : i32
    %scan3A = arith.constant 0 : i32
    %scan3A_1 = arith.constant 0 : i32
    %scan3A_2 = arith.constant 128 : i32
    %scan3A_3 = arith.addi %scan3A_1, %scan3A_2 : i32
    %scan3A_4 = arith.constant 1 : i32
    scf.for %scan3A_47 = %scan3A_1 to %scan3A_3 step %scan3A_4  : i32 {
      %broadcast_in_dim3A = arith.constant 0.000000e+00 : f32
      %broadcast_in_dim3A_48 = vector.broadcast %broadcast_in_dim3A : f32 to vector<16xf32>
      %swap3A = arith.index_cast %scan3A_47 : i32 to index
      %swap3A_49 = arith.constant 0 : index
      %swap3A_50 = tpu.vector_load %arg15[%swap3A, %swap3A_49] {strides = array<i32>} : memref<128x128xf32, #tpu.memory_space<vmem>>, vector<1x16xf32>,
      %swap3A_51 = vector.shape_cast %swap3A_50 : vector<1x16xf32> to vector<16xf32>
      %swap3A_52 = vector.shape_cast %broadcast_in_dim3A_48 : vector<16xf32> to vector<1x16xf32>
      tpu.vector_store %arg15[%swap3A, %swap3A_49], %swap3A_52 {strides = array<i32>} : memref<128x128xf32, #tpu.memory_space<vmem>>, vector<1x16xf32>,
      %broadcast_in_dim3A_53 = arith.constant 0.000000e+00 : f32
      %broadcast_in_dim3A_54 = vector.broadcast %broadcast_in_dim3A_53 : f32 to vector<16xf32>
      %swap3A_55 = arith.index_cast %scan3A_47 : i32 to index
      %swap3A_56 = arith.constant 16 : index
      %swap3A_57 = tpu.vector_load %arg15[%swap3A_55, %swap3A_56] {strides = array<i32>} : memref<128x128xf32, #tpu.memory_space<vmem>>, vector<1x16xf32>,
      %swap3A_58 = vector.shape_cast %swap3A_57 : vector<1x16xf32> to vector<16xf32>
      %swap3A_59 = vector.shape_cast %broadcast_in_dim3A_54 : vector<16xf32> to vector<1x16xf32>
      tpu.vector_store %arg15[%swap3A_55, %swap3A_56], %swap3A_59 {strides = array<i32>} : memref<128x128xf32, #tpu.memory_space<vmem>>, vector<1x16xf32>,
      %broadcast_in_dim3A_60 = arith.constant 0.000000e+00 : f32
      %broadcast_in_dim3A_61 = vector.broadcast %broadcast_in_dim3A_60 : f32 to vector<16xf32>
      %swap3A_62 = arith.index_cast %scan3A_47 : i32 to index
      %swap3A_63 = arith.constant 32 : index
      %swap3A_64 = tpu.vector_load %arg15[%swap3A_62, %swap3A_63] {strides = array<i32>} : memref<128x128xf32, #tpu.memory_space<vmem>>, vector<1x16xf32>,
      %swap3A_65 = vector.shape_cast %swap3A_64 : vector<1x16xf32> to vector<16xf32>
      %swap3A_66 = vector.shape_cast %broadcast_in_dim3A_61 : vector<16xf32> to vector<1x16xf32>
      tpu.vector_store %arg15[%swap3A_62, %swap3A_63], %swap3A_66 {strides = array<i32>} : memref<128x128xf32, #tpu.memory_space<vmem>>, vector<1x16xf32>,
      %broadcast_in_dim3A_67 = arith.constant 0.000000e+00 : f32
      %broadcast_in_dim3A_68 = vector.broadcast %broadcast_in_dim3A_67 : f32 to vector<16xf32>
      %swap3A_69 = arith.index_cast %scan3A_47 : i32 to index
      %swap3A_70 = arith.constant 48 : index
      %swap3A_71 = tpu.vector_load %arg15[%swap3A_69, %swap3A_70] {strides = array<i32>} : memref<128x128xf32, #tpu.memory_space<vmem>>, vector<1x16xf32>,
      %swap3A_72 = vector.shape_cast %swap3A_71 : vector<1x16xf32> to vector<16xf32>
      %swap3A_73 = vector.shape_cast %broadcast_in_dim3A_68 : vector<16xf32> to vector<1x16xf32>
      tpu.vector_store %arg15[%swap3A_69, %swap3A_70], %swap3A_73 {strides = array<i32>} : memref<128x128xf32, #tpu.memory_space<vmem>>, vector<1x16xf32>,
      %broadcast_in_dim3A_74 = arith.constant 0.000000e+00 : f32
      %broadcast_in_dim3A_75 = vector.broadcast %broadcast_in_dim3A_74 : f32 to vector<16xf32>
      %swap3A_76 = arith.index_cast %scan3A_47 : i32 to index
      %swap3A_77 = arith.constant 64 : index
      %swap3A_78 = tpu.vector_load %arg15[%swap3A_76, %swap3A_77] {strides = array<i32>} : memref<128x128xf32, #tpu.memory_space<vmem>>, vector<1x16xf32>,
      %swap3A_79 = vector.shape_cast %swap3A_78 : vector<1x16xf32> to vector<16xf32>
      %swap3A_80 = vector.shape_cast %broadcast_in_dim3A_75 : vector<16xf32> to vector<1x16xf32>
      tpu.vector_store %arg15[%swap3A_76, %swap3A_77], %swap3A_80 {strides = array<i32>} : memref<128x128xf32, #tpu.memory_space<vmem>>, vector<1x16xf32>,
      %broadcast_in_dim3A_81 = arith.constant 0.000000e+00 : f32
      %broadcast_in_dim3A_82 = vector.broadcast %broadcast_in_dim3A_81 : f32 to vector<16xf32>
      %swap3A_83 = arith.index_cast %scan3A_47 : i32 to index
      %swap3A_84 = arith.constant 80 : index
      %swap3A_85 = tpu.vector_load %arg15[%swap3A_83, %swap3A_84] {strides = array<i32>} : memref<128x128xf32, #tpu.memory_space<vmem>>, vector<1x16xf32>,
      %swap3A_86 = vector.shape_cast %swap3A_85 : vector<1x16xf32> to vector<16xf32>
      %swap3A_87 = vector.shape_cast %broadcast_in_dim3A_82 : vector<16xf32> to vector<1x16xf32>
      tpu.vector_store %arg15[%swap3A_83, %swap3A_84], %swap3A_87 {strides = array<i32>} : memref<128x128xf32, #tpu.memory_space<vmem>>, vector<1x16xf32>,
      %broadcast_in_dim3A_88 = arith.constant 0.000000e+00 : f32
      %broadcast_in_dim3A_89 = vector.broadcast %broadcast_in_dim3A_88 : f32 to vector<16xf32>
      %swap3A_90 = arith.index_cast %scan3A_47 : i32 to index
      %swap3A_91 = arith.constant 96 : index
      %swap3A_92 = tpu.vector_load %arg15[%swap3A_90, %swap3A_91] {strides = array<i32>} : memref<128x128xf32, #tpu.memory_space<vmem>>, vector<1x16xf32>,
      %swap3A_93 = vector.shape_cast %swap3A_92 : vector<1x16xf32> to vector<16xf32>
      %swap3A_94 = vector.shape_cast %broadcast_in_dim3A_89 : vector<16xf32> to vector<1x16xf32>
      tpu.vector_store %arg15[%swap3A_90, %swap3A_91], %swap3A_94 {strides = array<i32>} : memref<128x128xf32, #tpu.memory_space<vmem>>, vector<1x16xf32>,
      %broadcast_in_dim3A_95 = arith.constant 0.000000e+00 : f32
      %broadcast_in_dim3A_96 = vector.broadcast %broadcast_in_dim3A_95 : f32 to vector<16xf32>
      %swap3A_97 = arith.index_cast %scan3A_47 : i32 to index
      %swap3A_98 = arith.constant 112 : index
      %swap3A_99 = tpu.vector_load %arg15[%swap3A_97, %swap3A_98] {strides = array<i32>} : memref<128x128xf32, #tpu.memory_space<vmem>>, vector<1x16xf32>,
      %swap3A_100 = vector.shape_cast %swap3A_99 : vector<1x16xf32> to vector<16xf32>
      %swap3A_101 = vector.shape_cast %broadcast_in_dim3A_96 : vector<16xf32> to vector<1x16xf32>
      tpu.vector_store %arg15[%swap3A_97, %swap3A_98], %swap3A_101 {strides = array<i32>} : memref<128x128xf32, #tpu.memory_space<vmem>>, vector<1x16xf32>,
    }
    %scan3A_5 = arith.constant 128 : i32
    %mul3A_6 = arith.constant 640 : i32
    %mul3A_7 = arith.muli %arg1, %mul3A_6 : i32
    %add3A_8 = arith.constant 0 : i32
    %add3A_9 = arith.addi %mul3A_7, %add3A_8 : i32
    "tpu.region"() ({
      %run_scoped3A = tpu.sem_alloc : memref<!tpu.dma_semaphore, #tpu.memory_space<semaphore_mem>>
      %dma_start3A = arith.constant 0 : i32
      %dma_start3A_47 = tpu.memref_slice %arg16[%add3A_9, %dma_start3A] : memref<10240x128xf32, #tpu.memory_space<vmem_shared>> -> memref<128x128xf32, #tpu.memory_space<vmem_shared>>
      %dma_start3A_48 = arith.constant 0 : i32
      %dma_start3A_49 = tpu.memref_slice %arg16[%add3A_9, %dma_start3A_48] : memref<10240x128xf32, #tpu.memory_space<vmem_shared>> -> memref<128x128xf32, #tpu.memory_space<vmem_shared>>
      tpu.enqueue_dma source(%arg15 : memref<128x128xf32, #tpu.memory_space<vmem>>) target(%dma_start3A_49 : memref<128x128xf32, #tpu.memory_space<vmem_shared>>) target_semaphore(%run_scoped3A : memref<!tpu.dma_semaphore, #tpu.memory_space<semaphore_mem>>)
      %dma_wait3A = arith.constant 0 : i32
      %dma_wait3A_50 = tpu.memref_slice %arg16[%add3A_9, %dma_wait3A] : memref<10240x128xf32, #tpu.memory_space<vmem_shared>> -> memref<128x128xf32, #tpu.memory_space<vmem_shared>>
      %dma_wait3A_51 = arith.constant 0 : i32
      %dma_wait3A_52 = tpu.memref_slice %arg16[%add3A_9, %dma_wait3A_51] : memref<10240x128xf32, #tpu.memory_space<vmem_shared>> -> memref<128x128xf32, #tpu.memory_space<vmem_shared>>
      tpu.wait_dma2 semaphore(%run_scoped3A : memref<!tpu.dma_semaphore, #tpu.memory_space<semaphore_mem>>) src(%arg15 : memref<128x128xf32, #tpu.memory_space<vmem>>) dst(%dma_wait3A_52 : memref<128x128xf32, #tpu.memory_space<vmem_shared>>)
      tpu.yield
    }) : () -> ()
    %add3A_10 = arith.constant 128 : i32
    %add3A_11 = arith.addi %mul3A_7, %add3A_10 : i32
    "tpu.region"() ({
      %run_scoped3A = tpu.sem_alloc : memref<!tpu.dma_semaphore, #tpu.memory_space<semaphore_mem>>
      %dma_start3A = arith.constant 0 : i32
      %dma_start3A_47 = tpu.memref_slice %arg16[%add3A_11, %dma_start3A] : memref<10240x128xf32, #tpu.memory_space<vmem_shared>> -> memref<128x128xf32, #tpu.memory_space<vmem_shared>>
      %dma_start3A_48 = arith.constant 0 : i32
      %dma_start3A_49 = tpu.memref_slice %arg16[%add3A_11, %dma_start3A_48] : memref<10240x128xf32, #tpu.memory_space<vmem_shared>> -> memref<128x128xf32, #tpu.memory_space<vmem_shared>>
      tpu.enqueue_dma source(%arg15 : memref<128x128xf32, #tpu.memory_space<vmem>>) target(%dma_start3A_49 : memref<128x128xf32, #tpu.memory_space<vmem_shared>>) target_semaphore(%run_scoped3A : memref<!tpu.dma_semaphore, #tpu.memory_space<semaphore_mem>>)
      %dma_wait3A = arith.constant 0 : i32
      %dma_wait3A_50 = tpu.memref_slice %arg16[%add3A_11, %dma_wait3A] : memref<10240x128xf32, #tpu.memory_space<vmem_shared>> -> memref<128x128xf32, #tpu.memory_space<vmem_shared>>
      %dma_wait3A_51 = arith.constant 0 : i32
      %dma_wait3A_52 = tpu.memref_slice %arg16[%add3A_11, %dma_wait3A_51] : memref<10240x128xf32, #tpu.memory_space<vmem_shared>> -> memref<128x128xf32, #tpu.memory_space<vmem_shared>>
      tpu.wait_dma2 semaphore(%run_scoped3A : memref<!tpu.dma_semaphore, #tpu.memory_space<semaphore_mem>>) src(%arg15 : memref<128x128xf32, #tpu.memory_space<vmem>>) dst(%dma_wait3A_52 : memref<128x128xf32, #tpu.memory_space<vmem_shared>>)
      tpu.yield
    }) : () -> ()
    %add3A_12 = arith.constant 256 : i32
    %add3A_13 = arith.addi %mul3A_7, %add3A_12 : i32
    "tpu.region"() ({
      %run_scoped3A = tpu.sem_alloc : memref<!tpu.dma_semaphore, #tpu.memory_space<semaphore_mem>>
      %dma_start3A = arith.constant 0 : i32
      %dma_start3A_47 = tpu.memref_slice %arg16[%add3A_13, %dma_start3A] : memref<10240x128xf32, #tpu.memory_space<vmem_shared>> -> memref<128x128xf32, #tpu.memory_space<vmem_shared>>
      %dma_start3A_48 = arith.constant 0 : i32
      %dma_start3A_49 = tpu.memref_slice %arg16[%add3A_13, %dma_start3A_48] : memref<10240x128xf32, #tpu.memory_space<vmem_shared>> -> memref<128x128xf32, #tpu.memory_space<vmem_shared>>
      tpu.enqueue_dma source(%arg15 : memref<128x128xf32, #tpu.memory_space<vmem>>) target(%dma_start3A_49 : memref<128x128xf32, #tpu.memory_space<vmem_shared>>) target_semaphore(%run_scoped3A : memref<!tpu.dma_semaphore, #tpu.memory_space<semaphore_mem>>)
      %dma_wait3A = arith.constant 0 : i32
      %dma_wait3A_50 = tpu.memref_slice %arg16[%add3A_13, %dma_wait3A] : memref<10240x128xf32, #tpu.memory_space<vmem_shared>> -> memref<128x128xf32, #tpu.memory_space<vmem_shared>>
      %dma_wait3A_51 = arith.constant 0 : i32
      %dma_wait3A_52 = tpu.memref_slice %arg16[%add3A_13, %dma_wait3A_51] : memref<10240x128xf32, #tpu.memory_space<vmem_shared>> -> memref<128x128xf32, #tpu.memory_space<vmem_shared>>
      tpu.wait_dma2 semaphore(%run_scoped3A : memref<!tpu.dma_semaphore, #tpu.memory_space<semaphore_mem>>) src(%arg15 : memref<128x128xf32, #tpu.memory_space<vmem>>) dst(%dma_wait3A_52 : memref<128x128xf32, #tpu.memory_space<vmem_shared>>)
      tpu.yield
    }) : () -> ()
    %add3A_14 = arith.constant 384 : i32
    %add3A_15 = arith.addi %mul3A_7, %add3A_14 : i32
    "tpu.region"() ({
      %run_scoped3A = tpu.sem_alloc : memref<!tpu.dma_semaphore, #tpu.memory_space<semaphore_mem>>
      %dma_start3A = arith.constant 0 : i32
      %dma_start3A_47 = tpu.memref_slice %arg16[%add3A_15, %dma_start3A] : memref<10240x128xf32, #tpu.memory_space<vmem_shared>> -> memref<128x128xf32, #tpu.memory_space<vmem_shared>>
      %dma_start3A_48 = arith.constant 0 : i32
      %dma_start3A_49 = tpu.memref_slice %arg16[%add3A_15, %dma_start3A_48] : memref<10240x128xf32, #tpu.memory_space<vmem_shared>> -> memref<128x128xf32, #tpu.memory_space<vmem_shared>>
      tpu.enqueue_dma source(%arg15 : memref<128x128xf32, #tpu.memory_space<vmem>>) target(%dma_start3A_49 : memref<128x128xf32, #tpu.memory_space<vmem_shared>>) target_semaphore(%run_scoped3A : memref<!tpu.dma_semaphore, #tpu.memory_space<semaphore_mem>>)
      %dma_wait3A = arith.constant 0 : i32
      %dma_wait3A_50 = tpu.memref_slice %arg16[%add3A_15, %dma_wait3A] : memref<10240x128xf32, #tpu.memory_space<vmem_shared>> -> memref<128x128xf32, #tpu.memory_space<vmem_shared>>
      %dma_wait3A_51 = arith.constant 0 : i32
      %dma_wait3A_52 = tpu.memref_slice %arg16[%add3A_15, %dma_wait3A_51] : memref<10240x128xf32, #tpu.memory_space<vmem_shared>> -> memref<128x128xf32, #tpu.memory_space<vmem_shared>>
      tpu.wait_dma2 semaphore(%run_scoped3A : memref<!tpu.dma_semaphore, #tpu.memory_space<semaphore_mem>>) src(%arg15 : memref<128x128xf32, #tpu.memory_space<vmem>>) dst(%dma_wait3A_52 : memref<128x128xf32, #tpu.memory_space<vmem_shared>>)
      tpu.yield
    }) : () -> ()
    %add3A_16 = arith.constant 512 : i32
    %add3A_17 = arith.addi %mul3A_7, %add3A_16 : i32
    "tpu.region"() ({
      %run_scoped3A = tpu.sem_alloc : memref<!tpu.dma_semaphore, #tpu.memory_space<semaphore_mem>>
      %dma_start3A = arith.constant 0 : i32
      %dma_start3A_47 = tpu.memref_slice %arg16[%add3A_17, %dma_start3A] : memref<10240x128xf32, #tpu.memory_space<vmem_shared>> -> memref<128x128xf32, #tpu.memory_space<vmem_shared>>
      %dma_start3A_48 = arith.constant 0 : i32
      %dma_start3A_49 = tpu.memref_slice %arg16[%add3A_17, %dma_start3A_48] : memref<10240x128xf32, #tpu.memory_space<vmem_shared>> -> memref<128x128xf32, #tpu.memory_space<vmem_shared>>
      tpu.enqueue_dma source(%arg15 : memref<128x128xf32, #tpu.memory_space<vmem>>) target(%dma_start3A_49 : memref<128x128xf32, #tpu.memory_space<vmem_shared>>) target_semaphore(%run_scoped3A : memref<!tpu.dma_semaphore, #tpu.memory_space<semaphore_mem>>)
      %dma_wait3A = arith.constant 0 : i32
      %dma_wait3A_50 = tpu.memref_slice %arg16[%add3A_17, %dma_wait3A] : memref<10240x128xf32, #tpu.memory_space<vmem_shared>> -> memref<128x128xf32, #tpu.memory_space<vmem_shared>>
      %dma_wait3A_51 = arith.constant 0 : i32
      %dma_wait3A_52 = tpu.memref_slice %arg16[%add3A_17, %dma_wait3A_51] : memref<10240x128xf32, #tpu.memory_space<vmem_shared>> -> memref<128x128xf32, #tpu.memory_space<vmem_shared>>
      tpu.wait_dma2 semaphore(%run_scoped3A : memref<!tpu.dma_semaphore, #tpu.memory_space<semaphore_mem>>) src(%arg15 : memref<128x128xf32, #tpu.memory_space<vmem>>) dst(%dma_wait3A_52 : memref<128x128xf32, #tpu.memory_space<vmem_shared>>)
      tpu.yield
    }) : () -> ()
    %barrier3A = arith.constant 0 : index
    tpu.barrier barrier_id(%barrier3A)
    %mul3A_18 = arith.constant 10000 : i32
    %mul3A_19 = arith.muli %add3A, %mul3A_18 : i32
    %scan3A_20 = arith.constant 0 : i32
    %scan3A_21 = arith.constant 0 : i32
    %scan3A_22 = arith.constant 125 : i32
    %scan3A_23 = arith.addi %scan3A_21, %scan3A_22 : i32
    %scan3A_24 = arith.constant 1 : i32
    scf.for %scan3A_47 = %scan3A_21 to %scan3A_23 step %scan3A_24  : i32 {
      %mul3A_48 = arith.constant 2 : i32
      %mul3A_49 = arith.muli %scan3A_47, %mul3A_48 : i32
      %add3A_50 = arith.constant 0 : i32
      %add3A_51 = arith.addi %mul3A_49, %add3A_50 : i32
      %mul3A_52 = arith.constant 40 : i32
      %mul3A_53 = arith.muli %add3A_51, %mul3A_52 : i32
      %add3A_54 = arith.addi %mul3A_19, %mul3A_53 : i32
      %dma_start3A = tpu.memref_slice %arg4[%add3A_54] : memref<320000xi32, #tpu.memory_space<hbm>> -> memref<40xi32, #tpu.memory_space<hbm>>
      %dma_start3A_55 = tpu.memref_slice %arg4[%add3A_54] : memref<320000xi32, #tpu.memory_space<hbm>> -> memref<40xi32, #tpu.memory_space<hbm>>
      tpu.enqueue_dma source(%dma_start3A_55 : memref<40xi32, #tpu.memory_space<hbm>>) target(%arg7 : memref<40xi32, #tpu.memory_space<vmem>>) target_semaphore(%arg17 : memref<!tpu.dma_semaphore, #tpu.memory_space<semaphore_mem>>)
      %dma_start3A_56 = tpu.memref_slice %arg5[%add3A_54] : memref<320000xi32, #tpu.memory_space<hbm>> -> memref<40xi32, #tpu.memory_space<hbm>>
      %dma_start3A_57 = tpu.memref_slice %arg5[%add3A_54] : memref<320000xi32, #tpu.memory_space<hbm>> -> memref<40xi32, #tpu.memory_space<hbm>>
      tpu.enqueue_dma source(%dma_start3A_57 : memref<40xi32, #tpu.memory_space<hbm>>) target(%arg9 : memref<40xi32, #tpu.memory_space<vmem>>) target_semaphore(%arg17 : memref<!tpu.dma_semaphore, #tpu.memory_space<semaphore_mem>>)
      %dma_start3A_58 = arith.constant 0 : i32
      %dma_start3A_59 = tpu.memref_slice %arg2[%add3A_54, %dma_start3A_58] : memref<320000x128xf32, #tpu.memory_space<hbm>> -> memref<40x128xf32, #tpu.memory_space<hbm>>
      %dma_start3A_60 = arith.constant 0 : i32
      %dma_start3A_61 = tpu.memref_slice %arg2[%add3A_54, %dma_start3A_60] : memref<320000x128xf32, #tpu.memory_space<hbm>> -> memref<40x128xf32, #tpu.memory_space<hbm>>
      tpu.enqueue_dma source(%dma_start3A_61 : memref<40x128xf32, #tpu.memory_space<hbm>>) target(%arg11 : memref<40x128xf32, #tpu.memory_space<vmem>>) target_semaphore(%arg19 : memref<!tpu.dma_semaphore, #tpu.memory_space<semaphore_mem>>)
      %mul3A_62 = arith.constant 2 : i32
      %mul3A_63 = arith.muli %scan3A_47, %mul3A_62 : i32
      %add3A_64 = arith.constant 1 : i32
      %add3A_65 = arith.addi %mul3A_63, %add3A_64 : i32
      %mul3A_66 = arith.constant 40 : i32
      %mul3A_67 = arith.muli %add3A_65, %mul3A_66 : i32
      %add3A_68 = arith.addi %mul3A_19, %mul3A_67 : i32
      %dma_start3A_69 = tpu.memref_slice %arg4[%add3A_68] : memref<320000xi32, #tpu.memory_space<hbm>> -> memref<40xi32, #tpu.memory_space<hbm>>
      %dma_start3A_70 = tpu.memref_slice %arg4[%add3A_68] : memref<320000xi32, #tpu.memory_space<hbm>> -> memref<40xi32, #tpu.memory_space<hbm>>
      tpu.enqueue_dma source(%dma_start3A_70 : memref<40xi32, #tpu.memory_space<hbm>>) target(%arg8 : memref<40xi32, #tpu.memory_space<vmem>>) target_semaphore(%arg18 : memref<!tpu.dma_semaphore, #tpu.memory_space<semaphore_mem>>)
      %dma_start3A_71 = tpu.memref_slice %arg5[%add3A_68] : memref<320000xi32, #tpu.memory_space<hbm>> -> memref<40xi32, #tpu.memory_space<hbm>>
      %dma_start3A_72 = tpu.memref_slice %arg5[%add3A_68] : memref<320000xi32, #tpu.memory_space<hbm>> -> memref<40xi32, #tpu.memory_space<hbm>>
      tpu.enqueue_dma source(%dma_start3A_72 : memref<40xi32, #tpu.memory_space<hbm>>) target(%arg10 : memref<40xi32, #tpu.memory_space<vmem>>) target_semaphore(%arg18 : memref<!tpu.dma_semaphore, #tpu.memory_space<semaphore_mem>>)
      %dma_start3A_73 = arith.constant 0 : i32
      %dma_start3A_74 = tpu.memref_slice %arg2[%add3A_68, %dma_start3A_73] : memref<320000x128xf32, #tpu.memory_space<hbm>> -> memref<40x128xf32, #tpu.memory_space<hbm>>
      %dma_start3A_75 = arith.constant 0 : i32
      %dma_start3A_76 = tpu.memref_slice %arg2[%add3A_68, %dma_start3A_75] : memref<320000x128xf32, #tpu.memory_space<hbm>> -> memref<40x128xf32, #tpu.memory_space<hbm>>
      tpu.enqueue_dma source(%dma_start3A_76 : memref<40x128xf32, #tpu.memory_space<hbm>>) target(%arg12 : memref<40x128xf32, #tpu.memory_space<vmem>>) target_semaphore(%arg20 : memref<!tpu.dma_semaphore, #tpu.memory_space<semaphore_mem>>)
      %dma_wait3A = tpu.memref_slice %arg4[%add3A_54] : memref<320000xi32, #tpu.memory_space<hbm>> -> memref<40xi32, #tpu.memory_space<hbm>>
      %dma_wait3A_77 = tpu.memref_slice %arg4[%add3A_54] : memref<320000xi32, #tpu.memory_space<hbm>> -> memref<40xi32, #tpu.memory_space<hbm>>
      tpu.wait_dma2 semaphore(%arg17 : memref<!tpu.dma_semaphore, #tpu.memory_space<semaphore_mem>>) src(%dma_wait3A_77 : memref<40xi32, #tpu.memory_space<hbm>>) dst(%arg7 : memref<40xi32, #tpu.memory_space<vmem>>)
      %dma_start3A_78 = arith.constant 0 : i32
      %dma_start3A_79 = arith.constant 0 : i32
      %dma_start3A_80 = tpu.memref_slice %arg3[%dma_start3A_78, %dma_start3A_79] : memref<10000x128xf32, #tpu.memory_space<hbm>> -> memref<10000x128xf32, #tpu.memory_space<hbm>>
      tpu.enqueue_indirect_dma source(%dma_start3A_80 : memref<10000x128xf32, #tpu.memory_space<hbm>>) target(%arg13 : memref<40x128xf32, #tpu.memory_space<vmem>>) offsets(%arg7 : memref<40xi32, #tpu.memory_space<vmem>>) semaphore(%arg21 : memref<!tpu.dma_semaphore, #tpu.memory_space<semaphore_mem>>)
      %dma_wait3A_81 = tpu.memref_slice %arg4[%add3A_68] : memref<320000xi32, #tpu.memory_space<hbm>> -> memref<40xi32, #tpu.memory_space<hbm>>
      %dma_wait3A_82 = tpu.memref_slice %arg4[%add3A_68] : memref<320000xi32, #tpu.memory_space<hbm>> -> memref<40xi32, #tpu.memory_space<hbm>>
      tpu.wait_dma2 semaphore(%arg18 : memref<!tpu.dma_semaphore, #tpu.memory_space<semaphore_mem>>) src(%dma_wait3A_82 : memref<40xi32, #tpu.memory_space<hbm>>) dst(%arg8 : memref<40xi32, #tpu.memory_space<vmem>>)
      %dma_start3A_83 = arith.constant 0 : i32
      %dma_start3A_84 = arith.constant 0 : i32
      %dma_start3A_85 = tpu.memref_slice %arg3[%dma_start3A_83, %dma_start3A_84] : memref<10000x128xf32, #tpu.memory_space<hbm>> -> memref<10000x128xf32, #tpu.memory_space<hbm>>
      tpu.enqueue_indirect_dma source(%dma_start3A_85 : memref<10000x128xf32, #tpu.memory_space<hbm>>) target(%arg14 : memref<40x128xf32, #tpu.memory_space<vmem>>) offsets(%arg8 : memref<40xi32, #tpu.memory_space<vmem>>) semaphore(%arg22 : memref<!tpu.dma_semaphore, #tpu.memory_space<semaphore_mem>>)
      %dma_wait3A_86 = tpu.memref_slice %arg5[%add3A_54] : memref<320000xi32, #tpu.memory_space<hbm>> -> memref<40xi32, #tpu.memory_space<hbm>>
      %dma_wait3A_87 = tpu.memref_slice %arg5[%add3A_54] : memref<320000xi32, #tpu.memory_space<hbm>> -> memref<40xi32, #tpu.memory_space<hbm>>
      tpu.wait_dma2 semaphore(%arg17 : memref<!tpu.dma_semaphore, #tpu.memory_space<semaphore_mem>>) src(%dma_wait3A_87 : memref<40xi32, #tpu.memory_space<hbm>>) dst(%arg9 : memref<40xi32, #tpu.memory_space<vmem>>)
      %dma_wait3A_88 = arith.constant 0 : i32
      %dma_wait3A_89 = tpu.memref_slice %arg2[%add3A_54, %dma_wait3A_88] : memref<320000x128xf32, #tpu.memory_space<hbm>> -> memref<40x128xf32, #tpu.memory_space<hbm>>
      %dma_wait3A_90 = arith.constant 0 : i32
      %dma_wait3A_91 = tpu.memref_slice %arg2[%add3A_54, %dma_wait3A_90] : memref<320000x128xf32, #tpu.memory_space<hbm>> -> memref<40x128xf32, #tpu.memory_space<hbm>>
      tpu.wait_dma2 semaphore(%arg19 : memref<!tpu.dma_semaphore, #tpu.memory_space<semaphore_mem>>) src(%dma_wait3A_91 : memref<40x128xf32, #tpu.memory_space<hbm>>) dst(%arg11 : memref<40x128xf32, #tpu.memory_space<vmem>>)
      %dma_wait3A_92 = arith.constant 0 : i32
      %dma_wait3A_93 = arith.constant 0 : i32
      %dma_wait3A_94 = tpu.memref_slice %arg3[%dma_wait3A_92, %dma_wait3A_93] : memref<10000x128xf32, #tpu.memory_space<hbm>> -> memref<10000x128xf32, #tpu.memory_space<hbm>>
      tpu.wait_indirect_dma semaphore(%arg21 : memref<!tpu.dma_semaphore, #tpu.memory_space<semaphore_mem>>) src(%dma_wait3A_94 : memref<10000x128xf32, #tpu.memory_space<hbm>>) dst(%arg13 : memref<40x128xf32, #tpu.memory_space<vmem>>)
      %scan3A_95 = arith.constant 0 : i32
      %scan3A_96 = arith.constant 0 : i32
      %scan3A_97 = arith.constant 20 : i32
      %scan3A_98 = arith.addi %scan3A_96, %scan3A_97 : i32
      %scan3A_99 = arith.constant 1 : i32
      scf.for %scan3A_128 = %scan3A_96 to %scan3A_98 step %scan3A_99  : i32 {
        %mul3A_129 = arith.constant 2 : i32
        %mul3A_130 = arith.muli %scan3A_128, %mul3A_129 : i32
        %add3A_131 = arith.constant 0 : i32
        %add3A_132 = arith.addi %mul3A_130, %add3A_131 : i32
        %get3A = arith.index_cast %add3A_132 : i32 to index
        %get3A_133 = arith.constant 0 : index
        %get3A_134 = tpu.vector_load %arg13[%get3A, %get3A_133] {strides = array<i32>} : memref<40x128xf32, #tpu.memory_space<vmem>>, vector<1x16xf32>,
        %get3A_135 = vector.shape_cast %get3A_134 : vector<1x16xf32> to vector<16xf32>
        %add3A_136 = arith.constant 0 : i32
        %add3A_137 = arith.addi %mul3A_130, %add3A_136 : i32
        %get3A_138 = arith.index_cast %add3A_137 : i32 to index
        %get3A_139 = arith.constant 0 : index
        %get3A_140 = tpu.vector_load %arg11[%get3A_138, %get3A_139] {strides = array<i32>} : memref<40x128xf32, #tpu.memory_space<vmem>>, vector<1x16xf32>,
        %get3A_141 = vector.shape_cast %get3A_140 : vector<1x16xf32> to vector<16xf32>
        %add3A_142 = arith.addf %get3A_135, %get3A_141 : vector<16xf32>
        %max3A = arith.constant 0.000000e+00 : f32
        %max3A_143 = vector.broadcast %max3A : f32 to vector<16xf32>
        %max3A_144 = arith.maximumf %add3A_142, %max3A_143 : vector<16xf32>
        %add3A_145 = arith.constant 0 : i32
        %add3A_146 = arith.addi %mul3A_130, %add3A_145 : i32
        %swap3A = arith.index_cast %add3A_146 : i32 to index
        %swap3A_147 = arith.constant 0 : index
        %swap3A_148 = tpu.vector_load %arg11[%swap3A, %swap3A_147] {strides = array<i32>} : memref<40x128xf32, #tpu.memory_space<vmem>>, vector<1x16xf32>,
        %swap3A_149 = vector.shape_cast %swap3A_148 : vector<1x16xf32> to vector<16xf32>
        %swap3A_150 = vector.shape_cast %max3A_144 : vector<16xf32> to vector<1x16xf32>
        tpu.vector_store %arg11[%swap3A, %swap3A_147], %swap3A_150 {strides = array<i32>} : memref<40x128xf32, #tpu.memory_space<vmem>>, vector<1x16xf32>,
        %add3A_151 = arith.constant 0 : i32
        %add3A_152 = arith.addi %mul3A_130, %add3A_151 : i32
        %get3A_153 = arith.index_cast %add3A_152 : i32 to index
        %get3A_154 = arith.constant 16 : index
        %get3A_155 = tpu.vector_load %arg13[%get3A_153, %get3A_154] {strides = array<i32>} : memref<40x128xf32, #tpu.memory_space<vmem>>, vector<1x16xf32>,
        %get3A_156 = vector.shape_cast %get3A_155 : vector<1x16xf32> to vector<16xf32>
        %add3A_157 = arith.constant 0 : i32
        %add3A_158 = arith.addi %mul3A_130, %add3A_157 : i32
        %get3A_159 = arith.index_cast %add3A_158 : i32 to index
        %get3A_160 = arith.constant 16 : index
        %get3A_161 = tpu.vector_load %arg11[%get3A_159, %get3A_160] {strides = array<i32>} : memref<40x128xf32, #tpu.memory_space<vmem>>, vector<1x16xf32>,
        %get3A_162 = vector.shape_cast %get3A_161 : vector<1x16xf32> to vector<16xf32>
        %add3A_163 = arith.addf %get3A_156, %get3A_162 : vector<16xf32>
        %max3A_164 = arith.constant 0.000000e+00 : f32
        %max3A_165 = vector.broadcast %max3A_164 : f32 to vector<16xf32>
        %max3A_166 = arith.maximumf %add3A_163, %max3A_165 : vector<16xf32>
        %add3A_167 = arith.constant 0 : i32
        %add3A_168 = arith.addi %mul3A_130, %add3A_167 : i32
        %swap3A_169 = arith.index_cast %add3A_168 : i32 to index
        %swap3A_170 = arith.constant 16 : index
        %swap3A_171 = tpu.vector_load %arg11[%swap3A_169, %swap3A_170] {strides = array<i32>} : memref<40x128xf32, #tpu.memory_space<vmem>>, vector<1x16xf32>,
        %swap3A_172 = vector.shape_cast %swap3A_171 : vector<1x16xf32> to vector<16xf32>
        %swap3A_173 = vector.shape_cast %max3A_166 : vector<16xf32> to vector<1x16xf32>
        tpu.vector_store %arg11[%swap3A_169, %swap3A_170], %swap3A_173 {strides = array<i32>} : memref<40x128xf32, #tpu.memory_space<vmem>>, vector<1x16xf32>,
        %add3A_174 = arith.constant 0 : i32
        %add3A_175 = arith.addi %mul3A_130, %add3A_174 : i32
        %get3A_176 = arith.index_cast %add3A_175 : i32 to index
        %get3A_177 = arith.constant 32 : index
        %get3A_178 = tpu.vector_load %arg13[%get3A_176, %get3A_177] {strides = array<i32>} : memref<40x128xf32, #tpu.memory_space<vmem>>, vector<1x16xf32>,
        %get3A_179 = vector.shape_cast %get3A_178 : vector<1x16xf32> to vector<16xf32>
        %add3A_180 = arith.constant 0 : i32
        %add3A_181 = arith.addi %mul3A_130, %add3A_180 : i32
        %get3A_182 = arith.index_cast %add3A_181 : i32 to index
        %get3A_183 = arith.constant 32 : index
        %get3A_184 = tpu.vector_load %arg11[%get3A_182, %get3A_183] {strides = array<i32>} : memref<40x128xf32, #tpu.memory_space<vmem>>, vector<1x16xf32>,
        %get3A_185 = vector.shape_cast %get3A_184 : vector<1x16xf32> to vector<16xf32>
        %add3A_186 = arith.addf %get3A_179, %get3A_185 : vector<16xf32>
        %max3A_187 = arith.constant 0.000000e+00 : f32
        %max3A_188 = vector.broadcast %max3A_187 : f32 to vector<16xf32>
        %max3A_189 = arith.maximumf %add3A_186, %max3A_188 : vector<16xf32>
        %add3A_190 = arith.constant 0 : i32
        %add3A_191 = arith.addi %mul3A_130, %add3A_190 : i32
        %swap3A_192 = arith.index_cast %add3A_191 : i32 to index
        %swap3A_193 = arith.constant 32 : index
        %swap3A_194 = tpu.vector_load %arg11[%swap3A_192, %swap3A_193] {strides = array<i32>} : memref<40x128xf32, #tpu.memory_space<vmem>>, vector<1x16xf32>,
        %swap3A_195 = vector.shape_cast %swap3A_194 : vector<1x16xf32> to vector<16xf32>
        %swap3A_196 = vector.shape_cast %max3A_189 : vector<16xf32> to vector<1x16xf32>
        tpu.vector_store %arg11[%swap3A_192, %swap3A_193], %swap3A_196 {strides = array<i32>} : memref<40x128xf32, #tpu.memory_space<vmem>>, vector<1x16xf32>,
        %add3A_197 = arith.constant 0 : i32
        %add3A_198 = arith.addi %mul3A_130, %add3A_197 : i32
        %get3A_199 = arith.index_cast %add3A_198 : i32 to index
        %get3A_200 = arith.constant 48 : index
        %get3A_201 = tpu.vector_load %arg13[%get3A_199, %get3A_200] {strides = array<i32>} : memref<40x128xf32, #tpu.memory_space<vmem>>, vector<1x16xf32>,
        %get3A_202 = vector.shape_cast %get3A_201 : vector<1x16xf32> to vector<16xf32>
        %add3A_203 = arith.constant 0 : i32
        %add3A_204 = arith.addi %mul3A_130, %add3A_203 : i32
        %get3A_205 = arith.index_cast %add3A_204 : i32 to index
        %get3A_206 = arith.constant 48 : index
        %get3A_207 = tpu.vector_load %arg11[%get3A_205, %get3A_206] {strides = array<i32>} : memref<40x128xf32, #tpu.memory_space<vmem>>, vector<1x16xf32>,
        %get3A_208 = vector.shape_cast %get3A_207 : vector<1x16xf32> to vector<16xf32>
        %add3A_209 = arith.addf %get3A_202, %get3A_208 : vector<16xf32>
        %max3A_210 = arith.constant 0.000000e+00 : f32
        %max3A_211 = vector.broadcast %max3A_210 : f32 to vector<16xf32>
        %max3A_212 = arith.maximumf %add3A_209, %max3A_211 : vector<16xf32>
        %add3A_213 = arith.constant 0 : i32
        %add3A_214 = arith.addi %mul3A_130, %add3A_213 : i32
        %swap3A_215 = arith.index_cast %add3A_214 : i32 to index
        %swap3A_216 = arith.constant 48 : index
        %swap3A_217 = tpu.vector_load %arg11[%swap3A_215, %swap3A_216] {strides = array<i32>} : memref<40x128xf32, #tpu.memory_space<vmem>>, vector<1x16xf32>,
        %swap3A_218 = vector.shape_cast %swap3A_217 : vector<1x16xf32> to vector<16xf32>
        %swap3A_219 = vector.shape_cast %max3A_212 : vector<16xf32> to vector<1x16xf32>
        tpu.vector_store %arg11[%swap3A_215, %swap3A_216], %swap3A_219 {strides = array<i32>} : memref<40x128xf32, #tpu.memory_space<vmem>>, vector<1x16xf32>,
        %add3A_220 = arith.constant 0 : i32
        %add3A_221 = arith.addi %mul3A_130, %add3A_220 : i32
        %get3A_222 = arith.index_cast %add3A_221 : i32 to index
        %get3A_223 = arith.constant 64 : index
        %get3A_224 = tpu.vector_load %arg13[%get3A_222, %get3A_223] {strides = array<i32>} : memref<40x128xf32, #tpu.memory_space<vmem>>, vector<1x16xf32>,
        %get3A_225 = vector.shape_cast %get3A_224 : vector<1x16xf32> to vector<16xf32>
        %add3A_226 = arith.constant 0 : i32
        %add3A_227 = arith.addi %mul3A_130, %add3A_226 : i32
        %get3A_228 = arith.index_cast %add3A_227 : i32 to index
        %get3A_229 = arith.constant 64 : index
        %get3A_230 = tpu.vector_load %arg11[%get3A_228, %get3A_229] {strides = array<i32>} : memref<40x128xf32, #tpu.memory_space<vmem>>, vector<1x16xf32>,
        %get3A_231 = vector.shape_cast %get3A_230 : vector<1x16xf32> to vector<16xf32>
        %add3A_232 = arith.addf %get3A_225, %get3A_231 : vector<16xf32>
        %max3A_233 = arith.constant 0.000000e+00 : f32
        %max3A_234 = vector.broadcast %max3A_233 : f32 to vector<16xf32>
        %max3A_235 = arith.maximumf %add3A_232, %max3A_234 : vector<16xf32>
        %add3A_236 = arith.constant 0 : i32
        %add3A_237 = arith.addi %mul3A_130, %add3A_236 : i32
        %swap3A_238 = arith.index_cast %add3A_237 : i32 to index
        %swap3A_239 = arith.constant 64 : index
        %swap3A_240 = tpu.vector_load %arg11[%swap3A_238, %swap3A_239] {strides = array<i32>} : memref<40x128xf32, #tpu.memory_space<vmem>>, vector<1x16xf32>,
        %swap3A_241 = vector.shape_cast %swap3A_240 : vector<1x16xf32> to vector<16xf32>
        %swap3A_242 = vector.shape_cast %max3A_235 : vector<16xf32> to vector<1x16xf32>
        tpu.vector_store %arg11[%swap3A_238, %swap3A_239], %swap3A_242 {strides = array<i32>} : memref<40x128xf32, #tpu.memory_space<vmem>>, vector<1x16xf32>,
        %add3A_243 = arith.constant 0 : i32
        %add3A_244 = arith.addi %mul3A_130, %add3A_243 : i32
        %get3A_245 = arith.index_cast %add3A_244 : i32 to index
        %get3A_246 = arith.constant 80 : index
        %get3A_247 = tpu.vector_load %arg13[%get3A_245, %get3A_246] {strides = array<i32>} : memref<40x128xf32, #tpu.memory_space<vmem>>, vector<1x16xf32>,
        %get3A_248 = vector.shape_cast %get3A_247 : vector<1x16xf32> to vector<16xf32>
        %add3A_249 = arith.constant 0 : i32
        %add3A_250 = arith.addi %mul3A_130, %add3A_249 : i32
        %get3A_251 = arith.index_cast %add3A_250 : i32 to index
        %get3A_252 = arith.constant 80 : index
        %get3A_253 = tpu.vector_load %arg11[%get3A_251, %get3A_252] {strides = array<i32>} : memref<40x128xf32, #tpu.memory_space<vmem>>, vector<1x16xf32>,
        %get3A_254 = vector.shape_cast %get3A_253 : vector<1x16xf32> to vector<16xf32>
        %add3A_255 = arith.addf %get3A_248, %get3A_254 : vector<16xf32>
        %max3A_256 = arith.constant 0.000000e+00 : f32
        %max3A_257 = vector.broadcast %max3A_256 : f32 to vector<16xf32>
        %max3A_258 = arith.maximumf %add3A_255, %max3A_257 : vector<16xf32>
        %add3A_259 = arith.constant 0 : i32
        %add3A_260 = arith.addi %mul3A_130, %add3A_259 : i32
        %swap3A_261 = arith.index_cast %add3A_260 : i32 to index
        %swap3A_262 = arith.constant 80 : index
        %swap3A_263 = tpu.vector_load %arg11[%swap3A_261, %swap3A_262] {strides = array<i32>} : memref<40x128xf32, #tpu.memory_space<vmem>>, vector<1x16xf32>,
        %swap3A_264 = vector.shape_cast %swap3A_263 : vector<1x16xf32> to vector<16xf32>
        %swap3A_265 = vector.shape_cast %max3A_258 : vector<16xf32> to vector<1x16xf32>
        tpu.vector_store %arg11[%swap3A_261, %swap3A_262], %swap3A_265 {strides = array<i32>} : memref<40x128xf32, #tpu.memory_space<vmem>>, vector<1x16xf32>,
        %add3A_266 = arith.constant 0 : i32
        %add3A_267 = arith.addi %mul3A_130, %add3A_266 : i32
        %get3A_268 = arith.index_cast %add3A_267 : i32 to index
        %get3A_269 = arith.constant 96 : index
        %get3A_270 = tpu.vector_load %arg13[%get3A_268, %get3A_269] {strides = array<i32>} : memref<40x128xf32, #tpu.memory_space<vmem>>, vector<1x16xf32>,
        %get3A_271 = vector.shape_cast %get3A_270 : vector<1x16xf32> to vector<16xf32>
        %add3A_272 = arith.constant 0 : i32
        %add3A_273 = arith.addi %mul3A_130, %add3A_272 : i32
        %get3A_274 = arith.index_cast %add3A_273 : i32 to index
        %get3A_275 = arith.constant 96 : index
        %get3A_276 = tpu.vector_load %arg11[%get3A_274, %get3A_275] {strides = array<i32>} : memref<40x128xf32, #tpu.memory_space<vmem>>, vector<1x16xf32>,
        %get3A_277 = vector.shape_cast %get3A_276 : vector<1x16xf32> to vector<16xf32>
        %add3A_278 = arith.addf %get3A_271, %get3A_277 : vector<16xf32>
        %max3A_279 = arith.constant 0.000000e+00 : f32
        %max3A_280 = vector.broadcast %max3A_279 : f32 to vector<16xf32>
        %max3A_281 = arith.maximumf %add3A_278, %max3A_280 : vector<16xf32>
        %add3A_282 = arith.constant 0 : i32
        %add3A_283 = arith.addi %mul3A_130, %add3A_282 : i32
        %swap3A_284 = arith.index_cast %add3A_283 : i32 to index
        %swap3A_285 = arith.constant 96 : index
        %swap3A_286 = tpu.vector_load %arg11[%swap3A_284, %swap3A_285] {strides = array<i32>} : memref<40x128xf32, #tpu.memory_space<vmem>>, vector<1x16xf32>,
        %swap3A_287 = vector.shape_cast %swap3A_286 : vector<1x16xf32> to vector<16xf32>
        %swap3A_288 = vector.shape_cast %max3A_281 : vector<16xf32> to vector<1x16xf32>
        tpu.vector_store %arg11[%swap3A_284, %swap3A_285], %swap3A_288 {strides = array<i32>} : memref<40x128xf32, #tpu.memory_space<vmem>>, vector<1x16xf32>,
        %add3A_289 = arith.constant 0 : i32
        %add3A_290 = arith.addi %mul3A_130, %add3A_289 : i32
        %get3A_291 = arith.index_cast %add3A_290 : i32 to index
        %get3A_292 = arith.constant 112 : index
        %get3A_293 = tpu.vector_load %arg13[%get3A_291, %get3A_292] {strides = array<i32>} : memref<40x128xf32, #tpu.memory_space<vmem>>, vector<1x16xf32>,
        %get3A_294 = vector.shape_cast %get3A_293 : vector<1x16xf32> to vector<16xf32>
        %add3A_295 = arith.constant 0 : i32
        %add3A_296 = arith.addi %mul3A_130, %add3A_295 : i32
        %get3A_297 = arith.index_cast %add3A_296 : i32 to index
        %get3A_298 = arith.constant 112 : index
        %get3A_299 = tpu.vector_load %arg11[%get3A_297, %get3A_298] {strides = array<i32>} : memref<40x128xf32, #tpu.memory_space<vmem>>, vector<1x16xf32>,
        %get3A_300 = vector.shape_cast %get3A_299 : vector<1x16xf32> to vector<16xf32>
        %add3A_301 = arith.addf %get3A_294, %get3A_300 : vector<16xf32>
        %max3A_302 = arith.constant 0.000000e+00 : f32
        %max3A_303 = vector.broadcast %max3A_302 : f32 to vector<16xf32>
        %max3A_304 = arith.maximumf %add3A_301, %max3A_303 : vector<16xf32>
        %add3A_305 = arith.constant 0 : i32
        %add3A_306 = arith.addi %mul3A_130, %add3A_305 : i32
        %swap3A_307 = arith.index_cast %add3A_306 : i32 to index
        %swap3A_308 = arith.constant 112 : index
        %swap3A_309 = tpu.vector_load %arg11[%swap3A_307, %swap3A_308] {strides = array<i32>} : memref<40x128xf32, #tpu.memory_space<vmem>>, vector<1x16xf32>,
        %swap3A_310 = vector.shape_cast %swap3A_309 : vector<1x16xf32> to vector<16xf32>
        %swap3A_311 = vector.shape_cast %max3A_304 : vector<16xf32> to vector<1x16xf32>
        tpu.vector_store %arg11[%swap3A_307, %swap3A_308], %swap3A_311 {strides = array<i32>} : memref<40x128xf32, #tpu.memory_space<vmem>>, vector<1x16xf32>,
        %add3A_312 = arith.constant 1 : i32
        %add3A_313 = arith.addi %mul3A_130, %add3A_312 : i32
        %get3A_314 = arith.index_cast %add3A_313 : i32 to index
        %get3A_315 = arith.constant 0 : index
        %get3A_316 = tpu.vector_load %arg13[%get3A_314, %get3A_315] {strides = array<i32>} : memref<40x128xf32, #tpu.memory_space<vmem>>, vector<1x16xf32>,
        %get3A_317 = vector.shape_cast %get3A_316 : vector<1x16xf32> to vector<16xf32>
        %add3A_318 = arith.constant 1 : i32
        %add3A_319 = arith.addi %mul3A_130, %add3A_318 : i32
        %get3A_320 = arith.index_cast %add3A_319 : i32 to index
        %get3A_321 = arith.constant 0 : index
        %get3A_322 = tpu.vector_load %arg11[%get3A_320, %get3A_321] {strides = array<i32>} : memref<40x128xf32, #tpu.memory_space<vmem>>, vector<1x16xf32>,
        %get3A_323 = vector.shape_cast %get3A_322 : vector<1x16xf32> to vector<16xf32>
        %add3A_324 = arith.addf %get3A_317, %get3A_323 : vector<16xf32>
        %max3A_325 = arith.constant 0.000000e+00 : f32
        %max3A_326 = vector.broadcast %max3A_325 : f32 to vector<16xf32>
        %max3A_327 = arith.maximumf %add3A_324, %max3A_326 : vector<16xf32>
        %add3A_328 = arith.constant 1 : i32
        %add3A_329 = arith.addi %mul3A_130, %add3A_328 : i32
        %swap3A_330 = arith.index_cast %add3A_329 : i32 to index
        %swap3A_331 = arith.constant 0 : index
        %swap3A_332 = tpu.vector_load %arg11[%swap3A_330, %swap3A_331] {strides = array<i32>} : memref<40x128xf32, #tpu.memory_space<vmem>>, vector<1x16xf32>,
        %swap3A_333 = vector.shape_cast %swap3A_332 : vector<1x16xf32> to vector<16xf32>
        %swap3A_334 = vector.shape_cast %max3A_327 : vector<16xf32> to vector<1x16xf32>
        tpu.vector_store %arg11[%swap3A_330, %swap3A_331], %swap3A_334 {strides = array<i32>} : memref<40x128xf32, #tpu.memory_space<vmem>>, vector<1x16xf32>,
        %add3A_335 = arith.constant 1 : i32
        %add3A_336 = arith.addi %mul3A_130, %add3A_335 : i32
        %get3A_337 = arith.index_cast %add3A_336 : i32 to index
        %get3A_338 = arith.constant 16 : index
        %get3A_339 = tpu.vector_load %arg13[%get3A_337, %get3A_338] {strides = array<i32>} : memref<40x128xf32, #tpu.memory_space<vmem>>, vector<1x16xf32>,
        %get3A_340 = vector.shape_cast %get3A_339 : vector<1x16xf32> to vector<16xf32>
        %add3A_341 = arith.constant 1 : i32
        %add3A_342 = arith.addi %mul3A_130, %add3A_341 : i32
        %get3A_343 = arith.index_cast %add3A_342 : i32 to index
        %get3A_344 = arith.constant 16 : index
        %get3A_345 = tpu.vector_load %arg11[%get3A_343, %get3A_344] {strides = array<i32>} : memref<40x128xf32, #tpu.memory_space<vmem>>, vector<1x16xf32>,
        %get3A_346 = vector.shape_cast %get3A_345 : vector<1x16xf32> to vector<16xf32>
        %add3A_347 = arith.addf %get3A_340, %get3A_346 : vector<16xf32>
        %max3A_348 = arith.constant 0.000000e+00 : f32
        %max3A_349 = vector.broadcast %max3A_348 : f32 to vector<16xf32>
        %max3A_350 = arith.maximumf %add3A_347, %max3A_349 : vector<16xf32>
        %add3A_351 = arith.constant 1 : i32
        %add3A_352 = arith.addi %mul3A_130, %add3A_351 : i32
        %swap3A_353 = arith.index_cast %add3A_352 : i32 to index
        %swap3A_354 = arith.constant 16 : index
        %swap3A_355 = tpu.vector_load %arg11[%swap3A_353, %swap3A_354] {strides = array<i32>} : memref<40x128xf32, #tpu.memory_space<vmem>>, vector<1x16xf32>,
        %swap3A_356 = vector.shape_cast %swap3A_355 : vector<1x16xf32> to vector<16xf32>
        %swap3A_357 = vector.shape_cast %max3A_350 : vector<16xf32> to vector<1x16xf32>
        tpu.vector_store %arg11[%swap3A_353, %swap3A_354], %swap3A_357 {strides = array<i32>} : memref<40x128xf32, #tpu.memory_space<vmem>>, vector<1x16xf32>,
        %add3A_358 = arith.constant 1 : i32
        %add3A_359 = arith.addi %mul3A_130, %add3A_358 : i32
        %get3A_360 = arith.index_cast %add3A_359 : i32 to index
        %get3A_361 = arith.constant 32 : index
        %get3A_362 = tpu.vector_load %arg13[%get3A_360, %get3A_361] {strides = array<i32>} : memref<40x128xf32, #tpu.memory_space<vmem>>, vector<1x16xf32>,
        %get3A_363 = vector.shape_cast %get3A_362 : vector<1x16xf32> to vector<16xf32>
        %add3A_364 = arith.constant 1 : i32
        %add3A_365 = arith.addi %mul3A_130, %add3A_364 : i32
        %get3A_366 = arith.index_cast %add3A_365 : i32 to index
        %get3A_367 = arith.constant 32 : index
        %get3A_368 = tpu.vector_load %arg11[%get3A_366, %get3A_367] {strides = array<i32>} : memref<40x128xf32, #tpu.memory_space<vmem>>, vector<1x16xf32>,
        %get3A_369 = vector.shape_cast %get3A_368 : vector<1x16xf32> to vector<16xf32>
        %add3A_370 = arith.addf %get3A_363, %get3A_369 : vector<16xf32>
        %max3A_371 = arith.constant 0.000000e+00 : f32
        %max3A_372 = vector.broadcast %max3A_371 : f32 to vector<16xf32>
        %max3A_373 = arith.maximumf %add3A_370, %max3A_372 : vector<16xf32>
        %add3A_374 = arith.constant 1 : i32
        %add3A_375 = arith.addi %mul3A_130, %add3A_374 : i32
        %swap3A_376 = arith.index_cast %add3A_375 : i32 to index
        %swap3A_377 = arith.constant 32 : index
        %swap3A_378 = tpu.vector_load %arg11[%swap3A_376, %swap3A_377] {strides = array<i32>} : memref<40x128xf32, #tpu.memory_space<vmem>>, vector<1x16xf32>,
        %swap3A_379 = vector.shape_cast %swap3A_378 : vector<1x16xf32> to vector<16xf32>
        %swap3A_380 = vector.shape_cast %max3A_373 : vector<16xf32> to vector<1x16xf32>
        tpu.vector_store %arg11[%swap3A_376, %swap3A_377], %swap3A_380 {strides = array<i32>} : memref<40x128xf32, #tpu.memory_space<vmem>>, vector<1x16xf32>,
        %add3A_381 = arith.constant 1 : i32
        %add3A_382 = arith.addi %mul3A_130, %add3A_381 : i32
        %get3A_383 = arith.index_cast %add3A_382 : i32 to index
        %get3A_384 = arith.constant 48 : index
        %get3A_385 = tpu.vector_load %arg13[%get3A_383, %get3A_384] {strides = array<i32>} : memref<40x128xf32, #tpu.memory_space<vmem>>, vector<1x16xf32>,
        %get3A_386 = vector.shape_cast %get3A_385 : vector<1x16xf32> to vector<16xf32>
        %add3A_387 = arith.constant 1 : i32
        %add3A_388 = arith.addi %mul3A_130, %add3A_387 : i32
        %get3A_389 = arith.index_cast %add3A_388 : i32 to index
        %get3A_390 = arith.constant 48 : index
        %get3A_391 = tpu.vector_load %arg11[%get3A_389, %get3A_390] {strides = array<i32>} : memref<40x128xf32, #tpu.memory_space<vmem>>, vector<1x16xf32>,
        %get3A_392 = vector.shape_cast %get3A_391 : vector<1x16xf32> to vector<16xf32>
        %add3A_393 = arith.addf %get3A_386, %get3A_392 : vector<16xf32>
        %max3A_394 = arith.constant 0.000000e+00 : f32
        %max3A_395 = vector.broadcast %max3A_394 : f32 to vector<16xf32>
        %max3A_396 = arith.maximumf %add3A_393, %max3A_395 : vector<16xf32>
        %add3A_397 = arith.constant 1 : i32
        %add3A_398 = arith.addi %mul3A_130, %add3A_397 : i32
        %swap3A_399 = arith.index_cast %add3A_398 : i32 to index
        %swap3A_400 = arith.constant 48 : index
        %swap3A_401 = tpu.vector_load %arg11[%swap3A_399, %swap3A_400] {strides = array<i32>} : memref<40x128xf32, #tpu.memory_space<vmem>>, vector<1x16xf32>,
        %swap3A_402 = vector.shape_cast %swap3A_401 : vector<1x16xf32> to vector<16xf32>
        %swap3A_403 = vector.shape_cast %max3A_396 : vector<16xf32> to vector<1x16xf32>
        tpu.vector_store %arg11[%swap3A_399, %swap3A_400], %swap3A_403 {strides = array<i32>} : memref<40x128xf32, #tpu.memory_space<vmem>>, vector<1x16xf32>,
        %add3A_404 = arith.constant 1 : i32
        %add3A_405 = arith.addi %mul3A_130, %add3A_404 : i32
        %get3A_406 = arith.index_cast %add3A_405 : i32 to index
        %get3A_407 = arith.constant 64 : index
        %get3A_408 = tpu.vector_load %arg13[%get3A_406, %get3A_407] {strides = array<i32>} : memref<40x128xf32, #tpu.memory_space<vmem>>, vector<1x16xf32>,
        %get3A_409 = vector.shape_cast %get3A_408 : vector<1x16xf32> to vector<16xf32>
        %add3A_410 = arith.constant 1 : i32
        %add3A_411 = arith.addi %mul3A_130, %add3A_410 : i32
        %get3A_412 = arith.index_cast %add3A_411 : i32 to index
        %get3A_413 = arith.constant 64 : index
        %get3A_414 = tpu.vector_load %arg11[%get3A_412, %get3A_413] {strides = array<i32>} : memref<40x128xf32, #tpu.memory_space<vmem>>, vector<1x16xf32>,
        %get3A_415 = vector.shape_cast %get3A_414 : vector<1x16xf32> to vector<16xf32>
        %add3A_416 = arith.addf %get3A_409, %get3A_415 : vector<16xf32>
        %max3A_417 = arith.constant 0.000000e+00 : f32
        %max3A_418 = vector.broadcast %max3A_417 : f32 to vector<16xf32>
        %max3A_419 = arith.maximumf %add3A_416, %max3A_418 : vector<16xf32>
        %add3A_420 = arith.constant 1 : i32
        %add3A_421 = arith.addi %mul3A_130, %add3A_420 : i32
        %swap3A_422 = arith.index_cast %add3A_421 : i32 to index
        %swap3A_423 = arith.constant 64 : index
        %swap3A_424 = tpu.vector_load %arg11[%swap3A_422, %swap3A_423] {strides = array<i32>} : memref<40x128xf32, #tpu.memory_space<vmem>>, vector<1x16xf32>,
        %swap3A_425 = vector.shape_cast %swap3A_424 : vector<1x16xf32> to vector<16xf32>
        %swap3A_426 = vector.shape_cast %max3A_419 : vector<16xf32> to vector<1x16xf32>
        tpu.vector_store %arg11[%swap3A_422, %swap3A_423], %swap3A_426 {strides = array<i32>} : memref<40x128xf32, #tpu.memory_space<vmem>>, vector<1x16xf32>,
        %add3A_427 = arith.constant 1 : i32
        %add3A_428 = arith.addi %mul3A_130, %add3A_427 : i32
        %get3A_429 = arith.index_cast %add3A_428 : i32 to index
        %get3A_430 = arith.constant 80 : index
        %get3A_431 = tpu.vector_load %arg13[%get3A_429, %get3A_430] {strides = array<i32>} : memref<40x128xf32, #tpu.memory_space<vmem>>, vector<1x16xf32>,
        %get3A_432 = vector.shape_cast %get3A_431 : vector<1x16xf32> to vector<16xf32>
        %add3A_433 = arith.constant 1 : i32
        %add3A_434 = arith.addi %mul3A_130, %add3A_433 : i32
        %get3A_435 = arith.index_cast %add3A_434 : i32 to index
        %get3A_436 = arith.constant 80 : index
        %get3A_437 = tpu.vector_load %arg11[%get3A_435, %get3A_436] {strides = array<i32>} : memref<40x128xf32, #tpu.memory_space<vmem>>, vector<1x16xf32>,
        %get3A_438 = vector.shape_cast %get3A_437 : vector<1x16xf32> to vector<16xf32>
        %add3A_439 = arith.addf %get3A_432, %get3A_438 : vector<16xf32>
        %max3A_440 = arith.constant 0.000000e+00 : f32
        %max3A_441 = vector.broadcast %max3A_440 : f32 to vector<16xf32>
        %max3A_442 = arith.maximumf %add3A_439, %max3A_441 : vector<16xf32>
        %add3A_443 = arith.constant 1 : i32
        %add3A_444 = arith.addi %mul3A_130, %add3A_443 : i32
        %swap3A_445 = arith.index_cast %add3A_444 : i32 to index
        %swap3A_446 = arith.constant 80 : index
        %swap3A_447 = tpu.vector_load %arg11[%swap3A_445, %swap3A_446] {strides = array<i32>} : memref<40x128xf32, #tpu.memory_space<vmem>>, vector<1x16xf32>,
        %swap3A_448 = vector.shape_cast %swap3A_447 : vector<1x16xf32> to vector<16xf32>
        %swap3A_449 = vector.shape_cast %max3A_442 : vector<16xf32> to vector<1x16xf32>
        tpu.vector_store %arg11[%swap3A_445, %swap3A_446], %swap3A_449 {strides = array<i32>} : memref<40x128xf32, #tpu.memory_space<vmem>>, vector<1x16xf32>,
        %add3A_450 = arith.constant 1 : i32
        %add3A_451 = arith.addi %mul3A_130, %add3A_450 : i32
        %get3A_452 = arith.index_cast %add3A_451 : i32 to index
        %get3A_453 = arith.constant 96 : index
        %get3A_454 = tpu.vector_load %arg13[%get3A_452, %get3A_453] {strides = array<i32>} : memref<40x128xf32, #tpu.memory_space<vmem>>, vector<1x16xf32>,
        %get3A_455 = vector.shape_cast %get3A_454 : vector<1x16xf32> to vector<16xf32>
        %add3A_456 = arith.constant 1 : i32
        %add3A_457 = arith.addi %mul3A_130, %add3A_456 : i32
        %get3A_458 = arith.index_cast %add3A_457 : i32 to index
        %get3A_459 = arith.constant 96 : index
        %get3A_460 = tpu.vector_load %arg11[%get3A_458, %get3A_459] {strides = array<i32>} : memref<40x128xf32, #tpu.memory_space<vmem>>, vector<1x16xf32>,
        %get3A_461 = vector.shape_cast %get3A_460 : vector<1x16xf32> to vector<16xf32>
        %add3A_462 = arith.addf %get3A_455, %get3A_461 : vector<16xf32>
        %max3A_463 = arith.constant 0.000000e+00 : f32
        %max3A_464 = vector.broadcast %max3A_463 : f32 to vector<16xf32>
        %max3A_465 = arith.maximumf %add3A_462, %max3A_464 : vector<16xf32>
        %add3A_466 = arith.constant 1 : i32
        %add3A_467 = arith.addi %mul3A_130, %add3A_466 : i32
        %swap3A_468 = arith.index_cast %add3A_467 : i32 to index
        %swap3A_469 = arith.constant 96 : index
        %swap3A_470 = tpu.vector_load %arg11[%swap3A_468, %swap3A_469] {strides = array<i32>} : memref<40x128xf32, #tpu.memory_space<vmem>>, vector<1x16xf32>,
        %swap3A_471 = vector.shape_cast %swap3A_470 : vector<1x16xf32> to vector<16xf32>
        %swap3A_472 = vector.shape_cast %max3A_465 : vector<16xf32> to vector<1x16xf32>
        tpu.vector_store %arg11[%swap3A_468, %swap3A_469], %swap3A_472 {strides = array<i32>} : memref<40x128xf32, #tpu.memory_space<vmem>>, vector<1x16xf32>,
        %add3A_473 = arith.constant 1 : i32
        %add3A_474 = arith.addi %mul3A_130, %add3A_473 : i32
        %get3A_475 = arith.index_cast %add3A_474 : i32 to index
        %get3A_476 = arith.constant 112 : index
        %get3A_477 = tpu.vector_load %arg13[%get3A_475, %get3A_476] {strides = array<i32>} : memref<40x128xf32, #tpu.memory_space<vmem>>, vector<1x16xf32>,
        %get3A_478 = vector.shape_cast %get3A_477 : vector<1x16xf32> to vector<16xf32>
        %add3A_479 = arith.constant 1 : i32
        %add3A_480 = arith.addi %mul3A_130, %add3A_479 : i32
        %get3A_481 = arith.index_cast %add3A_480 : i32 to index
        %get3A_482 = arith.constant 112 : index
        %get3A_483 = tpu.vector_load %arg11[%get3A_481, %get3A_482] {strides = array<i32>} : memref<40x128xf32, #tpu.memory_space<vmem>>, vector<1x16xf32>,
        %get3A_484 = vector.shape_cast %get3A_483 : vector<1x16xf32> to vector<16xf32>
        %add3A_485 = arith.addf %get3A_478, %get3A_484 : vector<16xf32>
        %max3A_486 = arith.constant 0.000000e+00 : f32
        %max3A_487 = vector.broadcast %max3A_486 : f32 to vector<16xf32>
        %max3A_488 = arith.maximumf %add3A_485, %max3A_487 : vector<16xf32>
        %add3A_489 = arith.constant 1 : i32
        %add3A_490 = arith.addi %mul3A_130, %add3A_489 : i32
        %swap3A_491 = arith.index_cast %add3A_490 : i32 to index
        %swap3A_492 = arith.constant 112 : index
        %swap3A_493 = tpu.vector_load %arg11[%swap3A_491, %swap3A_492] {strides = array<i32>} : memref<40x128xf32, #tpu.memory_space<vmem>>, vector<1x16xf32>,
        %swap3A_494 = vector.shape_cast %swap3A_493 : vector<1x16xf32> to vector<16xf32>
        %swap3A_495 = vector.shape_cast %max3A_488 : vector<16xf32> to vector<1x16xf32>
        tpu.vector_store %arg11[%swap3A_491, %swap3A_492], %swap3A_495 {strides = array<i32>} : memref<40x128xf32, #tpu.memory_space<vmem>>, vector<1x16xf32>,
      }
      %scan3A_100 = arith.constant 20 : i32
      %dma_start3A_101 = arith.constant 0 : i32
      %dma_start3A_102 = arith.constant 0 : i32
      %dma_start3A_103 = tpu.memref_slice %arg16[%dma_start3A_101, %dma_start3A_102] : memref<10240x128xf32, #tpu.memory_space<vmem_shared>> -> memref<10240x128xf32, #tpu.memory_space<vmem_shared>>
      tpu.enqueue_indirect_dma source(%arg11 : memref<40x128xf32, #tpu.memory_space<vmem>>) target(%dma_start3A_103 : memref<10240x128xf32, #tpu.memory_space<vmem_shared>>) offsets(%arg9 : memref<40xi32, #tpu.memory_space<vmem>>) semaphore(%arg23 : memref<!tpu.dma_semaphore, #tpu.memory_space<semaphore_mem>>) {add = true}
      %dma_wait3A_104 = tpu.memref_slice %arg5[%add3A_68] : memref<320000xi32, #tpu.memory_space<hbm>> -> memref<40xi32, #tpu.memory_space<hbm>>
      %dma_wait3A_105 = tpu.memref_slice %arg5[%add3A_68] : memref<320000xi32, #tpu.memory_space<hbm>> -> memref<40xi32, #tpu.memory_space<hbm>>
      tpu.wait_dma2 semaphore(%arg18 : memref<!tpu.dma_semaphore, #tpu.memory_space<semaphore_mem>>) src(%dma_wait3A_105 : memref<40xi32, #tpu.memory_space<hbm>>) dst(%arg10 : memref<40xi32, #tpu.memory_space<vmem>>)
      %dma_wait3A_106 = arith.constant 0 : i32
      %dma_wait3A_107 = tpu.memref_slice %arg2[%add3A_68, %dma_wait3A_106] : memref<320000x128xf32, #tpu.memory_space<hbm>> -> memref<40x128xf32, #tpu.memory_space<hbm>>
      %dma_wait3A_108 = arith.constant 0 : i32
      %dma_wait3A_109 = tpu.memref_slice %arg2[%add3A_68, %dma_wait3A_108] : memref<320000x128xf32, #tpu.memory_space<hbm>> -> memref<40x128xf32, #tpu.memory_space<hbm>>
      tpu.wait_dma2 semaphore(%arg20 : memref<!tpu.dma_semaphore, #tpu.memory_space<semaphore_mem>>) src(%dma_wait3A_109 : memref<40x128xf32, #tpu.memory_space<hbm>>) dst(%arg12 : memref<40x128xf32, #tpu.memory_space<vmem>>)
      %dma_wait3A_110 = arith.constant 0 : i32
      %dma_wait3A_111 = arith.constant 0 : i32
      %dma_wait3A_112 = tpu.memref_slice %arg3[%dma_wait3A_110, %dma_wait3A_111] : memref<10000x128xf32, #tpu.memory_space<hbm>> -> memref<10000x128xf32, #tpu.memory_space<hbm>>
      tpu.wait_indirect_dma semaphore(%arg22 : memref<!tpu.dma_semaphore, #tpu.memory_space<semaphore_mem>>) src(%dma_wait3A_112 : memref<10000x128xf32, #tpu.memory_space<hbm>>) dst(%arg14 : memref<40x128xf32, #tpu.memory_space<vmem>>)
      %scan3A_113 = arith.constant 0 : i32
      %scan3A_114 = arith.constant 0 : i32
      %scan3A_115 = arith.constant 20 : i32
      %scan3A_116 = arith.addi %scan3A_114, %scan3A_115 : i32
      %scan3A_117 = arith.constant 1 : i32
      scf.for %scan3A_128 = %scan3A_114 to %scan3A_116 step %scan3A_117  : i32 {
        %mul3A_129 = arith.constant 2 : i32
        %mul3A_130 = arith.muli %scan3A_128, %mul3A_129 : i32
        %add3A_131 = arith.constant 0 : i32
        %add3A_132 = arith.addi %mul3A_130, %add3A_131 : i32
        %get3A = arith.index_cast %add3A_132 : i32 to index
        %get3A_133 = arith.constant 0 : index
        %get3A_134 = tpu.vector_load %arg14[%get3A, %get3A_133] {strides = array<i32>} : memref<40x128xf32, #tpu.memory_space<vmem>>, vector<1x16xf32>,
        %get3A_135 = vector.shape_cast %get3A_134 : vector<1x16xf32> to vector<16xf32>
        %add3A_136 = arith.constant 0 : i32
        %add3A_137 = arith.addi %mul3A_130, %add3A_136 : i32
        %get3A_138 = arith.index_cast %add3A_137 : i32 to index
        %get3A_139 = arith.constant 0 : index
        %get3A_140 = tpu.vector_load %arg12[%get3A_138, %get3A_139] {strides = array<i32>} : memref<40x128xf32, #tpu.memory_space<vmem>>, vector<1x16xf32>,
        %get3A_141 = vector.shape_cast %get3A_140 : vector<1x16xf32> to vector<16xf32>
        %add3A_142 = arith.addf %get3A_135, %get3A_141 : vector<16xf32>
        %max3A = arith.constant 0.000000e+00 : f32
        %max3A_143 = vector.broadcast %max3A : f32 to vector<16xf32>
        %max3A_144 = arith.maximumf %add3A_142, %max3A_143 : vector<16xf32>
        %add3A_145 = arith.constant 0 : i32
        %add3A_146 = arith.addi %mul3A_130, %add3A_145 : i32
        %swap3A = arith.index_cast %add3A_146 : i32 to index
        %swap3A_147 = arith.constant 0 : index
        %swap3A_148 = tpu.vector_load %arg12[%swap3A, %swap3A_147] {strides = array<i32>} : memref<40x128xf32, #tpu.memory_space<vmem>>, vector<1x16xf32>,
        %swap3A_149 = vector.shape_cast %swap3A_148 : vector<1x16xf32> to vector<16xf32>
        %swap3A_150 = vector.shape_cast %max3A_144 : vector<16xf32> to vector<1x16xf32>
        tpu.vector_store %arg12[%swap3A, %swap3A_147], %swap3A_150 {strides = array<i32>} : memref<40x128xf32, #tpu.memory_space<vmem>>, vector<1x16xf32>,
        %add3A_151 = arith.constant 0 : i32
        %add3A_152 = arith.addi %mul3A_130, %add3A_151 : i32
        %get3A_153 = arith.index_cast %add3A_152 : i32 to index
        %get3A_154 = arith.constant 16 : index
        %get3A_155 = tpu.vector_load %arg14[%get3A_153, %get3A_154] {strides = array<i32>} : memref<40x128xf32, #tpu.memory_space<vmem>>, vector<1x16xf32>,
        %get3A_156 = vector.shape_cast %get3A_155 : vector<1x16xf32> to vector<16xf32>
        %add3A_157 = arith.constant 0 : i32
        %add3A_158 = arith.addi %mul3A_130, %add3A_157 : i32
        %get3A_159 = arith.index_cast %add3A_158 : i32 to index
        %get3A_160 = arith.constant 16 : index
        %get3A_161 = tpu.vector_load %arg12[%get3A_159, %get3A_160] {strides = array<i32>} : memref<40x128xf32, #tpu.memory_space<vmem>>, vector<1x16xf32>,
        %get3A_162 = vector.shape_cast %get3A_161 : vector<1x16xf32> to vector<16xf32>
        %add3A_163 = arith.addf %get3A_156, %get3A_162 : vector<16xf32>
        %max3A_164 = arith.constant 0.000000e+00 : f32
        %max3A_165 = vector.broadcast %max3A_164 : f32 to vector<16xf32>
        %max3A_166 = arith.maximumf %add3A_163, %max3A_165 : vector<16xf32>
        %add3A_167 = arith.constant 0 : i32
        %add3A_168 = arith.addi %mul3A_130, %add3A_167 : i32
        %swap3A_169 = arith.index_cast %add3A_168 : i32 to index
        %swap3A_170 = arith.constant 16 : index
        %swap3A_171 = tpu.vector_load %arg12[%swap3A_169, %swap3A_170] {strides = array<i32>} : memref<40x128xf32, #tpu.memory_space<vmem>>, vector<1x16xf32>,
        %swap3A_172 = vector.shape_cast %swap3A_171 : vector<1x16xf32> to vector<16xf32>
        %swap3A_173 = vector.shape_cast %max3A_166 : vector<16xf32> to vector<1x16xf32>
        tpu.vector_store %arg12[%swap3A_169, %swap3A_170], %swap3A_173 {strides = array<i32>} : memref<40x128xf32, #tpu.memory_space<vmem>>, vector<1x16xf32>,
        %add3A_174 = arith.constant 0 : i32
        %add3A_175 = arith.addi %mul3A_130, %add3A_174 : i32
        %get3A_176 = arith.index_cast %add3A_175 : i32 to index
        %get3A_177 = arith.constant 32 : index
        %get3A_178 = tpu.vector_load %arg14[%get3A_176, %get3A_177] {strides = array<i32>} : memref<40x128xf32, #tpu.memory_space<vmem>>, vector<1x16xf32>,
        %get3A_179 = vector.shape_cast %get3A_178 : vector<1x16xf32> to vector<16xf32>
        %add3A_180 = arith.constant 0 : i32
        %add3A_181 = arith.addi %mul3A_130, %add3A_180 : i32
        %get3A_182 = arith.index_cast %add3A_181 : i32 to index
        %get3A_183 = arith.constant 32 : index
        %get3A_184 = tpu.vector_load %arg12[%get3A_182, %get3A_183] {strides = array<i32>} : memref<40x128xf32, #tpu.memory_space<vmem>>, vector<1x16xf32>,
        %get3A_185 = vector.shape_cast %get3A_184 : vector<1x16xf32> to vector<16xf32>
        %add3A_186 = arith.addf %get3A_179, %get3A_185 : vector<16xf32>
        %max3A_187 = arith.constant 0.000000e+00 : f32
        %max3A_188 = vector.broadcast %max3A_187 : f32 to vector<16xf32>
        %max3A_189 = arith.maximumf %add3A_186, %max3A_188 : vector<16xf32>
        %add3A_190 = arith.constant 0 : i32
        %add3A_191 = arith.addi %mul3A_130, %add3A_190 : i32
        %swap3A_192 = arith.index_cast %add3A_191 : i32 to index
        %swap3A_193 = arith.constant 32 : index
        %swap3A_194 = tpu.vector_load %arg12[%swap3A_192, %swap3A_193] {strides = array<i32>} : memref<40x128xf32, #tpu.memory_space<vmem>>, vector<1x16xf32>,
        %swap3A_195 = vector.shape_cast %swap3A_194 : vector<1x16xf32> to vector<16xf32>
        %swap3A_196 = vector.shape_cast %max3A_189 : vector<16xf32> to vector<1x16xf32>
        tpu.vector_store %arg12[%swap3A_192, %swap3A_193], %swap3A_196 {strides = array<i32>} : memref<40x128xf32, #tpu.memory_space<vmem>>, vector<1x16xf32>,
        %add3A_197 = arith.constant 0 : i32
        %add3A_198 = arith.addi %mul3A_130, %add3A_197 : i32
        %get3A_199 = arith.index_cast %add3A_198 : i32 to index
        %get3A_200 = arith.constant 48 : index
        %get3A_201 = tpu.vector_load %arg14[%get3A_199, %get3A_200] {strides = array<i32>} : memref<40x128xf32, #tpu.memory_space<vmem>>, vector<1x16xf32>,
        %get3A_202 = vector.shape_cast %get3A_201 : vector<1x16xf32> to vector<16xf32>
        %add3A_203 = arith.constant 0 : i32
        %add3A_204 = arith.addi %mul3A_130, %add3A_203 : i32
        %get3A_205 = arith.index_cast %add3A_204 : i32 to index
        %get3A_206 = arith.constant 48 : index
        %get3A_207 = tpu.vector_load %arg12[%get3A_205, %get3A_206] {strides = array<i32>} : memref<40x128xf32, #tpu.memory_space<vmem>>, vector<1x16xf32>,
        %get3A_208 = vector.shape_cast %get3A_207 : vector<1x16xf32> to vector<16xf32>
        %add3A_209 = arith.addf %get3A_202, %get3A_208 : vector<16xf32>
        %max3A_210 = arith.constant 0.000000e+00 : f32
        %max3A_211 = vector.broadcast %max3A_210 : f32 to vector<16xf32>
        %max3A_212 = arith.maximumf %add3A_209, %max3A_211 : vector<16xf32>
        %add3A_213 = arith.constant 0 : i32
        %add3A_214 = arith.addi %mul3A_130, %add3A_213 : i32
        %swap3A_215 = arith.index_cast %add3A_214 : i32 to index
        %swap3A_216 = arith.constant 48 : index
        %swap3A_217 = tpu.vector_load %arg12[%swap3A_215, %swap3A_216] {strides = array<i32>} : memref<40x128xf32, #tpu.memory_space<vmem>>, vector<1x16xf32>,
        %swap3A_218 = vector.shape_cast %swap3A_217 : vector<1x16xf32> to vector<16xf32>
        %swap3A_219 = vector.shape_cast %max3A_212 : vector<16xf32> to vector<1x16xf32>
        tpu.vector_store %arg12[%swap3A_215, %swap3A_216], %swap3A_219 {strides = array<i32>} : memref<40x128xf32, #tpu.memory_space<vmem>>, vector<1x16xf32>,
        %add3A_220 = arith.constant 0 : i32
        %add3A_221 = arith.addi %mul3A_130, %add3A_220 : i32
        %get3A_222 = arith.index_cast %add3A_221 : i32 to index
        %get3A_223 = arith.constant 64 : index
        %get3A_224 = tpu.vector_load %arg14[%get3A_222, %get3A_223] {strides = array<i32>} : memref<40x128xf32, #tpu.memory_space<vmem>>, vector<1x16xf32>,
        %get3A_225 = vector.shape_cast %get3A_224 : vector<1x16xf32> to vector<16xf32>
        %add3A_226 = arith.constant 0 : i32
        %add3A_227 = arith.addi %mul3A_130, %add3A_226 : i32
        %get3A_228 = arith.index_cast %add3A_227 : i32 to index
        %get3A_229 = arith.constant 64 : index
        %get3A_230 = tpu.vector_load %arg12[%get3A_228, %get3A_229] {strides = array<i32>} : memref<40x128xf32, #tpu.memory_space<vmem>>, vector<1x16xf32>,
        %get3A_231 = vector.shape_cast %get3A_230 : vector<1x16xf32> to vector<16xf32>
        %add3A_232 = arith.addf %get3A_225, %get3A_231 : vector<16xf32>
        %max3A_233 = arith.constant 0.000000e+00 : f32
        %max3A_234 = vector.broadcast %max3A_233 : f32 to vector<16xf32>
        %max3A_235 = arith.maximumf %add3A_232, %max3A_234 : vector<16xf32>
        %add3A_236 = arith.constant 0 : i32
        %add3A_237 = arith.addi %mul3A_130, %add3A_236 : i32
        %swap3A_238 = arith.index_cast %add3A_237 : i32 to index
        %swap3A_239 = arith.constant 64 : index
        %swap3A_240 = tpu.vector_load %arg12[%swap3A_238, %swap3A_239] {strides = array<i32>} : memref<40x128xf32, #tpu.memory_space<vmem>>, vector<1x16xf32>,
        %swap3A_241 = vector.shape_cast %swap3A_240 : vector<1x16xf32> to vector<16xf32>
        %swap3A_242 = vector.shape_cast %max3A_235 : vector<16xf32> to vector<1x16xf32>
        tpu.vector_store %arg12[%swap3A_238, %swap3A_239], %swap3A_242 {strides = array<i32>} : memref<40x128xf32, #tpu.memory_space<vmem>>, vector<1x16xf32>,
        %add3A_243 = arith.constant 0 : i32
        %add3A_244 = arith.addi %mul3A_130, %add3A_243 : i32
        %get3A_245 = arith.index_cast %add3A_244 : i32 to index
        %get3A_246 = arith.constant 80 : index
        %get3A_247 = tpu.vector_load %arg14[%get3A_245, %get3A_246] {strides = array<i32>} : memref<40x128xf32, #tpu.memory_space<vmem>>, vector<1x16xf32>,
        %get3A_248 = vector.shape_cast %get3A_247 : vector<1x16xf32> to vector<16xf32>
        %add3A_249 = arith.constant 0 : i32
        %add3A_250 = arith.addi %mul3A_130, %add3A_249 : i32
        %get3A_251 = arith.index_cast %add3A_250 : i32 to index
        %get3A_252 = arith.constant 80 : index
        %get3A_253 = tpu.vector_load %arg12[%get3A_251, %get3A_252] {strides = array<i32>} : memref<40x128xf32, #tpu.memory_space<vmem>>, vector<1x16xf32>,
        %get3A_254 = vector.shape_cast %get3A_253 : vector<1x16xf32> to vector<16xf32>
        %add3A_255 = arith.addf %get3A_248, %get3A_254 : vector<16xf32>
        %max3A_256 = arith.constant 0.000000e+00 : f32
        %max3A_257 = vector.broadcast %max3A_256 : f32 to vector<16xf32>
        %max3A_258 = arith.maximumf %add3A_255, %max3A_257 : vector<16xf32>
        %add3A_259 = arith.constant 0 : i32
        %add3A_260 = arith.addi %mul3A_130, %add3A_259 : i32
        %swap3A_261 = arith.index_cast %add3A_260 : i32 to index
        %swap3A_262 = arith.constant 80 : index
        %swap3A_263 = tpu.vector_load %arg12[%swap3A_261, %swap3A_262] {strides = array<i32>} : memref<40x128xf32, #tpu.memory_space<vmem>>, vector<1x16xf32>,
        %swap3A_264 = vector.shape_cast %swap3A_263 : vector<1x16xf32> to vector<16xf32>
        %swap3A_265 = vector.shape_cast %max3A_258 : vector<16xf32> to vector<1x16xf32>
        tpu.vector_store %arg12[%swap3A_261, %swap3A_262], %swap3A_265 {strides = array<i32>} : memref<40x128xf32, #tpu.memory_space<vmem>>, vector<1x16xf32>,
        %add3A_266 = arith.constant 0 : i32
        %add3A_267 = arith.addi %mul3A_130, %add3A_266 : i32
        %get3A_268 = arith.index_cast %add3A_267 : i32 to index
        %get3A_269 = arith.constant 96 : index
        %get3A_270 = tpu.vector_load %arg14[%get3A_268, %get3A_269] {strides = array<i32>} : memref<40x128xf32, #tpu.memory_space<vmem>>, vector<1x16xf32>,
        %get3A_271 = vector.shape_cast %get3A_270 : vector<1x16xf32> to vector<16xf32>
        %add3A_272 = arith.constant 0 : i32
        %add3A_273 = arith.addi %mul3A_130, %add3A_272 : i32
        %get3A_274 = arith.index_cast %add3A_273 : i32 to index
        %get3A_275 = arith.constant 96 : index
        %get3A_276 = tpu.vector_load %arg12[%get3A_274, %get3A_275] {strides = array<i32>} : memref<40x128xf32, #tpu.memory_space<vmem>>, vector<1x16xf32>,
        %get3A_277 = vector.shape_cast %get3A_276 : vector<1x16xf32> to vector<16xf32>
        %add3A_278 = arith.addf %get3A_271, %get3A_277 : vector<16xf32>
        %max3A_279 = arith.constant 0.000000e+00 : f32
        %max3A_280 = vector.broadcast %max3A_279 : f32 to vector<16xf32>
        %max3A_281 = arith.maximumf %add3A_278, %max3A_280 : vector<16xf32>
        %add3A_282 = arith.constant 0 : i32
        %add3A_283 = arith.addi %mul3A_130, %add3A_282 : i32
        %swap3A_284 = arith.index_cast %add3A_283 : i32 to index
        %swap3A_285 = arith.constant 96 : index
        %swap3A_286 = tpu.vector_load %arg12[%swap3A_284, %swap3A_285] {strides = array<i32>} : memref<40x128xf32, #tpu.memory_space<vmem>>, vector<1x16xf32>,
        %swap3A_287 = vector.shape_cast %swap3A_286 : vector<1x16xf32> to vector<16xf32>
        %swap3A_288 = vector.shape_cast %max3A_281 : vector<16xf32> to vector<1x16xf32>
        tpu.vector_store %arg12[%swap3A_284, %swap3A_285], %swap3A_288 {strides = array<i32>} : memref<40x128xf32, #tpu.memory_space<vmem>>, vector<1x16xf32>,
        %add3A_289 = arith.constant 0 : i32
        %add3A_290 = arith.addi %mul3A_130, %add3A_289 : i32
        %get3A_291 = arith.index_cast %add3A_290 : i32 to index
        %get3A_292 = arith.constant 112 : index
        %get3A_293 = tpu.vector_load %arg14[%get3A_291, %get3A_292] {strides = array<i32>} : memref<40x128xf32, #tpu.memory_space<vmem>>, vector<1x16xf32>,
        %get3A_294 = vector.shape_cast %get3A_293 : vector<1x16xf32> to vector<16xf32>
        %add3A_295 = arith.constant 0 : i32
        %add3A_296 = arith.addi %mul3A_130, %add3A_295 : i32
        %get3A_297 = arith.index_cast %add3A_296 : i32 to index
        %get3A_298 = arith.constant 112 : index
        %get3A_299 = tpu.vector_load %arg12[%get3A_297, %get3A_298] {strides = array<i32>} : memref<40x128xf32, #tpu.memory_space<vmem>>, vector<1x16xf32>,
        %get3A_300 = vector.shape_cast %get3A_299 : vector<1x16xf32> to vector<16xf32>
        %add3A_301 = arith.addf %get3A_294, %get3A_300 : vector<16xf32>
        %max3A_302 = arith.constant 0.000000e+00 : f32
        %max3A_303 = vector.broadcast %max3A_302 : f32 to vector<16xf32>
        %max3A_304 = arith.maximumf %add3A_301, %max3A_303 : vector<16xf32>
        %add3A_305 = arith.constant 0 : i32
        %add3A_306 = arith.addi %mul3A_130, %add3A_305 : i32
        %swap3A_307 = arith.index_cast %add3A_306 : i32 to index
        %swap3A_308 = arith.constant 112 : index
        %swap3A_309 = tpu.vector_load %arg12[%swap3A_307, %swap3A_308] {strides = array<i32>} : memref<40x128xf32, #tpu.memory_space<vmem>>, vector<1x16xf32>,
        %swap3A_310 = vector.shape_cast %swap3A_309 : vector<1x16xf32> to vector<16xf32>
        %swap3A_311 = vector.shape_cast %max3A_304 : vector<16xf32> to vector<1x16xf32>
        tpu.vector_store %arg12[%swap3A_307, %swap3A_308], %swap3A_311 {strides = array<i32>} : memref<40x128xf32, #tpu.memory_space<vmem>>, vector<1x16xf32>,
        %add3A_312 = arith.constant 1 : i32
        %add3A_313 = arith.addi %mul3A_130, %add3A_312 : i32
        %get3A_314 = arith.index_cast %add3A_313 : i32 to index
        %get3A_315 = arith.constant 0 : index
        %get3A_316 = tpu.vector_load %arg14[%get3A_314, %get3A_315] {strides = array<i32>} : memref<40x128xf32, #tpu.memory_space<vmem>>, vector<1x16xf32>,
        %get3A_317 = vector.shape_cast %get3A_316 : vector<1x16xf32> to vector<16xf32>
        %add3A_318 = arith.constant 1 : i32
        %add3A_319 = arith.addi %mul3A_130, %add3A_318 : i32
        %get3A_320 = arith.index_cast %add3A_319 : i32 to index
        %get3A_321 = arith.constant 0 : index
        %get3A_322 = tpu.vector_load %arg12[%get3A_320, %get3A_321] {strides = array<i32>} : memref<40x128xf32, #tpu.memory_space<vmem>>, vector<1x16xf32>,
        %get3A_323 = vector.shape_cast %get3A_322 : vector<1x16xf32> to vector<16xf32>
        %add3A_324 = arith.addf %get3A_317, %get3A_323 : vector<16xf32>
        %max3A_325 = arith.constant 0.000000e+00 : f32
        %max3A_326 = vector.broadcast %max3A_325 : f32 to vector<16xf32>
        %max3A_327 = arith.maximumf %add3A_324, %max3A_326 : vector<16xf32>
        %add3A_328 = arith.constant 1 : i32
        %add3A_329 = arith.addi %mul3A_130, %add3A_328 : i32
        %swap3A_330 = arith.index_cast %add3A_329 : i32 to index
        %swap3A_331 = arith.constant 0 : index
        %swap3A_332 = tpu.vector_load %arg12[%swap3A_330, %swap3A_331] {strides = array<i32>} : memref<40x128xf32, #tpu.memory_space<vmem>>, vector<1x16xf32>,
        %swap3A_333 = vector.shape_cast %swap3A_332 : vector<1x16xf32> to vector<16xf32>
        %swap3A_334 = vector.shape_cast %max3A_327 : vector<16xf32> to vector<1x16xf32>
        tpu.vector_store %arg12[%swap3A_330, %swap3A_331], %swap3A_334 {strides = array<i32>} : memref<40x128xf32, #tpu.memory_space<vmem>>, vector<1x16xf32>,
        %add3A_335 = arith.constant 1 : i32
        %add3A_336 = arith.addi %mul3A_130, %add3A_335 : i32
        %get3A_337 = arith.index_cast %add3A_336 : i32 to index
        %get3A_338 = arith.constant 16 : index
        %get3A_339 = tpu.vector_load %arg14[%get3A_337, %get3A_338] {strides = array<i32>} : memref<40x128xf32, #tpu.memory_space<vmem>>, vector<1x16xf32>,
        %get3A_340 = vector.shape_cast %get3A_339 : vector<1x16xf32> to vector<16xf32>
        %add3A_341 = arith.constant 1 : i32
        %add3A_342 = arith.addi %mul3A_130, %add3A_341 : i32
        %get3A_343 = arith.index_cast %add3A_342 : i32 to index
        %get3A_344 = arith.constant 16 : index
        %get3A_345 = tpu.vector_load %arg12[%get3A_343, %get3A_344] {strides = array<i32>} : memref<40x128xf32, #tpu.memory_space<vmem>>, vector<1x16xf32>,
        %get3A_346 = vector.shape_cast %get3A_345 : vector<1x16xf32> to vector<16xf32>
        %add3A_347 = arith.addf %get3A_340, %get3A_346 : vector<16xf32>
        %max3A_348 = arith.constant 0.000000e+00 : f32
        %max3A_349 = vector.broadcast %max3A_348 : f32 to vector<16xf32>
        %max3A_350 = arith.maximumf %add3A_347, %max3A_349 : vector<16xf32>
        %add3A_351 = arith.constant 1 : i32
        %add3A_352 = arith.addi %mul3A_130, %add3A_351 : i32
        %swap3A_353 = arith.index_cast %add3A_352 : i32 to index
        %swap3A_354 = arith.constant 16 : index
        %swap3A_355 = tpu.vector_load %arg12[%swap3A_353, %swap3A_354] {strides = array<i32>} : memref<40x128xf32, #tpu.memory_space<vmem>>, vector<1x16xf32>,
        %swap3A_356 = vector.shape_cast %swap3A_355 : vector<1x16xf32> to vector<16xf32>
        %swap3A_357 = vector.shape_cast %max3A_350 : vector<16xf32> to vector<1x16xf32>
        tpu.vector_store %arg12[%swap3A_353, %swap3A_354], %swap3A_357 {strides = array<i32>} : memref<40x128xf32, #tpu.memory_space<vmem>>, vector<1x16xf32>,
        %add3A_358 = arith.constant 1 : i32
        %add3A_359 = arith.addi %mul3A_130, %add3A_358 : i32
        %get3A_360 = arith.index_cast %add3A_359 : i32 to index
        %get3A_361 = arith.constant 32 : index
        %get3A_362 = tpu.vector_load %arg14[%get3A_360, %get3A_361] {strides = array<i32>} : memref<40x128xf32, #tpu.memory_space<vmem>>, vector<1x16xf32>,
        %get3A_363 = vector.shape_cast %get3A_362 : vector<1x16xf32> to vector<16xf32>
        %add3A_364 = arith.constant 1 : i32
        %add3A_365 = arith.addi %mul3A_130, %add3A_364 : i32
        %get3A_366 = arith.index_cast %add3A_365 : i32 to index
        %get3A_367 = arith.constant 32 : index
        %get3A_368 = tpu.vector_load %arg12[%get3A_366, %get3A_367] {strides = array<i32>} : memref<40x128xf32, #tpu.memory_space<vmem>>, vector<1x16xf32>,
        %get3A_369 = vector.shape_cast %get3A_368 : vector<1x16xf32> to vector<16xf32>
        %add3A_370 = arith.addf %get3A_363, %get3A_369 : vector<16xf32>
        %max3A_371 = arith.constant 0.000000e+00 : f32
        %max3A_372 = vector.broadcast %max3A_371 : f32 to vector<16xf32>
        %max3A_373 = arith.maximumf %add3A_370, %max3A_372 : vector<16xf32>
        %add3A_374 = arith.constant 1 : i32
        %add3A_375 = arith.addi %mul3A_130, %add3A_374 : i32
        %swap3A_376 = arith.index_cast %add3A_375 : i32 to index
        %swap3A_377 = arith.constant 32 : index
        %swap3A_378 = tpu.vector_load %arg12[%swap3A_376, %swap3A_377] {strides = array<i32>} : memref<40x128xf32, #tpu.memory_space<vmem>>, vector<1x16xf32>,
        %swap3A_379 = vector.shape_cast %swap3A_378 : vector<1x16xf32> to vector<16xf32>
        %swap3A_380 = vector.shape_cast %max3A_373 : vector<16xf32> to vector<1x16xf32>
        tpu.vector_store %arg12[%swap3A_376, %swap3A_377], %swap3A_380 {strides = array<i32>} : memref<40x128xf32, #tpu.memory_space<vmem>>, vector<1x16xf32>,
        %add3A_381 = arith.constant 1 : i32
        %add3A_382 = arith.addi %mul3A_130, %add3A_381 : i32
        %get3A_383 = arith.index_cast %add3A_382 : i32 to index
        %get3A_384 = arith.constant 48 : index
        %get3A_385 = tpu.vector_load %arg14[%get3A_383, %get3A_384] {strides = array<i32>} : memref<40x128xf32, #tpu.memory_space<vmem>>, vector<1x16xf32>,
        %get3A_386 = vector.shape_cast %get3A_385 : vector<1x16xf32> to vector<16xf32>
        %add3A_387 = arith.constant 1 : i32
        %add3A_388 = arith.addi %mul3A_130, %add3A_387 : i32
        %get3A_389 = arith.index_cast %add3A_388 : i32 to index
        %get3A_390 = arith.constant 48 : index
        %get3A_391 = tpu.vector_load %arg12[%get3A_389, %get3A_390] {strides = array<i32>} : memref<40x128xf32, #tpu.memory_space<vmem>>, vector<1x16xf32>,
        %get3A_392 = vector.shape_cast %get3A_391 : vector<1x16xf32> to vector<16xf32>
        %add3A_393 = arith.addf %get3A_386, %get3A_392 : vector<16xf32>
        %max3A_394 = arith.constant 0.000000e+00 : f32
        %max3A_395 = vector.broadcast %max3A_394 : f32 to vector<16xf32>
        %max3A_396 = arith.maximumf %add3A_393, %max3A_395 : vector<16xf32>
        %add3A_397 = arith.constant 1 : i32
        %add3A_398 = arith.addi %mul3A_130, %add3A_397 : i32
        %swap3A_399 = arith.index_cast %add3A_398 : i32 to index
        %swap3A_400 = arith.constant 48 : index
        %swap3A_401 = tpu.vector_load %arg12[%swap3A_399, %swap3A_400] {strides = array<i32>} : memref<40x128xf32, #tpu.memory_space<vmem>>, vector<1x16xf32>,
        %swap3A_402 = vector.shape_cast %swap3A_401 : vector<1x16xf32> to vector<16xf32>
        %swap3A_403 = vector.shape_cast %max3A_396 : vector<16xf32> to vector<1x16xf32>
        tpu.vector_store %arg12[%swap3A_399, %swap3A_400], %swap3A_403 {strides = array<i32>} : memref<40x128xf32, #tpu.memory_space<vmem>>, vector<1x16xf32>,
        %add3A_404 = arith.constant 1 : i32
        %add3A_405 = arith.addi %mul3A_130, %add3A_404 : i32
        %get3A_406 = arith.index_cast %add3A_405 : i32 to index
        %get3A_407 = arith.constant 64 : index
        %get3A_408 = tpu.vector_load %arg14[%get3A_406, %get3A_407] {strides = array<i32>} : memref<40x128xf32, #tpu.memory_space<vmem>>, vector<1x16xf32>,
        %get3A_409 = vector.shape_cast %get3A_408 : vector<1x16xf32> to vector<16xf32>
        %add3A_410 = arith.constant 1 : i32
        %add3A_411 = arith.addi %mul3A_130, %add3A_410 : i32
        %get3A_412 = arith.index_cast %add3A_411 : i32 to index
        %get3A_413 = arith.constant 64 : index
        %get3A_414 = tpu.vector_load %arg12[%get3A_412, %get3A_413] {strides = array<i32>} : memref<40x128xf32, #tpu.memory_space<vmem>>, vector<1x16xf32>,
        %get3A_415 = vector.shape_cast %get3A_414 : vector<1x16xf32> to vector<16xf32>
        %add3A_416 = arith.addf %get3A_409, %get3A_415 : vector<16xf32>
        %max3A_417 = arith.constant 0.000000e+00 : f32
        %max3A_418 = vector.broadcast %max3A_417 : f32 to vector<16xf32>
        %max3A_419 = arith.maximumf %add3A_416, %max3A_418 : vector<16xf32>
        %add3A_420 = arith.constant 1 : i32
        %add3A_421 = arith.addi %mul3A_130, %add3A_420 : i32
        %swap3A_422 = arith.index_cast %add3A_421 : i32 to index
        %swap3A_423 = arith.constant 64 : index
        %swap3A_424 = tpu.vector_load %arg12[%swap3A_422, %swap3A_423] {strides = array<i32>} : memref<40x128xf32, #tpu.memory_space<vmem>>, vector<1x16xf32>,
        %swap3A_425 = vector.shape_cast %swap3A_424 : vector<1x16xf32> to vector<16xf32>
        %swap3A_426 = vector.shape_cast %max3A_419 : vector<16xf32> to vector<1x16xf32>
        tpu.vector_store %arg12[%swap3A_422, %swap3A_423], %swap3A_426 {strides = array<i32>} : memref<40x128xf32, #tpu.memory_space<vmem>>, vector<1x16xf32>,
        %add3A_427 = arith.constant 1 : i32
        %add3A_428 = arith.addi %mul3A_130, %add3A_427 : i32
        %get3A_429 = arith.index_cast %add3A_428 : i32 to index
        %get3A_430 = arith.constant 80 : index
        %get3A_431 = tpu.vector_load %arg14[%get3A_429, %get3A_430] {strides = array<i32>} : memref<40x128xf32, #tpu.memory_space<vmem>>, vector<1x16xf32>,
        %get3A_432 = vector.shape_cast %get3A_431 : vector<1x16xf32> to vector<16xf32>
        %add3A_433 = arith.constant 1 : i32
        %add3A_434 = arith.addi %mul3A_130, %add3A_433 : i32
        %get3A_435 = arith.index_cast %add3A_434 : i32 to index
        %get3A_436 = arith.constant 80 : index
        %get3A_437 = tpu.vector_load %arg12[%get3A_435, %get3A_436] {strides = array<i32>} : memref<40x128xf32, #tpu.memory_space<vmem>>, vector<1x16xf32>,
        %get3A_438 = vector.shape_cast %get3A_437 : vector<1x16xf32> to vector<16xf32>
        %add3A_439 = arith.addf %get3A_432, %get3A_438 : vector<16xf32>
        %max3A_440 = arith.constant 0.000000e+00 : f32
        %max3A_441 = vector.broadcast %max3A_440 : f32 to vector<16xf32>
        %max3A_442 = arith.maximumf %add3A_439, %max3A_441 : vector<16xf32>
        %add3A_443 = arith.constant 1 : i32
        %add3A_444 = arith.addi %mul3A_130, %add3A_443 : i32
        %swap3A_445 = arith.index_cast %add3A_444 : i32 to index
        %swap3A_446 = arith.constant 80 : index
        %swap3A_447 = tpu.vector_load %arg12[%swap3A_445, %swap3A_446] {strides = array<i32>} : memref<40x128xf32, #tpu.memory_space<vmem>>, vector<1x16xf32>,
        %swap3A_448 = vector.shape_cast %swap3A_447 : vector<1x16xf32> to vector<16xf32>
        %swap3A_449 = vector.shape_cast %max3A_442 : vector<16xf32> to vector<1x16xf32>
        tpu.vector_store %arg12[%swap3A_445, %swap3A_446], %swap3A_449 {strides = array<i32>} : memref<40x128xf32, #tpu.memory_space<vmem>>, vector<1x16xf32>,
        %add3A_450 = arith.constant 1 : i32
        %add3A_451 = arith.addi %mul3A_130, %add3A_450 : i32
        %get3A_452 = arith.index_cast %add3A_451 : i32 to index
        %get3A_453 = arith.constant 96 : index
        %get3A_454 = tpu.vector_load %arg14[%get3A_452, %get3A_453] {strides = array<i32>} : memref<40x128xf32, #tpu.memory_space<vmem>>, vector<1x16xf32>,
        %get3A_455 = vector.shape_cast %get3A_454 : vector<1x16xf32> to vector<16xf32>
        %add3A_456 = arith.constant 1 : i32
        %add3A_457 = arith.addi %mul3A_130, %add3A_456 : i32
        %get3A_458 = arith.index_cast %add3A_457 : i32 to index
        %get3A_459 = arith.constant 96 : index
        %get3A_460 = tpu.vector_load %arg12[%get3A_458, %get3A_459] {strides = array<i32>} : memref<40x128xf32, #tpu.memory_space<vmem>>, vector<1x16xf32>,
        %get3A_461 = vector.shape_cast %get3A_460 : vector<1x16xf32> to vector<16xf32>
        %add3A_462 = arith.addf %get3A_455, %get3A_461 : vector<16xf32>
        %max3A_463 = arith.constant 0.000000e+00 : f32
        %max3A_464 = vector.broadcast %max3A_463 : f32 to vector<16xf32>
        %max3A_465 = arith.maximumf %add3A_462, %max3A_464 : vector<16xf32>
        %add3A_466 = arith.constant 1 : i32
        %add3A_467 = arith.addi %mul3A_130, %add3A_466 : i32
        %swap3A_468 = arith.index_cast %add3A_467 : i32 to index
        %swap3A_469 = arith.constant 96 : index
        %swap3A_470 = tpu.vector_load %arg12[%swap3A_468, %swap3A_469] {strides = array<i32>} : memref<40x128xf32, #tpu.memory_space<vmem>>, vector<1x16xf32>,
        %swap3A_471 = vector.shape_cast %swap3A_470 : vector<1x16xf32> to vector<16xf32>
        %swap3A_472 = vector.shape_cast %max3A_465 : vector<16xf32> to vector<1x16xf32>
        tpu.vector_store %arg12[%swap3A_468, %swap3A_469], %swap3A_472 {strides = array<i32>} : memref<40x128xf32, #tpu.memory_space<vmem>>, vector<1x16xf32>,
        %add3A_473 = arith.constant 1 : i32
        %add3A_474 = arith.addi %mul3A_130, %add3A_473 : i32
        %get3A_475 = arith.index_cast %add3A_474 : i32 to index
        %get3A_476 = arith.constant 112 : index
        %get3A_477 = tpu.vector_load %arg14[%get3A_475, %get3A_476] {strides = array<i32>} : memref<40x128xf32, #tpu.memory_space<vmem>>, vector<1x16xf32>,
        %get3A_478 = vector.shape_cast %get3A_477 : vector<1x16xf32> to vector<16xf32>
        %add3A_479 = arith.constant 1 : i32
        %add3A_480 = arith.addi %mul3A_130, %add3A_479 : i32
        %get3A_481 = arith.index_cast %add3A_480 : i32 to index
        %get3A_482 = arith.constant 112 : index
        %get3A_483 = tpu.vector_load %arg12[%get3A_481, %get3A_482] {strides = array<i32>} : memref<40x128xf32, #tpu.memory_space<vmem>>, vector<1x16xf32>,
        %get3A_484 = vector.shape_cast %get3A_483 : vector<1x16xf32> to vector<16xf32>
        %add3A_485 = arith.addf %get3A_478, %get3A_484 : vector<16xf32>
        %max3A_486 = arith.constant 0.000000e+00 : f32
        %max3A_487 = vector.broadcast %max3A_486 : f32 to vector<16xf32>
        %max3A_488 = arith.maximumf %add3A_485, %max3A_487 : vector<16xf32>
        %add3A_489 = arith.constant 1 : i32
        %add3A_490 = arith.addi %mul3A_130, %add3A_489 : i32
        %swap3A_491 = arith.index_cast %add3A_490 : i32 to index
        %swap3A_492 = arith.constant 112 : index
        %swap3A_493 = tpu.vector_load %arg12[%swap3A_491, %swap3A_492] {strides = array<i32>} : memref<40x128xf32, #tpu.memory_space<vmem>>, vector<1x16xf32>,
        %swap3A_494 = vector.shape_cast %swap3A_493 : vector<1x16xf32> to vector<16xf32>
        %swap3A_495 = vector.shape_cast %max3A_488 : vector<16xf32> to vector<1x16xf32>
        tpu.vector_store %arg12[%swap3A_491, %swap3A_492], %swap3A_495 {strides = array<i32>} : memref<40x128xf32, #tpu.memory_space<vmem>>, vector<1x16xf32>,
      }
      %scan3A_118 = arith.constant 20 : i32
      %dma_start3A_119 = arith.constant 0 : i32
      %dma_start3A_120 = arith.constant 0 : i32
      %dma_start3A_121 = tpu.memref_slice %arg16[%dma_start3A_119, %dma_start3A_120] : memref<10240x128xf32, #tpu.memory_space<vmem_shared>> -> memref<10240x128xf32, #tpu.memory_space<vmem_shared>>
      tpu.enqueue_indirect_dma source(%arg12 : memref<40x128xf32, #tpu.memory_space<vmem>>) target(%dma_start3A_121 : memref<10240x128xf32, #tpu.memory_space<vmem_shared>>) offsets(%arg10 : memref<40xi32, #tpu.memory_space<vmem>>) semaphore(%arg24 : memref<!tpu.dma_semaphore, #tpu.memory_space<semaphore_mem>>) {add = true}
      %dma_wait3A_122 = arith.constant 0 : i32
      %dma_wait3A_123 = arith.constant 0 : i32
      %dma_wait3A_124 = tpu.memref_slice %arg16[%dma_wait3A_122, %dma_wait3A_123] : memref<10240x128xf32, #tpu.memory_space<vmem_shared>> -> memref<10240x128xf32, #tpu.memory_space<vmem_shared>>
      tpu.wait_indirect_dma semaphore(%arg23 : memref<!tpu.dma_semaphore, #tpu.memory_space<semaphore_mem>>) src(%arg11 : memref<40x128xf32, #tpu.memory_space<vmem>>) dst(%dma_wait3A_124 : memref<10240x128xf32, #tpu.memory_space<vmem_shared>>)
      %dma_wait3A_125 = arith.constant 0 : i32
      %dma_wait3A_126 = arith.constant 0 : i32
      %dma_wait3A_127 = tpu.memref_slice %arg16[%dma_wait3A_125, %dma_wait3A_126] : memref<10240x128xf32, #tpu.memory_space<vmem_shared>> -> memref<10240x128xf32, #tpu.memory_space<vmem_shared>>
      tpu.wait_indirect_dma semaphore(%arg24 : memref<!tpu.dma_semaphore, #tpu.memory_space<semaphore_mem>>) src(%arg12 : memref<40x128xf32, #tpu.memory_space<vmem>>) dst(%dma_wait3A_127 : memref<10240x128xf32, #tpu.memory_space<vmem_shared>>)
    }
    %scan3A_25 = arith.constant 125 : i32
    %barrier3A_26 = arith.constant 0 : index
    tpu.barrier barrier_id(%barrier3A_26)
    %mul3A_27 = arith.constant 640 : i32
    %mul3A_28 = arith.muli %arg1, %mul3A_27 : i32
    %add3A_29 = arith.constant 0 : i32
    %add3A_30 = arith.addi %mul3A_28, %add3A_29 : i32
    "tpu.region"() ({
      %run_scoped3A = tpu.sem_alloc : memref<!tpu.dma_semaphore, #tpu.memory_space<semaphore_mem>>
      %dma_start3A = arith.constant 0 : i32
      %dma_start3A_47 = tpu.memref_slice %arg6[%arg0, %add3A_30, %dma_start3A] : memref<2x10240x128xf32, #tpu.memory_space<hbm>> -> memref<1x128x128xf32, #tpu.memory_space<hbm>>
      %dma_start3A_48 = tpu.memref_squeeze %dma_start3A_47 : memref<1x128x128xf32, #tpu.memory_space<hbm>> -> memref<128x128xf32, #tpu.memory_space<hbm>>
      %dma_start3A_49 = arith.constant 0 : i32
      %dma_start3A_50 = tpu.memref_slice %arg16[%add3A_30, %dma_start3A_49] : memref<10240x128xf32, #tpu.memory_space<vmem_shared>> -> memref<128x128xf32, #tpu.memory_space<vmem_shared>>
      tpu.enqueue_dma source(%dma_start3A_50 : memref<128x128xf32, #tpu.memory_space<vmem_shared>>) target(%dma_start3A_48 : memref<128x128xf32, #tpu.memory_space<hbm>>) target_semaphore(%run_scoped3A : memref<!tpu.dma_semaphore, #tpu.memory_space<semaphore_mem>>)
      %dma_wait3A = arith.constant 0 : i32
      %dma_wait3A_51 = tpu.memref_slice %arg6[%arg0, %add3A_30, %dma_wait3A] : memref<2x10240x128xf32, #tpu.memory_space<hbm>> -> memref<1x128x128xf32, #tpu.memory_space<hbm>>
      %dma_wait3A_52 = tpu.memref_squeeze %dma_wait3A_51 : memref<1x128x128xf32, #tpu.memory_space<hbm>> -> memref<128x128xf32, #tpu.memory_space<hbm>>
      %dma_wait3A_53 = arith.constant 0 : i32
      %dma_wait3A_54 = tpu.memref_slice %arg16[%add3A_30, %dma_wait3A_53] : memref<10240x128xf32, #tpu.memory_space<vmem_shared>> -> memref<128x128xf32, #tpu.memory_space<vmem_shared>>
      tpu.wait_dma2 semaphore(%run_scoped3A : memref<!tpu.dma_semaphore, #tpu.memory_space<semaphore_mem>>) src(%dma_wait3A_54 : memref<128x128xf32, #tpu.memory_space<vmem_shared>>) dst(%dma_wait3A_52 : memref<128x128xf32, #tpu.memory_space<hbm>>)
      tpu.yield
    }) : () -> ()
    %mul3A_31 = arith.constant 640 : i32
    %mul3A_32 = arith.muli %arg1, %mul3A_31 : i32
    %add3A_33 = arith.constant 128 : i32
    %add3A_34 = arith.addi %mul3A_32, %add3A_33 : i32
    "tpu.region"() ({
      %run_scoped3A = tpu.sem_alloc : memref<!tpu.dma_semaphore, #tpu.memory_space<semaphore_mem>>
      %dma_start3A = arith.constant 0 : i32
      %dma_start3A_47 = tpu.memref_slice %arg6[%arg0, %add3A_34, %dma_start3A] : memref<2x10240x128xf32, #tpu.memory_space<hbm>> -> memref<1x128x128xf32, #tpu.memory_space<hbm>>
      %dma_start3A_48 = tpu.memref_squeeze %dma_start3A_47 : memref<1x128x128xf32, #tpu.memory_space<hbm>> -> memref<128x128xf32, #tpu.memory_space<hbm>>
      %dma_start3A_49 = arith.constant 0 : i32
      %dma_start3A_50 = tpu.memref_slice %arg16[%add3A_34, %dma_start3A_49] : memref<10240x128xf32, #tpu.memory_space<vmem_shared>> -> memref<128x128xf32, #tpu.memory_space<vmem_shared>>
      tpu.enqueue_dma source(%dma_start3A_50 : memref<128x128xf32, #tpu.memory_space<vmem_shared>>) target(%dma_start3A_48 : memref<128x128xf32, #tpu.memory_space<hbm>>) target_semaphore(%run_scoped3A : memref<!tpu.dma_semaphore, #tpu.memory_space<semaphore_mem>>)
      %dma_wait3A = arith.constant 0 : i32
      %dma_wait3A_51 = tpu.memref_slice %arg6[%arg0, %add3A_34, %dma_wait3A] : memref<2x10240x128xf32, #tpu.memory_space<hbm>> -> memref<1x128x128xf32, #tpu.memory_space<hbm>>
      %dma_wait3A_52 = tpu.memref_squeeze %dma_wait3A_51 : memref<1x128x128xf32, #tpu.memory_space<hbm>> -> memref<128x128xf32, #tpu.memory_space<hbm>>
      %dma_wait3A_53 = arith.constant 0 : i32
      %dma_wait3A_54 = tpu.memref_slice %arg16[%add3A_34, %dma_wait3A_53] : memref<10240x128xf32, #tpu.memory_space<vmem_shared>> -> memref<128x128xf32, #tpu.memory_space<vmem_shared>>
      tpu.wait_dma2 semaphore(%run_scoped3A : memref<!tpu.dma_semaphore, #tpu.memory_space<semaphore_mem>>) src(%dma_wait3A_54 : memref<128x128xf32, #tpu.memory_space<vmem_shared>>) dst(%dma_wait3A_52 : memref<128x128xf32, #tpu.memory_space<hbm>>)
      tpu.yield
    }) : () -> ()
    %mul3A_35 = arith.constant 640 : i32
    %mul3A_36 = arith.muli %arg1, %mul3A_35 : i32
    %add3A_37 = arith.constant 256 : i32
    %add3A_38 = arith.addi %mul3A_36, %add3A_37 : i32
    "tpu.region"() ({
      %run_scoped3A = tpu.sem_alloc : memref<!tpu.dma_semaphore, #tpu.memory_space<semaphore_mem>>
      %dma_start3A = arith.constant 0 : i32
      %dma_start3A_47 = tpu.memref_slice %arg6[%arg0, %add3A_38, %dma_start3A] : memref<2x10240x128xf32, #tpu.memory_space<hbm>> -> memref<1x128x128xf32, #tpu.memory_space<hbm>>
      %dma_start3A_48 = tpu.memref_squeeze %dma_start3A_47 : memref<1x128x128xf32, #tpu.memory_space<hbm>> -> memref<128x128xf32, #tpu.memory_space<hbm>>
      %dma_start3A_49 = arith.constant 0 : i32
      %dma_start3A_50 = tpu.memref_slice %arg16[%add3A_38, %dma_start3A_49] : memref<10240x128xf32, #tpu.memory_space<vmem_shared>> -> memref<128x128xf32, #tpu.memory_space<vmem_shared>>
      tpu.enqueue_dma source(%dma_start3A_50 : memref<128x128xf32, #tpu.memory_space<vmem_shared>>) target(%dma_start3A_48 : memref<128x128xf32, #tpu.memory_space<hbm>>) target_semaphore(%run_scoped3A : memref<!tpu.dma_semaphore, #tpu.memory_space<semaphore_mem>>)
      %dma_wait3A = arith.constant 0 : i32
      %dma_wait3A_51 = tpu.memref_slice %arg6[%arg0, %add3A_38, %dma_wait3A] : memref<2x10240x128xf32, #tpu.memory_space<hbm>> -> memref<1x128x128xf32, #tpu.memory_space<hbm>>
      %dma_wait3A_52 = tpu.memref_squeeze %dma_wait3A_51 : memref<1x128x128xf32, #tpu.memory_space<hbm>> -> memref<128x128xf32, #tpu.memory_space<hbm>>
      %dma_wait3A_53 = arith.constant 0 : i32
      %dma_wait3A_54 = tpu.memref_slice %arg16[%add3A_38, %dma_wait3A_53] : memref<10240x128xf32, #tpu.memory_space<vmem_shared>> -> memref<128x128xf32, #tpu.memory_space<vmem_shared>>
      tpu.wait_dma2 semaphore(%run_scoped3A : memref<!tpu.dma_semaphore, #tpu.memory_space<semaphore_mem>>) src(%dma_wait3A_54 : memref<128x128xf32, #tpu.memory_space<vmem_shared>>) dst(%dma_wait3A_52 : memref<128x128xf32, #tpu.memory_space<hbm>>)
      tpu.yield
    }) : () -> ()
    %mul3A_39 = arith.constant 640 : i32
    %mul3A_40 = arith.muli %arg1, %mul3A_39 : i32
    %add3A_41 = arith.constant 384 : i32
    %add3A_42 = arith.addi %mul3A_40, %add3A_41 : i32
    "tpu.region"() ({
      %run_scoped3A = tpu.sem_alloc : memref<!tpu.dma_semaphore, #tpu.memory_space<semaphore_mem>>
      %dma_start3A = arith.constant 0 : i32
      %dma_start3A_47 = tpu.memref_slice %arg6[%arg0, %add3A_42, %dma_start3A] : memref<2x10240x128xf32, #tpu.memory_space<hbm>> -> memref<1x128x128xf32, #tpu.memory_space<hbm>>
      %dma_start3A_48 = tpu.memref_squeeze %dma_start3A_47 : memref<1x128x128xf32, #tpu.memory_space<hbm>> -> memref<128x128xf32, #tpu.memory_space<hbm>>
      %dma_start3A_49 = arith.constant 0 : i32
      %dma_start3A_50 = tpu.memref_slice %arg16[%add3A_42, %dma_start3A_49] : memref<10240x128xf32, #tpu.memory_space<vmem_shared>> -> memref<128x128xf32, #tpu.memory_space<vmem_shared>>
      tpu.enqueue_dma source(%dma_start3A_50 : memref<128x128xf32, #tpu.memory_space<vmem_shared>>) target(%dma_start3A_48 : memref<128x128xf32, #tpu.memory_space<hbm>>) target_semaphore(%run_scoped3A : memref<!tpu.dma_semaphore, #tpu.memory_space<semaphore_mem>>)
      %dma_wait3A = arith.constant 0 : i32
      %dma_wait3A_51 = tpu.memref_slice %arg6[%arg0, %add3A_42, %dma_wait3A] : memref<2x10240x128xf32, #tpu.memory_space<hbm>> -> memref<1x128x128xf32, #tpu.memory_space<hbm>>
      %dma_wait3A_52 = tpu.memref_squeeze %dma_wait3A_51 : memref<1x128x128xf32, #tpu.memory_space<hbm>> -> memref<128x128xf32, #tpu.memory_space<hbm>>
      %dma_wait3A_53 = arith.constant 0 : i32
      %dma_wait3A_54 = tpu.memref_slice %arg16[%add3A_42, %dma_wait3A_53] : memref<10240x128xf32, #tpu.memory_space<vmem_shared>> -> memref<128x128xf32, #tpu.memory_space<vmem_shared>>
      tpu.wait_dma2 semaphore(%run_scoped3A : memref<!tpu.dma_semaphore, #tpu.memory_space<semaphore_mem>>) src(%dma_wait3A_54 : memref<128x128xf32, #tpu.memory_space<vmem_shared>>) dst(%dma_wait3A_52 : memref<128x128xf32, #tpu.memory_space<hbm>>)
      tpu.yield
    }) : () -> ()
    %mul3A_43 = arith.constant 640 : i32
    %mul3A_44 = arith.muli %arg1, %mul3A_43 : i32
    %add3A_45 = arith.constant 512 : i32
    %add3A_46 = arith.addi %mul3A_44, %add3A_45 : i32
    "tpu.region"() ({
      %run_scoped3A = tpu.sem_alloc : memref<!tpu.dma_semaphore, #tpu.memory_space<semaphore_mem>>
      %dma_start3A = arith.constant 0 : i32
      %dma_start3A_47 = tpu.memref_slice %arg6[%arg0, %add3A_46, %dma_start3A] : memref<2x10240x128xf32, #tpu.memory_space<hbm>> -> memref<1x128x128xf32, #tpu.memory_space<hbm>>
      %dma_start3A_48 = tpu.memref_squeeze %dma_start3A_47 : memref<1x128x128xf32, #tpu.memory_space<hbm>> -> memref<128x128xf32, #tpu.memory_space<hbm>>
      %dma_start3A_49 = arith.constant 0 : i32
      %dma_start3A_50 = tpu.memref_slice %arg16[%add3A_46, %dma_start3A_49] : memref<10240x128xf32, #tpu.memory_space<vmem_shared>> -> memref<128x128xf32, #tpu.memory_space<vmem_shared>>
      tpu.enqueue_dma source(%dma_start3A_50 : memref<128x128xf32, #tpu.memory_space<vmem_shared>>) target(%dma_start3A_48 : memref<128x128xf32, #tpu.memory_space<hbm>>) target_semaphore(%run_scoped3A : memref<!tpu.dma_semaphore, #tpu.memory_space<semaphore_mem>>)
      %dma_wait3A = arith.constant 0 : i32
      %dma_wait3A_51 = tpu.memref_slice %arg6[%arg0, %add3A_46, %dma_wait3A] : memref<2x10240x128xf32, #tpu.memory_space<hbm>> -> memref<1x128x128xf32, #tpu.memory_space<hbm>>
      %dma_wait3A_52 = tpu.memref_squeeze %dma_wait3A_51 : memref<1x128x128xf32, #tpu.memory_space<hbm>> -> memref<128x128xf32, #tpu.memory_space<hbm>>
      %dma_wait3A_53 = arith.constant 0 : i32
      %dma_wait3A_54 = tpu.memref_slice %arg16[%add3A_46, %dma_wait3A_53] : memref<10240x128xf32, #tpu.memory_space<vmem_shared>> -> memref<128x128xf32, #tpu.memory_space<vmem_shared>>
      tpu.wait_dma2 semaphore(%run_scoped3A : memref<!tpu.dma_semaphore, #tpu.memory_space<semaphore_mem>>) src(%dma_wait3A_54 : memref<128x128xf32, #tpu.memory_space<vmem_shared>>) dst(%dma_wait3A_52 : memref<128x128xf32, #tpu.memory_space<hbm>>)
      tpu.yield
    }) : () -> ()
    return
  }
}

module attributes {stable_mosaic.version = 14 : i64} {
  func.func @_edge_mlp_body(%arg0: i32, %arg1: memref<2000x16xf32, #tpu.memory_space<vmem>>, %arg2: memref<16x128xf32, #tpu.memory_space<vmem>>, %arg3: memref<1x128xf32, #tpu.memory_space<vmem>>, %arg4: memref<2000x128xf32, #tpu.memory_space<vmem>>) attributes {dimension_semantics = [#tpu.dimension_semantics<arbitrary>], iteration_bounds = array<i64: 160>, scalar_prefetch = 0 : i64, scratch_operands = 0 : i64, tpu.core_type = #tpu.core_type<tc>, window_params = [{transform_indices = @transform_0, window_bounds = array<i64: 2000, 16>}, {pipeline_mode = #tpu.pipeline_mode<synchronous>, transform_indices = @transform_1, window_bounds = array<i64: 16, 128>}, {pipeline_mode = #tpu.pipeline_mode<synchronous>, transform_indices = @transform_2, window_bounds = array<i64: 1, 128>}, {transform_indices = @transform_3, window_bounds = array<i64: 2000, 128>}]} {
    %get3A = arith.constant 0 : index
    %get3A_0 = arith.constant 0 : index
    %get3A_1 = vector.load %arg1[%get3A, %get3A_0] : memref<2000x16xf32, #tpu.memory_space<vmem>>, vector<2000x16xf32>
    %convert_element_type3A = arith.truncf %get3A_1 : vector<2000x16xf32> to vector<2000x16xbf16>
    %get3A_2 = arith.constant 0 : index
    %get3A_3 = arith.constant 0 : index
    %get3A_4 = vector.load %arg2[%get3A_2, %get3A_3] : memref<16x128xf32, #tpu.memory_space<vmem>>, vector<16x128xf32>
    %convert_element_type3A_5 = arith.truncf %get3A_4 : vector<16x128xf32> to vector<16x128xbf16>
    %dot_general3A = arith.constant dense<0.000000e+00> : vector<2000x128xf32>
    %dot_general3A_6 = tpu.matmul %convert_element_type3A, %convert_element_type3A_5, %dot_general3A {dimension_numbers = #tpu.dot_dimension_numbers<[1], [0], [0], [1], [0, 0, 1, 1], [], []>, transpose_lhs_hint = false} : vector<2000x16xbf16>, vector<16x128xbf16>, vector<2000x128xf32> -> vector<2000x128xf32>
    %get3A_7 = arith.constant 0 : index
    %get3A_8 = arith.constant 0 : index
    %get3A_9 = vector.load %arg3[%get3A_7, %get3A_8] : memref<1x128xf32, #tpu.memory_space<vmem>>, vector<1x128xf32>
    %add3A = vector.broadcast %get3A_9 : vector<1x128xf32> to vector<2000x128xf32>
    %add3A_10 = arith.addf %dot_general3A_6, %add3A : vector<2000x128xf32>
    %max3A = arith.constant 0.000000e+00 : f32
    %max3A_11 = vector.broadcast %max3A : f32 to vector<2000x128xf32>
    %max3A_12 = arith.maximumf %add3A_10, %max3A_11 : vector<2000x128xf32>
    %swap3A = arith.constant 0 : index
    %swap3A_13 = arith.constant 0 : index
    %swap3A_14 = vector.load %arg4[%swap3A, %swap3A_13] : memref<2000x128xf32, #tpu.memory_space<vmem>>, vector<2000x128xf32>
    tpu.vector_store %arg4[%swap3A, %swap3A_13], %max3A_12 {strides = array<i32>} : memref<2000x128xf32, #tpu.memory_space<vmem>>, vector<2000x128xf32>,
    return
  }
  func.func @transform_0(%arg0: i32) -> (i32, i32) {
    %c0_i32 = arith.constant 0 : i32
    %c0_i32_0 = arith.constant 0 : i32
    return %arg0, %c0_i32 : i32, i32
  }
  func.func @transform_1(%arg0: i32) -> (i32, i32) {
    %c0_i32 = arith.constant 0 : i32
    %c0_i32_0 = arith.constant 0 : i32
    %c0_i32_1 = arith.constant 0 : i32
    return %c0_i32, %c0_i32_0 : i32, i32
  }
  func.func @transform_2(%arg0: i32) -> (i32, i32) {
    %c0_i32 = arith.constant 0 : i32
    %c0_i32_0 = arith.constant 0 : i32
    %c0_i32_1 = arith.constant 0 : i32
    return %c0_i32, %c0_i32_0 : i32, i32
  }
  func.func @transform_3(%arg0: i32) -> (i32, i32) {
    %c0_i32 = arith.constant 0 : i32
    %c0_i32_0 = arith.constant 0 : i32
    return %arg0, %c0_i32 : i32, i32
  }
}

module attributes {stable_mosaic.version = 14 : i64} {
  func.func @_node_mlp_body(%arg0: i32, %arg1: memref<1000x128xf32, #tpu.memory_space<vmem>>, %arg2: memref<2x1000x128xf32, #tpu.memory_space<vmem>>, %arg3: memref<1x1xf32, #tpu.memory_space<smem>>, %arg4: memref<128x128xf32, #tpu.memory_space<vmem>>, %arg5: memref<1x128xf32, #tpu.memory_space<vmem>>, %arg6: memref<128x128xf32, #tpu.memory_space<vmem>>, %arg7: memref<1x128xf32, #tpu.memory_space<vmem>>, %arg8: memref<1x128xf32, #tpu.memory_space<vmem>>, %arg9: memref<1x128xf32, #tpu.memory_space<vmem>>, %arg10: memref<1000x128xf32, #tpu.memory_space<vmem>>) attributes {dimension_semantics = [#tpu.dimension_semantics<arbitrary>], iteration_bounds = array<i64: 10>, scalar_prefetch = 0 : i64, scratch_operands = 0 : i64, tpu.core_type = #tpu.core_type<tc>, window_params = [{transform_indices = @transform_0, window_bounds = array<i64: 1000, 128>}, {transform_indices = @transform_1, window_bounds = array<i64: 2, 1000, 128>}, {transform_indices = @transform_2, window_bounds = array<i64: 1, 1>}, {pipeline_mode = #tpu.pipeline_mode<synchronous>, transform_indices = @transform_3, window_bounds = array<i64: 128, 128>}, {pipeline_mode = #tpu.pipeline_mode<synchronous>, transform_indices = @transform_4, window_bounds = array<i64: 1, 128>}, {pipeline_mode = #tpu.pipeline_mode<synchronous>, transform_indices = @transform_5, window_bounds = array<i64: 128, 128>}, {pipeline_mode = #tpu.pipeline_mode<synchronous>, transform_indices = @transform_6, window_bounds = array<i64: 1, 128>}, {pipeline_mode = #tpu.pipeline_mode<synchronous>, transform_indices = @transform_7, window_bounds = array<i64: 1, 128>}, {pipeline_mode = #tpu.pipeline_mode<synchronous>, transform_indices = @transform_8, window_bounds = array<i64: 1, 128>}, {transform_indices = @transform_9, window_bounds = array<i64: 1000, 128>}]} {
    %get3A = arith.constant 0 : index
    %get3A_0 = arith.constant 0 : index
    %get3A_1 = vector.load %arg1[%get3A, %get3A_0] : memref<1000x128xf32, #tpu.memory_space<vmem>>, vector<1000x128xf32>
    %get3A_2 = arith.constant 0 : index
    %get3A_3 = arith.constant 0 : index
    %get3A_4 = memref.load %arg3[%get3A_2, %get3A_3] : memref<1x1xf32, #tpu.memory_space<smem>>
    %add3A = arith.constant 1.000000e+00 : f32
    %add3A_5 = arith.addf %add3A, %get3A_4 : f32
    %mul3A = vector.broadcast %add3A_5 : f32 to vector<1000x128xf32>
    %mul3A_6 = arith.mulf %mul3A, %get3A_1 : vector<1000x128xf32>
    %get3A_7 = arith.constant 0 : index
    %get3A_8 = arith.constant 0 : index
    %get3A_9 = arith.constant 0 : index
    %get3A_10 = vector.load %arg2[%get3A_7, %get3A_8, %get3A_9] : memref<2x1000x128xf32, #tpu.memory_space<vmem>>, vector<1x1000x128xf32>
    %get3A_11 = vector.shape_cast %get3A_10 : vector<1x1000x128xf32> to vector<1000x128xf32>
    %add3A_12 = arith.addf %mul3A_6, %get3A_11 : vector<1000x128xf32>
    %get3A_13 = arith.constant 1 : index
    %get3A_14 = arith.constant 0 : index
    %get3A_15 = arith.constant 0 : index
    %get3A_16 = vector.load %arg2[%get3A_13, %get3A_14, %get3A_15] : memref<2x1000x128xf32, #tpu.memory_space<vmem>>, vector<1x1000x128xf32>
    %get3A_17 = vector.shape_cast %get3A_16 : vector<1x1000x128xf32> to vector<1000x128xf32>
    %add3A_18 = arith.addf %add3A_12, %get3A_17 : vector<1000x128xf32>
    %convert_element_type3A = arith.truncf %add3A_18 : vector<1000x128xf32> to vector<1000x128xbf16>
    %get3A_19 = arith.constant 0 : index
    %get3A_20 = arith.constant 0 : index
    %get3A_21 = vector.load %arg4[%get3A_19, %get3A_20] : memref<128x128xf32, #tpu.memory_space<vmem>>, vector<128x128xf32>
    %convert_element_type3A_22 = arith.truncf %get3A_21 : vector<128x128xf32> to vector<128x128xbf16>
    %dot_general3A = arith.constant dense<0.000000e+00> : vector<1000x128xf32>
    %dot_general3A_23 = tpu.matmul %convert_element_type3A, %convert_element_type3A_22, %dot_general3A {dimension_numbers = #tpu.dot_dimension_numbers<[1], [0], [0], [1], [0, 0, 1, 1], [], []>, transpose_lhs_hint = false} : vector<1000x128xbf16>, vector<128x128xbf16>, vector<1000x128xf32> -> vector<1000x128xf32>
    %get3A_24 = arith.constant 0 : index
    %get3A_25 = arith.constant 0 : index
    %get3A_26 = vector.load %arg5[%get3A_24, %get3A_25] : memref<1x128xf32, #tpu.memory_space<vmem>>, vector<1x128xf32>
    %add3A_27 = vector.broadcast %get3A_26 : vector<1x128xf32> to vector<1000x128xf32>
    %add3A_28 = arith.addf %dot_general3A_23, %add3A_27 : vector<1000x128xf32>
    %max3A = arith.constant 0.000000e+00 : f32
    %max3A_29 = vector.broadcast %max3A : f32 to vector<1000x128xf32>
    %max3A_30 = arith.maximumf %add3A_28, %max3A_29 : vector<1000x128xf32>
    %convert_element_type3A_31 = arith.truncf %max3A_30 : vector<1000x128xf32> to vector<1000x128xbf16>
    %get3A_32 = arith.constant 0 : index
    %get3A_33 = arith.constant 0 : index
    %get3A_34 = vector.load %arg6[%get3A_32, %get3A_33] : memref<128x128xf32, #tpu.memory_space<vmem>>, vector<128x128xf32>
    %convert_element_type3A_35 = arith.truncf %get3A_34 : vector<128x128xf32> to vector<128x128xbf16>
    %dot_general3A_36 = arith.constant dense<0.000000e+00> : vector<1000x128xf32>
    %dot_general3A_37 = tpu.matmul %convert_element_type3A_31, %convert_element_type3A_35, %dot_general3A_36 {dimension_numbers = #tpu.dot_dimension_numbers<[1], [0], [0], [1], [0, 0, 1, 1], [], []>, transpose_lhs_hint = false} : vector<1000x128xbf16>, vector<128x128xbf16>, vector<1000x128xf32> -> vector<1000x128xf32>
    %get3A_38 = arith.constant 0 : index
    %get3A_39 = arith.constant 0 : index
    %get3A_40 = vector.load %arg7[%get3A_38, %get3A_39] : memref<1x128xf32, #tpu.memory_space<vmem>>, vector<1x128xf32>
    %add3A_41 = vector.broadcast %get3A_40 : vector<1x128xf32> to vector<1000x128xf32>
    %add3A_42 = arith.addf %dot_general3A_37, %add3A_41 : vector<1000x128xf32>
    %reduce_sum3A = arith.constant dense<0.000000e+00> : vector<1000xf32>
    %reduce_sum3A_43 = vector.multi_reduction <add>, %add3A_42, %reduce_sum3A [1] : vector<1000x128xf32> to vector<1000xf32>
    %broadcast_in_dim3A = vector.shape_cast %reduce_sum3A_43 : vector<1000xf32> to vector<1000x1xf32>
    %div3A = arith.constant 1.280000e+02 : f32
    %div3A_44 = vector.broadcast %div3A : f32 to vector<1000x1xf32>
    %div3A_45 = arith.divf %broadcast_in_dim3A, %div3A_44 : vector<1000x1xf32>
    %sub3A = vector.broadcast %div3A_45 : vector<1000x1xf32> to vector<1000x128xf32>
    %sub3A_46 = arith.subf %add3A_42, %sub3A : vector<1000x128xf32>
    %sub3A_47 = vector.broadcast %div3A_45 : vector<1000x1xf32> to vector<1000x128xf32>
    %sub3A_48 = arith.subf %add3A_42, %sub3A_47 : vector<1000x128xf32>
    %mul3A_49 = arith.mulf %sub3A_46, %sub3A_48 : vector<1000x128xf32>
    %reduce_sum3A_50 = arith.constant dense<0.000000e+00> : vector<1000xf32>
    %reduce_sum3A_51 = vector.multi_reduction <add>, %mul3A_49, %reduce_sum3A_50 [1] : vector<1000x128xf32> to vector<1000xf32>
    %broadcast_in_dim3A_52 = vector.shape_cast %reduce_sum3A_51 : vector<1000xf32> to vector<1000x1xf32>
    %div3A_53 = arith.constant 1.280000e+02 : f32
    %div3A_54 = vector.broadcast %div3A_53 : f32 to vector<1000x1xf32>
    %div3A_55 = arith.divf %broadcast_in_dim3A_52, %div3A_54 : vector<1000x1xf32>
    %sub3A_56 = vector.broadcast %div3A_45 : vector<1000x1xf32> to vector<1000x128xf32>
    %sub3A_57 = arith.subf %add3A_42, %sub3A_56 : vector<1000x128xf32>
    %add3A_58 = arith.constant 9.99999974E-6 : f32
    %add3A_59 = vector.broadcast %add3A_58 : f32 to vector<1000x1xf32>
    %add3A_60 = arith.addf %div3A_55, %add3A_59 : vector<1000x1xf32>
    %rsqrt3A = math.rsqrt %add3A_60 : vector<1000x1xf32>
    %mul3A_61 = vector.broadcast %rsqrt3A : vector<1000x1xf32> to vector<1000x128xf32>
    %mul3A_62 = arith.mulf %sub3A_57, %mul3A_61 : vector<1000x128xf32>
    %get3A_63 = arith.constant 0 : index
    %get3A_64 = arith.constant 0 : index
    %get3A_65 = vector.load %arg8[%get3A_63, %get3A_64] : memref<1x128xf32, #tpu.memory_space<vmem>>, vector<1x128xf32>
    %mul3A_66 = vector.broadcast %get3A_65 : vector<1x128xf32> to vector<1000x128xf32>
    %mul3A_67 = arith.mulf %mul3A_62, %mul3A_66 : vector<1000x128xf32>
    %get3A_68 = arith.constant 0 : index
    %get3A_69 = arith.constant 0 : index
    %get3A_70 = vector.load %arg9[%get3A_68, %get3A_69] : memref<1x128xf32, #tpu.memory_space<vmem>>, vector<1x128xf32>
    %add3A_71 = vector.broadcast %get3A_70 : vector<1x128xf32> to vector<1000x128xf32>
    %add3A_72 = arith.addf %mul3A_67, %add3A_71 : vector<1000x128xf32>
    %max3A_73 = arith.constant 0.000000e+00 : f32
    %max3A_74 = vector.broadcast %max3A_73 : f32 to vector<1000x128xf32>
    %max3A_75 = arith.maximumf %add3A_72, %max3A_74 : vector<1000x128xf32>
    %add3A_76 = arith.addf %max3A_75, %get3A_1 : vector<1000x128xf32>
    %swap3A = arith.constant 0 : index
    %swap3A_77 = arith.constant 0 : index
    %swap3A_78 = vector.load %arg10[%swap3A, %swap3A_77] : memref<1000x128xf32, #tpu.memory_space<vmem>>, vector<1000x128xf32>
    tpu.vector_store %arg10[%swap3A, %swap3A_77], %add3A_76 {strides = array<i32>} : memref<1000x128xf32, #tpu.memory_space<vmem>>, vector<1000x128xf32>,
    return
  }
  func.func @transform_0(%arg0: i32) -> (i32, i32) {
    %c0_i32 = arith.constant 0 : i32
    %c0_i32_0 = arith.constant 0 : i32
    return %arg0, %c0_i32 : i32, i32
  }
  func.func @transform_1(%arg0: i32) -> (i32, i32, i32) {
    %c0_i32 = arith.constant 0 : i32
    %c0_i32_0 = arith.constant 0 : i32
    %c0_i32_1 = arith.constant 0 : i32
    return %c0_i32, %arg0, %c0_i32_0 : i32, i32, i32
  }
  func.func @transform_2(%arg0: i32) -> (i32, i32) {
    %c0_i32 = arith.constant 0 : i32
    %c0_i32_0 = arith.constant 0 : i32
    %c0_i32_1 = arith.constant 0 : i32
    return %c0_i32, %c0_i32_0 : i32, i32
  }
  func.func @transform_3(%arg0: i32) -> (i32, i32) {
    %c0_i32 = arith.constant 0 : i32
    %c0_i32_0 = arith.constant 0 : i32
    %c0_i32_1 = arith.constant 0 : i32
    return %c0_i32, %c0_i32_0 : i32, i32
  }
  func.func @transform_4(%arg0: i32) -> (i32, i32) {
    %c0_i32 = arith.constant 0 : i32
    %c0_i32_0 = arith.constant 0 : i32
    %c0_i32_1 = arith.constant 0 : i32
    return %c0_i32, %c0_i32_0 : i32, i32
  }
  func.func @transform_5(%arg0: i32) -> (i32, i32) {
    %c0_i32 = arith.constant 0 : i32
    %c0_i32_0 = arith.constant 0 : i32
    %c0_i32_1 = arith.constant 0 : i32
    return %c0_i32, %c0_i32_0 : i32, i32
  }
  func.func @transform_6(%arg0: i32) -> (i32, i32) {
    %c0_i32 = arith.constant 0 : i32
    %c0_i32_0 = arith.constant 0 : i32
    %c0_i32_1 = arith.constant 0 : i32
    return %c0_i32, %c0_i32_0 : i32, i32
  }
  func.func @transform_7(%arg0: i32) -> (i32, i32) {
    %c0_i32 = arith.constant 0 : i32
    %c0_i32_0 = arith.constant 0 : i32
    %c0_i32_1 = arith.constant 0 : i32
    return %c0_i32, %c0_i32_0 : i32, i32
  }
  func.func @transform_8(%arg0: i32) -> (i32, i32) {
    %c0_i32 = arith.constant 0 : i32
    %c0_i32_0 = arith.constant 0 : i32
    %c0_i32_1 = arith.constant 0 : i32
    return %c0_i32, %c0_i32_0 : i32, i32
  }
  func.func @transform_9(%arg0: i32) -> (i32, i32) {
    %c0_i32 = arith.constant 0 : i32
    %c0_i32_0 = arith.constant 0 : i32
    return %arg0, %c0_i32 : i32, i32
  }
}

module attributes {stable_mosaic.version = 14 : i64} {
  func.func @_pool_heads_body(%arg0: i32, %arg1: memref<1000x128xf32, #tpu.memory_space<vmem>>, %arg2: memref<1000x1xi32, #tpu.memory_space<vmem>>, %arg3: memref<64x32xf32, #tpu.memory_space<vmem>>, %arg4: memref<64x5xf32, #tpu.memory_space<vmem>>, %arg5: memref<133x128xf32, #tpu.memory_space<vmem>>, %arg6: memref<1x128xf32, #tpu.memory_space<vmem>>, %arg7: memref<128x1xf32, #tpu.memory_space<vmem>>, %arg8: memref<1x1xf32, #tpu.memory_space<vmem>>, %arg9: memref<160x128xf32, #tpu.memory_space<vmem>>, %arg10: memref<1x128xf32, #tpu.memory_space<vmem>>, %arg11: memref<128x1xf32, #tpu.memory_space<vmem>>, %arg12: memref<1x1xf32, #tpu.memory_space<vmem>>, %arg13: memref<64x1xf32, #tpu.memory_space<vmem>>, %arg14: memref<64x1xf32, #tpu.memory_space<vmem>>, %arg15: memref<64x128xf32, #tpu.memory_space<vmem>>, %arg16: memref<64x128xf32, #tpu.memory_space<vmem>>) attributes {dimension_semantics = [#tpu.dimension_semantics<arbitrary>], iteration_bounds = array<i64: 10>, scalar_prefetch = 0 : i64, scratch_operands = 2 : i64, tpu.core_type = #tpu.core_type<tc>, window_params = [{transform_indices = @transform_0, window_bounds = array<i64: 1000, 128>}, {transform_indices = @transform_1, window_bounds = array<i64: 1000, 1>}, {pipeline_mode = #tpu.pipeline_mode<synchronous>, transform_indices = @transform_2, window_bounds = array<i64: 64, 32>}, {pipeline_mode = #tpu.pipeline_mode<synchronous>, transform_indices = @transform_3, window_bounds = array<i64: 64, 5>}, {pipeline_mode = #tpu.pipeline_mode<synchronous>, transform_indices = @transform_4, window_bounds = array<i64: 133, 128>}, {pipeline_mode = #tpu.pipeline_mode<synchronous>, transform_indices = @transform_5, window_bounds = array<i64: 1, 128>}, {pipeline_mode = #tpu.pipeline_mode<synchronous>, transform_indices = @transform_6, window_bounds = array<i64: 128, 1>}, {pipeline_mode = #tpu.pipeline_mode<synchronous>, transform_indices = @transform_7, window_bounds = array<i64: 1, 1>}, {pipeline_mode = #tpu.pipeline_mode<synchronous>, transform_indices = @transform_8, window_bounds = array<i64: 160, 128>}, {pipeline_mode = #tpu.pipeline_mode<synchronous>, transform_indices = @transform_9, window_bounds = array<i64: 1, 128>}, {pipeline_mode = #tpu.pipeline_mode<synchronous>, transform_indices = @transform_10, window_bounds = array<i64: 128, 1>}, {pipeline_mode = #tpu.pipeline_mode<synchronous>, transform_indices = @transform_11, window_bounds = array<i64: 1, 1>}, {pipeline_mode = #tpu.pipeline_mode<synchronous>, transform_indices = @transform_12, window_bounds = array<i64: 64, 1>}, {pipeline_mode = #tpu.pipeline_mode<synchronous>, transform_indices = @transform_13, window_bounds = array<i64: 64, 1>}]} {
    %eq3A = arith.constant 0 : i32
    %eq3A_0 = arith.cmpi eq, %arg0, %eq3A : i32
    %convert_element_type3A = arith.extui %eq3A_0 : i1 to i32
    %cond3A = arith.constant 0 : i32
    %cond3A_1 = arith.cmpi ne, %convert_element_type3A, %cond3A : i32
    scf.if %cond3A_1 {
      %broadcast_in_dim3A_32 = arith.constant 0.000000e+00 : f32
      %broadcast_in_dim3A_33 = vector.broadcast %broadcast_in_dim3A_32 : f32 to vector<64x128xf32>
      %swap3A_34 = arith.constant 0 : index
      %swap3A_35 = arith.constant 0 : index
      %swap3A_36 = vector.load %arg15[%swap3A_34, %swap3A_35] : memref<64x128xf32, #tpu.memory_space<vmem>>, vector<64x128xf32>
      tpu.vector_store %arg15[%swap3A_34, %swap3A_35], %broadcast_in_dim3A_33 {strides = array<i32>} : memref<64x128xf32, #tpu.memory_space<vmem>>, vector<64x128xf32>,
      %broadcast_in_dim3A_37 = arith.constant 0.000000e+00 : f32
      %broadcast_in_dim3A_38 = vector.broadcast %broadcast_in_dim3A_37 : f32 to vector<64x128xf32>
      %swap3A_39 = arith.constant 0 : index
      %swap3A_40 = arith.constant 0 : index
      %swap3A_41 = vector.load %arg16[%swap3A_39, %swap3A_40] : memref<64x128xf32, #tpu.memory_space<vmem>>, vector<64x128xf32>
      tpu.vector_store %arg16[%swap3A_39, %swap3A_40], %broadcast_in_dim3A_38 {strides = array<i32>} : memref<64x128xf32, #tpu.memory_space<vmem>>, vector<64x128xf32>,
    } else {
    }
    %get3A = arith.constant 0 : index
    %get3A_2 = arith.constant 0 : index
    %get3A_3 = vector.load %arg1[%get3A, %get3A_2] : memref<1000x128xf32, #tpu.memory_space<vmem>>, vector<1000x128xf32>
    %get3A_4 = arith.constant 0 : index
    %get3A_5 = arith.constant 0 : index
    %get3A_6 = vector.load %arg2[%get3A_4, %get3A_5] : memref<1000x1xi32, #tpu.memory_space<vmem>>, vector<1000x1xi32>
    %iota3A = tpu.iota {dimensions = array<i32: 1>} : vector<1000x64xi32>
    %eq3A_7 = vector.broadcast %get3A_6 : vector<1000x1xi32> to vector<1000x64xi32>
    %eq3A_8 = arith.cmpi eq, %eq3A_7, %iota3A : vector<1000x64xi32>
    %convert_element_type3A_9 = arith.extui %eq3A_8 : vector<1000x64xi1> to vector<1000x64xi32>
    %convert_element_type3A_10 = arith.sitofp %convert_element_type3A_9 : vector<1000x64xi32> to vector<1000x64xf32>
    %get3A_11 = arith.constant 0 : index
    %get3A_12 = arith.constant 0 : index
    %get3A_13 = vector.load %arg15[%get3A_11, %get3A_12] : memref<64x128xf32, #tpu.memory_space<vmem>>, vector<64x128xf32>
    %dot_general3A = arith.constant dense<0.000000e+00> : vector<64x128xf32>
    %dot_general3A_14 = tpu.matmul %convert_element_type3A_10, %get3A_3, %dot_general3A {dimension_numbers = #tpu.dot_dimension_numbers<[0], [0], [1], [1], [0, 1, 1, 1], [], []>, precision = #tpu.contract_precision<fp32>, transpose_lhs_hint = false} : vector<1000x64xf32>, vector<1000x128xf32>, vector<64x128xf32> -> vector<64x128xf32>
    %add3A = arith.addf %get3A_13, %dot_general3A_14 : vector<64x128xf32>
    %swap3A = arith.constant 0 : index
    %swap3A_15 = arith.constant 0 : index
    %swap3A_16 = vector.load %arg15[%swap3A, %swap3A_15] : memref<64x128xf32, #tpu.memory_space<vmem>>, vector<64x128xf32>
    tpu.vector_store %arg15[%swap3A, %swap3A_15], %add3A {strides = array<i32>} : memref<64x128xf32, #tpu.memory_space<vmem>>, vector<64x128xf32>,
    %get3A_17 = arith.constant 0 : index
    %get3A_18 = arith.constant 0 : index
    %get3A_19 = vector.load %arg16[%get3A_17, %get3A_18] : memref<64x128xf32, #tpu.memory_space<vmem>>, vector<64x128xf32>
    %broadcast_in_dim3A = arith.constant 1.000000e+00 : f32
    %broadcast_in_dim3A_20 = vector.broadcast %broadcast_in_dim3A : f32 to vector<1000x128xf32>
    %dot_general3A_21 = arith.constant dense<0.000000e+00> : vector<64x128xf32>
    %dot_general3A_22 = tpu.matmul %convert_element_type3A_10, %broadcast_in_dim3A_20, %dot_general3A_21 {dimension_numbers = #tpu.dot_dimension_numbers<[0], [0], [1], [1], [0, 1, 1, 1], [], []>, precision = #tpu.contract_precision<fp32>, transpose_lhs_hint = false} : vector<1000x64xf32>, vector<1000x128xf32>, vector<64x128xf32> -> vector<64x128xf32>
    %add3A_23 = arith.addf %get3A_19, %dot_general3A_22 : vector<64x128xf32>
    %swap3A_24 = arith.constant 0 : index
    %swap3A_25 = arith.constant 0 : index
    %swap3A_26 = vector.load %arg16[%swap3A_24, %swap3A_25] : memref<64x128xf32, #tpu.memory_space<vmem>>, vector<64x128xf32>
    tpu.vector_store %arg16[%swap3A_24, %swap3A_25], %add3A_23 {strides = array<i32>} : memref<64x128xf32, #tpu.memory_space<vmem>>, vector<64x128xf32>,
    %eq3A_27 = arith.constant 9 : i32
    %eq3A_28 = arith.cmpi eq, %arg0, %eq3A_27 : i32
    %convert_element_type3A_29 = arith.extui %eq3A_28 : i1 to i32
    %cond3A_30 = arith.constant 0 : i32
    %cond3A_31 = arith.cmpi ne, %convert_element_type3A_29, %cond3A_30 : i32
    scf.if %cond3A_31 {
      %get3A_32 = arith.constant 0 : index
      %get3A_33 = arith.constant 0 : index
      %get3A_34 = vector.load %arg15[%get3A_32, %get3A_33] : memref<64x128xf32, #tpu.memory_space<vmem>>, vector<64x128xf32>
      %get3A_35 = arith.constant 0 : index
      %get3A_36 = arith.constant 0 : index
      %get3A_37 = vector.load %arg16[%get3A_35, %get3A_36] : memref<64x128xf32, #tpu.memory_space<vmem>>, vector<64x128xf32>
      %max3A = arith.constant 1.000000e+00 : f32
      %max3A_38 = vector.broadcast %max3A : f32 to vector<64x128xf32>
      %max3A_39 = arith.maximumf %get3A_37, %max3A_38 : vector<64x128xf32>
      %div3A = arith.divf %get3A_34, %max3A_39 : vector<64x128xf32>
      %get3A_40 = arith.constant 0 : index
      %get3A_41 = arith.constant 0 : index
      %get3A_42 = vector.load %arg3[%get3A_40, %get3A_41] : memref<64x32xf32, #tpu.memory_space<vmem>>, vector<64x32xf32>
      %concatenate3A = tpu.concatenate %div3A, %get3A_42 in 1 : vector<64x128xf32>, vector<64x32xf32> -> vector<64x160xf32>
      %convert_element_type3A_43 = arith.truncf %concatenate3A : vector<64x160xf32> to vector<64x160xbf16>
      %get3A_44 = arith.constant 0 : index
      %get3A_45 = arith.constant 0 : index
      %get3A_46 = vector.load %arg9[%get3A_44, %get3A_45] : memref<160x128xf32, #tpu.memory_space<vmem>>, vector<160x128xf32>
      %convert_element_type3A_47 = arith.truncf %get3A_46 : vector<160x128xf32> to vector<160x128xbf16>
      %dot_general3A_48 = arith.constant dense<0.000000e+00> : vector<64x128xf32>
      %dot_general3A_49 = tpu.matmul %convert_element_type3A_43, %convert_element_type3A_47, %dot_general3A_48 {dimension_numbers = #tpu.dot_dimension_numbers<[1], [0], [0], [1], [0, 0, 1, 1], [], []>, transpose_lhs_hint = false} : vector<64x160xbf16>, vector<160x128xbf16>, vector<64x128xf32> -> vector<64x128xf32>
      %get3A_50 = arith.constant 0 : index
      %get3A_51 = arith.constant 0 : index
      %get3A_52 = vector.load %arg10[%get3A_50, %get3A_51] : memref<1x128xf32, #tpu.memory_space<vmem>>, vector<1x128xf32>
      %add3A_53 = vector.broadcast %get3A_52 : vector<1x128xf32> to vector<64x128xf32>
      %add3A_54 = arith.addf %dot_general3A_49, %add3A_53 : vector<64x128xf32>
      %max3A_55 = arith.constant 0.000000e+00 : f32
      %max3A_56 = vector.broadcast %max3A_55 : f32 to vector<64x128xf32>
      %max3A_57 = arith.maximumf %add3A_54, %max3A_56 : vector<64x128xf32>
      %convert_element_type3A_58 = arith.truncf %max3A_57 : vector<64x128xf32> to vector<64x128xbf16>
      %get3A_59 = arith.constant 0 : index
      %get3A_60 = arith.constant 0 : index
      %get3A_61 = vector.load %arg11[%get3A_59, %get3A_60] : memref<128x1xf32, #tpu.memory_space<vmem>>, vector<128x1xf32>
      %convert_element_type3A_62 = arith.truncf %get3A_61 : vector<128x1xf32> to vector<128x1xbf16>
      %dot_general3A_63 = arith.constant dense<0.000000e+00> : vector<64x1xf32>
      %dot_general3A_64 = tpu.matmul %convert_element_type3A_58, %convert_element_type3A_62, %dot_general3A_63 {dimension_numbers = #tpu.dot_dimension_numbers<[1], [0], [0], [1], [0, 0, 1, 1], [], []>, transpose_lhs_hint = false} : vector<64x128xbf16>, vector<128x1xbf16>, vector<64x1xf32> -> vector<64x1xf32>
      %get3A_65 = arith.constant 0 : index
      %get3A_66 = arith.constant 0 : index
      %get3A_67 = vector.load %arg12[%get3A_65, %get3A_66] : memref<1x1xf32, #tpu.memory_space<vmem>>, vector<1x1xf32>
      %add3A_68 = vector.broadcast %get3A_67 : vector<1x1xf32> to vector<64x1xf32>
      %add3A_69 = arith.addf %dot_general3A_64, %add3A_68 : vector<64x1xf32>
      %swap3A_70 = arith.constant 0 : index
      %swap3A_71 = arith.constant 0 : index
      %swap3A_72 = vector.load %arg14[%swap3A_70, %swap3A_71] : memref<64x1xf32, #tpu.memory_space<vmem>>, vector<64x1xf32>
      tpu.vector_store %arg14[%swap3A_70, %swap3A_71], %add3A_69 {strides = array<i32>} : memref<64x1xf32, #tpu.memory_space<vmem>>, vector<64x1xf32>,
      %get3A_73 = arith.constant 0 : index
      %get3A_74 = arith.constant 0 : index
      %get3A_75 = vector.load %arg4[%get3A_73, %get3A_74] : memref<64x5xf32, #tpu.memory_space<vmem>>, vector<64x5xf32>
      %concatenate3A_76 = tpu.concatenate %div3A, %get3A_75 in 1 : vector<64x128xf32>, vector<64x5xf32> -> vector<64x133xf32>
      %convert_element_type3A_77 = arith.truncf %concatenate3A_76 : vector<64x133xf32> to vector<64x133xbf16>
      %get3A_78 = arith.constant 0 : index
      %get3A_79 = arith.constant 0 : index
      %get3A_80 = vector.load %arg5[%get3A_78, %get3A_79] : memref<133x128xf32, #tpu.memory_space<vmem>>, vector<133x128xf32>
      %convert_element_type3A_81 = arith.truncf %get3A_80 : vector<133x128xf32> to vector<133x128xbf16>
      %dot_general3A_82 = arith.constant dense<0.000000e+00> : vector<64x128xf32>
      %dot_general3A_83 = tpu.matmul %convert_element_type3A_77, %convert_element_type3A_81, %dot_general3A_82 {dimension_numbers = #tpu.dot_dimension_numbers<[1], [0], [0], [1], [0, 0, 1, 1], [], []>, transpose_lhs_hint = false} : vector<64x133xbf16>, vector<133x128xbf16>, vector<64x128xf32> -> vector<64x128xf32>
      %get3A_84 = arith.constant 0 : index
      %get3A_85 = arith.constant 0 : index
      %get3A_86 = vector.load %arg6[%get3A_84, %get3A_85] : memref<1x128xf32, #tpu.memory_space<vmem>>, vector<1x128xf32>
      %add3A_87 = vector.broadcast %get3A_86 : vector<1x128xf32> to vector<64x128xf32>
      %add3A_88 = arith.addf %dot_general3A_83, %add3A_87 : vector<64x128xf32>
      %max3A_89 = arith.constant 0.000000e+00 : f32
      %max3A_90 = vector.broadcast %max3A_89 : f32 to vector<64x128xf32>
      %max3A_91 = arith.maximumf %add3A_88, %max3A_90 : vector<64x128xf32>
      %convert_element_type3A_92 = arith.truncf %max3A_91 : vector<64x128xf32> to vector<64x128xbf16>
      %get3A_93 = arith.constant 0 : index
      %get3A_94 = arith.constant 0 : index
      %get3A_95 = vector.load %arg7[%get3A_93, %get3A_94] : memref<128x1xf32, #tpu.memory_space<vmem>>, vector<128x1xf32>
      %convert_element_type3A_96 = arith.truncf %get3A_95 : vector<128x1xf32> to vector<128x1xbf16>
      %dot_general3A_97 = arith.constant dense<0.000000e+00> : vector<64x1xf32>
      %dot_general3A_98 = tpu.matmul %convert_element_type3A_92, %convert_element_type3A_96, %dot_general3A_97 {dimension_numbers = #tpu.dot_dimension_numbers<[1], [0], [0], [1], [0, 0, 1, 1], [], []>, transpose_lhs_hint = false} : vector<64x128xbf16>, vector<128x1xbf16>, vector<64x1xf32> -> vector<64x1xf32>
      %get3A_99 = arith.constant 0 : index
      %get3A_100 = arith.constant 0 : index
      %get3A_101 = vector.load %arg8[%get3A_99, %get3A_100] : memref<1x1xf32, #tpu.memory_space<vmem>>, vector<1x1xf32>
      %add3A_102 = vector.broadcast %get3A_101 : vector<1x1xf32> to vector<64x1xf32>
      %add3A_103 = arith.addf %dot_general3A_98, %add3A_102 : vector<64x1xf32>
      %swap3A_104 = arith.constant 0 : index
      %swap3A_105 = arith.constant 0 : index
      %swap3A_106 = vector.load %arg13[%swap3A_104, %swap3A_105] : memref<64x1xf32, #tpu.memory_space<vmem>>, vector<64x1xf32>
      tpu.vector_store %arg13[%swap3A_104, %swap3A_105], %add3A_103 {strides = array<i32>} : memref<64x1xf32, #tpu.memory_space<vmem>>, vector<64x1xf32>,
    } else {
    }
    return
  }
  func.func @transform_0(%arg0: i32) -> (i32, i32) {
    %c0_i32 = arith.constant 0 : i32
    %c0_i32_0 = arith.constant 0 : i32
    return %arg0, %c0_i32 : i32, i32
  }
  func.func @transform_1(%arg0: i32) -> (i32, i32) {
    %c0_i32 = arith.constant 0 : i32
    %c0_i32_0 = arith.constant 0 : i32
    return %arg0, %c0_i32 : i32, i32
  }
  func.func @transform_2(%arg0: i32) -> (i32, i32) {
    %c0_i32 = arith.constant 0 : i32
    %c0_i32_0 = arith.constant 0 : i32
    %c0_i32_1 = arith.constant 0 : i32
    return %c0_i32, %c0_i32_0 : i32, i32
  }
  func.func @transform_3(%arg0: i32) -> (i32, i32) {
    %c0_i32 = arith.constant 0 : i32
    %c0_i32_0 = arith.constant 0 : i32
    %c0_i32_1 = arith.constant 0 : i32
    return %c0_i32, %c0_i32_0 : i32, i32
  }
  func.func @transform_4(%arg0: i32) -> (i32, i32) {
    %c0_i32 = arith.constant 0 : i32
    %c0_i32_0 = arith.constant 0 : i32
    %c0_i32_1 = arith.constant 0 : i32
    return %c0_i32, %c0_i32_0 : i32, i32
  }
  func.func @transform_5(%arg0: i32) -> (i32, i32) {
    %c0_i32 = arith.constant 0 : i32
    %c0_i32_0 = arith.constant 0 : i32
    %c0_i32_1 = arith.constant 0 : i32
    return %c0_i32, %c0_i32_0 : i32, i32
  }
  func.func @transform_6(%arg0: i32) -> (i32, i32) {
    %c0_i32 = arith.constant 0 : i32
    %c0_i32_0 = arith.constant 0 : i32
    %c0_i32_1 = arith.constant 0 : i32
    return %c0_i32, %c0_i32_0 : i32, i32
  }
  func.func @transform_7(%arg0: i32) -> (i32, i32) {
    %c0_i32 = arith.constant 0 : i32
    %c0_i32_0 = arith.constant 0 : i32
    %c0_i32_1 = arith.constant 0 : i32
    return %c0_i32, %c0_i32_0 : i32, i32
  }
  func.func @transform_8(%arg0: i32) -> (i32, i32) {
    %c0_i32 = arith.constant 0 : i32
    %c0_i32_0 = arith.constant 0 : i32
    %c0_i32_1 = arith.constant 0 : i32
    return %c0_i32, %c0_i32_0 : i32, i32
  }
  func.func @transform_9(%arg0: i32) -> (i32, i32) {
    %c0_i32 = arith.constant 0 : i32
    %c0_i32_0 = arith.constant 0 : i32
    %c0_i32_1 = arith.constant 0 : i32
    return %c0_i32, %c0_i32_0 : i32, i32
  }
  func.func @transform_10(%arg0: i32) -> (i32, i32) {
    %c0_i32 = arith.constant 0 : i32
    %c0_i32_0 = arith.constant 0 : i32
    %c0_i32_1 = arith.constant 0 : i32
    return %c0_i32, %c0_i32_0 : i32, i32
  }
  func.func @transform_11(%arg0: i32) -> (i32, i32) {
    %c0_i32 = arith.constant 0 : i32
    %c0_i32_0 = arith.constant 0 : i32
    %c0_i32_1 = arith.constant 0 : i32
    return %c0_i32, %c0_i32_0 : i32, i32
  }
  func.func @transform_12(%arg0: i32) -> (i32, i32) {
    %c0_i32 = arith.constant 0 : i32
    %c0_i32_0 = arith.constant 0 : i32
    %c0_i32_1 = arith.constant 0 : i32
    return %c0_i32, %c0_i32_0 : i32, i32
  }
  func.func @transform_13(%arg0: i32) -> (i32, i32) {
    %c0_i32 = arith.constant 0 : i32
    %c0_i32_0 = arith.constant 0 : i32
    %c0_i32_1 = arith.constant 0 : i32
    return %c0_i32, %c0_i32_0 : i32, i32
  }
}

</mosaic_0001>

<sc_bundles>
// kernel: kernel.12.cloned.1.call-start
scs
__scs_entry_jumppad:
0x0: {  	(pc) =	sbr.rel $0x88, $3  }
0x1: {  	(tag) =	ssettag $0x0;
	lr =	simm.s32 $0x1  }
0x2: {  	[smem:$0x3F8A] =	sst lr;
	_ =	strace $0xD0000000  }
0x3: {  	_ = 	snop  }
0x4: {  	_ = 	snop  }
0x5: {  	_ = 	snop  }
0x6: {  	_ = 	snop  }
0x7: {  	_ = 	snop  }
__scs_overlays_trampoline_lowered:
0x8: {  	[smem:$0x3F99] =	sst s0  }
0x9: {  	[smem:$0x3F9A] =	sst s1  }
0xa: {  	[smem:$0x3F9B] =	sst s2  }
0xb: {  	[smem:$0x3F9C] =	sst s3  }
0xc: {  	[smem:$0x3F9D] =	sst s4  }
0xd: {  	[smem:$0x3F9E] =	sst s5  }
0xe: {  	[smem:$0x3F9F] =	sst s6  }
0xf: {  	[smem:$0x3FA0] =	sst s7  }
0x10: {  	[smem:$0x3FA1] =	sst s8  }
0x11: {  	[smem:$0x3FA2] =	sst s9;
	s0 =	simm.s32 @!p0 $0x0  }
0x12: {  	s1 =	sld [smem:$0x3F88];
	s0 =	simm.s32 @p0 $0x1  }
0x13: {  	[smem:$0x3FA3] =	sst s0;
	s0 =	simm.s32 @!p1 $0x0  }
0x14: {  	s2 =	sld [smem:$0x3F87];
	s0 =	simm.s32 @p1 $0x1  }
0x15: {  	[smem:$0x3FA4] =	sst s0;
	s0 =	simm.s32 @!p2 $0x0  }
0x16: {  	s3 =	sld [smem:$0x3FDB];
	s0 =	simm.s32 @p2 $0x1  }
0x17: {  	s4 =	simm.s32 $0x1BF5;
	[smem:$0x3FA6] =	sst s0  }
0x18: {  	s0 =	sld [smem:$0x3F89];
	_ =	swait.ge [sflag:s4], $0x0  }
0x19: {  	s7 =	sld [smem:$0x3F8A]  }
0x1a: {  	s8 =	sadd.s32 $0xFFFFE003, lr  }
0x1b: {  	s9 =	sadd.s32 $0xFFFFFEF7, lr;
	s5 =	simm.s32 $0xFFFFFFFF;
	p2 =	slt.u32 s8, $0xFFFFF086  }
0x1c: {  	p1 =	slt.u32 s9, $0xF7A;
	s5 =	simm.s32 @!p2 $0x0  }
0x1d: {  	s5 =	simm.s32 @p1 $0x1;
	p0 =	seq.s32 s7, s2  }
0x1e: {  	s7 =	smul.u32 @!p0 $0xF7A, s2;
	p2 =	seq.s32 @!p0 s5, $0x0  }
0x1f: {  	s9 =	smul.u32 $0xF7A, s1;
	s8 =	simm.s32 @!p0 $0x1BF5;
	p2 =	por !p2, p0  }
0x20: {  	[sflag:s8] =	ssyncset.s32 @!p0 $0xFFFFF086;
	s6 =	sadd.s32 @!p0 s3, s7;
	s7 =	simm.s32 @!p0 $0x108  }
0x21: {  	s3 =	sadd.s32 s3, s9;
	s6 =	sadd.s32 @!p0 $0x88, s6;
	s7 =	simm.s32 @p2 $0x1082  }
0x22: {  	[simem:s7], [sflag:s8] =	dma.local @!p0 [hbm:s6], $0xF7A  }
0x23: {  	s9 =	sor.u32 $0xD0000000, s2;
	s6 =	simm.s32 $0x108;
	_ =	swait.ge @!p0 [sflag:s8], $0x0  }
0x24: {  	s3 =	sadd.s32 $0x88, s3;
	s6 =	simm.s32 @!p1 $0x1082;
	[sflag:s4] =	ssyncset.s32 $0xFFFFF086  }
0x25: {  	[simem:s6], [sflag:s4] =	dma.local [hbm:s3], $0xF7A  }
0x26: {  	[smem:$0x3F8A] =	sst s1;
	(tag) =	ssettag s2;
	_ =	strace s9  }
0x27: {  	s1 =	sld [smem:$0x3F9A]  }
0x28: {  	s2 =	sld [smem:$0x3F9B]  }
0x29: {  	s4 =	sld [smem:$0x3F9D]  }
0x2a: {  	p0 =	seq.s32 s5, $0x0;
	s5 =	sld [smem:$0x3F9E]  }
0x2b: {  	s6 =	sld [smem:$0x3F9F]  }
0x2c: {  	s7 =	sld [smem:$0x3FA0]  }
0x2d: {  	s3 =	simm.s32 $0x108;
	s8 =	sld [smem:$0x3FA1]  }
0x2e: {  	s3 =	simm.s32 @!p0 $0x1082;
	s9 =	sld [smem:$0x3FA2]  }
0x2f: {  	lr =	sadd.s32 s0, s3;
	s0 =	sld [smem:$0x3F99]  }
0x30: {  	s3 =	sld [smem:$0x3F9C]  }
0x31: {  	[smem:$0x3FA5] =	sst s10  }
0x32: {  	s10 =	sld [smem:$0x3FA3];
	_ =	sdelay $0x3  }
0x33: {  	p0 =	seq.s32 s10, $0x1;
	s10 =	sld [smem:$0x3FA5];
	_ =	sdelay $0x3  }
0x34: {  	[smem:$0x3FA5] =	sst s10  }
0x35: {  	s10 =	sld [smem:$0x3FA4];
	_ =	sdelay $0x3  }
0x36: {  	p1 =	seq.s32 s10, $0x1;
	s10 =	sld [smem:$0x3FA5];
	_ =	sdelay $0x3  }
0x37: {  	[smem:$0x3FA5] =	sst s10  }
0x38: {  	s10 =	sld [smem:$0x3FA6]  }
0x39: {  	_ = 	snop;
	(pc) =	sbr.ind lr, $3  }
0x3a: {  	_ = 	snop  }
0x3b: {  	_ = 	snop  }
0x3c: {  	p2 =	seq.s32 s10, $0x1;
	s10 =	sld [smem:$0x3FA5]  }
0x3d: {  	_ =	shalt  }
0x3e: {  	_ =	shalt  }
0x3f: {  	_ =	shalt  }
0x40: {  	_ =	shalt  }
0x41: {  	_ =	shalt  }
0x42: {  	_ =	shalt  }
0x43: {  	_ =	shalt  }
0x44: {  	_ =	shalt  }
0x45: {  	_ =	shalt  }
0x46: {  	_ =	shalt  }
0x47: {  	_ =	shalt  }
0x48: {  	_ =	shalt  }
0x49: {  	_ =	shalt  }
0x4a: {  	_ =	shalt  }
0x4b: {  	_ =	shalt  }
0x4c: {  	_ =	shalt  }
0x4d: {  	_ =	shalt  }
0x4e: {  	_ =	shalt  }
0x4f: {  	_ =	shalt  }
0x50: {  	_ =	shalt  }
0x51: {  	_ =	shalt  }
0x52: {  	_ =	shalt  }
0x53: {  	_ =	shalt  }
0x54: {  	_ =	shalt  }
0x55: {  	_ =	shalt  }
0x56: {  	_ =	shalt  }
0x57: {  	_ =	shalt  }
0x58: {  	_ =	shalt  }
0x59: {  	_ =	shalt  }
0x5a: {  	_ =	shalt  }
0x5b: {  	_ =	shalt  }
0x5c: {  	_ =	shalt  }
0x5d: {  	_ =	shalt  }
0x5e: {  	_ =	shalt  }
0x5f: {  	_ =	shalt  }
0x60: {  	_ =	shalt  }
0x61: {  	_ =	shalt  }
0x62: {  	_ =	shalt  }
0x63: {  	_ =	shalt  }
0x64: {  	_ =	shalt  }
0x65: {  	_ =	shalt  }
0x66: {  	_ =	shalt  }
0x67: {  	_ =	shalt  }
0x68: {  	_ =	shalt  }
0x69: {  	_ =	shalt  }
0x6a: {  	_ =	shalt  }
0x6b: {  	_ =	shalt  }
0x6c: {  	_ =	shalt  }
0x6d: {  	_ =	shalt  }
0x6e: {  	_ =	shalt  }
0x6f: {  	_ =	shalt  }
0x70: {  	_ =	shalt  }
0x71: {  	_ =	shalt  }
0x72: {  	_ =	shalt  }
0x73: {  	_ =	shalt  }
0x74: {  	_ =	shalt  }
0x75: {  	_ =	shalt  }
0x76: {  	_ =	shalt  }
0x77: {  	_ =	shalt  }
0x78: {  	_ =	shalt  }
0x79: {  	_ =	shalt  }
0x7a: {  	_ =	shalt  }
0x7b: {  	_ =	shalt  }
0x7c: {  	_ =	shalt  }
0x7d: {  	_ =	shalt  }
0x7e: {  	_ =	shalt  }
0x7f: {  	_ =	shalt  }
0x80: {  	_ =	shalt  }
0x81: {  	_ =	shalt  }
0x82: {  	_ =	shalt  }
0x83: {  	_ =	shalt  }
0x84: {  	_ =	shalt  }
0x85: {  	_ =	shalt  }
0x86: {  	_ =	shalt  }
0x87: {  	_ =	shalt  }
.Lfunc_end0:
.L_simem_size_0:
called_computation_lowered:
.L_overlay_start_0:
0x88: {  	s2 =	sld [smem:$0x3FD9]  }
0x89: {  	s3 =	sld [smem:$0x3FFE];
	_ =	sdelay $0x1  }
0x8a: {  	s1 =	srdreg.scid  }
0x8b: {  	s0 =	sand.u32 $0x1, s1  }
0x8c: {  	s17 =	sshll.u32 s0, $0xA;
	s2 =	sadd.s32 s3, s2  }
0x8d: {  	s2 =	sadd.s32 s2, s17  }
0x8e: {  	[smem:$0x3FB1] =	sst s2  }
0x8f: {  	_ = 	snop  }
0x90: {  	s2 =	sld [smem:$0x3FC9];
	(tm) =	ssettm $0x1  }
0x91: {  	s18 =	sld [smem:$0x3FFB];
	_ =	sdelay $0x3  }
0x92: {  	_ =	strace s18  }
0x93: {  	s3 =	sld [smem:$0x3FFC];
	_ =	sdelay $0x3  }
0x94: {  	_ =	strace s3  }
0x95: {  	s3 =	sld [smem:$0x3FFD];
	_ =	sdelay $0x3  }
0x96: {  	_ =	strace s3  }
0x97: {  	_ =	strace $0x8FFFFFFF  }
0x98: {  	s19 =	sld [smem:$0x3FDB];
	_ =	sdelay $0x1  }
0x99: {  	s4 =	simm.s32 $_scs_section_size  }
0x9a: {  	s5 =	simm.s32 $_size__tile_overlayer_lowered;
	s6 =	simm.s32 $_tile_overlayer_lowered  }
0x9b: {  	s22 =	simm.s32 $0x1BFF;
	s21 =	sshll.u32 s6, $0x1;
	s3 =	sadd.s32 s4, s19  }
0x9c: {  	s7 =	simm.s32 $0x0;
	s20 =	sshll.u32 s5, $0x1;
	s5 =	sadd.s32 s21, s3  }
0x9d: {  	[timem:s7], [sflag:s22] =	dma.local [hbm:s5], s20  }
0x9e: {  	_ =	swait.ge [sflag:s22], s20  }
0x9f: {  	s4 =	ssub.s32 $0x0, s20;
	[sflag:s22] =	ssyncset.done $0x0  }
0xa0: {  	[sflag:s22] =	ssyncadd.s32 s4;
	_ =	sdelay $0x1  }
0xa1: {  	s23 =	simm.s32 $0x1B8B  }
0xa2: {  	_ =	swait.ge [sflag:s23], $0x1  }
0xa3: {  	[sflag:s23] =	ssyncset.done $0x0  }
0xa4: {  	s25 =	simm.s32 $0x1B8E;
	s24 =	sld [smem:$0x3FFE];
	[sflag:s23] =	ssyncadd.s32 $0xFFFFFFFF  }
0xa5: {  	s26 =	simm.s32 $execute0_lowered;
	[smem:$0x3FD2] =	sst s25  }
0xa6: {  	s5 =	sshll.u32 s26, $0x1;
	_ =	strace $0x80000046;
	[dreg:$0x1] =	wrdreg $0xFFFFFFFF  }
0xa7: {  	s28 =	simm.s32 $_size_execute0_lowered;
	s3 =	sadd.s32 s3, s5;
	[dreg:$0x0] =	wrdreg $0x0  }
0xa8: {  	s5 =	sshll.u32 s28, $0x1;
	[dreg:$0x2] =	wrdreg s3  }
0xa9: {  	[dreg:$0x3] =	wrdreg s5  }
0xaa: {  	[dreg:$0x4] =	wrdreg $0xC0  }
0xab: {  	_ =	task [dreg:s7], $0x5FFFF  }
0xac: {  	[dreg:$0x1] =	wrdreg $0xFFFFFFFF  }
0xad: {  	[dreg:$0x0] =	wrdreg $0x60  }
0xae: {  	[dreg:$0x2] =	wrdreg s24  }
0xaf: {  	[dreg:$0x3] =	wrdreg s2  }
0xb0: {  	[dreg:$0x4] =	wrdreg $0x92000  }
0xb1: {  	[dreg:$0x5] =	wrdreg $0x9  }
0xb2: {  	_ =	task.clear_ibuf [dreg:s7], $0x6FFFF;
	_ =	strace $0x90000046  }
0xb3: {  	s29 =	simm.s32 $0x9;
	_ =	strace $0x80000048  }
0xb4: {  	_ =	swait.ge [sflag:s29], $0x1  }
0xb5: {  	[sflag:s29] =	ssyncadd.s32 $0xFFFFFFFF  }
0xb6: {  	_ =	strace $0x90000048  }
0xb7: {  	_ =	sfence  }
0xb8: {  	s30 =	sld [smem:$0x0];
	_ =	sdelay $0x2  }
0xb9: {  	s31 =	sshll.u32 s1, $0xD;
	s1 =	sshrl.u32 s1, $0x2  }
0xba: {  	s3 =	sand.u32 $0x4000, s31;
	s1 =	sadd.s32 s1, s30  }
0xbb: {  	s0 =	sor.u32 s3, s0;
	s1 =	sshll.u32 s1, $0x11  }
0xbc: {  	s0 =	sor.u32 s1, s0  }
0xbd: {  	s0 =	sadd.s32 $0x8F2B, s0  }
0xbe: {  	[sflag:s0] =	ssyncadd.remote.s32 $0x1  }
0xbf: {  	_ =	sfence.sel $0xFFFF  }
0xc0: {  	[dreg:$0x0] =	wrdreg $0xFFFFFFFF;
	(pc) =	sbr.abs _section_cstart, $3  }
0xc1: {  	[dreg:$0x1] =	wrdreg $0xFFFFFFFF  }
0xc2: {  	_ =	task.clear_ibuf [dreg:s7], $0x2FFFF;
	_ =	strace $0x9FFFFFFF  }
0xc3: {  	(tm) =	ssettm $0x7FFFFFFF  }
tec
execute0_lowered:
.L_overlay_start_1:
0x0: {  	(tag) =	ssettag $0x1  }
0x1: {  	s0 =	rddreg [dreg:$0x0]  }
0x2: {  	s1 =	rddreg [dreg:$0x1]  }
0x3: {  	s2 =	rddreg [dreg:$0x2]  }
0x4: {  	s3 =	simm.s32 $0x0;
	s4 =	srdreg.scid;
	s12 =	stileid.u32  }
0x5: {  	s28 =	simm.s32 $0x1600;
	s30 =	simm.s32 $0x28;
	s31 =	simm.s32 $0x2A00  }
0x6: {  	s29 =	simm.s32 $0x1;
	s5 =	sadd.s32 $0x4FB800, s0;
	s6 =	sadd.s32 $0x4F1A00, s0  }
0x7: {  	[smem:$0x7FF] =	sst s3;
	s7 =	sadd.s32 $0x4E7C00, s0;
	s9 =	smul.u32 $0x50000, s12  }
0x8: {  	s4 =	sand.u32 $0x1, s4;
	s0 =	sadd.s32 $0x9DD800, s0;
	s11 =	smul.u32 $0x14000, s12  }
0x9: {  	_ =	strace $0x80000047;
	s8 =	ssub.s32 $0x2, s4;
	s17 =	sshll.u32 s4, $0x4  }
0xa: {  	s4 =	smul.u32 $0x140000, s4;
	s10 =	sshrl.u32 s8, $0x1;
	s9 =	sshrl.u32 s9, $0x2  }
0xb: {  	s18 =	sadd.s32 $0x4000, s11;
	s15 =	sadd.s32 $0x8000, s11;
	s16 =	sadd.s32 $0xC000, s11  }
0xc: {  	s8 =	ssub.s32 s8, s10;
	s10 =	sor.u32 s12, s17;
	s13 =	sadd.s32 s9, s2  }
0xd: {  	s21 =	sadd.s32 s18, s2;
	s19 =	sadd.s32 s15, s2;
	s20 =	sadd.s32 s16, s2  }
0xe: {  	s17 =	sadd.s32 $0x10000, s11;
	s22 =	sadd.s32 s11, s4;
	s9 =	sadd.s32 s4, s18  }
0xf: {  	s23 =	sadd.s32 s4, s15;
	s24 =	sadd.s32 s4, s16;
	s15 =	simm.s32 $0x3  }
0x10: {  	s16 =	simm.s32 $0x5;
	s18 =	simm.s32 $0x6;
	[dreg:$0x6] =	wrdreg s19  }
0x11: {  	[dreg:$0x7] =	wrdreg s20;
	s12 =	smul.u32 $0x2710, s10;
	s11 =	sadd.s32 s17, s2  }
0x12: {  	s10 =	sshrl.u32 s22, $0x3;
	s9 =	sshrl.u32 s9, $0x3;
	s4 =	sadd.s32 s4, s17  }
0x13: {  	s26 =	smax.u32 s8, $0x1;
	s22 =	simm.s32 $0x9;
	[dreg:$0x4] =	wrdreg s13  }
0x14: {  	s17 =	simm.s32 $0x4;
	s19 =	simm.s32 $0x7;
	[dreg:$0x5] =	wrdreg s21  }
0x15: {  	s20 =	simm.s32 $0x8;
	s10 =	sadd.s32 s0, s10;
	[dreg:$0xe] =	wrdreg s26  }
0x16: {  	s9 =	sadd.s32 s0, s9;
	s4 =	sshrl.u32 s4, $0x3;
	[dreg:$0x8] =	wrdreg s11  }
0x17: {  	s26 =	simm.s32 $0x180;
	[dreg:$0xa] =	wrdreg s9;
	s9 =	sshrl.u32 s23, $0x3  }
0x18: {  	[dreg:$0x9] =	wrdreg s10;
	s10 =	sshrl.u32 s24, $0x3;
	s9 =	sadd.s32 s0, s9  }
0x19: {  	s14 =	sadd.s32 $0x28, s12;
	s25 =	sadd.s32 s0, s10;
	[dreg:$0xb] =	wrdreg s9  }
0x1a: {  	s23 =	simm.s32 $0x100;
	s0 =	sadd.s32 s0, s4;
	[dreg:$0xc] =	wrdreg s25  }
0x1b: {  	s24 =	simm.s32 $0x200;
	s4 =	simm.s32 $0x3E00;
	[dreg:$0xd] =	wrdreg s0  }
0x1c: {  	v0 =	vimm.f32 $0.0e+00;
	s25 =	simm.s32 $0x80;
	s0 =	simm.s32 $0x2;
	s9 =	simm.s32 $0x0  }
.LBB2_1:
0x1d: {  	[dreg:$0xf] =	wrdreg s9;
	s9 =	simm.s32 $0x0;
	s10 =	simm.s32 $0x200  }
.LBB2_2:
0x1e: {  	p0 =	sne.s32 s10, $0xFE00;
	[tilespmem:s9+$0x5270] =	vst v0  }
0x1f: {  	[tilespmem:s9+$0x5200] =	vst v0  }
0x20: {  	[tilespmem:s9+$0x5210] =	vst v0  }
.Ltmp0:
0x21: {  	[tilespmem:s9+$0x5220] =	vst v0;
	(pc) =	sbr.rel @p0 .LBB2_2-.Ltmp0, $4  }
0x22: {  	[tilespmem:s9+$0x5230] =	vst v0  }
0x23: {  	[tilespmem:s9+$0x5240] =	vst v0  }
0x24: {  	[tilespmem:s9+$0x5250] =	vst v0  }
0x25: {  	[tilespmem:s9+$0x5260] =	vst v0;
	s9 =	sshra.s32 s10, $0x2;
	s10 =	sadd.s32 $0x200, s10  }
0x26: {  	[tilespmem:s9+$0x5270] =	vst v0  }
0x27: {  	[tilespmem:s9+$0x5200] =	vst v0  }
0x28: {  	[tilespmem:s9+$0x5210] =	vst v0  }
0x29: {  	[tilespmem:s9+$0x5220] =	vst v0  }
0x2a: {  	[tilespmem:s9+$0x5230] =	vst v0  }
0x2b: {  	[tilespmem:s9+$0x5240] =	vst v0  }
0x2c: {  	[tilespmem:s9+$0x5250] =	vst v0  }
0x2d: {  	[tilespmem:s9+$0x5260] =	vst v0;
	s8 =	simm.s32 $0x5200  }
0x2e: {  	[spmem:s13] =	stream.linear.scatter [tilespmem:s8], [sflag:$0x9], $0x4000, $0x38;
	[tilespmem:$0x1D200] =	vst v63  }
0x2f: {  	_ =	swait.ge [sflag:s22], $0x4000  }
0x30: {  	[sflag:s22] =	ssyncset.done $0x0  }
0x31: {  	[sflag:s22] =	ssyncadd.s32 $0xFFFFC000  }
0x32: {  	[spmem:s21] =	stream.linear.scatter [tilespmem:s8], [sflag:$0x9], $0x4000, $0x38;
	[tilespmem:$0x1D200] =	vst v63  }
0x33: {  	_ =	swait.ge [sflag:s22], $0x4000  }
0x34: {  	[sflag:s22] =	ssyncset.done $0x0  }
0x35: {  	s13 =	rddreg [dreg:$0x6];
	[sflag:s22] =	ssyncadd.s32 $0xFFFFC000  }
0x36: {  	[spmem:s13] =	stream.linear.scatter [tilespmem:s8], [sflag:$0x9], $0x4000, $0x38;
	[tilespmem:$0x1D200] =	vst v63  }
0x37: {  	_ =	swait.ge [sflag:s22], $0x4000  }
0x38: {  	[sflag:s22] =	ssyncset.done $0x0  }
0x39: {  	s21 =	rddreg [dreg:$0x7];
	[sflag:s22] =	ssyncadd.s32 $0xFFFFC000  }
0x3a: {  	[spmem:s21] =	stream.linear.scatter [tilespmem:s8], [sflag:$0x9], $0x4000, $0x38;
	[tilespmem:$0x1D200] =	vst v63  }
0x3b: {  	_ =	swait.ge [sflag:s22], $0x4000  }
0x3c: {  	[sflag:s22] =	ssyncset.done $0x0  }
0x3d: {  	[sflag:s22] =	ssyncadd.s32 $0xFFFFC000  }
0x3e: {  	[spmem:s11] =	stream.linear.scatter [tilespmem:s8], [sflag:$0x9], $0x4000, $0x38;
	[tilespmem:$0x1D200] =	vst v63  }
0x3f: {  	_ =	swait.ge [sflag:s22], $0x4000  }
0x40: {  	[sflag:s22] =	ssyncset.done $0x0  }
0x41: {  	[sflag:s22] =	ssyncadd.s32 $0xFFFFC000  }
0x42: {  	s9 =	simm.s32 $0x0;
	[bflag:$0x0] =	sbarrier.arrive $0xFFFF  }
.LBB2_4:
0x43: {  	s10 =	smul.u32 $0x50, s9;
	_ =	sdelay $0x1  }
0x44: {  	s11 =	sadd.s32 s12, s10  }
0x45: {  	s13 =	sshrl.u32 s11, $0x3  }
0x46: {  	s21 =	sadd.s32 s6, s13  }
0x47: {  	[tilespmem:s3], [sflag:$0x1] =	stream.linear.gather [hbm4b:s21+s3], $0x28, $0x38;
	[tilespmem:$0x1D200] =	vst v63  }
0x48: {  	s10 =	sadd.s32 s10, s14;
	s11 =	sshll.u32 s11, $0x4;
	s13 =	sadd.s32 s7, s13  }
0x49: {  	[tilespmem:s23], [sflag:$0x1] =	stream.linear.gather [hbm4b:s13+s3], $0x28, $0x38;
	[tilespmem:$0x1D200] =	vst v63  }
0x4a: {  	s8 =	sshrl.u32 s10, $0x3;
	s11 =	sadd.s32 s5, s11  }
0x4b: {  	[tilespmem:s24], [sflag:$0x3] =	stream.linear.gather [hbm4b:s11+s3], $0x1400, $0x38;
	[tilespmem:$0x1D200] =	vst v63  }
0x4c: {  	s21 =	sadd.s32 s6, s8  }
0x4d: {  	[tilespmem:s25], [sflag:$0x2] =	stream.linear.gather [hbm4b:s21+s3], $0x28, $0x38;
	[tilespmem:$0x1D200] =	vst v63  }
0x4e: {  	s10 =	sshll.u32 s10, $0x4;
	s11 =	sadd.s32 s7, s8  }
0x4f: {  	[tilespmem:s26], [sflag:$0x2] =	stream.linear.gather [hbm4b:s11+s3], $0x28, $0x38;
	[tilespmem:$0x1D200] =	vst v63  }
0x50: {  	s10 =	sadd.s32 s5, s10  }
0x51: {  	[tilespmem:s28], [sflag:$0x4] =	stream.linear.gather [hbm4b:s10+s3], $0x1400, $0x38;
	[tilespmem:$0x1D200] =	vst v63  }
0x52: {  	_ =	swait.ge [sflag:s29], $0x28  }
0x53: {  	[sflag:s29] =	ssyncset.done $0x0  }
0x54: {  	[sflag:s29] =	ssyncadd.s32 $0xFFFFFFD8  }
0x55: {  	[tilespmem:s31], [sflag:$0x5] =	stream.indirect.gather [hbm4b:s1+s30], $0x80, s3, s30, $0xb8;
	[tilespmem:$0x1D200] =	vst v63  }
0x56: {  	_ =	swait.ge [sflag:s0], $0x28  }
0x57: {  	[sflag:s0] =	ssyncset.done $0x0  }
0x58: {  	[sflag:s0] =	ssyncadd.s32 $0xFFFFFFD8  }
0x59: {  	[tilespmem:s4], [sflag:$0x6] =	stream.indirect.gather [hbm4b:s1+s30], $0x80, s25, s30, $0xb8;
	[tilespmem:$0x1D200] =	vst v63  }
0x5a: {  	_ =	swait.ge [sflag:s29], $0x28  }
0x5b: {  	[sflag:s29] =	ssyncset.done $0x0  }
0x5c: {  	[sflag:s29] =	ssyncadd.s32 $0xFFFFFFD8  }
0x5d: {  	_ =	swait.ge [sflag:s15], $0x1400  }
0x5e: {  	[sflag:s15] =	ssyncset.done $0x0  }
0x5f: {  	[sflag:s15] =	ssyncadd.s32 $0xFFFFEC00  }
0x60: {  	_ =	swait.ge [sflag:s16], $0x1400  }
0x61: {  	[sflag:s16] =	ssyncset.done $0x0  }
0x62: {  	s10 =	simm.s32 $0xF0;
	[sflag:s16] =	ssyncadd.s32 $0xFFFFEC00  }
0x63: {  	v7 =	vld [tilespmem:s10+$0x2910]  }
0x64: {  	v8 =	vld [tilespmem:s10+$0x2920]  }
0x65: {  	v9 =	vld [tilespmem:s10+$0x2930]  }
0x66: {  	v10 =	vld [tilespmem:s10+$0x2940]  }
0x67: {  	v11 =	vld [tilespmem:s10+$0x2950]  }
0x68: {  	v12 =	vld [tilespmem:s10+$0x2960]  }
0x69: {  	v13 =	vld [tilespmem:s10+$0x2970]  }
0x6a: {  	v14 =	vld [tilespmem:s10+$0x2980]  }
0x6b: {  	v15 =	vld [tilespmem:s10+$0x2990]  }
0x6c: {  	v16 =	vld [tilespmem:s10+$0x29A0]  }
0x6d: {  	v6 =	vld [tilespmem:s10+$0x29B0]  }
0x6e: {  	v5 =	vld [tilespmem:s10+$0x29C0]  }
0x6f: {  	v4 =	vld [tilespmem:s10+$0x29D0]  }
0x70: {  	v17 =	vld [tilespmem:s10+$0x110]  }
0x71: {  	v18 =	vld [tilespmem:s10+$0x120]  }
0x72: {  	v3 =	vld [tilespmem:s10+$0x29E0]  }
0x73: {  	v19 =	vld [tilespmem:s10+$0x130]  }
0x74: {  	v20 =	vld [tilespmem:s10+$0x140]  }
0x75: {  	v2 =	vld [tilespmem:s10+$0x29F0];
	v7 =	vadd.f32 v17, v7  }
0x76: {  	v21 =	vld [tilespmem:s10+$0x150];
	v8 =	vadd.f32 v18, v8  }
0x77: {  	v60 =	vld [tilespmem:s10+$0x160];
	v7 =	vmax.f32 v7, $0.0e+00  }
0x78: {  	v1 =	vld [tilespmem:s10+$0x2A00];
	v8 =	vmax.f32 v8, $0.0e+00;
	[tilespmem:s10+$0x110] =	vst v7;
	v7 =	vadd.f32 v19, v9  }
0x79: {  	v22 =	vld [tilespmem:s10+$0x170];
	[tilespmem:s10+$0x120] =	vst v8;
	v8 =	vadd.f32 v20, v10  }
0x7a: {  	v61 =	vld [tilespmem:s10+$0x180];
	v7 =	vmax.f32 v7, $0.0e+00  }
0x7b: {  	v62 =	vld [tilespmem:s10+$0x190];
	v9 =	vmax.f32 v8, $0.0e+00;
	[tilespmem:s10+$0x130] =	vst v7;
	v7 =	vadd.f32 v21, v11  }
0x7c: {  	v63 =	vld [tilespmem:s10+$0x1A0];
	[tilespmem:s10+$0x140] =	vst v9;
	v9 =	vadd.f32 v60, v12  }
0x7d: {  	v8 =	vld [tilespmem:s10+$0x1B0];
	v10 =	vmax.f32 v7, $0.0e+00  }
0x7e: {  	v7 =	vld [tilespmem:s10+$0x1C0];
	v11 =	vmax.f32 v9, $0.0e+00;
	[tilespmem:s10+$0x150] =	vst v10;
	v10 =	vadd.f32 v22, v13  }
0x7f: {  	v9 =	vld [tilespmem:s10+$0x1D0];
	[tilespmem:s10+$0x160] =	vst v11;
	v11 =	vadd.f32 v61, v14  }
0x80: {  	v13 =	vadd.f32 v62, v15;
	v12 =	vmax.f32 v10, $0.0e+00;
	v10 =	vld [tilespmem:s10+$0x1E0]  }
0x81: {  	s11 =	simm.s32 $0x7C0;
	v14 =	vmax.f32 v11, $0.0e+00;
	v11 =	vld [tilespmem:s10+$0x1F0];
	[tilespmem:s10+$0x170] =	vst v12;
	v12 =	vadd.f32 v63, v16  }
.LBB2_5:
0x82: {  	s13 =	sshra.s32 s11, $0x2;
	p0 =	sne.s32 s11, $0x4FC0;
	[tilespmem:s10+$0x180] =	vst v14;
	v13 =	vmax.f32 v13, $0.0e+00;
	v6 =	vadd.f32 v8, v6;
	v8 =	vld [tilespmem:s10+$0x200]  }
0x83: {  	v14 =	vld [tilespmem:s13+$0x2910];
	[tilespmem:s10+$0x190] =	vst v13;
	v12 =	vmax.f32 v12, $0.0e+00;
	v5 =	vadd.f32 v7, v5  }
0x84: {  	v7 =	vld [tilespmem:s13+$0x2920];
	[tilespmem:s10+$0x1A0] =	vst v12;
	v6 =	vmax.f32 v6, $0.0e+00;
	v4 =	vadd.f32 v9, v4  }
0x85: {  	v9 =	vld [tilespmem:s13+$0x2930];
	[tilespmem:s10+$0x1B0] =	vst v6;
	v5 =	vmax.f32 v5, $0.0e+00;
	v3 =	vadd.f32 v10, v3  }
0x86: {  	v10 =	vld [tilespmem:s13+$0x2940];
	[tilespmem:s10+$0x1C0] =	vst v5;
	v4 =	vmax.f32 v4, $0.0e+00;
	v2 =	vadd.f32 v11, v2  }
0x87: {  	v11 =	vld [tilespmem:s13+$0x2950];
	[tilespmem:s10+$0x1D0] =	vst v4;
	v3 =	vmax.f32 v3, $0.0e+00;
	v1 =	vadd.f32 v8, v1  }
0x88: {  	v8 =	vld [tilespmem:s13+$0x2960];
	[tilespmem:s10+$0x1E0] =	vst v3;
	v2 =	vmax.f32 v2, $0.0e+00  }
0x89: {  	v12 =	vld [tilespmem:s13+$0x2970];
	[tilespmem:s10+$0x1F0] =	vst v2;
	v1 =	vmax.f32 v1, $0.0e+00  }
0x8a: {  	v13 =	vld [tilespmem:s13+$0x2980];
	[tilespmem:s10+$0x200] =	vst v1;
	s10 =	smov.u32 s13  }
0x8b: {  	v15 =	vld [tilespmem:s10+$0x2990]  }
0x8c: {  	v16 =	vld [tilespmem:s10+$0x29A0]  }
0x8d: {  	v6 =	vld [tilespmem:s10+$0x29B0]  }
0x8e: {  	v5 =	vld [tilespmem:s10+$0x29C0]  }
0x8f: {  	v4 =	vld [tilespmem:s10+$0x29D0]  }
0x90: {  	v3 =	vld [tilespmem:s10+$0x29E0]  }
0x91: {  	v2 =	vld [tilespmem:s10+$0x29F0]  }
0x92: {  	v1 =	vld [tilespmem:s10+$0x2A00]  }
0x93: {  	v17 =	vld [tilespmem:s10+$0x110]  }
0x94: {  	v18 =	vld [tilespmem:s10+$0x120]  }
0x95: {  	v19 =	vld [tilespmem:s10+$0x130]  }
0x96: {  	v20 =	vld [tilespmem:s10+$0x140]  }
0x97: {  	v21 =	vld [tilespmem:s10+$0x150]  }
0x98: {  	v14 =	vadd.f32 v17, v14;
	v17 =	vld [tilespmem:s10+$0x160]  }
0x99: {  	v7 =	vadd.f32 v18, v7;
	v18 =	vld [tilespmem:s10+$0x170]  }
0x9a: {  	v14 =	vmax.f32 v14, $0.0e+00;
	v9 =	vadd.f32 v19, v9;
	v19 =	vld [tilespmem:s10+$0x180]  }
0x9b: {  	[tilespmem:s10+$0x110] =	vst v14;
	v7 =	vmax.f32 v7, $0.0e+00;
	v10 =	vadd.f32 v20, v10;
	v14 =	vld [tilespmem:s10+$0x190]  }
0x9c: {  	[tilespmem:s10+$0x120] =	vst v7;
	v7 =	vmax.f32 v9, $0.0e+00;
	v9 =	vadd.f32 v21, v11;
	v11 =	vld [tilespmem:s10+$0x1A0]  }
.Ltmp1:
0x9d: {  	[tilespmem:s10+$0x130] =	vst v7;
	v7 =	vmax.f32 v10, $0.0e+00;
	v10 =	vadd.f32 v17, v8;
	v8 =	vld [tilespmem:s10+$0x1B0];
	(pc) =	sbr.rel @p0 .LBB2_5-.Ltmp1, $4  }
0x9e: {  	[tilespmem:s10+$0x140] =	vst v7;
	v9 =	vmax.f32 v9, $0.0e+00;
	v12 =	vadd.f32 v18, v12;
	v7 =	vld [tilespmem:s10+$0x1C0]  }
0x9f: {  	[tilespmem:s10+$0x150] =	vst v9;
	v10 =	vmax.f32 v10, $0.0e+00;
	v17 =	vadd.f32 v19, v13;
	v9 =	vld [tilespmem:s10+$0x1D0]  }
0xa0: {  	[tilespmem:s10+$0x160] =	vst v10;
	v12 =	vmax.f32 v12, $0.0e+00;
	v13 =	vadd.f32 v14, v15;
	v10 =	vld [tilespmem:s10+$0x1E0]  }
0xa1: {  	s11 =	sadd.s32 $0x400, s11;
	[tilespmem:s10+$0x170] =	vst v12;
	v14 =	vmax.f32 v17, $0.0e+00;
	v12 =	vadd.f32 v11, v16;
	v11 =	vld [tilespmem:s10+$0x1F0]  }
0xa2: {  	[tilespmem:s10+$0x180] =	vst v14;
	v13 =	vmax.f32 v13, $0.0e+00;
	v6 =	vadd.f32 v8, v6;
	v8 =	vld [tilespmem:s10+$0x200]  }
0xa3: {  	[tilespmem:s10+$0x190] =	vst v13;
	v12 =	vmax.f32 v12, $0.0e+00;
	v5 =	vadd.f32 v7, v5  }
0xa4: {  	[tilespmem:s10+$0x1A0] =	vst v12;
	v6 =	vmax.f32 v6, $0.0e+00;
	v4 =	vadd.f32 v9, v4  }
0xa5: {  	[tilespmem:s10+$0x1B0] =	vst v6;
	v5 =	vmax.f32 v5, $0.0e+00;
	v3 =	vadd.f32 v10, v3  }
0xa6: {  	[tilespmem:s10+$0x1C0] =	vst v5;
	v4 =	vmax.f32 v4, $0.0e+00;
	v2 =	vadd.f32 v11, v2  }
0xa7: {  	[tilespmem:s10+$0x1D0] =	vst v4;
	v3 =	vmax.f32 v3, $0.0e+00;
	v1 =	vadd.f32 v8, v1  }
0xa8: {  	[tilespmem:s10+$0x1E0] =	vst v3;
	v2 =	vmax.f32 v2, $0.0e+00  }
0xa9: {  	[tilespmem:s10+$0x1F0] =	vst v2;
	v1 =	vmax.f32 v1, $0.0e+00  }
0xaa: {  	[tilespmem:s10+$0x200] =	vst v1  }
0xab: {  	[spmem:s2] =	stream.indirect.scatter.add.f32 [tilespmem:s24], [sflag:$0x7], $0x80, s23, s30, $0xb8;
	[tilespmem:$0x1D200] =	vst v63  }
0xac: {  	_ =	swait.ge [sflag:s0], $0x28  }
0xad: {  	[sflag:s0] =	ssyncset.done $0x0  }
0xae: {  	[sflag:s0] =	ssyncadd.s32 $0xFFFFFFD8  }
0xaf: {  	_ =	swait.ge [sflag:s17], $0x1400  }
0xb0: {  	[sflag:s17] =	ssyncset.done $0x0  }
0xb1: {  	[sflag:s17] =	ssyncadd.s32 $0xFFFFEC00  }
0xb2: {  	_ =	swait.ge [sflag:s18], $0x1400  }
0xb3: {  	[sflag:s18] =	ssyncset.done $0x0  }
0xb4: {  	s10 =	simm.s32 $0xF0;
	[sflag:s18] =	ssyncadd.s32 $0xFFFFEC00  }
0xb5: {  	v7 =	vld [tilespmem:s10+$0x3D10]  }
0xb6: {  	v8 =	vld [tilespmem:s10+$0x3D20]  }
0xb7: {  	v9 =	vld [tilespmem:s10+$0x3D30]  }
0xb8: {  	v10 =	vld [tilespmem:s10+$0x3D40]  }
0xb9: {  	v11 =	vld [tilespmem:s10+$0x3D50]  }
0xba: {  	v12 =	vld [tilespmem:s10+$0x3D60]  }
0xbb: {  	v13 =	vld [tilespmem:s10+$0x3D70]  }
0xbc: {  	v14 =	vld [tilespmem:s10+$0x3D80]  }
0xbd: {  	v15 =	vld [tilespmem:s10+$0x3D90]  }
0xbe: {  	v16 =	vld [tilespmem:s10+$0x3DA0]  }
0xbf: {  	v6 =	vld [tilespmem:s10+$0x3DB0]  }
0xc0: {  	v5 =	vld [tilespmem:s10+$0x3DC0]  }
0xc1: {  	v4 =	vld [tilespmem:s10+$0x3DD0]  }
0xc2: {  	v17 =	vld [tilespmem:s10+$0x1510]  }
0xc3: {  	v18 =	vld [tilespmem:s10+$0x1520]  }
0xc4: {  	v3 =	vld [tilespmem:s10+$0x3DE0]  }
0xc5: {  	v19 =	vld [tilespmem:s10+$0x1530]  }
0xc6: {  	v20 =	vld [tilespmem:s10+$0x1540]  }
0xc7: {  	v2 =	vld [tilespmem:s10+$0x3DF0];
	v7 =	vadd.f32 v17, v7  }
0xc8: {  	v21 =	vld [tilespmem:s10+$0x1550];
	v8 =	vadd.f32 v18, v8  }
0xc9: {  	v60 =	vld [tilespmem:s10+$0x1560];
	v7 =	vmax.f32 v7, $0.0e+00  }
0xca: {  	v1 =	vld [tilespmem:s10+$0x3E00];
	v8 =	vmax.f32 v8, $0.0e+00;
	[tilespmem:s10+$0x1510] =	vst v7;
	v7 =	vadd.f32 v19, v9  }
0xcb: {  	v22 =	vld [tilespmem:s10+$0x1570];
	[tilespmem:s10+$0x1520] =	vst v8;
	v8 =	vadd.f32 v20, v10  }
0xcc: {  	v61 =	vld [tilespmem:s10+$0x1580];
	v7 =	vmax.f32 v7, $0.0e+00  }
0xcd: {  	v62 =	vld [tilespmem:s10+$0x1590];
	v9 =	vmax.f32 v8, $0.0e+00;
	[tilespmem:s10+$0x1530] =	vst v7;
	v7 =	vadd.f32 v21, v11  }
0xce: {  	v63 =	vld [tilespmem:s10+$0x15A0];
	[tilespmem:s10+$0x1540] =	vst v9;
	v9 =	vadd.f32 v60, v12  }
0xcf: {  	v8 =	vld [tilespmem:s10+$0x15B0];
	v10 =	vmax.f32 v7, $0.0e+00  }
0xd0: {  	v7 =	vld [tilespmem:s10+$0x15C0];
	v11 =	vmax.f32 v9, $0.0e+00;
	[tilespmem:s10+$0x1550] =	vst v10;
	v10 =	vadd.f32 v22, v13  }
0xd1: {  	v9 =	vld [tilespmem:s10+$0x15D0];
	[tilespmem:s10+$0x1560] =	vst v11;
	v11 =	vadd.f32 v61, v14  }
0xd2: {  	v13 =	vadd.f32 v62, v15;
	v12 =	vmax.f32 v10, $0.0e+00;
	v10 =	vld [tilespmem:s10+$0x15E0]  }
0xd3: {  	s11 =	simm.s32 $0x7C0;
	v14 =	vmax.f32 v11, $0.0e+00;
	v11 =	vld [tilespmem:s10+$0x15F0];
	[tilespmem:s10+$0x1570] =	vst v12;
	v12 =	vadd.f32 v63, v16  }
.LBB2_7:
0xd4: {  	s13 =	sshra.s32 s11, $0x2;
	p0 =	sne.s32 s11, $0x4FC0;
	[tilespmem:s10+$0x1580] =	vst v14;
	v13 =	vmax.f32 v13, $0.0e+00;
	v6 =	vadd.f32 v8, v6;
	v8 =	vld [tilespmem:s10+$0x1600]  }
0xd5: {  	v14 =	vld [tilespmem:s13+$0x3D10];
	[tilespmem:s10+$0x1590] =	vst v13;
	v12 =	vmax.f32 v12, $0.0e+00;
	v5 =	vadd.f32 v7, v5  }
0xd6: {  	v7 =	vld [tilespmem:s13+$0x3D20];
	[tilespmem:s10+$0x15A0] =	vst v12;
	v6 =	vmax.f32 v6, $0.0e+00;
	v4 =	vadd.f32 v9, v4  }
0xd7: {  	v9 =	vld [tilespmem:s13+$0x3D30];
	[tilespmem:s10+$0x15B0] =	vst v6;
	v5 =	vmax.f32 v5, $0.0e+00;
	v3 =	vadd.f32 v10, v3  }
0xd8: {  	v10 =	vld [tilespmem:s13+$0x3D40];
	[tilespmem:s10+$0x15C0] =	vst v5;
	v4 =	vmax.f32 v4, $0.0e+00;
	v2 =	vadd.f32 v11, v2  }
0xd9: {  	v11 =	vld [tilespmem:s13+$0x3D50];
	[tilespmem:s10+$0x15D0] =	vst v4;
	v3 =	vmax.f32 v3, $0.0e+00;
	v1 =	vadd.f32 v8, v1  }
0xda: {  	v8 =	vld [tilespmem:s13+$0x3D60];
	[tilespmem:s10+$0x15E0] =	vst v3;
	v2 =	vmax.f32 v2, $0.0e+00  }
0xdb: {  	v12 =	vld [tilespmem:s13+$0x3D70];
	[tilespmem:s10+$0x15F0] =	vst v2;
	v1 =	vmax.f32 v1, $0.0e+00  }
0xdc: {  	v13 =	vld [tilespmem:s13+$0x3D80];
	[tilespmem:s10+$0x1600] =	vst v1;
	s10 =	smov.u32 s13  }
0xdd: {  	v15 =	vld [tilespmem:s10+$0x3D90]  }
0xde: {  	v16 =	vld [tilespmem:s10+$0x3DA0]  }
0xdf: {  	v6 =	vld [tilespmem:s10+$0x3DB0]  }
0xe0: {  	v5 =	vld [tilespmem:s10+$0x3DC0]  }
0xe1: {  	v4 =	vld [tilespmem:s10+$0x3DD0]  }
0xe2: {  	v3 =	vld [tilespmem:s10+$0x3DE0]  }
0xe3: {  	v2 =	vld [tilespmem:s10+$0x3DF0]  }
0xe4: {  	v1 =	vld [tilespmem:s10+$0x3E00]  }
0xe5: {  	v17 =	vld [tilespmem:s10+$0x1510]  }
0xe6: {  	v18 =	vld [tilespmem:s10+$0x1520]  }
0xe7: {  	v19 =	vld [tilespmem:s10+$0x1530]  }
0xe8: {  	v20 =	vld [tilespmem:s10+$0x1540]  }
0xe9: {  	v21 =	vld [tilespmem:s10+$0x1550]  }
0xea: {  	v14 =	vadd.f32 v17, v14;
	v17 =	vld [tilespmem:s10+$0x1560]  }
0xeb: {  	v7 =	vadd.f32 v18, v7;
	v18 =	vld [tilespmem:s10+$0x1570]  }
0xec: {  	v14 =	vmax.f32 v14, $0.0e+00;
	v9 =	vadd.f32 v19, v9;
	v19 =	vld [tilespmem:s10+$0x1580]  }
0xed: {  	[tilespmem:s10+$0x1510] =	vst v14;
	v7 =	vmax.f32 v7, $0.0e+00;
	v10 =	vadd.f32 v20, v10;
	v14 =	vld [tilespmem:s10+$0x1590]  }
0xee: {  	[tilespmem:s10+$0x1520] =	vst v7;
	v7 =	vmax.f32 v9, $0.0e+00;
	v9 =	vadd.f32 v21, v11;
	v11 =	vld [tilespmem:s10+$0x15A0]  }
.Ltmp2:
0xef: {  	[tilespmem:s10+$0x1530] =	vst v7;
	v7 =	vmax.f32 v10, $0.0e+00;
	v10 =	vadd.f32 v17, v8;
	v8 =	vld [tilespmem:s10+$0x15B0];
	(pc) =	sbr.rel @p0 .LBB2_7-.Ltmp2, $4  }
0xf0: {  	[tilespmem:s10+$0x1540] =	vst v7;
	v9 =	vmax.f32 v9, $0.0e+00;
	v12 =	vadd.f32 v18, v12;
	v7 =	vld [tilespmem:s10+$0x15C0]  }
0xf1: {  	[tilespmem:s10+$0x1550] =	vst v9;
	v10 =	vmax.f32 v10, $0.0e+00;
	v17 =	vadd.f32 v19, v13;
	v9 =	vld [tilespmem:s10+$0x15D0]  }
0xf2: {  	[tilespmem:s10+$0x1560] =	vst v10;
	v12 =	vmax.f32 v12, $0.0e+00;
	v13 =	vadd.f32 v14, v15;
	v10 =	vld [tilespmem:s10+$0x15E0]  }
0xf3: {  	s11 =	sadd.s32 $0x400, s11;
	[tilespmem:s10+$0x1570] =	vst v12;
	v14 =	vmax.f32 v17, $0.0e+00;
	v12 =	vadd.f32 v11, v16;
	v11 =	vld [tilespmem:s10+$0x15F0]  }
0xf4: {  	[tilespmem:s10+$0x1580] =	vst v14;
	v13 =	vmax.f32 v13, $0.0e+00;
	v6 =	vadd.f32 v8, v6;
	v63 =	vld [tilespmem:s10+$0x1600]  }
0xf5: {  	[tilespmem:s10+$0x1590] =	vst v13;
	v12 =	vmax.f32 v12, $0.0e+00;
	v5 =	vadd.f32 v7, v5  }
0xf6: {  	[tilespmem:s10+$0x15A0] =	vst v12;
	v6 =	vmax.f32 v6, $0.0e+00;
	v4 =	vadd.f32 v9, v4  }
0xf7: {  	[tilespmem:s10+$0x15B0] =	vst v6;
	v5 =	vmax.f32 v5, $0.0e+00;
	v3 =	vadd.f32 v10, v3  }
0xf8: {  	[tilespmem:s10+$0x15C0] =	vst v5;
	v4 =	vmax.f32 v4, $0.0e+00;
	v2 =	vadd.f32 v11, v2  }
0xf9: {  	[tilespmem:s10+$0x15D0] =	vst v4;
	v3 =	vmax.f32 v3, $0.0e+00;
	v1 =	vadd.f32 v63, v1  }
0xfa: {  	[tilespmem:s10+$0x15E0] =	vst v3;
	v2 =	vmax.f32 v2, $0.0e+00  }
0xfb: {  	[tilespmem:s10+$0x15F0] =	vst v2;
	v1 =	vmax.f32 v1, $0.0e+00  }
0xfc: {  	s9 =	sadd.s32 $0x1, s9;
	[tilespmem:s10+$0x1600] =	vst v1  }
0xfd: {  	[spmem:s2] =	stream.indirect.scatter.add.f32 [tilespmem:s28], [sflag:$0x8], $0x80, s26, s30, $0xb8;
	[tilespmem:$0x1D200] =	vst v63  }
0xfe: {  	p0 =	sne.s32 s9, $0x7D;
	_ =	swait.ge [sflag:s19], $0x1400  }
.Ltmp3:
0xff: {  	[sflag:s19] =	ssyncset.done $0x0;
	(pc) =	sbr.rel @p0 .LBB2_4-.Ltmp3, $4  }
0x100: {  	[sflag:s19] =	ssyncadd.s32 $0xFFFFEC00  }
0x101: {  	_ =	swait.ge [sflag:s20], $0x1400  }
0x102: {  	[sflag:s20] =	ssyncset.done $0x0  }
0x103: {  	[sflag:s20] =	ssyncadd.s32 $0xFFFFEC00  }
0x104: {  	s9 =	stileid.u32;
	[bflag:$0x0] =	sbarrier.arrive $0xFFFF  }
0x105: {  	s9 =	sshll.u32 s9, $0x6;
	s13 =	rddreg [dreg:$0x4]  }
0x106: {  	s11 =	rddreg [dreg:$0x9];
	s9 =	sor.u32 $0x1C09, s9;
	s10 =	sshrl.u32 s13, $0x3  }
0x107: {  	[hbm:s11], [sflag:s9] =	dma.local [spmem:s10], $0x800  }
0x108: {  	_ =	swait.ge [sflag:s22], $0x800  }
0x109: {  	[sflag:s22] =	ssyncset.done $0x0;
	s21 =	rddreg [dreg:$0x5]  }
0x10a: {  	s8 =	rddreg [dreg:$0xa];
	[sflag:s22] =	ssyncadd.s32 $0xFFFFF800;
	s11 =	sshrl.u32 s21, $0x3  }
0x10b: {  	[hbm:s8], [sflag:s9] =	dma.local [spmem:s11], $0x800  }
0x10c: {  	_ =	swait.ge [sflag:s22], $0x800  }
0x10d: {  	[sflag:s22] =	ssyncset.done $0x0;
	s11 =	rddreg [dreg:$0x6]  }
0x10e: {  	s8 =	rddreg [dreg:$0xb];
	[sflag:s22] =	ssyncadd.s32 $0xFFFFF800;
	s10 =	sshrl.u32 s11, $0x3  }
0x10f: {  	[hbm:s8], [sflag:s9] =	dma.local [spmem:s10], $0x800  }
0x110: {  	_ =	swait.ge [sflag:s22], $0x800  }
0x111: {  	[sflag:s22] =	ssyncset.done $0x0;
	s11 =	rddreg [dreg:$0x7]  }
0x112: {  	s8 =	rddreg [dreg:$0xc];
	[sflag:s22] =	ssyncadd.s32 $0xFFFFF800;
	s10 =	sshrl.u32 s11, $0x3  }
0x113: {  	[hbm:s8], [sflag:s9] =	dma.local [spmem:s10], $0x800  }
0x114: {  	_ =	swait.ge [sflag:s22], $0x800  }
0x115: {  	[sflag:s22] =	ssyncset.done $0x0;
	s11 =	rddreg [dreg:$0x8]  }
0x116: {  	s8 =	rddreg [dreg:$0xd];
	[sflag:s22] =	ssyncadd.s32 $0xFFFFF800;
	s10 =	sshrl.u32 s11, $0x3  }
0x117: {  	[hbm:s8], [sflag:s9] =	dma.local [spmem:s10], $0x800  }
0x118: {  	_ =	swait.ge [sflag:s22], $0x800  }
0x119: {  	s8 =	rddreg [dreg:$0xf]  }
0x11a: {  	s10 =	rddreg [dreg:$0xe];
	s9 =	sadd.s32 $0x1, s8  }
0x11b: {  	p0 =	sne.s32 s9, s10  }
.Ltmp4:
0x11c: {  	_ = 	snop;
	(pc) =	sbr.rel @p0 .LBB2_1-.Ltmp4, $3  }
0x11d: {  	_ =	sdelay $0x1  }
0x11e: {  	[sflag:s22] =	ssyncset.done $0x0  }
0x11f: {  	[sflag:s22] =	ssyncadd.s32 $0xFFFFF800  }
0x120: {  	_ =	sfence.sel $0x180000  }
0x121: {  	[bflag:$0x0] =	sbarrier.arrive $0xFFFF  }
0x122: {  	_ =	strace $0x90000047  }
0x123: {  	s0 =	stileid.u32;
	[bflag:$0x2] =	sbarrier.arrive $0xFFFF  }
0x124: {  	p0 =	sne.s32 s0, $0x0;
	s0 =	rddreg [dreg:$0x3]  }
0x125: {  	s0 =	sadd.s32 @!p0 $0x100000, s0  }
0x126: {  	[sflag:s0] =	ssyncadd.tile.s32 @!p0 $0x1;
	_ =	shalt  }
.Lfunc_end2:
_tile_overlayer_lowered:
.L_overlay_start_2:
0x127: {  	(tag) =	ssettag $0x2  }
0x128: {  	s0 =	rddreg [dreg:$0x0];
	s2 =	stileid.u32  }
0x129: {  	s1 =	rddreg [dreg:$0x1];
	p0 =	sne.s32 s2, $0x0  }
0x12a: {  	s3 =	rddreg [dreg:$0x2];
	[bflag:$0x3] =	sbarrier.arrive $0xFFFF;
	s2 =	simm.s32 @!p0 $0x1C09  }
0x12b: {  	[timem:s3], [sflag:s2] =	dma.local @!p0 [hbm:s0], s1  }
0x12c: {  	s0 =	simm.s32 @!p0 $0x9  }
0x12d: {  	_ =	swait.ge @!p0 [sflag:s0], s1  }
0x12e: {  	s1 =	ssub.s32 @!p0 $0x0, s1;
	[sflag:s0] =	ssyncset.done @!p0 $0x0  }
0x12f: {  	[sflag:s0] =	ssyncadd.s32 @!p0 s1  }
0x130: {  	[bflag:$0x3] =	sbarrier.arrive $0xFFFF  }
0x131: {  	_ =	shalt  }

// kernel: kernel.15.cloned.1.call-start
scs
__scs_entry_jumppad:
0x0: {  	(pc) =	sbr.rel $0x88, $3  }
0x1: {  	(tag) =	ssettag $0x0;
	lr =	simm.s32 $0x1  }
0x2: {  	[smem:$0x3F8A] =	sst lr;
	_ =	strace $0xD0000000  }
0x3: {  	_ = 	snop  }
0x4: {  	_ = 	snop  }
0x5: {  	_ = 	snop  }
0x6: {  	_ = 	snop  }
0x7: {  	_ = 	snop  }
__scs_overlays_trampoline_lowered:
0x8: {  	[smem:$0x3F99] =	sst s0  }
0x9: {  	[smem:$0x3F9A] =	sst s1  }
0xa: {  	[smem:$0x3F9B] =	sst s2  }
0xb: {  	[smem:$0x3F9C] =	sst s3  }
0xc: {  	[smem:$0x3F9D] =	sst s4  }
0xd: {  	[smem:$0x3F9E] =	sst s5  }
0xe: {  	[smem:$0x3F9F] =	sst s6  }
0xf: {  	[smem:$0x3FA0] =	sst s7  }
0x10: {  	[smem:$0x3FA1] =	sst s8  }
0x11: {  	[smem:$0x3FA2] =	sst s9;
	s0 =	simm.s32 @!p0 $0x0  }
0x12: {  	s1 =	sld [smem:$0x3F88];
	s0 =	simm.s32 @p0 $0x1  }
0x13: {  	[smem:$0x3FA3] =	sst s0;
	s0 =	simm.s32 @!p1 $0x0  }
0x14: {  	s2 =	sld [smem:$0x3F87];
	s0 =	simm.s32 @p1 $0x1  }
0x15: {  	[smem:$0x3FA4] =	sst s0;
	s0 =	simm.s32 @!p2 $0x0  }
0x16: {  	s3 =	sld [smem:$0x3FDB];
	s0 =	simm.s32 @p2 $0x1  }
0x17: {  	s4 =	simm.s32 $0x1BF5;
	[smem:$0x3FA6] =	sst s0  }
0x18: {  	s0 =	sld [smem:$0x3F89];
	_ =	swait.ge [sflag:s4], $0x0  }
0x19: {  	s7 =	sld [smem:$0x3F8A]  }
0x1a: {  	s8 =	sadd.s32 $0xFFFFE003, lr  }
0x1b: {  	s9 =	sadd.s32 $0xFFFFFEF7, lr;
	s5 =	simm.s32 $0xFFFFFFFF;
	p2 =	slt.u32 s8, $0xFFFFF086  }
0x1c: {  	p1 =	slt.u32 s9, $0xF7A;
	s5 =	simm.s32 @!p2 $0x0  }
0x1d: {  	s5 =	simm.s32 @p1 $0x1;
	p0 =	seq.s32 s7, s2  }
0x1e: {  	s7 =	smul.u32 @!p0 $0xF7A, s2;
	p2 =	seq.s32 @!p0 s5, $0x0  }
0x1f: {  	s9 =	smul.u32 $0xF7A, s1;
	s8 =	simm.s32 @!p0 $0x1BF5;
	p2 =	por !p2, p0  }
0x20: {  	[sflag:s8] =	ssyncset.s32 @!p0 $0xFFFFF086;
	s6 =	sadd.s32 @!p0 s3, s7;
	s7 =	simm.s32 @!p0 $0x108  }
0x21: {  	s3 =	sadd.s32 s3, s9;
	s6 =	sadd.s32 @!p0 $0x88, s6;
	s7 =	simm.s32 @p2 $0x1082  }
0x22: {  	[simem:s7], [sflag:s8] =	dma.local @!p0 [hbm:s6], $0xF7A  }
0x23: {  	s9 =	sor.u32 $0xD0000000, s2;
	s6 =	simm.s32 $0x108;
	_ =	swait.ge @!p0 [sflag:s8], $0x0  }
0x24: {  	s3 =	sadd.s32 $0x88, s3;
	s6 =	simm.s32 @!p1 $0x1082;
	[sflag:s4] =	ssyncset.s32 $0xFFFFF086  }
0x25: {  	[simem:s6], [sflag:s4] =	dma.local [hbm:s3], $0xF7A  }
0x26: {  	[smem:$0x3F8A] =	sst s1;
	(tag) =	ssettag s2;
	_ =	strace s9  }
0x27: {  	s1 =	sld [smem:$0x3F9A]  }
0x28: {  	s2 =	sld [smem:$0x3F9B]  }
0x29: {  	s4 =	sld [smem:$0x3F9D]  }
0x2a: {  	p0 =	seq.s32 s5, $0x0;
	s5 =	sld [smem:$0x3F9E]  }
0x2b: {  	s6 =	sld [smem:$0x3F9F]  }
0x2c: {  	s7 =	sld [smem:$0x3FA0]  }
0x2d: {  	s3 =	simm.s32 $0x108;
	s8 =	sld [smem:$0x3FA1]  }
0x2e: {  	s3 =	simm.s32 @!p0 $0x1082;
	s9 =	sld [smem:$0x3FA2]  }
0x2f: {  	lr =	sadd.s32 s0, s3;
	s0 =	sld [smem:$0x3F99]  }
0x30: {  	s3 =	sld [smem:$0x3F9C]  }
0x31: {  	[smem:$0x3FA5] =	sst s10  }
0x32: {  	s10 =	sld [smem:$0x3FA3];
	_ =	sdelay $0x3  }
0x33: {  	p0 =	seq.s32 s10, $0x1;
	s10 =	sld [smem:$0x3FA5];
	_ =	sdelay $0x3  }
0x34: {  	[smem:$0x3FA5] =	sst s10  }
0x35: {  	s10 =	sld [smem:$0x3FA4];
	_ =	sdelay $0x3  }
0x36: {  	p1 =	seq.s32 s10, $0x1;
	s10 =	sld [smem:$0x3FA5];
	_ =	sdelay $0x3  }
0x37: {  	[smem:$0x3FA5] =	sst s10  }
0x38: {  	s10 =	sld [smem:$0x3FA6]  }
0x39: {  	_ = 	snop;
	(pc) =	sbr.ind lr, $3  }
0x3a: {  	_ = 	snop  }
0x3b: {  	_ = 	snop  }
0x3c: {  	p2 =	seq.s32 s10, $0x1;
	s10 =	sld [smem:$0x3FA5]  }
0x3d: {  	_ =	shalt  }
0x3e: {  	_ =	shalt  }
0x3f: {  	_ =	shalt  }
0x40: {  	_ =	shalt  }
0x41: {  	_ =	shalt  }
0x42: {  	_ =	shalt  }
0x43: {  	_ =	shalt  }
0x44: {  	_ =	shalt  }
0x45: {  	_ =	shalt  }
0x46: {  	_ =	shalt  }
0x47: {  	_ =	shalt  }
0x48: {  	_ =	shalt  }
0x49: {  	_ =	shalt  }
0x4a: {  	_ =	shalt  }
0x4b: {  	_ =	shalt  }
0x4c: {  	_ =	shalt  }
0x4d: {  	_ =	shalt  }
0x4e: {  	_ =	shalt  }
0x4f: {  	_ =	shalt  }
0x50: {  	_ =	shalt  }
0x51: {  	_ =	shalt  }
0x52: {  	_ =	shalt  }
0x53: {  	_ =	shalt  }
0x54: {  	_ =	shalt  }
0x55: {  	_ =	shalt  }
0x56: {  	_ =	shalt  }
0x57: {  	_ =	shalt  }
0x58: {  	_ =	shalt  }
0x59: {  	_ =	shalt  }
0x5a: {  	_ =	shalt  }
0x5b: {  	_ =	shalt  }
0x5c: {  	_ =	shalt  }
0x5d: {  	_ =	shalt  }
0x5e: {  	_ =	shalt  }
0x5f: {  	_ =	shalt  }
0x60: {  	_ =	shalt  }
0x61: {  	_ =	shalt  }
0x62: {  	_ =	shalt  }
0x63: {  	_ =	shalt  }
0x64: {  	_ =	shalt  }
0x65: {  	_ =	shalt  }
0x66: {  	_ =	shalt  }
0x67: {  	_ =	shalt  }
0x68: {  	_ =	shalt  }
0x69: {  	_ =	shalt  }
0x6a: {  	_ =	shalt  }
0x6b: {  	_ =	shalt  }
0x6c: {  	_ =	shalt  }
0x6d: {  	_ =	shalt  }
0x6e: {  	_ =	shalt  }
0x6f: {  	_ =	shalt  }
0x70: {  	_ =	shalt  }
0x71: {  	_ =	shalt  }
0x72: {  	_ =	shalt  }
0x73: {  	_ =	shalt  }
0x74: {  	_ =	shalt  }
0x75: {  	_ =	shalt  }
0x76: {  	_ =	shalt  }
0x77: {  	_ =	shalt  }
0x78: {  	_ =	shalt  }
0x79: {  	_ =	shalt  }
0x7a: {  	_ =	shalt  }
0x7b: {  	_ =	shalt  }
0x7c: {  	_ =	shalt  }
0x7d: {  	_ =	shalt  }
0x7e: {  	_ =	shalt  }
0x7f: {  	_ =	shalt  }
0x80: {  	_ =	shalt  }
0x81: {  	_ =	shalt  }
0x82: {  	_ =	shalt  }
0x83: {  	_ =	shalt  }
0x84: {  	_ =	shalt  }
0x85: {  	_ =	shalt  }
0x86: {  	_ =	shalt  }
0x87: {  	_ =	shalt  }
.Lfunc_end0:
.L_simem_size_0:
called_computation.1_lowered:
.L_overlay_start_0:
0x88: {  	s2 =	sld [smem:$0x3FD9]  }
0x89: {  	s3 =	sld [smem:$0x3FFE];
	_ =	sdelay $0x1  }
0x8a: {  	s1 =	srdreg.scid  }
0x8b: {  	s0 =	sand.u32 $0x1, s1  }
0x8c: {  	s16 =	sshll.u32 s0, $0xA;
	s2 =	sadd.s32 s3, s2  }
0x8d: {  	s2 =	sadd.s32 s2, s16  }
0x8e: {  	[smem:$0x3FB1] =	sst s2  }
0x8f: {  	_ = 	snop  }
0x90: {  	(tm) =	ssettm $0x1  }
0x91: {  	s17 =	sld [smem:$0x3FFB];
	_ =	sdelay $0x3  }
0x92: {  	_ =	strace s17  }
0x93: {  	s2 =	sld [smem:$0x3FFC];
	_ =	sdelay $0x3  }
0x94: {  	_ =	strace s2  }
0x95: {  	s2 =	sld [smem:$0x3FFD];
	_ =	sdelay $0x3  }
0x96: {  	_ =	strace s2  }
0x97: {  	_ =	strace $0x8FFFFFFF  }
0x98: {  	s18 =	sld [smem:$0x3FDB];
	_ =	sdelay $0x1  }
0x99: {  	s19 =	simm.s32 $_scs_section_size  }
0x9a: {  	s4 =	simm.s32 $_size__tile_overlayer_lowered;
	s5 =	simm.s32 $_tile_overlayer_lowered  }
0x9b: {  	s22 =	simm.s32 $0x1BFF;
	s21 =	sshll.u32 s5, $0x1;
	s2 =	sadd.s32 s19, s18  }
0x9c: {  	s6 =	simm.s32 $0x0;
	s20 =	sshll.u32 s4, $0x1;
	s4 =	sadd.s32 s21, s2  }
0x9d: {  	[timem:s6], [sflag:s22] =	dma.local [hbm:s4], s20  }
0x9e: {  	_ =	swait.ge [sflag:s22], s20  }
0x9f: {  	s3 =	ssub.s32 $0x0, s20;
	[sflag:s22] =	ssyncset.done $0x0  }
0xa0: {  	[sflag:s22] =	ssyncadd.s32 s3;
	_ =	sdelay $0x1  }
0xa1: {  	s23 =	simm.s32 $0x1B8B  }
0xa2: {  	_ =	swait.ge [sflag:s23], $0x1  }
0xa3: {  	[sflag:s23] =	ssyncset.done $0x0  }
0xa4: {  	s25 =	simm.s32 $0x1B8E;
	s24 =	sld [smem:$0x3FFE];
	[sflag:s23] =	ssyncadd.s32 $0xFFFFFFFF  }
0xa5: {  	s26 =	simm.s32 $execute0_lowered;
	[smem:$0x3FD2] =	sst s25  }
0xa6: {  	s4 =	sshll.u32 s26, $0x1;
	_ =	strace $0x80000049;
	[dreg:$0x1] =	wrdreg $0xFFFFFFFF  }
0xa7: {  	s28 =	simm.s32 $_size_execute0_lowered;
	s2 =	sadd.s32 s2, s4;
	[dreg:$0x0] =	wrdreg $0x0  }
0xa8: {  	s4 =	sshll.u32 s28, $0x1;
	[dreg:$0x2] =	wrdreg s2  }
0xa9: {  	[dreg:$0x3] =	wrdreg s4  }
0xaa: {  	[dreg:$0x4] =	wrdreg $0xC0  }
0xab: {  	_ =	task [dreg:s6], $0x5FFFF  }
0xac: {  	[dreg:$0x1] =	wrdreg $0xFFFFFFFF  }
0xad: {  	[dreg:$0x0] =	wrdreg $0x60  }
0xae: {  	[dreg:$0x2] =	wrdreg s24  }
0xaf: {  	[dreg:$0x3] =	wrdreg $0x92000  }
0xb0: {  	[dreg:$0x4] =	wrdreg $0x9  }
0xb1: {  	_ =	task.clear_ibuf [dreg:s6], $0x5FFFF;
	_ =	strace $0x90000049  }
0xb2: {  	s29 =	simm.s32 $0x9;
	_ =	strace $0x8000004B  }
0xb3: {  	_ =	swait.ge [sflag:s29], $0x1  }
0xb4: {  	[sflag:s29] =	ssyncadd.s32 $0xFFFFFFFF  }
0xb5: {  	_ =	strace $0x9000004B  }
0xb6: {  	_ =	sfence  }
0xb7: {  	s30 =	sld [smem:$0x0];
	_ =	sdelay $0x2  }
0xb8: {  	s31 =	sshll.u32 s1, $0xD;
	s1 =	sshrl.u32 s1, $0x2  }
0xb9: {  	s3 =	sand.u32 $0x4000, s31;
	s1 =	sadd.s32 s1, s30  }
0xba: {  	s0 =	sor.u32 s3, s0;
	s1 =	sshll.u32 s1, $0x11  }
0xbb: {  	s0 =	sor.u32 s1, s0  }
0xbc: {  	s0 =	sadd.s32 $0x8F2B, s0  }
0xbd: {  	[sflag:s0] =	ssyncadd.remote.s32 $0x1  }
0xbe: {  	_ =	sfence.sel $0xFFFF  }
0xbf: {  	[dreg:$0x0] =	wrdreg $0xFFFFFFFF;
	(pc) =	sbr.abs _section_cstart, $3  }
0xc0: {  	[dreg:$0x1] =	wrdreg $0xFFFFFFFF  }
0xc1: {  	_ =	task.clear_ibuf [dreg:s6], $0x2FFFF;
	_ =	strace $0x9FFFFFFF  }
0xc2: {  	(tm) =	ssettm $0x7FFFFFFF  }
0xc3: {  	_ =	shalt  }
tec
execute0_lowered:
.L_overlay_start_1:
0x0: {  	(tag) =	ssettag $0x1  }
0x1: {  	s0 =	rddreg [dreg:$0x0]  }
0x2: {  	s1 =	rddreg [dreg:$0x1];
	s2 =	simm.s32 $0x0  }
0x3: {  	s3 =	srdreg.scid;
	s12 =	stileid.u32;
	s28 =	simm.s32 $0x1600  }
0x4: {  	s30 =	simm.s32 $0x28;
	s31 =	simm.s32 $0x2A00;
	s4 =	sadd.s32 $0xA2D800, s0  }
0x5: {  	s29 =	simm.s32 $0x1;
	s5 =	sadd.s32 $0x4FB800, s0;
	s6 =	sadd.s32 $0x4F1A00, s0  }
0x6: {  	[smem:$0x7FF] =	sst s2;
	s7 =	sadd.s32 $0x4E7C00, s0;
	s9 =	smul.u32 $0x50000, s12  }
0x7: {  	s3 =	sand.u32 $0x1, s3;
	s0 =	sadd.s32 $0x522A00, s0;
	s11 =	smul.u32 $0x14000, s12  }
0x8: {  	_ =	strace $0x8000004A;
	s8 =	ssub.s32 $0x2, s3;
	s17 =	sshll.u32 s3, $0x4  }
0x9: {  	s3 =	smul.u32 $0x140000, s3;
	s10 =	sshrl.u32 s8, $0x1;
	s9 =	sshrl.u32 s9, $0x2  }
0xa: {  	s18 =	sadd.s32 $0x4000, s11;
	s15 =	sadd.s32 $0x8000, s11;
	s16 =	sadd.s32 $0xC000, s11  }
0xb: {  	s8 =	ssub.s32 s8, s10;
	s10 =	sor.u32 s12, s17;
	s13 =	sadd.s32 s9, s1  }
0xc: {  	s21 =	sadd.s32 s18, s1;
	s19 =	sadd.s32 s15, s1;
	s20 =	sadd.s32 s16, s1  }
0xd: {  	s17 =	sadd.s32 $0x10000, s11;
	s22 =	sadd.s32 s11, s3;
	s9 =	sadd.s32 s3, s18  }
0xe: {  	s23 =	sadd.s32 s3, s15;
	s24 =	sadd.s32 s3, s16;
	s15 =	simm.s32 $0x3  }
0xf: {  	s16 =	simm.s32 $0x5;
	s18 =	simm.s32 $0x6;
	[dreg:$0x5] =	wrdreg s19  }
0x10: {  	[dreg:$0x6] =	wrdreg s20;
	s12 =	smul.u32 $0x2710, s10;
	s11 =	sadd.s32 s17, s1  }
0x11: {  	s10 =	sshrl.u32 s22, $0x3;
	s9 =	sshrl.u32 s9, $0x3;
	s3 =	sadd.s32 s3, s17  }
0x12: {  	s26 =	smax.u32 s8, $0x1;
	s22 =	simm.s32 $0x9;
	[dreg:$0x3] =	wrdreg s13  }
0x13: {  	s17 =	simm.s32 $0x4;
	s19 =	simm.s32 $0x7;
	[dreg:$0x4] =	wrdreg s21  }
0x14: {  	s20 =	simm.s32 $0x8;
	s10 =	sadd.s32 s0, s10;
	[dreg:$0xd] =	wrdreg s26  }
0x15: {  	s9 =	sadd.s32 s0, s9;
	s3 =	sshrl.u32 s3, $0x3;
	[dreg:$0x7] =	wrdreg s11  }
0x16: {  	s26 =	simm.s32 $0x180;
	[dreg:$0x9] =	wrdreg s9;
	s9 =	sshrl.u32 s23, $0x3  }
0x17: {  	[dreg:$0x8] =	wrdreg s10;
	s10 =	sshrl.u32 s24, $0x3;
	s9 =	sadd.s32 s0, s9  }
0x18: {  	s14 =	sadd.s32 $0x28, s12;
	s25 =	sadd.s32 s0, s10;
	[dreg:$0xa] =	wrdreg s9  }
0x19: {  	s23 =	simm.s32 $0x100;
	s0 =	sadd.s32 s0, s3;
	[dreg:$0xb] =	wrdreg s25  }
0x1a: {  	s24 =	simm.s32 $0x200;
	s3 =	simm.s32 $0x3E00;
	[dreg:$0xc] =	wrdreg s0  }
0x1b: {  	v0 =	vimm.f32 $0.0e+00;
	s25 =	simm.s32 $0x80;
	s0 =	simm.s32 $0x2;
	s9 =	simm.s32 $0x0  }
.LBB2_1:
0x1c: {  	[dreg:$0xe] =	wrdreg s9;
	s9 =	simm.s32 $0x0;
	s10 =	simm.s32 $0x200  }
.LBB2_2:
0x1d: {  	p0 =	sne.s32 s10, $0xFE00;
	[tilespmem:s9+$0x5270] =	vst v0  }
0x1e: {  	[tilespmem:s9+$0x5200] =	vst v0  }
0x1f: {  	[tilespmem:s9+$0x5210] =	vst v0  }
.Ltmp0:
0x20: {  	[tilespmem:s9+$0x5220] =	vst v0;
	(pc) =	sbr.rel @p0 .LBB2_2-.Ltmp0, $4  }
0x21: {  	[tilespmem:s9+$0x5230] =	vst v0  }
0x22: {  	[tilespmem:s9+$0x5240] =	vst v0  }
0x23: {  	[tilespmem:s9+$0x5250] =	vst v0  }
0x24: {  	[tilespmem:s9+$0x5260] =	vst v0;
	s9 =	sshra.s32 s10, $0x2;
	s10 =	sadd.s32 $0x200, s10  }
0x25: {  	[tilespmem:s9+$0x5270] =	vst v0  }
0x26: {  	[tilespmem:s9+$0x5200] =	vst v0  }
0x27: {  	[tilespmem:s9+$0x5210] =	vst v0  }
0x28: {  	[tilespmem:s9+$0x5220] =	vst v0  }
0x29: {  	[tilespmem:s9+$0x5230] =	vst v0  }
0x2a: {  	[tilespmem:s9+$0x5240] =	vst v0  }
0x2b: {  	[tilespmem:s9+$0x5250] =	vst v0  }
0x2c: {  	[tilespmem:s9+$0x5260] =	vst v0;
	s8 =	simm.s32 $0x5200  }
0x2d: {  	[spmem:s13] =	stream.linear.scatter [tilespmem:s8], [sflag:$0x9], $0x4000, $0x38;
	[tilespmem:$0x1D200] =	vst v63  }
0x2e: {  	_ =	swait.ge [sflag:s22], $0x4000  }
0x2f: {  	[sflag:s22] =	ssyncset.done $0x0  }
0x30: {  	[sflag:s22] =	ssyncadd.s32 $0xFFFFC000  }
0x31: {  	[spmem:s21] =	stream.linear.scatter [tilespmem:s8], [sflag:$0x9], $0x4000, $0x38;
	[tilespmem:$0x1D200] =	vst v63  }
0x32: {  	_ =	swait.ge [sflag:s22], $0x4000  }
0x33: {  	[sflag:s22] =	ssyncset.done $0x0  }
0x34: {  	s13 =	rddreg [dreg:$0x5];
	[sflag:s22] =	ssyncadd.s32 $0xFFFFC000  }
0x35: {  	[spmem:s13] =	stream.linear.scatter [tilespmem:s8], [sflag:$0x9], $0x4000, $0x38;
	[tilespmem:$0x1D200] =	vst v63  }
0x36: {  	_ =	swait.ge [sflag:s22], $0x4000  }
0x37: {  	[sflag:s22] =	ssyncset.done $0x0  }
0x38: {  	s21 =	rddreg [dreg:$0x6];
	[sflag:s22] =	ssyncadd.s32 $0xFFFFC000  }
0x39: {  	[spmem:s21] =	stream.linear.scatter [tilespmem:s8], [sflag:$0x9], $0x4000, $0x38;
	[tilespmem:$0x1D200] =	vst v63  }
0x3a: {  	_ =	swait.ge [sflag:s22], $0x4000  }
0x3b: {  	[sflag:s22] =	ssyncset.done $0x0  }
0x3c: {  	[sflag:s22] =	ssyncadd.s32 $0xFFFFC000  }
0x3d: {  	[spmem:s11] =	stream.linear.scatter [tilespmem:s8], [sflag:$0x9], $0x4000, $0x38;
	[tilespmem:$0x1D200] =	vst v63  }
0x3e: {  	_ =	swait.ge [sflag:s22], $0x4000  }
0x3f: {  	[sflag:s22] =	ssyncset.done $0x0  }
0x40: {  	[sflag:s22] =	ssyncadd.s32 $0xFFFFC000  }
0x41: {  	s9 =	simm.s32 $0x0;
	[bflag:$0x0] =	sbarrier.arrive $0xFFFF  }
.LBB2_4:
0x42: {  	s10 =	smul.u32 $0x50, s9;
	_ =	sdelay $0x1  }
0x43: {  	s11 =	sadd.s32 s12, s10  }
0x44: {  	s13 =	sshrl.u32 s11, $0x3  }
0x45: {  	s21 =	sadd.s32 s6, s13  }
0x46: {  	[tilespmem:s2], [sflag:$0x1] =	stream.linear.gather [hbm4b:s21+s2], $0x28, $0x38;
	[tilespmem:$0x1D200] =	vst v63  }
0x47: {  	s10 =	sadd.s32 s10, s14;
	s11 =	sshll.u32 s11, $0x4;
	s13 =	sadd.s32 s7, s13  }
0x48: {  	[tilespmem:s23], [sflag:$0x1] =	stream.linear.gather [hbm4b:s13+s2], $0x28, $0x38;
	[tilespmem:$0x1D200] =	vst v63  }
0x49: {  	s8 =	sshrl.u32 s10, $0x3;
	s11 =	sadd.s32 s4, s11  }
0x4a: {  	[tilespmem:s24], [sflag:$0x3] =	stream.linear.gather [hbm4b:s11+s2], $0x1400, $0x38;
	[tilespmem:$0x1D200] =	vst v63  }
0x4b: {  	s21 =	sadd.s32 s6, s8  }
0x4c: {  	[tilespmem:s25], [sflag:$0x2] =	stream.linear.gather [hbm4b:s21+s2], $0x28, $0x38;
	[tilespmem:$0x1D200] =	vst v63  }
0x4d: {  	s10 =	sshll.u32 s10, $0x4;
	s11 =	sadd.s32 s7, s8  }
0x4e: {  	[tilespmem:s26], [sflag:$0x2] =	stream.linear.gather [hbm4b:s11+s2], $0x28, $0x38;
	[tilespmem:$0x1D200] =	vst v63  }
0x4f: {  	s10 =	sadd.s32 s4, s10  }
0x50: {  	[tilespmem:s28], [sflag:$0x4] =	stream.linear.gather [hbm4b:s10+s2], $0x1400, $0x38;
	[tilespmem:$0x1D200] =	vst v63  }
0x51: {  	_ =	swait.ge [sflag:s29], $0x28  }
0x52: {  	[sflag:s29] =	ssyncset.done $0x0  }
0x53: {  	[sflag:s29] =	ssyncadd.s32 $0xFFFFFFD8  }
0x54: {  	[tilespmem:s31], [sflag:$0x5] =	stream.indirect.gather [hbm4b:s5+s30], $0x80, s2, s30, $0xb8;
	[tilespmem:$0x1D200] =	vst v63  }
0x55: {  	_ =	swait.ge [sflag:s0], $0x28  }
0x56: {  	[sflag:s0] =	ssyncset.done $0x0  }
0x57: {  	[sflag:s0] =	ssyncadd.s32 $0xFFFFFFD8  }
0x58: {  	[tilespmem:s3], [sflag:$0x6] =	stream.indirect.gather [hbm4b:s5+s30], $0x80, s25, s30, $0xb8;
	[tilespmem:$0x1D200] =	vst v63  }
0x59: {  	_ =	swait.ge [sflag:s29], $0x28  }
0x5a: {  	[sflag:s29] =	ssyncset.done $0x0  }
0x5b: {  	[sflag:s29] =	ssyncadd.s32 $0xFFFFFFD8  }
0x5c: {  	_ =	swait.ge [sflag:s15], $0x1400  }
0x5d: {  	[sflag:s15] =	ssyncset.done $0x0  }
0x5e: {  	[sflag:s15] =	ssyncadd.s32 $0xFFFFEC00  }
0x5f: {  	_ =	swait.ge [sflag:s16], $0x1400  }
0x60: {  	[sflag:s16] =	ssyncset.done $0x0  }
0x61: {  	s10 =	simm.s32 $0xF0;
	[sflag:s16] =	ssyncadd.s32 $0xFFFFEC00  }
0x62: {  	v7 =	vld [tilespmem:s10+$0x2910]  }
0x63: {  	v8 =	vld [tilespmem:s10+$0x2920]  }
0x64: {  	v9 =	vld [tilespmem:s10+$0x2930]  }
0x65: {  	v10 =	vld [tilespmem:s10+$0x2940]  }
0x66: {  	v11 =	vld [tilespmem:s10+$0x2950]  }
0x67: {  	v12 =	vld [tilespmem:s10+$0x2960]  }
0x68: {  	v13 =	vld [tilespmem:s10+$0x2970]  }
0x69: {  	v14 =	vld [tilespmem:s10+$0x2980]  }
0x6a: {  	v15 =	vld [tilespmem:s10+$0x2990]  }
0x6b: {  	v16 =	vld [tilespmem:s10+$0x29A0]  }
0x6c: {  	v6 =	vld [tilespmem:s10+$0x29B0]  }
0x6d: {  	v5 =	vld [tilespmem:s10+$0x29C0]  }
0x6e: {  	v4 =	vld [tilespmem:s10+$0x29D0]  }
0x6f: {  	v17 =	vld [tilespmem:s10+$0x110]  }
0x70: {  	v18 =	vld [tilespmem:s10+$0x120]  }
0x71: {  	v3 =	vld [tilespmem:s10+$0x29E0]  }
0x72: {  	v19 =	vld [tilespmem:s10+$0x130]  }
0x73: {  	v20 =	vld [tilespmem:s10+$0x140]  }
0x74: {  	v2 =	vld [tilespmem:s10+$0x29F0];
	v7 =	vadd.f32 v17, v7  }
0x75: {  	v21 =	vld [tilespmem:s10+$0x150];
	v8 =	vadd.f32 v18, v8  }
0x76: {  	v60 =	vld [tilespmem:s10+$0x160];
	v7 =	vmax.f32 v7, $0.0e+00  }
0x77: {  	v1 =	vld [tilespmem:s10+$0x2A00];
	v8 =	vmax.f32 v8, $0.0e+00;
	[tilespmem:s10+$0x110] =	vst v7;
	v7 =	vadd.f32 v19, v9  }
0x78: {  	v22 =	vld [tilespmem:s10+$0x170];
	[tilespmem:s10+$0x120] =	vst v8;
	v8 =	vadd.f32 v20, v10  }
0x79: {  	v61 =	vld [tilespmem:s10+$0x180];
	v7 =	vmax.f32 v7, $0.0e+00  }
0x7a: {  	v62 =	vld [tilespmem:s10+$0x190];
	v9 =	vmax.f32 v8, $0.0e+00;
	[tilespmem:s10+$0x130] =	vst v7;
	v7 =	vadd.f32 v21, v11  }
0x7b: {  	v63 =	vld [tilespmem:s10+$0x1A0];
	[tilespmem:s10+$0x140] =	vst v9;
	v9 =	vadd.f32 v60, v12  }
0x7c: {  	v8 =	vld [tilespmem:s10+$0x1B0];
	v10 =	vmax.f32 v7, $0.0e+00  }
0x7d: {  	v7 =	vld [tilespmem:s10+$0x1C0];
	v11 =	vmax.f32 v9, $0.0e+00;
	[tilespmem:s10+$0x150] =	vst v10;
	v10 =	vadd.f32 v22, v13  }
0x7e: {  	v9 =	vld [tilespmem:s10+$0x1D0];
	[tilespmem:s10+$0x160] =	vst v11;
	v11 =	vadd.f32 v61, v14  }
0x7f: {  	v13 =	vadd.f32 v62, v15;
	v12 =	vmax.f32 v10, $0.0e+00;
	v10 =	vld [tilespmem:s10+$0x1E0]  }
0x80: {  	s11 =	simm.s32 $0x7C0;
	v14 =	vmax.f32 v11, $0.0e+00;
	v11 =	vld [tilespmem:s10+$0x1F0];
	[tilespmem:s10+$0x170] =	vst v12;
	v12 =	vadd.f32 v63, v16  }
.LBB2_5:
0x81: {  	s13 =	sshra.s32 s11, $0x2;
	p0 =	sne.s32 s11, $0x4FC0;
	[tilespmem:s10+$0x180] =	vst v14;
	v13 =	vmax.f32 v13, $0.0e+00;
	v6 =	vadd.f32 v8, v6;
	v8 =	vld [tilespmem:s10+$0x200]  }
0x82: {  	v14 =	vld [tilespmem:s13+$0x2910];
	[tilespmem:s10+$0x190] =	vst v13;
	v12 =	vmax.f32 v12, $0.0e+00;
	v5 =	vadd.f32 v7, v5  }
0x83: {  	v7 =	vld [tilespmem:s13+$0x2920];
	[tilespmem:s10+$0x1A0] =	vst v12;
	v6 =	vmax.f32 v6, $0.0e+00;
	v4 =	vadd.f32 v9, v4  }
0x84: {  	v9 =	vld [tilespmem:s13+$0x2930];
	[tilespmem:s10+$0x1B0] =	vst v6;
	v5 =	vmax.f32 v5, $0.0e+00;
	v3 =	vadd.f32 v10, v3  }
0x85: {  	v10 =	vld [tilespmem:s13+$0x2940];
	[tilespmem:s10+$0x1C0] =	vst v5;
	v4 =	vmax.f32 v4, $0.0e+00;
	v2 =	vadd.f32 v11, v2  }
0x86: {  	v11 =	vld [tilespmem:s13+$0x2950];
	[tilespmem:s10+$0x1D0] =	vst v4;
	v3 =	vmax.f32 v3, $0.0e+00;
	v1 =	vadd.f32 v8, v1  }
0x87: {  	v8 =	vld [tilespmem:s13+$0x2960];
	[tilespmem:s10+$0x1E0] =	vst v3;
	v2 =	vmax.f32 v2, $0.0e+00  }
0x88: {  	v12 =	vld [tilespmem:s13+$0x2970];
	[tilespmem:s10+$0x1F0] =	vst v2;
	v1 =	vmax.f32 v1, $0.0e+00  }
0x89: {  	v13 =	vld [tilespmem:s13+$0x2980];
	[tilespmem:s10+$0x200] =	vst v1;
	s10 =	smov.u32 s13  }
0x8a: {  	v15 =	vld [tilespmem:s10+$0x2990]  }
0x8b: {  	v16 =	vld [tilespmem:s10+$0x29A0]  }
0x8c: {  	v6 =	vld [tilespmem:s10+$0x29B0]  }
0x8d: {  	v5 =	vld [tilespmem:s10+$0x29C0]  }
0x8e: {  	v4 =	vld [tilespmem:s10+$0x29D0]  }
0x8f: {  	v3 =	vld [tilespmem:s10+$0x29E0]  }
0x90: {  	v2 =	vld [tilespmem:s10+$0x29F0]  }
0x91: {  	v1 =	vld [tilespmem:s10+$0x2A00]  }
0x92: {  	v17 =	vld [tilespmem:s10+$0x110]  }
0x93: {  	v18 =	vld [tilespmem:s10+$0x120]  }
0x94: {  	v19 =	vld [tilespmem:s10+$0x130]  }
0x95: {  	v20 =	vld [tilespmem:s10+$0x140]  }
0x96: {  	v21 =	vld [tilespmem:s10+$0x150]  }
0x97: {  	v14 =	vadd.f32 v17, v14;
	v17 =	vld [tilespmem:s10+$0x160]  }
0x98: {  	v7 =	vadd.f32 v18, v7;
	v18 =	vld [tilespmem:s10+$0x170]  }
0x99: {  	v14 =	vmax.f32 v14, $0.0e+00;
	v9 =	vadd.f32 v19, v9;
	v19 =	vld [tilespmem:s10+$0x180]  }
0x9a: {  	[tilespmem:s10+$0x110] =	vst v14;
	v7 =	vmax.f32 v7, $0.0e+00;
	v10 =	vadd.f32 v20, v10;
	v14 =	vld [tilespmem:s10+$0x190]  }
0x9b: {  	[tilespmem:s10+$0x120] =	vst v7;
	v7 =	vmax.f32 v9, $0.0e+00;
	v9 =	vadd.f32 v21, v11;
	v11 =	vld [tilespmem:s10+$0x1A0]  }
.Ltmp1:
0x9c: {  	[tilespmem:s10+$0x130] =	vst v7;
	v7 =	vmax.f32 v10, $0.0e+00;
	v10 =	vadd.f32 v17, v8;
	v8 =	vld [tilespmem:s10+$0x1B0];
	(pc) =	sbr.rel @p0 .LBB2_5-.Ltmp1, $4  }
0x9d: {  	[tilespmem:s10+$0x140] =	vst v7;
	v9 =	vmax.f32 v9, $0.0e+00;
	v12 =	vadd.f32 v18, v12;
	v7 =	vld [tilespmem:s10+$0x1C0]  }
0x9e: {  	[tilespmem:s10+$0x150] =	vst v9;
	v10 =	vmax.f32 v10, $0.0e+00;
	v17 =	vadd.f32 v19, v13;
	v9 =	vld [tilespmem:s10+$0x1D0]  }
0x9f: {  	[tilespmem:s10+$0x160] =	vst v10;
	v12 =	vmax.f32 v12, $0.0e+00;
	v13 =	vadd.f32 v14, v15;
	v10 =	vld [tilespmem:s10+$0x1E0]  }
0xa0: {  	s11 =	sadd.s32 $0x400, s11;
	[tilespmem:s10+$0x170] =	vst v12;
	v14 =	vmax.f32 v17, $0.0e+00;
	v12 =	vadd.f32 v11, v16;
	v11 =	vld [tilespmem:s10+$0x1F0]  }
0xa1: {  	[tilespmem:s10+$0x180] =	vst v14;
	v13 =	vmax.f32 v13, $0.0e+00;
	v6 =	vadd.f32 v8, v6;
	v8 =	vld [tilespmem:s10+$0x200]  }
0xa2: {  	[tilespmem:s10+$0x190] =	vst v13;
	v12 =	vmax.f32 v12, $0.0e+00;
	v5 =	vadd.f32 v7, v5  }
0xa3: {  	[tilespmem:s10+$0x1A0] =	vst v12;
	v6 =	vmax.f32 v6, $0.0e+00;
	v4 =	vadd.f32 v9, v4  }
0xa4: {  	[tilespmem:s10+$0x1B0] =	vst v6;
	v5 =	vmax.f32 v5, $0.0e+00;
	v3 =	vadd.f32 v10, v3  }
0xa5: {  	[tilespmem:s10+$0x1C0] =	vst v5;
	v4 =	vmax.f32 v4, $0.0e+00;
	v2 =	vadd.f32 v11, v2  }
0xa6: {  	[tilespmem:s10+$0x1D0] =	vst v4;
	v3 =	vmax.f32 v3, $0.0e+00;
	v1 =	vadd.f32 v8, v1  }
0xa7: {  	[tilespmem:s10+$0x1E0] =	vst v3;
	v2 =	vmax.f32 v2, $0.0e+00  }
0xa8: {  	[tilespmem:s10+$0x1F0] =	vst v2;
	v1 =	vmax.f32 v1, $0.0e+00  }
0xa9: {  	[tilespmem:s10+$0x200] =	vst v1  }
0xaa: {  	[spmem:s1] =	stream.indirect.scatter.add.f32 [tilespmem:s24], [sflag:$0x7], $0x80, s23, s30, $0xb8;
	[tilespmem:$0x1D200] =	vst v63  }
0xab: {  	_ =	swait.ge [sflag:s0], $0x28  }
0xac: {  	[sflag:s0] =	ssyncset.done $0x0  }
0xad: {  	[sflag:s0] =	ssyncadd.s32 $0xFFFFFFD8  }
0xae: {  	_ =	swait.ge [sflag:s17], $0x1400  }
0xaf: {  	[sflag:s17] =	ssyncset.done $0x0  }
0xb0: {  	[sflag:s17] =	ssyncadd.s32 $0xFFFFEC00  }
0xb1: {  	_ =	swait.ge [sflag:s18], $0x1400  }
0xb2: {  	[sflag:s18] =	ssyncset.done $0x0  }
0xb3: {  	s10 =	simm.s32 $0xF0;
	[sflag:s18] =	ssyncadd.s32 $0xFFFFEC00  }
0xb4: {  	v7 =	vld [tilespmem:s10+$0x3D10]  }
0xb5: {  	v8 =	vld [tilespmem:s10+$0x3D20]  }
0xb6: {  	v9 =	vld [tilespmem:s10+$0x3D30]  }
0xb7: {  	v10 =	vld [tilespmem:s10+$0x3D40]  }
0xb8: {  	v11 =	vld [tilespmem:s10+$0x3D50]  }
0xb9: {  	v12 =	vld [tilespmem:s10+$0x3D60]  }
0xba: {  	v13 =	vld [tilespmem:s10+$0x3D70]  }
0xbb: {  	v14 =	vld [tilespmem:s10+$0x3D80]  }
0xbc: {  	v15 =	vld [tilespmem:s10+$0x3D90]  }
0xbd: {  	v16 =	vld [tilespmem:s10+$0x3DA0]  }
0xbe: {  	v6 =	vld [tilespmem:s10+$0x3DB0]  }
0xbf: {  	v5 =	vld [tilespmem:s10+$0x3DC0]  }
0xc0: {  	v4 =	vld [tilespmem:s10+$0x3DD0]  }
0xc1: {  	v17 =	vld [tilespmem:s10+$0x1510]  }
0xc2: {  	v18 =	vld [tilespmem:s10+$0x1520]  }
0xc3: {  	v3 =	vld [tilespmem:s10+$0x3DE0]  }
0xc4: {  	v19 =	vld [tilespmem:s10+$0x1530]  }
0xc5: {  	v20 =	vld [tilespmem:s10+$0x1540]  }
0xc6: {  	v2 =	vld [tilespmem:s10+$0x3DF0];
	v7 =	vadd.f32 v17, v7  }
0xc7: {  	v21 =	vld [tilespmem:s10+$0x1550];
	v8 =	vadd.f32 v18, v8  }
0xc8: {  	v60 =	vld [tilespmem:s10+$0x1560];
	v7 =	vmax.f32 v7, $0.0e+00  }
0xc9: {  	v1 =	vld [tilespmem:s10+$0x3E00];
	v8 =	vmax.f32 v8, $0.0e+00;
	[tilespmem:s10+$0x1510] =	vst v7;
	v7 =	vadd.f32 v19, v9  }
0xca: {  	v22 =	vld [tilespmem:s10+$0x1570];
	[tilespmem:s10+$0x1520] =	vst v8;
	v8 =	vadd.f32 v20, v10  }
0xcb: {  	v61 =	vld [tilespmem:s10+$0x1580];
	v7 =	vmax.f32 v7, $0.0e+00  }
0xcc: {  	v62 =	vld [tilespmem:s10+$0x1590];
	v9 =	vmax.f32 v8, $0.0e+00;
	[tilespmem:s10+$0x1530] =	vst v7;
	v7 =	vadd.f32 v21, v11  }
0xcd: {  	v63 =	vld [tilespmem:s10+$0x15A0];
	[tilespmem:s10+$0x1540] =	vst v9;
	v9 =	vadd.f32 v60, v12  }
0xce: {  	v8 =	vld [tilespmem:s10+$0x15B0];
	v10 =	vmax.f32 v7, $0.0e+00  }
0xcf: {  	v7 =	vld [tilespmem:s10+$0x15C0];
	v11 =	vmax.f32 v9, $0.0e+00;
	[tilespmem:s10+$0x1550] =	vst v10;
	v10 =	vadd.f32 v22, v13  }
0xd0: {  	v9 =	vld [tilespmem:s10+$0x15D0];
	[tilespmem:s10+$0x1560] =	vst v11;
	v11 =	vadd.f32 v61, v14  }
0xd1: {  	v13 =	vadd.f32 v62, v15;
	v12 =	vmax.f32 v10, $0.0e+00;
	v10 =	vld [tilespmem:s10+$0x15E0]  }
0xd2: {  	s11 =	simm.s32 $0x7C0;
	v14 =	vmax.f32 v11, $0.0e+00;
	v11 =	vld [tilespmem:s10+$0x15F0];
	[tilespmem:s10+$0x1570] =	vst v12;
	v12 =	vadd.f32 v63, v16  }
.LBB2_7:
0xd3: {  	s13 =	sshra.s32 s11, $0x2;
	p0 =	sne.s32 s11, $0x4FC0;
	[tilespmem:s10+$0x1580] =	vst v14;
	v13 =	vmax.f32 v13, $0.0e+00;
	v6 =	vadd.f32 v8, v6;
	v8 =	vld [tilespmem:s10+$0x1600]  }
0xd4: {  	v14 =	vld [tilespmem:s13+$0x3D10];
	[tilespmem:s10+$0x1590] =	vst v13;
	v12 =	vmax.f32 v12, $0.0e+00;
	v5 =	vadd.f32 v7, v5  }
0xd5: {  	v7 =	vld [tilespmem:s13+$0x3D20];
	[tilespmem:s10+$0x15A0] =	vst v12;
	v6 =	vmax.f32 v6, $0.0e+00;
	v4 =	vadd.f32 v9, v4  }
0xd6: {  	v9 =	vld [tilespmem:s13+$0x3D30];
	[tilespmem:s10+$0x15B0] =	vst v6;
	v5 =	vmax.f32 v5, $0.0e+00;
	v3 =	vadd.f32 v10, v3  }
0xd7: {  	v10 =	vld [tilespmem:s13+$0x3D40];
	[tilespmem:s10+$0x15C0] =	vst v5;
	v4 =	vmax.f32 v4, $0.0e+00;
	v2 =	vadd.f32 v11, v2  }
0xd8: {  	v11 =	vld [tilespmem:s13+$0x3D50];
	[tilespmem:s10+$0x15D0] =	vst v4;
	v3 =	vmax.f32 v3, $0.0e+00;
	v1 =	vadd.f32 v8, v1  }
0xd9: {  	v8 =	vld [tilespmem:s13+$0x3D60];
	[tilespmem:s10+$0x15E0] =	vst v3;
	v2 =	vmax.f32 v2, $0.0e+00  }
0xda: {  	v12 =	vld [tilespmem:s13+$0x3D70];
	[tilespmem:s10+$0x15F0] =	vst v2;
	v1 =	vmax.f32 v1, $0.0e+00  }
0xdb: {  	v13 =	vld [tilespmem:s13+$0x3D80];
	[tilespmem:s10+$0x1600] =	vst v1;
	s10 =	smov.u32 s13  }
0xdc: {  	v15 =	vld [tilespmem:s10+$0x3D90]  }
0xdd: {  	v16 =	vld [tilespmem:s10+$0x3DA0]  }
0xde: {  	v6 =	vld [tilespmem:s10+$0x3DB0]  }
0xdf: {  	v5 =	vld [tilespmem:s10+$0x3DC0]  }
0xe0: {  	v4 =	vld [tilespmem:s10+$0x3DD0]  }
0xe1: {  	v3 =	vld [tilespmem:s10+$0x3DE0]  }
0xe2: {  	v2 =	vld [tilespmem:s10+$0x3DF0]  }
0xe3: {  	v1 =	vld [tilespmem:s10+$0x3E00]  }
0xe4: {  	v17 =	vld [tilespmem:s10+$0x1510]  }
0xe5: {  	v18 =	vld [tilespmem:s10+$0x1520]  }
0xe6: {  	v19 =	vld [tilespmem:s10+$0x1530]  }
0xe7: {  	v20 =	vld [tilespmem:s10+$0x1540]  }
0xe8: {  	v21 =	vld [tilespmem:s10+$0x1550]  }
0xe9: {  	v14 =	vadd.f32 v17, v14;
	v17 =	vld [tilespmem:s10+$0x1560]  }
0xea: {  	v7 =	vadd.f32 v18, v7;
	v18 =	vld [tilespmem:s10+$0x1570]  }
0xeb: {  	v14 =	vmax.f32 v14, $0.0e+00;
	v9 =	vadd.f32 v19, v9;
	v19 =	vld [tilespmem:s10+$0x1580]  }
0xec: {  	[tilespmem:s10+$0x1510] =	vst v14;
	v7 =	vmax.f32 v7, $0.0e+00;
	v10 =	vadd.f32 v20, v10;
	v14 =	vld [tilespmem:s10+$0x1590]  }
0xed: {  	[tilespmem:s10+$0x1520] =	vst v7;
	v7 =	vmax.f32 v9, $0.0e+00;
	v9 =	vadd.f32 v21, v11;
	v11 =	vld [tilespmem:s10+$0x15A0]  }
.Ltmp2:
0xee: {  	[tilespmem:s10+$0x1530] =	vst v7;
	v7 =	vmax.f32 v10, $0.0e+00;
	v10 =	vadd.f32 v17, v8;
	v8 =	vld [tilespmem:s10+$0x15B0];
	(pc) =	sbr.rel @p0 .LBB2_7-.Ltmp2, $4  }
0xef: {  	[tilespmem:s10+$0x1540] =	vst v7;
	v9 =	vmax.f32 v9, $0.0e+00;
	v12 =	vadd.f32 v18, v12;
	v7 =	vld [tilespmem:s10+$0x15C0]  }
0xf0: {  	[tilespmem:s10+$0x1550] =	vst v9;
	v10 =	vmax.f32 v10, $0.0e+00;
	v17 =	vadd.f32 v19, v13;
	v9 =	vld [tilespmem:s10+$0x15D0]  }
0xf1: {  	[tilespmem:s10+$0x1560] =	vst v10;
	v12 =	vmax.f32 v12, $0.0e+00;
	v13 =	vadd.f32 v14, v15;
	v10 =	vld [tilespmem:s10+$0x15E0]  }
0xf2: {  	s11 =	sadd.s32 $0x400, s11;
	[tilespmem:s10+$0x1570] =	vst v12;
	v14 =	vmax.f32 v17, $0.0e+00;
	v12 =	vadd.f32 v11, v16;
	v11 =	vld [tilespmem:s10+$0x15F0]  }
0xf3: {  	[tilespmem:s10+$0x1580] =	vst v14;
	v13 =	vmax.f32 v13, $0.0e+00;
	v6 =	vadd.f32 v8, v6;
	v63 =	vld [tilespmem:s10+$0x1600]  }
0xf4: {  	[tilespmem:s10+$0x1590] =	vst v13;
	v12 =	vmax.f32 v12, $0.0e+00;
	v5 =	vadd.f32 v7, v5  }
0xf5: {  	[tilespmem:s10+$0x15A0] =	vst v12;
	v6 =	vmax.f32 v6, $0.0e+00;
	v4 =	vadd.f32 v9, v4  }
0xf6: {  	[tilespmem:s10+$0x15B0] =	vst v6;
	v5 =	vmax.f32 v5, $0.0e+00;
	v3 =	vadd.f32 v10, v3  }
0xf7: {  	[tilespmem:s10+$0x15C0] =	vst v5;
	v4 =	vmax.f32 v4, $0.0e+00;
	v2 =	vadd.f32 v11, v2  }
0xf8: {  	[tilespmem:s10+$0x15D0] =	vst v4;
	v3 =	vmax.f32 v3, $0.0e+00;
	v1 =	vadd.f32 v63, v1  }
0xf9: {  	[tilespmem:s10+$0x15E0] =	vst v3;
	v2 =	vmax.f32 v2, $0.0e+00  }
0xfa: {  	[tilespmem:s10+$0x15F0] =	vst v2;
	v1 =	vmax.f32 v1, $0.0e+00  }
0xfb: {  	s9 =	sadd.s32 $0x1, s9;
	[tilespmem:s10+$0x1600] =	vst v1  }
0xfc: {  	[spmem:s1] =	stream.indirect.scatter.add.f32 [tilespmem:s28], [sflag:$0x8], $0x80, s26, s30, $0xb8;
	[tilespmem:$0x1D200] =	vst v63  }
0xfd: {  	p0 =	sne.s32 s9, $0x7D;
	_ =	swait.ge [sflag:s19], $0x1400  }
.Ltmp3:
0xfe: {  	[sflag:s19] =	ssyncset.done $0x0;
	(pc) =	sbr.rel @p0 .LBB2_4-.Ltmp3, $4  }
0xff: {  	[sflag:s19] =	ssyncadd.s32 $0xFFFFEC00  }
0x100: {  	_ =	swait.ge [sflag:s20], $0x1400  }
0x101: {  	[sflag:s20] =	ssyncset.done $0x0  }
0x102: {  	[sflag:s20] =	ssyncadd.s32 $0xFFFFEC00  }
0x103: {  	s9 =	stileid.u32;
	[bflag:$0x0] =	sbarrier.arrive $0xFFFF  }
0x104: {  	s9 =	sshll.u32 s9, $0x6;
	s13 =	rddreg [dreg:$0x3]  }
0x105: {  	s11 =	rddreg [dreg:$0x8];
	s9 =	sor.u32 $0x1C09, s9;
	s10 =	sshrl.u32 s13, $0x3  }
0x106: {  	[hbm:s11], [sflag:s9] =	dma.local [spmem:s10], $0x800  }
0x107: {  	_ =	swait.ge [sflag:s22], $0x800  }
0x108: {  	[sflag:s22] =	ssyncset.done $0x0;
	s21 =	rddreg [dreg:$0x4]  }
0x109: {  	s8 =	rddreg [dreg:$0x9];
	[sflag:s22] =	ssyncadd.s32 $0xFFFFF800;
	s11 =	sshrl.u32 s21, $0x3  }
0x10a: {  	[hbm:s8], [sflag:s9] =	dma.local [spmem:s11], $0x800  }
0x10b: {  	_ =	swait.ge [sflag:s22], $0x800  }
0x10c: {  	[sflag:s22] =	ssyncset.done $0x0;
	s11 =	rddreg [dreg:$0x5]  }
0x10d: {  	s8 =	rddreg [dreg:$0xa];
	[sflag:s22] =	ssyncadd.s32 $0xFFFFF800;
	s10 =	sshrl.u32 s11, $0x3  }
0x10e: {  	[hbm:s8], [sflag:s9] =	dma.local [spmem:s10], $0x800  }
0x10f: {  	_ =	swait.ge [sflag:s22], $0x800  }
0x110: {  	[sflag:s22] =	ssyncset.done $0x0;
	s11 =	rddreg [dreg:$0x6]  }
0x111: {  	s8 =	rddreg [dreg:$0xb];
	[sflag:s22] =	ssyncadd.s32 $0xFFFFF800;
	s10 =	sshrl.u32 s11, $0x3  }
0x112: {  	[hbm:s8], [sflag:s9] =	dma.local [spmem:s10], $0x800  }
0x113: {  	_ =	swait.ge [sflag:s22], $0x800  }
0x114: {  	[sflag:s22] =	ssyncset.done $0x0;
	s11 =	rddreg [dreg:$0x7]  }
0x115: {  	s8 =	rddreg [dreg:$0xc];
	[sflag:s22] =	ssyncadd.s32 $0xFFFFF800;
	s10 =	sshrl.u32 s11, $0x3  }
0x116: {  	[hbm:s8], [sflag:s9] =	dma.local [spmem:s10], $0x800  }
0x117: {  	_ =	swait.ge [sflag:s22], $0x800  }
0x118: {  	s8 =	rddreg [dreg:$0xe]  }
0x119: {  	s10 =	rddreg [dreg:$0xd];
	s9 =	sadd.s32 $0x1, s8  }
0x11a: {  	p0 =	sne.s32 s9, s10  }
.Ltmp4:
0x11b: {  	_ = 	snop;
	(pc) =	sbr.rel @p0 .LBB2_1-.Ltmp4, $3  }
0x11c: {  	_ =	sdelay $0x1  }
0x11d: {  	[sflag:s22] =	ssyncset.done $0x0  }
0x11e: {  	[sflag:s22] =	ssyncadd.s32 $0xFFFFF800  }
0x11f: {  	_ =	sfence.sel $0x180000  }
0x120: {  	[bflag:$0x0] =	sbarrier.arrive $0xFFFF  }
0x121: {  	_ =	strace $0x9000004A  }
0x122: {  	s0 =	stileid.u32;
	[bflag:$0x2] =	sbarrier.arrive $0xFFFF  }
0x123: {  	p0 =	sne.s32 s0, $0x0;
	s0 =	rddreg [dreg:$0x2]  }
0x124: {  	s0 =	sadd.s32 @!p0 $0x100000, s0  }
0x125: {  	[sflag:s0] =	ssyncadd.tile.s32 @!p0 $0x1;
	_ =	shalt  }
.Lfunc_end2:
_tile_overlayer_lowered:
.L_overlay_start_2:
0x126: {  	(tag) =	ssettag $0x2  }
0x127: {  	s0 =	rddreg [dreg:$0x0];
	s2 =	stileid.u32  }
0x128: {  	s1 =	rddreg [dreg:$0x1];
	p0 =	sne.s32 s2, $0x0  }
0x129: {  	s3 =	rddreg [dreg:$0x2];
	[bflag:$0x3] =	sbarrier.arrive $0xFFFF;
	s2 =	simm.s32 @!p0 $0x1C09  }
0x12a: {  	[timem:s3], [sflag:s2] =	dma.local @!p0 [hbm:s0], s1  }
0x12b: {  	s0 =	simm.s32 @!p0 $0x9  }
0x12c: {  	_ =	swait.ge @!p0 [sflag:s0], s1  }
0x12d: {  	s1 =	ssub.s32 @!p0 $0x0, s1;
	[sflag:s0] =	ssyncset.done @!p0 $0x0  }
0x12e: {  	[sflag:s0] =	ssyncadd.s32 @!p0 s1  }
0x12f: {  	[bflag:$0x3] =	sbarrier.arrive $0xFFFF  }
0x130: {  	_ =	shalt  }

// kernel: kernel.18.cloned.1.call-start
scs
__scs_entry_jumppad:
0x0: {  	(pc) =	sbr.rel $0x88, $3  }
0x1: {  	(tag) =	ssettag $0x0;
	lr =	simm.s32 $0x1  }
0x2: {  	[smem:$0x3F8A] =	sst lr;
	_ =	strace $0xD0000000  }
0x3: {  	_ = 	snop  }
0x4: {  	_ = 	snop  }
0x5: {  	_ = 	snop  }
0x6: {  	_ = 	snop  }
0x7: {  	_ = 	snop  }
__scs_overlays_trampoline_lowered:
0x8: {  	[smem:$0x3F99] =	sst s0  }
0x9: {  	[smem:$0x3F9A] =	sst s1  }
0xa: {  	[smem:$0x3F9B] =	sst s2  }
0xb: {  	[smem:$0x3F9C] =	sst s3  }
0xc: {  	[smem:$0x3F9D] =	sst s4  }
0xd: {  	[smem:$0x3F9E] =	sst s5  }
0xe: {  	[smem:$0x3F9F] =	sst s6  }
0xf: {  	[smem:$0x3FA0] =	sst s7  }
0x10: {  	[smem:$0x3FA1] =	sst s8  }
0x11: {  	[smem:$0x3FA2] =	sst s9;
	s0 =	simm.s32 @!p0 $0x0  }
0x12: {  	s1 =	sld [smem:$0x3F88];
	s0 =	simm.s32 @p0 $0x1  }
0x13: {  	[smem:$0x3FA3] =	sst s0;
	s0 =	simm.s32 @!p1 $0x0  }
0x14: {  	s2 =	sld [smem:$0x3F87];
	s0 =	simm.s32 @p1 $0x1  }
0x15: {  	[smem:$0x3FA4] =	sst s0;
	s0 =	simm.s32 @!p2 $0x0  }
0x16: {  	s3 =	sld [smem:$0x3FDB];
	s0 =	simm.s32 @p2 $0x1  }
0x17: {  	s4 =	simm.s32 $0x1BF5;
	[smem:$0x3FA6] =	sst s0  }
0x18: {  	s0 =	sld [smem:$0x3F89];
	_ =	swait.ge [sflag:s4], $0x0  }
0x19: {  	s7 =	sld [smem:$0x3F8A]  }
0x1a: {  	s8 =	sadd.s32 $0xFFFFE003, lr  }
0x1b: {  	s9 =	sadd.s32 $0xFFFFFEF7, lr;
	s5 =	simm.s32 $0xFFFFFFFF;
	p2 =	slt.u32 s8, $0xFFFFF086  }
0x1c: {  	p1 =	slt.u32 s9, $0xF7A;
	s5 =	simm.s32 @!p2 $0x0  }
0x1d: {  	s5 =	simm.s32 @p1 $0x1;
	p0 =	seq.s32 s7, s2  }
0x1e: {  	s7 =	smul.u32 @!p0 $0xF7A, s2;
	p2 =	seq.s32 @!p0 s5, $0x0  }
0x1f: {  	s9 =	smul.u32 $0xF7A, s1;
	s8 =	simm.s32 @!p0 $0x1BF5;
	p2 =	por !p2, p0  }
0x20: {  	[sflag:s8] =	ssyncset.s32 @!p0 $0xFFFFF086;
	s6 =	sadd.s32 @!p0 s3, s7;
	s7 =	simm.s32 @!p0 $0x108  }
0x21: {  	s3 =	sadd.s32 s3, s9;
	s6 =	sadd.s32 @!p0 $0x88, s6;
	s7 =	simm.s32 @p2 $0x1082  }
0x22: {  	[simem:s7], [sflag:s8] =	dma.local @!p0 [hbm:s6], $0xF7A  }
0x23: {  	s9 =	sor.u32 $0xD0000000, s2;
	s6 =	simm.s32 $0x108;
	_ =	swait.ge @!p0 [sflag:s8], $0x0  }
0x24: {  	s3 =	sadd.s32 $0x88, s3;
	s6 =	simm.s32 @!p1 $0x1082;
	[sflag:s4] =	ssyncset.s32 $0xFFFFF086  }
0x25: {  	[simem:s6], [sflag:s4] =	dma.local [hbm:s3], $0xF7A  }
0x26: {  	[smem:$0x3F8A] =	sst s1;
	(tag) =	ssettag s2;
	_ =	strace s9  }
0x27: {  	s1 =	sld [smem:$0x3F9A]  }
0x28: {  	s2 =	sld [smem:$0x3F9B]  }
0x29: {  	s4 =	sld [smem:$0x3F9D]  }
0x2a: {  	p0 =	seq.s32 s5, $0x0;
	s5 =	sld [smem:$0x3F9E]  }
0x2b: {  	s6 =	sld [smem:$0x3F9F]  }
0x2c: {  	s7 =	sld [smem:$0x3FA0]  }
0x2d: {  	s3 =	simm.s32 $0x108;
	s8 =	sld [smem:$0x3FA1]  }
0x2e: {  	s3 =	simm.s32 @!p0 $0x1082;
	s9 =	sld [smem:$0x3FA2]  }
0x2f: {  	lr =	sadd.s32 s0, s3;
	s0 =	sld [smem:$0x3F99]  }
0x30: {  	s3 =	sld [smem:$0x3F9C]  }
0x31: {  	[smem:$0x3FA5] =	sst s10  }
0x32: {  	s10 =	sld [smem:$0x3FA3];
	_ =	sdelay $0x3  }
0x33: {  	p0 =	seq.s32 s10, $0x1;
	s10 =	sld [smem:$0x3FA5];
	_ =	sdelay $0x3  }
0x34: {  	[smem:$0x3FA5] =	sst s10  }
0x35: {  	s10 =	sld [smem:$0x3FA4];
	_ =	sdelay $0x3  }
0x36: {  	p1 =	seq.s32 s10, $0x1;
	s10 =	sld [smem:$0x3FA5];
	_ =	sdelay $0x3  }
0x37: {  	[smem:$0x3FA5] =	sst s10  }
0x38: {  	s10 =	sld [smem:$0x3FA6]  }
0x39: {  	_ = 	snop;
	(pc) =	sbr.ind lr, $3  }
0x3a: {  	_ = 	snop  }
0x3b: {  	_ = 	snop  }
0x3c: {  	p2 =	seq.s32 s10, $0x1;
	s10 =	sld [smem:$0x3FA5]  }
0x3d: {  	_ =	shalt  }
0x3e: {  	_ =	shalt  }
0x3f: {  	_ =	shalt  }
0x40: {  	_ =	shalt  }
0x41: {  	_ =	shalt  }
0x42: {  	_ =	shalt  }
0x43: {  	_ =	shalt  }
0x44: {  	_ =	shalt  }
0x45: {  	_ =	shalt  }
0x46: {  	_ =	shalt  }
0x47: {  	_ =	shalt  }
0x48: {  	_ =	shalt  }
0x49: {  	_ =	shalt  }
0x4a: {  	_ =	shalt  }
0x4b: {  	_ =	shalt  }
0x4c: {  	_ =	shalt  }
0x4d: {  	_ =	shalt  }
0x4e: {  	_ =	shalt  }
0x4f: {  	_ =	shalt  }
0x50: {  	_ =	shalt  }
0x51: {  	_ =	shalt  }
0x52: {  	_ =	shalt  }
0x53: {  	_ =	shalt  }
0x54: {  	_ =	shalt  }
0x55: {  	_ =	shalt  }
0x56: {  	_ =	shalt  }
0x57: {  	_ =	shalt  }
0x58: {  	_ =	shalt  }
0x59: {  	_ =	shalt  }
0x5a: {  	_ =	shalt  }
0x5b: {  	_ =	shalt  }
0x5c: {  	_ =	shalt  }
0x5d: {  	_ =	shalt  }
0x5e: {  	_ =	shalt  }
0x5f: {  	_ =	shalt  }
0x60: {  	_ =	shalt  }
0x61: {  	_ =	shalt  }
0x62: {  	_ =	shalt  }
0x63: {  	_ =	shalt  }
0x64: {  	_ =	shalt  }
0x65: {  	_ =	shalt  }
0x66: {  	_ =	shalt  }
0x67: {  	_ =	shalt  }
0x68: {  	_ =	shalt  }
0x69: {  	_ =	shalt  }
0x6a: {  	_ =	shalt  }
0x6b: {  	_ =	shalt  }
0x6c: {  	_ =	shalt  }
0x6d: {  	_ =	shalt  }
0x6e: {  	_ =	shalt  }
0x6f: {  	_ =	shalt  }
0x70: {  	_ =	shalt  }
0x71: {  	_ =	shalt  }
0x72: {  	_ =	shalt  }
0x73: {  	_ =	shalt  }
0x74: {  	_ =	shalt  }
0x75: {  	_ =	shalt  }
0x76: {  	_ =	shalt  }
0x77: {  	_ =	shalt  }
0x78: {  	_ =	shalt  }
0x79: {  	_ =	shalt  }
0x7a: {  	_ =	shalt  }
0x7b: {  	_ =	shalt  }
0x7c: {  	_ =	shalt  }
0x7d: {  	_ =	shalt  }
0x7e: {  	_ =	shalt  }
0x7f: {  	_ =	shalt  }
0x80: {  	_ =	shalt  }
0x81: {  	_ =	shalt  }
0x82: {  	_ =	shalt  }
0x83: {  	_ =	shalt  }
0x84: {  	_ =	shalt  }
0x85: {  	_ =	shalt  }
0x86: {  	_ =	shalt  }
0x87: {  	_ =	shalt  }
.Lfunc_end0:
.L_simem_size_0:
called_computation.2_lowered:
.L_overlay_start_0:
0x88: {  	s2 =	sld [smem:$0x3FD9]  }
0x89: {  	s3 =	sld [smem:$0x3FFE];
	_ =	sdelay $0x1  }
0x8a: {  	s1 =	srdreg.scid  }
0x8b: {  	s0 =	sand.u32 $0x1, s1  }
0x8c: {  	s16 =	sshll.u32 s0, $0xA;
	s2 =	sadd.s32 s3, s2  }
0x8d: {  	s2 =	sadd.s32 s2, s16  }
0x8e: {  	[smem:$0x3FB1] =	sst s2  }
0x8f: {  	_ = 	snop  }
0x90: {  	(tm) =	ssettm $0x1  }
0x91: {  	s17 =	sld [smem:$0x3FFB];
	_ =	sdelay $0x3  }
0x92: {  	_ =	strace s17  }
0x93: {  	s2 =	sld [smem:$0x3FFC];
	_ =	sdelay $0x3  }
0x94: {  	_ =	strace s2  }
0x95: {  	s2 =	sld [smem:$0x3FFD];
	_ =	sdelay $0x3  }
0x96: {  	_ =	strace s2  }
0x97: {  	_ =	strace $0x8FFFFFFF  }
0x98: {  	s18 =	sld [smem:$0x3FDB];
	_ =	sdelay $0x1  }
0x99: {  	s19 =	simm.s32 $_scs_section_size  }
0x9a: {  	s4 =	simm.s32 $_size__tile_overlayer_lowered;
	s5 =	simm.s32 $_tile_overlayer_lowered  }
0x9b: {  	s22 =	simm.s32 $0x1BFF;
	s21 =	sshll.u32 s5, $0x1;
	s2 =	sadd.s32 s19, s18  }
0x9c: {  	s6 =	simm.s32 $0x0;
	s20 =	sshll.u32 s4, $0x1;
	s4 =	sadd.s32 s21, s2  }
0x9d: {  	[timem:s6], [sflag:s22] =	dma.local [hbm:s4], s20  }
0x9e: {  	_ =	swait.ge [sflag:s22], s20  }
0x9f: {  	s3 =	ssub.s32 $0x0, s20;
	[sflag:s22] =	ssyncset.done $0x0  }
0xa0: {  	[sflag:s22] =	ssyncadd.s32 s3;
	_ =	sdelay $0x1  }
0xa1: {  	s23 =	simm.s32 $0x1B8B  }
0xa2: {  	_ =	swait.ge [sflag:s23], $0x1  }
0xa3: {  	[sflag:s23] =	ssyncset.done $0x0  }
0xa4: {  	s25 =	simm.s32 $0x1B8E;
	s24 =	sld [smem:$0x3FFE];
	[sflag:s23] =	ssyncadd.s32 $0xFFFFFFFF  }
0xa5: {  	s26 =	simm.s32 $execute0_lowered;
	[smem:$0x3FD2] =	sst s25  }
0xa6: {  	s4 =	sshll.u32 s26, $0x1;
	_ =	strace $0x8000004C;
	[dreg:$0x1] =	wrdreg $0xFFFFFFFF  }
0xa7: {  	s28 =	simm.s32 $_size_execute0_lowered;
	s2 =	sadd.s32 s2, s4;
	[dreg:$0x0] =	wrdreg $0x0  }
0xa8: {  	s4 =	sshll.u32 s28, $0x1;
	[dreg:$0x2] =	wrdreg s2  }
0xa9: {  	[dreg:$0x3] =	wrdreg s4  }
0xaa: {  	[dreg:$0x4] =	wrdreg $0xC0  }
0xab: {  	_ =	task [dreg:s6], $0x5FFFF  }
0xac: {  	[dreg:$0x1] =	wrdreg $0xFFFFFFFF  }
0xad: {  	[dreg:$0x0] =	wrdreg $0x60  }
0xae: {  	[dreg:$0x2] =	wrdreg s24  }
0xaf: {  	[dreg:$0x3] =	wrdreg $0x92000  }
0xb0: {  	[dreg:$0x4] =	wrdreg $0x9  }
0xb1: {  	_ =	task.clear_ibuf [dreg:s6], $0x5FFFF;
	_ =	strace $0x9000004C  }
0xb2: {  	s29 =	simm.s32 $0x9;
	_ =	strace $0x8000004E  }
0xb3: {  	_ =	swait.ge [sflag:s29], $0x1  }
0xb4: {  	[sflag:s29] =	ssyncadd.s32 $0xFFFFFFFF  }
0xb5: {  	_ =	strace $0x9000004E  }
0xb6: {  	_ =	sfence  }
0xb7: {  	s30 =	sld [smem:$0x0];
	_ =	sdelay $0x2  }
0xb8: {  	s31 =	sshll.u32 s1, $0xD;
	s1 =	sshrl.u32 s1, $0x2  }
0xb9: {  	s3 =	sand.u32 $0x4000, s31;
	s1 =	sadd.s32 s1, s30  }
0xba: {  	s0 =	sor.u32 s3, s0;
	s1 =	sshll.u32 s1, $0x11  }
0xbb: {  	s0 =	sor.u32 s1, s0  }
0xbc: {  	s0 =	sadd.s32 $0x8F2B, s0  }
0xbd: {  	[sflag:s0] =	ssyncadd.remote.s32 $0x1  }
0xbe: {  	_ =	sfence.sel $0xFFFF  }
0xbf: {  	[dreg:$0x0] =	wrdreg $0xFFFFFFFF;
	(pc) =	sbr.abs _section_cstart, $3  }
0xc0: {  	[dreg:$0x1] =	wrdreg $0xFFFFFFFF  }
0xc1: {  	_ =	task.clear_ibuf [dreg:s6], $0x2FFFF;
	_ =	strace $0x9FFFFFFF  }
0xc2: {  	(tm) =	ssettm $0x7FFFFFFF  }
0xc3: {  	_ =	shalt  }
tec
execute0_lowered:
.L_overlay_start_1:
0x0: {  	(tag) =	ssettag $0x1  }
0x1: {  	s0 =	rddreg [dreg:$0x0]  }
0x2: {  	s1 =	rddreg [dreg:$0x1];
	s2 =	simm.s32 $0x0  }
0x3: {  	s3 =	srdreg.scid;
	s12 =	stileid.u32;
	s28 =	simm.s32 $0x1600  }
0x4: {  	s29 =	simm.s32 $0x1;
	s30 =	simm.s32 $0x28;
	s31 =	simm.s32 $0x2A00  }
0x5: {  	[smem:$0x7FF] =	sst s2;
	s4 =	sadd.s32 $0xF12A00, s0;
	s5 =	sadd.s32 $0x5800, s0  }
0x6: {  	s6 =	sadd.s32 $0x4F1A00, s0;
	s3 =	sand.u32 $0x1, s3;
	s9 =	smul.u32 $0x50000, s12  }
0x7: {  	s7 =	sadd.s32 $0x4E7C00, s0;
	s0 =	sadd.s32 $0x2CA00, s0;
	s11 =	smul.u32 $0x14000, s12  }
0x8: {  	_ =	strace $0x8000004D;
	s8 =	ssub.s32 $0x2, s3;
	s17 =	sshll.u32 s3, $0x4  }
0x9: {  	s3 =	smul.u32 $0x140000, s3;
	s10 =	sshrl.u32 s8, $0x1;
	s9 =	sshrl.u32 s9, $0x2  }
0xa: {  	s18 =	sadd.s32 $0x4000, s11;
	s15 =	sadd.s32 $0x8000, s11;
	s16 =	sadd.s32 $0xC000, s11  }
0xb: {  	s8 =	ssub.s32 s8, s10;
	s10 =	sor.u32 s12, s17;
	s13 =	sadd.s32 s9, s1  }
0xc: {  	s21 =	sadd.s32 s18, s1;
	s19 =	sadd.s32 s15, s1;
	s20 =	sadd.s32 s16, s1  }
0xd: {  	s17 =	sadd.s32 $0x10000, s11;
	s22 =	sadd.s32 s11, s3;
	s9 =	sadd.s32 s3, s18  }
0xe: {  	s23 =	sadd.s32 s3, s15;
	s24 =	sadd.s32 s3, s16;
	s15 =	simm.s32 $0x3  }
0xf: {  	s16 =	simm.s32 $0x5;
	s18 =	simm.s32 $0x6;
	[dreg:$0x5] =	wrdreg s19  }
0x10: {  	[dreg:$0x6] =	wrdreg s20;
	s12 =	smul.u32 $0x2710, s10;
	s11 =	sadd.s32 s17, s1  }
0x11: {  	s10 =	sshrl.u32 s22, $0x3;
	s9 =	sshrl.u32 s9, $0x3;
	s3 =	sadd.s32 s3, s17  }
0x12: {  	s26 =	smax.u32 s8, $0x1;
	s22 =	simm.s32 $0x9;
	[dreg:$0x3] =	wrdreg s13  }
0x13: {  	s17 =	simm.s32 $0x4;
	s19 =	simm.s32 $0x7;
	[dreg:$0x4] =	wrdreg s21  }
0x14: {  	s20 =	simm.s32 $0x8;
	s10 =	sadd.s32 s0, s10;
	[dreg:$0xd] =	wrdreg s26  }
0x15: {  	s9 =	sadd.s32 s0, s9;
	s3 =	sshrl.u32 s3, $0x3;
	[dreg:$0x7] =	wrdreg s11  }
0x16: {  	s26 =	simm.s32 $0x180;
	[dreg:$0x9] =	wrdreg s9;
	s9 =	sshrl.u32 s23, $0x3  }
0x17: {  	[dreg:$0x8] =	wrdreg s10;
	s10 =	sshrl.u32 s24, $0x3;
	s9 =	sadd.s32 s0, s9  }
0x18: {  	s14 =	sadd.s32 $0x28, s12;
	s25 =	sadd.s32 s0, s10;
	[dreg:$0xa] =	wrdreg s9  }
0x19: {  	s23 =	simm.s32 $0x100;
	s0 =	sadd.s32 s0, s3;
	[dreg:$0xb] =	wrdreg s25  }
0x1a: {  	s24 =	simm.s32 $0x200;
	s3 =	simm.s32 $0x3E00;
	[dreg:$0xc] =	wrdreg s0  }
0x1b: {  	v0 =	vimm.f32 $0.0e+00;
	s25 =	simm.s32 $0x80;
	s0 =	simm.s32 $0x2;
	s9 =	simm.s32 $0x0  }
.LBB2_1:
0x1c: {  	[dreg:$0xe] =	wrdreg s9;
	s9 =	simm.s32 $0x0;
	s10 =	simm.s32 $0x200  }
.LBB2_2:
0x1d: {  	p0 =	sne.s32 s10, $0xFE00;
	[tilespmem:s9+$0x5270] =	vst v0  }
0x1e: {  	[tilespmem:s9+$0x5200] =	vst v0  }
0x1f: {  	[tilespmem:s9+$0x5210] =	vst v0  }
.Ltmp0:
0x20: {  	[tilespmem:s9+$0x5220] =	vst v0;
	(pc) =	sbr.rel @p0 .LBB2_2-.Ltmp0, $4  }
0x21: {  	[tilespmem:s9+$0x5230] =	vst v0  }
0x22: {  	[tilespmem:s9+$0x5240] =	vst v0  }
0x23: {  	[tilespmem:s9+$0x5250] =	vst v0  }
0x24: {  	[tilespmem:s9+$0x5260] =	vst v0;
	s9 =	sshra.s32 s10, $0x2;
	s10 =	sadd.s32 $0x200, s10  }
0x25: {  	[tilespmem:s9+$0x5270] =	vst v0  }
0x26: {  	[tilespmem:s9+$0x5200] =	vst v0  }
0x27: {  	[tilespmem:s9+$0x5210] =	vst v0  }
0x28: {  	[tilespmem:s9+$0x5220] =	vst v0  }
0x29: {  	[tilespmem:s9+$0x5230] =	vst v0  }
0x2a: {  	[tilespmem:s9+$0x5240] =	vst v0  }
0x2b: {  	[tilespmem:s9+$0x5250] =	vst v0  }
0x2c: {  	[tilespmem:s9+$0x5260] =	vst v0;
	s8 =	simm.s32 $0x5200  }
0x2d: {  	[spmem:s13] =	stream.linear.scatter [tilespmem:s8], [sflag:$0x9], $0x4000, $0x38;
	[tilespmem:$0x1D200] =	vst v63  }
0x2e: {  	_ =	swait.ge [sflag:s22], $0x4000  }
0x2f: {  	[sflag:s22] =	ssyncset.done $0x0  }
0x30: {  	[sflag:s22] =	ssyncadd.s32 $0xFFFFC000  }
0x31: {  	[spmem:s21] =	stream.linear.scatter [tilespmem:s8], [sflag:$0x9], $0x4000, $0x38;
	[tilespmem:$0x1D200] =	vst v63  }
0x32: {  	_ =	swait.ge [sflag:s22], $0x4000  }
0x33: {  	[sflag:s22] =	ssyncset.done $0x0  }
0x34: {  	s13 =	rddreg [dreg:$0x5];
	[sflag:s22] =	ssyncadd.s32 $0xFFFFC000  }
0x35: {  	[spmem:s13] =	stream.linear.scatter [tilespmem:s8], [sflag:$0x9], $0x4000, $0x38;
	[tilespmem:$0x1D200] =	vst v63  }
0x36: {  	_ =	swait.ge [sflag:s22], $0x4000  }
0x37: {  	[sflag:s22] =	ssyncset.done $0x0  }
0x38: {  	s21 =	rddreg [dreg:$0x6];
	[sflag:s22] =	ssyncadd.s32 $0xFFFFC000  }
0x39: {  	[spmem:s21] =	stream.linear.scatter [tilespmem:s8], [sflag:$0x9], $0x4000, $0x38;
	[tilespmem:$0x1D200] =	vst v63  }
0x3a: {  	_ =	swait.ge [sflag:s22], $0x4000  }
0x3b: {  	[sflag:s22] =	ssyncset.done $0x0  }
0x3c: {  	[sflag:s22] =	ssyncadd.s32 $0xFFFFC000  }
0x3d: {  	[spmem:s11] =	stream.linear.scatter [tilespmem:s8], [sflag:$0x9], $0x4000, $0x38;
	[tilespmem:$0x1D200] =	vst v63  }
0x3e: {  	_ =	swait.ge [sflag:s22], $0x4000  }
0x3f: {  	[sflag:s22] =	ssyncset.done $0x0  }
0x40: {  	[sflag:s22] =	ssyncadd.s32 $0xFFFFC000  }
0x41: {  	s9 =	simm.s32 $0x0;
	[bflag:$0x0] =	sbarrier.arrive $0xFFFF  }
.LBB2_4:
0x42: {  	s10 =	smul.u32 $0x50, s9;
	_ =	sdelay $0x1  }
0x43: {  	s11 =	sadd.s32 s12, s10  }
0x44: {  	s13 =	sshrl.u32 s11, $0x3  }
0x45: {  	s21 =	sadd.s32 s6, s13  }
0x46: {  	[tilespmem:s2], [sflag:$0x1] =	stream.linear.gather [hbm4b:s21+s2], $0x28, $0x38;
	[tilespmem:$0x1D200] =	vst v63  }
0x47: {  	s10 =	sadd.s32 s10, s14;
	s11 =	sshll.u32 s11, $0x4;
	s13 =	sadd.s32 s7, s13  }
0x48: {  	[tilespmem:s23], [sflag:$0x1] =	stream.linear.gather [hbm4b:s13+s2], $0x28, $0x38;
	[tilespmem:$0x1D200] =	vst v63  }
0x49: {  	s8 =	sshrl.u32 s10, $0x3;
	s11 =	sadd.s32 s4, s11  }
0x4a: {  	[tilespmem:s24], [sflag:$0x3] =	stream.linear.gather [hbm4b:s11+s2], $0x1400, $0x38;
	[tilespmem:$0x1D200] =	vst v63  }
0x4b: {  	s21 =	sadd.s32 s6, s8  }
0x4c: {  	[tilespmem:s25], [sflag:$0x2] =	stream.linear.gather [hbm4b:s21+s2], $0x28, $0x38;
	[tilespmem:$0x1D200] =	vst v63  }
0x4d: {  	s10 =	sshll.u32 s10, $0x4;
	s11 =	sadd.s32 s7, s8  }
0x4e: {  	[tilespmem:s26], [sflag:$0x2] =	stream.linear.gather [hbm4b:s11+s2], $0x28, $0x38;
	[tilespmem:$0x1D200] =	vst v63  }
0x4f: {  	s10 =	sadd.s32 s4, s10  }
0x50: {  	[tilespmem:s28], [sflag:$0x4] =	stream.linear.gather [hbm4b:s10+s2], $0x1400, $0x38;
	[tilespmem:$0x1D200] =	vst v63  }
0x51: {  	_ =	swait.ge [sflag:s29], $0x28  }
0x52: {  	[sflag:s29] =	ssyncset.done $0x0  }
0x53: {  	[sflag:s29] =	ssyncadd.s32 $0xFFFFFFD8  }
0x54: {  	[tilespmem:s31], [sflag:$0x5] =	stream.indirect.gather [hbm4b:s5+s30], $0x80, s2, s30, $0xb8;
	[tilespmem:$0x1D200] =	vst v63  }
0x55: {  	_ =	swait.ge [sflag:s0], $0x28  }
0x56: {  	[sflag:s0] =	ssyncset.done $0x0  }
0x57: {  	[sflag:s0] =	ssyncadd.s32 $0xFFFFFFD8  }
0x58: {  	[tilespmem:s3], [sflag:$0x6] =	stream.indirect.gather [hbm4b:s5+s30], $0x80, s25, s30, $0xb8;
	[tilespmem:$0x1D200] =	vst v63  }
0x59: {  	_ =	swait.ge [sflag:s29], $0x28  }
0x5a: {  	[sflag:s29] =	ssyncset.done $0x0  }
0x5b: {  	[sflag:s29] =	ssyncadd.s32 $0xFFFFFFD8  }
0x5c: {  	_ =	swait.ge [sflag:s15], $0x1400  }
0x5d: {  	[sflag:s15] =	ssyncset.done $0x0  }
0x5e: {  	[sflag:s15] =	ssyncadd.s32 $0xFFFFEC00  }
0x5f: {  	_ =	swait.ge [sflag:s16], $0x1400  }
0x60: {  	[sflag:s16] =	ssyncset.done $0x0  }
0x61: {  	s10 =	simm.s32 $0xF0;
	[sflag:s16] =	ssyncadd.s32 $0xFFFFEC00  }
0x62: {  	v7 =	vld [tilespmem:s10+$0x2910]  }
0x63: {  	v8 =	vld [tilespmem:s10+$0x2920]  }
0x64: {  	v9 =	vld [tilespmem:s10+$0x2930]  }
0x65: {  	v10 =	vld [tilespmem:s10+$0x2940]  }
0x66: {  	v11 =	vld [tilespmem:s10+$0x2950]  }
0x67: {  	v12 =	vld [tilespmem:s10+$0x2960]  }
0x68: {  	v13 =	vld [tilespmem:s10+$0x2970]  }
0x69: {  	v14 =	vld [tilespmem:s10+$0x2980]  }
0x6a: {  	v15 =	vld [tilespmem:s10+$0x2990]  }
0x6b: {  	v16 =	vld [tilespmem:s10+$0x29A0]  }
0x6c: {  	v6 =	vld [tilespmem:s10+$0x29B0]  }
0x6d: {  	v5 =	vld [tilespmem:s10+$0x29C0]  }
0x6e: {  	v4 =	vld [tilespmem:s10+$0x29D0]  }
0x6f: {  	v17 =	vld [tilespmem:s10+$0x110]  }
0x70: {  	v18 =	vld [tilespmem:s10+$0x120]  }
0x71: {  	v3 =	vld [tilespmem:s10+$0x29E0]  }
0x72: {  	v19 =	vld [tilespmem:s10+$0x130]  }
0x73: {  	v20 =	vld [tilespmem:s10+$0x140]  }
0x74: {  	v2 =	vld [tilespmem:s10+$0x29F0];
	v7 =	vadd.f32 v17, v7  }
0x75: {  	v21 =	vld [tilespmem:s10+$0x150];
	v8 =	vadd.f32 v18, v8  }
0x76: {  	v60 =	vld [tilespmem:s10+$0x160];
	v7 =	vmax.f32 v7, $0.0e+00  }
0x77: {  	v1 =	vld [tilespmem:s10+$0x2A00];
	v8 =	vmax.f32 v8, $0.0e+00;
	[tilespmem:s10+$0x110] =	vst v7;
	v7 =	vadd.f32 v19, v9  }
0x78: {  	v22 =	vld [tilespmem:s10+$0x170];
	[tilespmem:s10+$0x120] =	vst v8;
	v8 =	vadd.f32 v20, v10  }
0x79: {  	v61 =	vld [tilespmem:s10+$0x180];
	v7 =	vmax.f32 v7, $0.0e+00  }
0x7a: {  	v62 =	vld [tilespmem:s10+$0x190];
	v9 =	vmax.f32 v8, $0.0e+00;
	[tilespmem:s10+$0x130] =	vst v7;
	v7 =	vadd.f32 v21, v11  }
0x7b: {  	v63 =	vld [tilespmem:s10+$0x1A0];
	[tilespmem:s10+$0x140] =	vst v9;
	v9 =	vadd.f32 v60, v12  }
0x7c: {  	v8 =	vld [tilespmem:s10+$0x1B0];
	v10 =	vmax.f32 v7, $0.0e+00  }
0x7d: {  	v7 =	vld [tilespmem:s10+$0x1C0];
	v11 =	vmax.f32 v9, $0.0e+00;
	[tilespmem:s10+$0x150] =	vst v10;
	v10 =	vadd.f32 v22, v13  }
0x7e: {  	v9 =	vld [tilespmem:s10+$0x1D0];
	[tilespmem:s10+$0x160] =	vst v11;
	v11 =	vadd.f32 v61, v14  }
0x7f: {  	v13 =	vadd.f32 v62, v15;
	v12 =	vmax.f32 v10, $0.0e+00;
	v10 =	vld [tilespmem:s10+$0x1E0]  }
0x80: {  	s11 =	simm.s32 $0x7C0;
	v14 =	vmax.f32 v11, $0.0e+00;
	v11 =	vld [tilespmem:s10+$0x1F0];
	[tilespmem:s10+$0x170] =	vst v12;
	v12 =	vadd.f32 v63, v16  }
.LBB2_5:
0x81: {  	s13 =	sshra.s32 s11, $0x2;
	p0 =	sne.s32 s11, $0x4FC0;
	[tilespmem:s10+$0x180] =	vst v14;
	v13 =	vmax.f32 v13, $0.0e+00;
	v6 =	vadd.f32 v8, v6;
	v8 =	vld [tilespmem:s10+$0x200]  }
0x82: {  	v14 =	vld [tilespmem:s13+$0x2910];
	[tilespmem:s10+$0x190] =	vst v13;
	v12 =	vmax.f32 v12, $0.0e+00;
	v5 =	vadd.f32 v7, v5  }
0x83: {  	v7 =	vld [tilespmem:s13+$0x2920];
	[tilespmem:s10+$0x1A0] =	vst v12;
	v6 =	vmax.f32 v6, $0.0e+00;
	v4 =	vadd.f32 v9, v4  }
0x84: {  	v9 =	vld [tilespmem:s13+$0x2930];
	[tilespmem:s10+$0x1B0] =	vst v6;
	v5 =	vmax.f32 v5, $0.0e+00;
	v3 =	vadd.f32 v10, v3  }
0x85: {  	v10 =	vld [tilespmem:s13+$0x2940];
	[tilespmem:s10+$0x1C0] =	vst v5;
	v4 =	vmax.f32 v4, $0.0e+00;
	v2 =	vadd.f32 v11, v2  }
0x86: {  	v11 =	vld [tilespmem:s13+$0x2950];
	[tilespmem:s10+$0x1D0] =	vst v4;
	v3 =	vmax.f32 v3, $0.0e+00;
	v1 =	vadd.f32 v8, v1  }
0x87: {  	v8 =	vld [tilespmem:s13+$0x2960];
	[tilespmem:s10+$0x1E0] =	vst v3;
	v2 =	vmax.f32 v2, $0.0e+00  }
0x88: {  	v12 =	vld [tilespmem:s13+$0x2970];
	[tilespmem:s10+$0x1F0] =	vst v2;
	v1 =	vmax.f32 v1, $0.0e+00  }
0x89: {  	v13 =	vld [tilespmem:s13+$0x2980];
	[tilespmem:s10+$0x200] =	vst v1;
	s10 =	smov.u32 s13  }
0x8a: {  	v15 =	vld [tilespmem:s10+$0x2990]  }
0x8b: {  	v16 =	vld [tilespmem:s10+$0x29A0]  }
0x8c: {  	v6 =	vld [tilespmem:s10+$0x29B0]  }
0x8d: {  	v5 =	vld [tilespmem:s10+$0x29C0]  }
0x8e: {  	v4 =	vld [tilespmem:s10+$0x29D0]  }
0x8f: {  	v3 =	vld [tilespmem:s10+$0x29E0]  }
0x90: {  	v2 =	vld [tilespmem:s10+$0x29F0]  }
0x91: {  	v1 =	vld [tilespmem:s10+$0x2A00]  }
0x92: {  	v17 =	vld [tilespmem:s10+$0x110]  }
0x93: {  	v18 =	vld [tilespmem:s10+$0x120]  }
0x94: {  	v19 =	vld [tilespmem:s10+$0x130]  }
0x95: {  	v20 =	vld [tilespmem:s10+$0x140]  }
0x96: {  	v21 =	vld [tilespmem:s10+$0x150]  }
0x97: {  	v14 =	vadd.f32 v17, v14;
	v17 =	vld [tilespmem:s10+$0x160]  }
0x98: {  	v7 =	vadd.f32 v18, v7;
	v18 =	vld [tilespmem:s10+$0x170]  }
0x99: {  	v14 =	vmax.f32 v14, $0.0e+00;
	v9 =	vadd.f32 v19, v9;
	v19 =	vld [tilespmem:s10+$0x180]  }
0x9a: {  	[tilespmem:s10+$0x110] =	vst v14;
	v7 =	vmax.f32 v7, $0.0e+00;
	v10 =	vadd.f32 v20, v10;
	v14 =	vld [tilespmem:s10+$0x190]  }
0x9b: {  	[tilespmem:s10+$0x120] =	vst v7;
	v7 =	vmax.f32 v9, $0.0e+00;
	v9 =	vadd.f32 v21, v11;
	v11 =	vld [tilespmem:s10+$0x1A0]  }
.Ltmp1:
0x9c: {  	[tilespmem:s10+$0x130] =	vst v7;
	v7 =	vmax.f32 v10, $0.0e+00;
	v10 =	vadd.f32 v17, v8;
	v8 =	vld [tilespmem:s10+$0x1B0];
	(pc) =	sbr.rel @p0 .LBB2_5-.Ltmp1, $4  }
0x9d: {  	[tilespmem:s10+$0x140] =	vst v7;
	v9 =	vmax.f32 v9, $0.0e+00;
	v12 =	vadd.f32 v18, v12;
	v7 =	vld [tilespmem:s10+$0x1C0]  }
0x9e: {  	[tilespmem:s10+$0x150] =	vst v9;
	v10 =	vmax.f32 v10, $0.0e+00;
	v17 =	vadd.f32 v19, v13;
	v9 =	vld [tilespmem:s10+$0x1D0]  }
0x9f: {  	[tilespmem:s10+$0x160] =	vst v10;
	v12 =	vmax.f32 v12, $0.0e+00;
	v13 =	vadd.f32 v14, v15;
	v10 =	vld [tilespmem:s10+$0x1E0]  }
0xa0: {  	s11 =	sadd.s32 $0x400, s11;
	[tilespmem:s10+$0x170] =	vst v12;
	v14 =	vmax.f32 v17, $0.0e+00;
	v12 =	vadd.f32 v11, v16;
	v11 =	vld [tilespmem:s10+$0x1F0]  }
0xa1: {  	[tilespmem:s10+$0x180] =	vst v14;
	v13 =	vmax.f32 v13, $0.0e+00;
	v6 =	vadd.f32 v8, v6;
	v8 =	vld [tilespmem:s10+$0x200]  }
0xa2: {  	[tilespmem:s10+$0x190] =	vst v13;
	v12 =	vmax.f32 v12, $0.0e+00;
	v5 =	vadd.f32 v7, v5  }
0xa3: {  	[tilespmem:s10+$0x1A0] =	vst v12;
	v6 =	vmax.f32 v6, $0.0e+00;
	v4 =	vadd.f32 v9, v4  }
0xa4: {  	[tilespmem:s10+$0x1B0] =	vst v6;
	v5 =	vmax.f32 v5, $0.0e+00;
	v3 =	vadd.f32 v10, v3  }
0xa5: {  	[tilespmem:s10+$0x1C0] =	vst v5;
	v4 =	vmax.f32 v4, $0.0e+00;
	v2 =	vadd.f32 v11, v2  }
0xa6: {  	[tilespmem:s10+$0x1D0] =	vst v4;
	v3 =	vmax.f32 v3, $0.0e+00;
	v1 =	vadd.f32 v8, v1  }
0xa7: {  	[tilespmem:s10+$0x1E0] =	vst v3;
	v2 =	vmax.f32 v2, $0.0e+00  }
0xa8: {  	[tilespmem:s10+$0x1F0] =	vst v2;
	v1 =	vmax.f32 v1, $0.0e+00  }
0xa9: {  	[tilespmem:s10+$0x200] =	vst v1  }
0xaa: {  	[spmem:s1] =	stream.indirect.scatter.add.f32 [tilespmem:s24], [sflag:$0x7], $0x80, s23, s30, $0xb8;
	[tilespmem:$0x1D200] =	vst v63  }
0xab: {  	_ =	swait.ge [sflag:s0], $0x28  }
0xac: {  	[sflag:s0] =	ssyncset.done $0x0  }
0xad: {  	[sflag:s0] =	ssyncadd.s32 $0xFFFFFFD8  }
0xae: {  	_ =	swait.ge [sflag:s17], $0x1400  }
0xaf: {  	[sflag:s17] =	ssyncset.done $0x0  }
0xb0: {  	[sflag:s17] =	ssyncadd.s32 $0xFFFFEC00  }
0xb1: {  	_ =	swait.ge [sflag:s18], $0x1400  }
0xb2: {  	[sflag:s18] =	ssyncset.done $0x0  }
0xb3: {  	s10 =	simm.s32 $0xF0;
	[sflag:s18] =	ssyncadd.s32 $0xFFFFEC00  }
0xb4: {  	v7 =	vld [tilespmem:s10+$0x3D10]  }
0xb5: {  	v8 =	vld [tilespmem:s10+$0x3D20]  }
0xb6: {  	v9 =	vld [tilespmem:s10+$0x3D30]  }
0xb7: {  	v10 =	vld [tilespmem:s10+$0x3D40]  }
0xb8: {  	v11 =	vld [tilespmem:s10+$0x3D50]  }
0xb9: {  	v12 =	vld [tilespmem:s10+$0x3D60]  }
0xba: {  	v13 =	vld [tilespmem:s10+$0x3D70]  }
0xbb: {  	v14 =	vld [tilespmem:s10+$0x3D80]  }
0xbc: {  	v15 =	vld [tilespmem:s10+$0x3D90]  }
0xbd: {  	v16 =	vld [tilespmem:s10+$0x3DA0]  }
0xbe: {  	v6 =	vld [tilespmem:s10+$0x3DB0]  }
0xbf: {  	v5 =	vld [tilespmem:s10+$0x3DC0]  }
0xc0: {  	v4 =	vld [tilespmem:s10+$0x3DD0]  }
0xc1: {  	v17 =	vld [tilespmem:s10+$0x1510]  }
0xc2: {  	v18 =	vld [tilespmem:s10+$0x1520]  }
0xc3: {  	v3 =	vld [tilespmem:s10+$0x3DE0]  }
0xc4: {  	v19 =	vld [tilespmem:s10+$0x1530]  }
0xc5: {  	v20 =	vld [tilespmem:s10+$0x1540]  }
0xc6: {  	v2 =	vld [tilespmem:s10+$0x3DF0];
	v7 =	vadd.f32 v17, v7  }
0xc7: {  	v21 =	vld [tilespmem:s10+$0x1550];
	v8 =	vadd.f32 v18, v8  }
0xc8: {  	v60 =	vld [tilespmem:s10+$0x1560];
	v7 =	vmax.f32 v7, $0.0e+00  }
0xc9: {  	v1 =	vld [tilespmem:s10+$0x3E00];
	v8 =	vmax.f32 v8, $0.0e+00;
	[tilespmem:s10+$0x1510] =	vst v7;
	v7 =	vadd.f32 v19, v9  }
0xca: {  	v22 =	vld [tilespmem:s10+$0x1570];
	[tilespmem:s10+$0x1520] =	vst v8;
	v8 =	vadd.f32 v20, v10  }
0xcb: {  	v61 =	vld [tilespmem:s10+$0x1580];
	v7 =	vmax.f32 v7, $0.0e+00  }
0xcc: {  	v62 =	vld [tilespmem:s10+$0x1590];
	v9 =	vmax.f32 v8, $0.0e+00;
	[tilespmem:s10+$0x1530] =	vst v7;
	v7 =	vadd.f32 v21, v11  }
0xcd: {  	v63 =	vld [tilespmem:s10+$0x15A0];
	[tilespmem:s10+$0x1540] =	vst v9;
	v9 =	vadd.f32 v60, v12  }
0xce: {  	v8 =	vld [tilespmem:s10+$0x15B0];
	v10 =	vmax.f32 v7, $0.0e+00  }
0xcf: {  	v7 =	vld [tilespmem:s10+$0x15C0];
	v11 =	vmax.f32 v9, $0.0e+00;
	[tilespmem:s10+$0x1550] =	vst v10;
	v10 =	vadd.f32 v22, v13  }
0xd0: {  	v9 =	vld [tilespmem:s10+$0x15D0];
	[tilespmem:s10+$0x1560] =	vst v11;
	v11 =	vadd.f32 v61, v14  }
0xd1: {  	v13 =	vadd.f32 v62, v15;
	v12 =	vmax.f32 v10, $0.0e+00;
	v10 =	vld [tilespmem:s10+$0x15E0]  }
0xd2: {  	s11 =	simm.s32 $0x7C0;
	v14 =	vmax.f32 v11, $0.0e+00;
	v11 =	vld [tilespmem:s10+$0x15F0];
	[tilespmem:s10+$0x1570] =	vst v12;
	v12 =	vadd.f32 v63, v16  }
.LBB2_7:
0xd3: {  	s13 =	sshra.s32 s11, $0x2;
	p0 =	sne.s32 s11, $0x4FC0;
	[tilespmem:s10+$0x1580] =	vst v14;
	v13 =	vmax.f32 v13, $0.0e+00;
	v6 =	vadd.f32 v8, v6;
	v8 =	vld [tilespmem:s10+$0x1600]  }
0xd4: {  	v14 =	vld [tilespmem:s13+$0x3D10];
	[tilespmem:s10+$0x1590] =	vst v13;
	v12 =	vmax.f32 v12, $0.0e+00;
	v5 =	vadd.f32 v7, v5  }
0xd5: {  	v7 =	vld [tilespmem:s13+$0x3D20];
	[tilespmem:s10+$0x15A0] =	vst v12;
	v6 =	vmax.f32 v6, $0.0e+00;
	v4 =	vadd.f32 v9, v4  }
0xd6: {  	v9 =	vld [tilespmem:s13+$0x3D30];
	[tilespmem:s10+$0x15B0] =	vst v6;
	v5 =	vmax.f32 v5, $0.0e+00;
	v3 =	vadd.f32 v10, v3  }
0xd7: {  	v10 =	vld [tilespmem:s13+$0x3D40];
	[tilespmem:s10+$0x15C0] =	vst v5;
	v4 =	vmax.f32 v4, $0.0e+00;
	v2 =	vadd.f32 v11, v2  }
0xd8: {  	v11 =	vld [tilespmem:s13+$0x3D50];
	[tilespmem:s10+$0x15D0] =	vst v4;
	v3 =	vmax.f32 v3, $0.0e+00;
	v1 =	vadd.f32 v8, v1  }
0xd9: {  	v8 =	vld [tilespmem:s13+$0x3D60];
	[tilespmem:s10+$0x15E0] =	vst v3;
	v2 =	vmax.f32 v2, $0.0e+00  }
0xda: {  	v12 =	vld [tilespmem:s13+$0x3D70];
	[tilespmem:s10+$0x15F0] =	vst v2;
	v1 =	vmax.f32 v1, $0.0e+00  }
0xdb: {  	v13 =	vld [tilespmem:s13+$0x3D80];
	[tilespmem:s10+$0x1600] =	vst v1;
	s10 =	smov.u32 s13  }
0xdc: {  	v15 =	vld [tilespmem:s10+$0x3D90]  }
0xdd: {  	v16 =	vld [tilespmem:s10+$0x3DA0]  }
0xde: {  	v6 =	vld [tilespmem:s10+$0x3DB0]  }
0xdf: {  	v5 =	vld [tilespmem:s10+$0x3DC0]  }
0xe0: {  	v4 =	vld [tilespmem:s10+$0x3DD0]  }
0xe1: {  	v3 =	vld [tilespmem:s10+$0x3DE0]  }
0xe2: {  	v2 =	vld [tilespmem:s10+$0x3DF0]  }
0xe3: {  	v1 =	vld [tilespmem:s10+$0x3E00]  }
0xe4: {  	v17 =	vld [tilespmem:s10+$0x1510]  }
0xe5: {  	v18 =	vld [tilespmem:s10+$0x1520]  }
0xe6: {  	v19 =	vld [tilespmem:s10+$0x1530]  }
0xe7: {  	v20 =	vld [tilespmem:s10+$0x1540]  }
0xe8: {  	v21 =	vld [tilespmem:s10+$0x1550]  }
0xe9: {  	v14 =	vadd.f32 v17, v14;
	v17 =	vld [tilespmem:s10+$0x1560]  }
0xea: {  	v7 =	vadd.f32 v18, v7;
	v18 =	vld [tilespmem:s10+$0x1570]  }
0xeb: {  	v14 =	vmax.f32 v14, $0.0e+00;
	v9 =	vadd.f32 v19, v9;
	v19 =	vld [tilespmem:s10+$0x1580]  }
0xec: {  	[tilespmem:s10+$0x1510] =	vst v14;
	v7 =	vmax.f32 v7, $0.0e+00;
	v10 =	vadd.f32 v20, v10;
	v14 =	vld [tilespmem:s10+$0x1590]  }
0xed: {  	[tilespmem:s10+$0x1520] =	vst v7;
	v7 =	vmax.f32 v9, $0.0e+00;
	v9 =	vadd.f32 v21, v11;
	v11 =	vld [tilespmem:s10+$0x15A0]  }
.Ltmp2:
0xee: {  	[tilespmem:s10+$0x1530] =	vst v7;
	v7 =	vmax.f32 v10, $0.0e+00;
	v10 =	vadd.f32 v17, v8;
	v8 =	vld [tilespmem:s10+$0x15B0];
	(pc) =	sbr.rel @p0 .LBB2_7-.Ltmp2, $4  }
0xef: {  	[tilespmem:s10+$0x1540] =	vst v7;
	v9 =	vmax.f32 v9, $0.0e+00;
	v12 =	vadd.f32 v18, v12;
	v7 =	vld [tilespmem:s10+$0x15C0]  }
0xf0: {  	[tilespmem:s10+$0x1550] =	vst v9;
	v10 =	vmax.f32 v10, $0.0e+00;
	v17 =	vadd.f32 v19, v13;
	v9 =	vld [tilespmem:s10+$0x15D0]  }
0xf1: {  	[tilespmem:s10+$0x1560] =	vst v10;
	v12 =	vmax.f32 v12, $0.0e+00;
	v13 =	vadd.f32 v14, v15;
	v10 =	vld [tilespmem:s10+$0x15E0]  }
0xf2: {  	s11 =	sadd.s32 $0x400, s11;
	[tilespmem:s10+$0x1570] =	vst v12;
	v14 =	vmax.f32 v17, $0.0e+00;
	v12 =	vadd.f32 v11, v16;
	v11 =	vld [tilespmem:s10+$0x15F0]  }
0xf3: {  	[tilespmem:s10+$0x1580] =	vst v14;
	v13 =	vmax.f32 v13, $0.0e+00;
	v6 =	vadd.f32 v8, v6;
	v63 =	vld [tilespmem:s10+$0x1600]  }
0xf4: {  	[tilespmem:s10+$0x1590] =	vst v13;
	v12 =	vmax.f32 v12, $0.0e+00;
	v5 =	vadd.f32 v7, v5  }
0xf5: {  	[tilespmem:s10+$0x15A0] =	vst v12;
	v6 =	vmax.f32 v6, $0.0e+00;
	v4 =	vadd.f32 v9, v4  }
0xf6: {  	[tilespmem:s10+$0x15B0] =	vst v6;
	v5 =	vmax.f32 v5, $0.0e+00;
	v3 =	vadd.f32 v10, v3  }
0xf7: {  	[tilespmem:s10+$0x15C0] =	vst v5;
	v4 =	vmax.f32 v4, $0.0e+00;
	v2 =	vadd.f32 v11, v2  }
0xf8: {  	[tilespmem:s10+$0x15D0] =	vst v4;
	v3 =	vmax.f32 v3, $0.0e+00;
	v1 =	vadd.f32 v63, v1  }
0xf9: {  	[tilespmem:s10+$0x15E0] =	vst v3;
	v2 =	vmax.f32 v2, $0.0e+00  }
0xfa: {  	[tilespmem:s10+$0x15F0] =	vst v2;
	v1 =	vmax.f32 v1, $0.0e+00  }
0xfb: {  	s9 =	sadd.s32 $0x1, s9;
	[tilespmem:s10+$0x1600] =	vst v1  }
0xfc: {  	[spmem:s1] =	stream.indirect.scatter.add.f32 [tilespmem:s28], [sflag:$0x8], $0x80, s26, s30, $0xb8;
	[tilespmem:$0x1D200] =	vst v63  }
0xfd: {  	p0 =	sne.s32 s9, $0x7D;
	_ =	swait.ge [sflag:s19], $0x1400  }
.Ltmp3:
0xfe: {  	[sflag:s19] =	ssyncset.done $0x0;
	(pc) =	sbr.rel @p0 .LBB2_4-.Ltmp3, $4  }
0xff: {  	[sflag:s19] =	ssyncadd.s32 $0xFFFFEC00  }
0x100: {  	_ =	swait.ge [sflag:s20], $0x1400  }
0x101: {  	[sflag:s20] =	ssyncset.done $0x0  }
0x102: {  	[sflag:s20] =	ssyncadd.s32 $0xFFFFEC00  }
0x103: {  	s9 =	stileid.u32;
	[bflag:$0x0] =	sbarrier.arrive $0xFFFF  }
0x104: {  	s9 =	sshll.u32 s9, $0x6;
	s13 =	rddreg [dreg:$0x3]  }
0x105: {  	s11 =	rddreg [dreg:$0x8];
	s9 =	sor.u32 $0x1C09, s9;
	s10 =	sshrl.u32 s13, $0x3  }
0x106: {  	[hbm:s11], [sflag:s9] =	dma.local [spmem:s10], $0x800  }
0x107: {  	_ =	swait.ge [sflag:s22], $0x800  }
0x108: {  	[sflag:s22] =	ssyncset.done $0x0;
	s21 =	rddreg [dreg:$0x4]  }
0x109: {  	s8 =	rddreg [dreg:$0x9];
	[sflag:s22] =	ssyncadd.s32 $0xFFFFF800;
	s11 =	sshrl.u32 s21, $0x3  }
0x10a: {  	[hbm:s8], [sflag:s9] =	dma.local [spmem:s11], $0x800  }
0x10b: {  	_ =	swait.ge [sflag:s22], $0x800  }
0x10c: {  	[sflag:s22] =	ssyncset.done $0x0;
	s11 =	rddreg [dreg:$0x5]  }
0x10d: {  	s8 =	rddreg [dreg:$0xa];
	[sflag:s22] =	ssyncadd.s32 $0xFFFFF800;
	s10 =	sshrl.u32 s11, $0x3  }
0x10e: {  	[hbm:s8], [sflag:s9] =	dma.local [spmem:s10], $0x800  }
0x10f: {  	_ =	swait.ge [sflag:s22], $0x800  }
0x110: {  	[sflag:s22] =	ssyncset.done $0x0;
	s11 =	rddreg [dreg:$0x6]  }
0x111: {  	s8 =	rddreg [dreg:$0xb];
	[sflag:s22] =	ssyncadd.s32 $0xFFFFF800;
	s10 =	sshrl.u32 s11, $0x3  }
0x112: {  	[hbm:s8], [sflag:s9] =	dma.local [spmem:s10], $0x800  }
0x113: {  	_ =	swait.ge [sflag:s22], $0x800  }
0x114: {  	[sflag:s22] =	ssyncset.done $0x0;
	s11 =	rddreg [dreg:$0x7]  }
0x115: {  	s8 =	rddreg [dreg:$0xc];
	[sflag:s22] =	ssyncadd.s32 $0xFFFFF800;
	s10 =	sshrl.u32 s11, $0x3  }
0x116: {  	[hbm:s8], [sflag:s9] =	dma.local [spmem:s10], $0x800  }
0x117: {  	_ =	swait.ge [sflag:s22], $0x800  }
0x118: {  	s8 =	rddreg [dreg:$0xe]  }
0x119: {  	s10 =	rddreg [dreg:$0xd];
	s9 =	sadd.s32 $0x1, s8  }
0x11a: {  	p0 =	sne.s32 s9, s10  }
.Ltmp4:
0x11b: {  	_ = 	snop;
	(pc) =	sbr.rel @p0 .LBB2_1-.Ltmp4, $3  }
0x11c: {  	_ =	sdelay $0x1  }
0x11d: {  	[sflag:s22] =	ssyncset.done $0x0  }
0x11e: {  	[sflag:s22] =	ssyncadd.s32 $0xFFFFF800  }
0x11f: {  	_ =	sfence.sel $0x180000  }
0x120: {  	[bflag:$0x0] =	sbarrier.arrive $0xFFFF  }
0x121: {  	_ =	strace $0x9000004D  }
0x122: {  	s0 =	stileid.u32;
	[bflag:$0x2] =	sbarrier.arrive $0xFFFF  }
0x123: {  	p0 =	sne.s32 s0, $0x0;
	s0 =	rddreg [dreg:$0x2]  }
0x124: {  	s0 =	sadd.s32 @!p0 $0x100000, s0  }
0x125: {  	[sflag:s0] =	ssyncadd.tile.s32 @!p0 $0x1;
	_ =	shalt  }
.Lfunc_end2:
_tile_overlayer_lowered:
.L_overlay_start_2:
0x126: {  	(tag) =	ssettag $0x2  }
0x127: {  	s0 =	rddreg [dreg:$0x0];
	s2 =	stileid.u32  }
0x128: {  	s1 =	rddreg [dreg:$0x1];
	p0 =	sne.s32 s2, $0x0  }
0x129: {  	s3 =	rddreg [dreg:$0x2];
	[bflag:$0x3] =	sbarrier.arrive $0xFFFF;
	s2 =	simm.s32 @!p0 $0x1C09  }
0x12a: {  	[timem:s3], [sflag:s2] =	dma.local @!p0 [hbm:s0], s1  }
0x12b: {  	s0 =	simm.s32 @!p0 $0x9  }
0x12c: {  	_ =	swait.ge @!p0 [sflag:s0], s1  }
0x12d: {  	s1 =	ssub.s32 @!p0 $0x0, s1;
	[sflag:s0] =	ssyncset.done @!p0 $0x0  }
0x12e: {  	[sflag:s0] =	ssyncadd.s32 @!p0 s1  }
0x12f: {  	[bflag:$0x3] =	sbarrier.arrive $0xFFFF  }
0x130: {  	_ =	shalt  }

</sc_bundles>
